<compile_context>
chip_gen: v7x
topology: tpu7x:2x2x1
jax: 0.10.2.dev20260603
libtpu: 0.0.44.dev20260713+nightly
codegen_flags: <defaults>
</compile_context>

<pallas_src>
import functools

import jax
import jax.numpy as jnp
import numpy as np
from jax import lax
from jax.experimental import pallas as pl
from jax.experimental.pallas import tpu as pltpu
from jax.experimental.pallas import tpu_sc as plsc

VOCAB = 32000
HIDDEN = 768
BATCH = 4096
SEQ = 200

NC = 2
NS = 16
NW = NC * NS
B_PER_W = BATCH // NW

NCHUNK = 5
CHUNK = SEQ // NCHUNK
HW = HIDDEN // 2
HGRP = HW // 16
SCALE = 1.0 / SEQ

_MASK_HI = np.uint32(0xFFFF0000)
_SIXTEEN = np.uint32(16)
_ONE = np.uint32(1)
_HALF = np.uint32(0x7FFF)

_mesh = plsc.VectorSubcoreMesh(core_axis_name="c", subcore_axis_name="s")


def _split(x32):
    u = plsc.bitcast(x32, jnp.uint32)
    lo = plsc.bitcast(u << _SIXTEEN, jnp.float32)
    hi = plsc.bitcast(u & _MASK_HI, jnp.float32)
    return lo, hi


@functools.partial(
    pl.kernel,
    out_type=jax.ShapeDtypeStruct((BATCH * HIDDEN,), jnp.float32),
    mesh=_mesh,
    compiler_params=pltpu.CompilerParams(needs_layout_passes=False),
    scratch_types=[
        pltpu.VMEM((B_PER_W * SEQ,), jnp.int32),
        pltpu.VMEM((2, CHUNK, HW), jnp.uint32),
        pltpu.VMEM((HIDDEN,), jnp.float32),
        pltpu.SemaphoreType.DMA,
        pltpu.SemaphoreType.DMA,
    ],
)
def _pool_kernel(ids_hbm, table_hbm, out_hbm, idx_v, rows_v, acc_v, sem0, sem1):
    wid = lax.axis_index("s") * NC + lax.axis_index("c")
    base = wid * B_PER_W
    sems = (sem0, sem1)

    pltpu.sync_copy(ids_hbm.at[pl.ds(base * SEQ, B_PER_W * SEQ)], idx_v)

    def accum(buf, c):
        def h_body(h, _):
            hh = pl.multiple_of(h * 16, 16)
            sl = pl.ds(hh, 16)
            al = [None] * 4
            ah = [None] * 4
            for j in range(4):
                al[j], ah[j] = _split(rows_v[buf, j, sl])
            for k in range(4, CHUNK, 4):
                for j in range(4):
                    lo, hi = _split(rows_v[buf, k + j, sl])
                    al[j] = al[j] + lo
                    ah[j] = ah[j] + hi
            sum_l = (al[0] + al[1]) + (al[2] + al[3])
            sum_h = (ah[0] + ah[1]) + (ah[2] + ah[3])
            lsl = pl.ds(hh, 16)
            hsl = pl.ds(hh + HW, 16)
            if c == 0:
                acc_v[lsl] = sum_l
                acc_v[hsl] = sum_h
            elif c < NCHUNK - 1:
                acc_v[lsl] = acc_v[lsl] + sum_l
                acc_v[hsl] = acc_v[hsl] + sum_h
            else:
                acc_v[lsl] = (acc_v[lsl] + sum_l) * SCALE
                acc_v[hsl] = (acc_v[hsl] + sum_h) * SCALE
            return 0

        lax.fori_loop(0, HGRP, h_body, 0)

    def idx_slice(r, c):
        off = pl.multiple_of(r * SEQ + c * CHUNK, CHUNK)
        return idx_v.at[pl.ds(off, CHUNK)]

    def row_body(r, _):
        b = base + r
        copies = [None, None]
        copies[0] = pltpu.async_copy(
            table_hbm.at[idx_slice(r, 0)], rows_v.at[0], sems[0])
        for c in range(NCHUNK):
            nxt = (c + 1) % 2
            if c + 1 < NCHUNK:
                copies[nxt] = pltpu.async_copy(
                    table_hbm.at[idx_slice(r, c + 1)], rows_v.at[nxt], sems[nxt])
            copies[c % 2].wait()
            accum(c % 2, c)
        off = pl.multiple_of(b * HIDDEN, HIDDEN)
        pltpu.sync_copy(acc_v, out_hbm.at[pl.ds(off, HIDDEN)])
        return 0

    lax.fori_loop(0, B_PER_W, row_body, 0)


def _pack_body(e_ref, o_ref):
    bits = jax.lax.bitcast_convert_type(e_ref[...], jnp.uint32)
    lo = bits[:, :HW]
    hi = bits[:, HW:]
    lo = lo + (_HALF + ((lo >> _SIXTEEN) & _ONE))
    hi = hi + (_HALF + ((hi >> _SIXTEEN) & _ONE))
    o_ref[...] = (lo >> _SIXTEEN) | (hi & _MASK_HI)


def _pack_table(embedding):
    BV = 2000
    return pl.pallas_call(
        _pack_body,
        grid=(VOCAB // BV,),
        in_specs=[pl.BlockSpec((BV, HIDDEN), lambda i: (i, 0))],
        out_specs=pl.BlockSpec((BV, HW), lambda i: (i, 0)),
        out_shape=jax.ShapeDtypeStruct((VOCAB, HW), jnp.uint32),
    )(embedding)


def _mm_body(x_ref, w_ref, b_ref, o_ref):
    o_ref[...] = (
        jnp.dot(x_ref[...].astype(jnp.bfloat16), w_ref[...],
                preferred_element_type=jnp.float32)
        + b_ref[...]
    )


def _matmul(pooled, Wb, b2d):
    M, K = pooled.shape
    N = Wb.shape[1]
    BM = 2048
    BN = 1280
    return pl.pallas_call(
        _mm_body,
        grid=(M // BM, N // BN),
        in_specs=[
            pl.BlockSpec((BM, K), lambda i, j: (i, 0)),
            pl.BlockSpec((K, BN), lambda i, j: (0, j)),
            pl.BlockSpec((1, BN), lambda i, j: (0, j)),
        ],
        out_specs=pl.BlockSpec((BM, BN), lambda i, j: (i, j)),
        out_shape=jax.ShapeDtypeStruct((M, N), jnp.float32),
    )(pooled, Wb, b2d)


@jax.jit
def kernel(input_ids, embedding, W, b):
    ids = input_ids.astype(jnp.int32).reshape(BATCH * SEQ)
    table = _pack_table(embedding)
    Wb = W.astype(jnp.bfloat16)
    pooled = _pool_kernel(ids, table).reshape(BATCH, HIDDEN)
    return _matmul(pooled, Wb, b.reshape(1, VOCAB))

# --- scband reference (transcript-rebuilt; emitter-appended) ---
"""Pipeline reference for scband-dummy-model-90245852824120 (READ-ONLY COPY).

The authoritative reference and input builder live on the scoring server;
editing this copy changes nothing except your own understanding.
"""

import jax, jax.numpy as jnp
import numpy as np

VOCAB = 32000
HIDDEN = 768
BATCH = 4096
SEQ = 200


def setup_inputs(seed: int = 0) -> dict:
    key = jax.random.key(seed)
    k_ids, k_emb, k_w, k_b = jax.random.split(key, 4)
    input_ids = jax.random.randint(k_ids, (BATCH, SEQ), 0, VOCAB, dtype=jnp.int64 if jax.config.jax_enable_x64 else jnp.int32)
    embedding = jax.random.normal(k_emb, (VOCAB, HIDDEN), dtype=jnp.float32)
    W = jax.random.normal(k_w, (HIDDEN, VOCAB), dtype=jnp.float32) * (1.0 / np.sqrt(HIDDEN))
    b = jax.random.normal(k_b, (VOCAB,), dtype=jnp.float32) * 0.01
    return {"input_ids": input_ids, "embedding": embedding, "W": W, "b": b}


def reference(input_ids, embedding, W, b):
    # x = self.embedding(input_ids)
    x = jnp.take(embedding, input_ids, axis=0)  # [B, L, H]
    # self.linear(x.mean(dim=1))
    pooled = jnp.mean(x, axis=1)  # [B, H]
    out = pooled @ W + b  # [B, V]
    return out

if __name__ == "__main__":
    import jax
    _d = setup_inputs()
    print(jax.jit(kernel)(*tuple(_d.values())))

</pallas_src>

<mosaic_0001>
#map = affine_map<(d0, d1) -> (0)>
#map1 = affine_map<(d0, d1) -> (0, 0)>
module attributes {stable_mosaic.version = 14 : i64} {
  func.func @_pool_kernel(%arg0: i32, %arg1: i32, %arg2: memref<819200xi32, #tpu.memory_space<hbm>>, %arg3: memref<32000x384xi32, #tpu.memory_space<hbm>>, %arg4: memref<3145728xf32, #tpu.memory_space<hbm>>, %arg5: memref<25600xi32, #tpu.memory_space<vmem>>, %arg6: memref<2x40x384xi32, #tpu.memory_space<vmem>>, %arg7: memref<768xf32, #tpu.memory_space<vmem>>, %arg8: memref<!tpu.dma_semaphore, #tpu.memory_space<semaphore_mem>>, %arg9: memref<!tpu.dma_semaphore, #tpu.memory_space<semaphore_mem>>) attributes {dimension_semantics = [#tpu.dimension_semantics<core_parallel>, #tpu.dimension_semantics<subcore_parallel>], iteration_bounds = array<i64: 2, 16>, scalar_prefetch = 0 : i64, scratch_operands = 5 : i64, tpu.core_type = #tpu.core_type<sc_vector_subcore>, window_params = [{transform_indices = #map}, {transform_indices = #map1}, {transform_indices = #map}]} {
    %mul3A = arith.constant 2 : i32
    %mul3A_0 = arith.muli %arg1, %mul3A : i32
    %add3A = arith.addi %mul3A_0, %arg0 : i32
    %mul3A_1 = arith.constant 128 : i32
    %mul3A_2 = arith.muli %add3A, %mul3A_1 : i32
    %mul3A_3 = arith.constant 200 : i32
    %mul3A_4 = arith.muli %mul3A_2, %mul3A_3 : i32
    "tpu.region"() ({
      %run_scoped3A = tpu.sem_alloc : memref<!tpu.dma_semaphore, #tpu.memory_space<semaphore_mem>>
      %dma_start3A = tpu.memref_slice %arg2[%mul3A_4] : memref<819200xi32, #tpu.memory_space<hbm>> -> memref<25600xi32, #tpu.memory_space<hbm>>
      %dma_start3A_11 = tpu.memref_slice %arg2[%mul3A_4] : memref<819200xi32, #tpu.memory_space<hbm>> -> memref<25600xi32, #tpu.memory_space<hbm>>
      tpu.enqueue_dma source(%dma_start3A_11 : memref<25600xi32, #tpu.memory_space<hbm>>) target(%arg5 : memref<25600xi32, #tpu.memory_space<vmem>>) target_semaphore(%run_scoped3A : memref<!tpu.dma_semaphore, #tpu.memory_space<semaphore_mem>>)
      %dma_wait3A = tpu.memref_slice %arg2[%mul3A_4] : memref<819200xi32, #tpu.memory_space<hbm>> -> memref<25600xi32, #tpu.memory_space<hbm>>
      %dma_wait3A_12 = tpu.memref_slice %arg2[%mul3A_4] : memref<819200xi32, #tpu.memory_space<hbm>> -> memref<25600xi32, #tpu.memory_space<hbm>>
      tpu.wait_dma2 semaphore(%run_scoped3A : memref<!tpu.dma_semaphore, #tpu.memory_space<semaphore_mem>>) src(%dma_wait3A_12 : memref<25600xi32, #tpu.memory_space<hbm>>) dst(%arg5 : memref<25600xi32, #tpu.memory_space<vmem>>)
      tpu.yield
    }) : () -> ()
    %scan3A = arith.constant 0 : i32
    %scan3A_5 = arith.constant 0 : i32
    %scan3A_6 = arith.constant 128 : i32
    %scan3A_7 = arith.addi %scan3A_5, %scan3A_6 : i32
    %scan3A_8 = arith.constant 1 : i32
    %scan3A_9 = scf.for %scan3A_11 = %scan3A_5 to %scan3A_7 step %scan3A_8 iter_args(%scan3A_12 = %scan3A) -> (i32)  : i32 {
      %add3A_13 = arith.addi %mul3A_2, %scan3A_11 : i32
      %mul3A_14 = arith.constant 200 : i32
      %mul3A_15 = arith.muli %scan3A_11, %mul3A_14 : i32
      %add3A_16 = arith.constant 0 : i32
      %add3A_17 = arith.addi %mul3A_15, %add3A_16 : i32
      %multiple_of3A = tpu.assume_multiple %add3A_17, 40 : i32
      %dma_start3A = arith.constant 0 : i32
      %dma_start3A_18 = arith.constant 0 : i32
      %dma_start3A_19 = arith.constant 0 : i32
      %dma_start3A_20 = tpu.memref_slice %arg6[%dma_start3A, %dma_start3A_18, %dma_start3A_19] : memref<2x40x384xi32, #tpu.memory_space<vmem>> -> memref<1x40x384xi32, #tpu.memory_space<vmem>>
      %dma_start3A_21 = tpu.memref_squeeze %dma_start3A_20 : memref<1x40x384xi32, #tpu.memory_space<vmem>> -> memref<40x384xi32, #tpu.memory_space<vmem>>
      %dma_start3A_22 = tpu.memref_slice %arg5[%multiple_of3A] : memref<25600xi32, #tpu.memory_space<vmem>> -> memref<40xi32, #tpu.memory_space<vmem>>
      %dma_start3A_23 = arith.constant 0 : i32
      %dma_start3A_24 = arith.constant 0 : i32
      %dma_start3A_25 = tpu.memref_slice %arg3[%dma_start3A_23, %dma_start3A_24] : memref<32000x384xi32, #tpu.memory_space<hbm>> -> memref<32000x384xi32, #tpu.memory_space<hbm>>
      tpu.enqueue_indirect_dma source(%dma_start3A_25 : memref<32000x384xi32, #tpu.memory_space<hbm>>) target(%dma_start3A_21 : memref<40x384xi32, #tpu.memory_space<vmem>>) offsets(%dma_start3A_22 : memref<40xi32, #tpu.memory_space<vmem>>) semaphore(%arg8 : memref<!tpu.dma_semaphore, #tpu.memory_space<semaphore_mem>>)
      %mul3A_26 = arith.constant 200 : i32
      %mul3A_27 = arith.muli %scan3A_11, %mul3A_26 : i32
      %add3A_28 = arith.constant 40 : i32
      %add3A_29 = arith.addi %mul3A_27, %add3A_28 : i32
      %multiple_of3A_30 = tpu.assume_multiple %add3A_29, 40 : i32
      %dma_start3A_31 = arith.constant 1 : i32
      %dma_start3A_32 = arith.constant 0 : i32
      %dma_start3A_33 = arith.constant 0 : i32
      %dma_start3A_34 = tpu.memref_slice %arg6[%dma_start3A_31, %dma_start3A_32, %dma_start3A_33] : memref<2x40x384xi32, #tpu.memory_space<vmem>> -> memref<1x40x384xi32, #tpu.memory_space<vmem>>
      %dma_start3A_35 = tpu.memref_squeeze %dma_start3A_34 : memref<1x40x384xi32, #tpu.memory_space<vmem>> -> memref<40x384xi32, #tpu.memory_space<vmem>>
      %dma_start3A_36 = tpu.memref_slice %arg5[%multiple_of3A_30] : memref<25600xi32, #tpu.memory_space<vmem>> -> memref<40xi32, #tpu.memory_space<vmem>>
      %dma_start3A_37 = arith.constant 0 : i32
      %dma_start3A_38 = arith.constant 0 : i32
      %dma_start3A_39 = tpu.memref_slice %arg3[%dma_start3A_37, %dma_start3A_38] : memref<32000x384xi32, #tpu.memory_space<hbm>> -> memref<32000x384xi32, #tpu.memory_space<hbm>>
      tpu.enqueue_indirect_dma source(%dma_start3A_39 : memref<32000x384xi32, #tpu.memory_space<hbm>>) target(%dma_start3A_35 : memref<40x384xi32, #tpu.memory_space<vmem>>) offsets(%dma_start3A_36 : memref<40xi32, #tpu.memory_space<vmem>>) semaphore(%arg9 : memref<!tpu.dma_semaphore, #tpu.memory_space<semaphore_mem>>)
      %dma_wait3A = arith.constant 0 : i32
      %dma_wait3A_40 = arith.constant 0 : i32
      %dma_wait3A_41 = arith.constant 0 : i32
      %dma_wait3A_42 = tpu.memref_slice %arg6[%dma_wait3A, %dma_wait3A_40, %dma_wait3A_41] : memref<2x40x384xi32, #tpu.memory_space<vmem>> -> memref<1x40x384xi32, #tpu.memory_space<vmem>>
      %dma_wait3A_43 = tpu.memref_squeeze %dma_wait3A_42 : memref<1x40x384xi32, #tpu.memory_space<vmem>> -> memref<40x384xi32, #tpu.memory_space<vmem>>
      %dma_wait3A_44 = tpu.memref_slice %arg5[%multiple_of3A] : memref<25600xi32, #tpu.memory_space<vmem>> -> memref<40xi32, #tpu.memory_space<vmem>>
      %dma_wait3A_45 = arith.constant 0 : i32
      %dma_wait3A_46 = arith.constant 0 : i32
      %dma_wait3A_47 = tpu.memref_slice %arg3[%dma_wait3A_45, %dma_wait3A_46] : memref<32000x384xi32, #tpu.memory_space<hbm>> -> memref<32000x384xi32, #tpu.memory_space<hbm>>
      tpu.wait_indirect_dma semaphore(%arg8 : memref<!tpu.dma_semaphore, #tpu.memory_space<semaphore_mem>>) src(%dma_wait3A_47 : memref<32000x384xi32, #tpu.memory_space<hbm>>) dst(%dma_wait3A_43 : memref<40x384xi32, #tpu.memory_space<vmem>>)
      %scan3A_48 = arith.constant 0 : i32
      %scan3A_49 = arith.constant 0 : i32
      %scan3A_50 = arith.constant 24 : i32
      %scan3A_51 = arith.addi %scan3A_49, %scan3A_50 : i32
      %scan3A_52 = arith.constant 1 : i32
      %scan3A_53 = scf.for %scan3A_165 = %scan3A_49 to %scan3A_51 step %scan3A_52 iter_args(%scan3A_166 = %scan3A_48) -> (i32)  : i32 {
        %mul3A_167 = arith.constant 16 : i32
        %mul3A_168 = arith.muli %scan3A_165, %mul3A_167 : i32
        %multiple_of3A_169 = tpu.assume_multiple %mul3A_168, 16 : i32
        %get3A = arith.constant 0 : i32
        %get3A_170 = arith.constant 0 : i32
        %get3A_171 = arith.index_cast %get3A : i32 to index
        %get3A_172 = arith.index_cast %get3A_170 : i32 to index
        %get3A_173 = arith.index_cast %multiple_of3A_169 : i32 to index
        %get3A_174 = tpu.vector_load %arg6[%get3A_171, %get3A_172, %get3A_173] {strides = array<i32>} : memref<2x40x384xi32, #tpu.memory_space<vmem>>, vector<16xi32>,
        %shift_left3A = arith.constant 16 : i32
        %shift_left3A_175 = vector.broadcast %shift_left3A : i32 to vector<16xi32>
        %shift_left3A_176 = arith.shli %get3A_174, %shift_left3A_175 : vector<16xi32>
        %bitcast3A = vector.bitcast %shift_left3A_176 : vector<16xi32> to vector<16xf32>
        %and3A = arith.constant -65536 : i32
        %and3A_177 = vector.broadcast %and3A : i32 to vector<16xi32>
        %and3A_178 = arith.andi %get3A_174, %and3A_177 : vector<16xi32>
        %bitcast3A_179 = vector.bitcast %and3A_178 : vector<16xi32> to vector<16xf32>
        %get3A_180 = arith.constant 0 : i32
        %get3A_181 = arith.constant 1 : i32
        %get3A_182 = arith.index_cast %get3A_180 : i32 to index
        %get3A_183 = arith.index_cast %get3A_181 : i32 to index
        %get3A_184 = arith.index_cast %multiple_of3A_169 : i32 to index
        %get3A_185 = tpu.vector_load %arg6[%get3A_182, %get3A_183, %get3A_184] {strides = array<i32>} : memref<2x40x384xi32, #tpu.memory_space<vmem>>, vector<16xi32>,
        %shift_left3A_186 = arith.constant 16 : i32
        %shift_left3A_187 = vector.broadcast %shift_left3A_186 : i32 to vector<16xi32>
        %shift_left3A_188 = arith.shli %get3A_185, %shift_left3A_187 : vector<16xi32>
        %bitcast3A_189 = vector.bitcast %shift_left3A_188 : vector<16xi32> to vector<16xf32>
        %and3A_190 = arith.constant -65536 : i32
        %and3A_191 = vector.broadcast %and3A_190 : i32 to vector<16xi32>
        %and3A_192 = arith.andi %get3A_185, %and3A_191 : vector<16xi32>
        %bitcast3A_193 = vector.bitcast %and3A_192 : vector<16xi32> to vector<16xf32>
        %get3A_194 = arith.constant 0 : i32
        %get3A_195 = arith.constant 2 : i32
        %get3A_196 = arith.index_cast %get3A_194 : i32 to index
        %get3A_197 = arith.index_cast %get3A_195 : i32 to index
        %get3A_198 = arith.index_cast %multiple_of3A_169 : i32 to index
        %get3A_199 = tpu.vector_load %arg6[%get3A_196, %get3A_197, %get3A_198] {strides = array<i32>} : memref<2x40x384xi32, #tpu.memory_space<vmem>>, vector<16xi32>,
        %shift_left3A_200 = arith.constant 16 : i32
        %shift_left3A_201 = vector.broadcast %shift_left3A_200 : i32 to vector<16xi32>
        %shift_left3A_202 = arith.shli %get3A_199, %shift_left3A_201 : vector<16xi32>
        %bitcast3A_203 = vector.bitcast %shift_left3A_202 : vector<16xi32> to vector<16xf32>
        %and3A_204 = arith.constant -65536 : i32
        %and3A_205 = vector.broadcast %and3A_204 : i32 to vector<16xi32>
        %and3A_206 = arith.andi %get3A_199, %and3A_205 : vector<16xi32>
        %bitcast3A_207 = vector.bitcast %and3A_206 : vector<16xi32> to vector<16xf32>
        %get3A_208 = arith.constant 0 : i32
        %get3A_209 = arith.constant 3 : i32
        %get3A_210 = arith.index_cast %get3A_208 : i32 to index
        %get3A_211 = arith.index_cast %get3A_209 : i32 to index
        %get3A_212 = arith.index_cast %multiple_of3A_169 : i32 to index
        %get3A_213 = tpu.vector_load %arg6[%get3A_210, %get3A_211, %get3A_212] {strides = array<i32>} : memref<2x40x384xi32, #tpu.memory_space<vmem>>, vector<16xi32>,
        %shift_left3A_214 = arith.constant 16 : i32
        %shift_left3A_215 = vector.broadcast %shift_left3A_214 : i32 to vector<16xi32>
        %shift_left3A_216 = arith.shli %get3A_213, %shift_left3A_215 : vector<16xi32>
        %bitcast3A_217 = vector.bitcast %shift_left3A_216 : vector<16xi32> to vector<16xf32>
        %and3A_218 = arith.constant -65536 : i32
        %and3A_219 = vector.broadcast %and3A_218 : i32 to vector<16xi32>
        %and3A_220 = arith.andi %get3A_213, %and3A_219 : vector<16xi32>
        %bitcast3A_221 = vector.bitcast %and3A_220 : vector<16xi32> to vector<16xf32>
        %get3A_222 = arith.constant 0 : i32
        %get3A_223 = arith.constant 4 : i32
        %get3A_224 = arith.index_cast %get3A_222 : i32 to index
        %get3A_225 = arith.index_cast %get3A_223 : i32 to index
        %get3A_226 = arith.index_cast %multiple_of3A_169 : i32 to index
        %get3A_227 = tpu.vector_load %arg6[%get3A_224, %get3A_225, %get3A_226] {strides = array<i32>} : memref<2x40x384xi32, #tpu.memory_space<vmem>>, vector<16xi32>,
        %shift_left3A_228 = arith.constant 16 : i32
        %shift_left3A_229 = vector.broadcast %shift_left3A_228 : i32 to vector<16xi32>
        %shift_left3A_230 = arith.shli %get3A_227, %shift_left3A_229 : vector<16xi32>
        %bitcast3A_231 = vector.bitcast %shift_left3A_230 : vector<16xi32> to vector<16xf32>
        %and3A_232 = arith.constant -65536 : i32
        %and3A_233 = vector.broadcast %and3A_232 : i32 to vector<16xi32>
        %and3A_234 = arith.andi %get3A_227, %and3A_233 : vector<16xi32>
        %bitcast3A_235 = vector.bitcast %and3A_234 : vector<16xi32> to vector<16xf32>
        %add3A_236 = arith.addf %bitcast3A, %bitcast3A_231 : vector<16xf32>
        %add3A_237 = arith.addf %bitcast3A_179, %bitcast3A_235 : vector<16xf32>
        %get3A_238 = arith.constant 0 : i32
        %get3A_239 = arith.constant 5 : i32
        %get3A_240 = arith.index_cast %get3A_238 : i32 to index
        %get3A_241 = arith.index_cast %get3A_239 : i32 to index
        %get3A_242 = arith.index_cast %multiple_of3A_169 : i32 to index
        %get3A_243 = tpu.vector_load %arg6[%get3A_240, %get3A_241, %get3A_242] {strides = array<i32>} : memref<2x40x384xi32, #tpu.memory_space<vmem>>, vector<16xi32>,
        %shift_left3A_244 = arith.constant 16 : i32
        %shift_left3A_245 = vector.broadcast %shift_left3A_244 : i32 to vector<16xi32>
        %shift_left3A_246 = arith.shli %get3A_243, %shift_left3A_245 : vector<16xi32>
        %bitcast3A_247 = vector.bitcast %shift_left3A_246 : vector<16xi32> to vector<16xf32>
        %and3A_248 = arith.constant -65536 : i32
        %and3A_249 = vector.broadcast %and3A_248 : i32 to vector<16xi32>
        %and3A_250 = arith.andi %get3A_243, %and3A_249 : vector<16xi32>
        %bitcast3A_251 = vector.bitcast %and3A_250 : vector<16xi32> to vector<16xf32>
        %add3A_252 = arith.addf %bitcast3A_189, %bitcast3A_247 : vector<16xf32>
        %add3A_253 = arith.addf %bitcast3A_193, %bitcast3A_251 : vector<16xf32>
        %get3A_254 = arith.constant 0 : i32
        %get3A_255 = arith.constant 6 : i32
        %get3A_256 = arith.index_cast %get3A_254 : i32 to index
        %get3A_257 = arith.index_cast %get3A_255 : i32 to index
        %get3A_258 = arith.index_cast %multiple_of3A_169 : i32 to index
        %get3A_259 = tpu.vector_load %arg6[%get3A_256, %get3A_257, %get3A_258] {strides = array<i32>} : memref<2x40x384xi32, #tpu.memory_space<vmem>>, vector<16xi32>,
        %shift_left3A_260 = arith.constant 16 : i32
        %shift_left3A_261 = vector.broadcast %shift_left3A_260 : i32 to vector<16xi32>
        %shift_left3A_262 = arith.shli %get3A_259, %shift_left3A_261 : vector<16xi32>
        %bitcast3A_263 = vector.bitcast %shift_left3A_262 : vector<16xi32> to vector<16xf32>
        %and3A_264 = arith.constant -65536 : i32
        %and3A_265 = vector.broadcast %and3A_264 : i32 to vector<16xi32>
        %and3A_266 = arith.andi %get3A_259, %and3A_265 : vector<16xi32>
        %bitcast3A_267 = vector.bitcast %and3A_266 : vector<16xi32> to vector<16xf32>
        %add3A_268 = arith.addf %bitcast3A_203, %bitcast3A_263 : vector<16xf32>
        %add3A_269 = arith.addf %bitcast3A_207, %bitcast3A_267 : vector<16xf32>
        %get3A_270 = arith.constant 0 : i32
        %get3A_271 = arith.constant 7 : i32
        %get3A_272 = arith.index_cast %get3A_270 : i32 to index
        %get3A_273 = arith.index_cast %get3A_271 : i32 to index
        %get3A_274 = arith.index_cast %multiple_of3A_169 : i32 to index
        %get3A_275 = tpu.vector_load %arg6[%get3A_272, %get3A_273, %get3A_274] {strides = array<i32>} : memref<2x40x384xi32, #tpu.memory_space<vmem>>, vector<16xi32>,
        %shift_left3A_276 = arith.constant 16 : i32
        %shift_left3A_277 = vector.broadcast %shift_left3A_276 : i32 to vector<16xi32>
        %shift_left3A_278 = arith.shli %get3A_275, %shift_left3A_277 : vector<16xi32>
        %bitcast3A_279 = vector.bitcast %shift_left3A_278 : vector<16xi32> to vector<16xf32>
        %and3A_280 = arith.constant -65536 : i32
        %and3A_281 = vector.broadcast %and3A_280 : i32 to vector<16xi32>
        %and3A_282 = arith.andi %get3A_275, %and3A_281 : vector<16xi32>
        %bitcast3A_283 = vector.bitcast %and3A_282 : vector<16xi32> to vector<16xf32>
        %add3A_284 = arith.addf %bitcast3A_217, %bitcast3A_279 : vector<16xf32>
        %add3A_285 = arith.addf %bitcast3A_221, %bitcast3A_283 : vector<16xf32>
        %get3A_286 = arith.constant 0 : i32
        %get3A_287 = arith.constant 8 : i32
        %get3A_288 = arith.index_cast %get3A_286 : i32 to index
        %get3A_289 = arith.index_cast %get3A_287 : i32 to index
        %get3A_290 = arith.index_cast %multiple_of3A_169 : i32 to index
        %get3A_291 = tpu.vector_load %arg6[%get3A_288, %get3A_289, %get3A_290] {strides = array<i32>} : memref<2x40x384xi32, #tpu.memory_space<vmem>>, vector<16xi32>,
        %shift_left3A_292 = arith.constant 16 : i32
        %shift_left3A_293 = vector.broadcast %shift_left3A_292 : i32 to vector<16xi32>
        %shift_left3A_294 = arith.shli %get3A_291, %shift_left3A_293 : vector<16xi32>
        %bitcast3A_295 = vector.bitcast %shift_left3A_294 : vector<16xi32> to vector<16xf32>
        %and3A_296 = arith.constant -65536 : i32
        %and3A_297 = vector.broadcast %and3A_296 : i32 to vector<16xi32>
        %and3A_298 = arith.andi %get3A_291, %and3A_297 : vector<16xi32>
        %bitcast3A_299 = vector.bitcast %and3A_298 : vector<16xi32> to vector<16xf32>
        %add3A_300 = arith.addf %add3A_236, %bitcast3A_295 : vector<16xf32>
        %add3A_301 = arith.addf %add3A_237, %bitcast3A_299 : vector<16xf32>
        %get3A_302 = arith.constant 0 : i32
        %get3A_303 = arith.constant 9 : i32
        %get3A_304 = arith.index_cast %get3A_302 : i32 to index
        %get3A_305 = arith.index_cast %get3A_303 : i32 to index
        %get3A_306 = arith.index_cast %multiple_of3A_169 : i32 to index
        %get3A_307 = tpu.vector_load %arg6[%get3A_304, %get3A_305, %get3A_306] {strides = array<i32>} : memref<2x40x384xi32, #tpu.memory_space<vmem>>, vector<16xi32>,
        %shift_left3A_308 = arith.constant 16 : i32
        %shift_left3A_309 = vector.broadcast %shift_left3A_308 : i32 to vector<16xi32>
        %shift_left3A_310 = arith.shli %get3A_307, %shift_left3A_309 : vector<16xi32>
        %bitcast3A_311 = vector.bitcast %shift_left3A_310 : vector<16xi32> to vector<16xf32>
        %and3A_312 = arith.constant -65536 : i32
        %and3A_313 = vector.broadcast %and3A_312 : i32 to vector<16xi32>
        %and3A_314 = arith.andi %get3A_307, %and3A_313 : vector<16xi32>
        %bitcast3A_315 = vector.bitcast %and3A_314 : vector<16xi32> to vector<16xf32>
        %add3A_316 = arith.addf %add3A_252, %bitcast3A_311 : vector<16xf32>
        %add3A_317 = arith.addf %add3A_253, %bitcast3A_315 : vector<16xf32>
        %get3A_318 = arith.constant 0 : i32
        %get3A_319 = arith.constant 10 : i32
        %get3A_320 = arith.index_cast %get3A_318 : i32 to index
        %get3A_321 = arith.index_cast %get3A_319 : i32 to index
        %get3A_322 = arith.index_cast %multiple_of3A_169 : i32 to index
        %get3A_323 = tpu.vector_load %arg6[%get3A_320, %get3A_321, %get3A_322] {strides = array<i32>} : memref<2x40x384xi32, #tpu.memory_space<vmem>>, vector<16xi32>,
        %shift_left3A_324 = arith.constant 16 : i32
        %shift_left3A_325 = vector.broadcast %shift_left3A_324 : i32 to vector<16xi32>
        %shift_left3A_326 = arith.shli %get3A_323, %shift_left3A_325 : vector<16xi32>
        %bitcast3A_327 = vector.bitcast %shift_left3A_326 : vector<16xi32> to vector<16xf32>
        %and3A_328 = arith.constant -65536 : i32
        %and3A_329 = vector.broadcast %and3A_328 : i32 to vector<16xi32>
        %and3A_330 = arith.andi %get3A_323, %and3A_329 : vector<16xi32>
        %bitcast3A_331 = vector.bitcast %and3A_330 : vector<16xi32> to vector<16xf32>
        %add3A_332 = arith.addf %add3A_268, %bitcast3A_327 : vector<16xf32>
        %add3A_333 = arith.addf %add3A_269, %bitcast3A_331 : vector<16xf32>
        %get3A_334 = arith.constant 0 : i32
        %get3A_335 = arith.constant 11 : i32
        %get3A_336 = arith.index_cast %get3A_334 : i32 to index
        %get3A_337 = arith.index_cast %get3A_335 : i32 to index
        %get3A_338 = arith.index_cast %multiple_of3A_169 : i32 to index
        %get3A_339 = tpu.vector_load %arg6[%get3A_336, %get3A_337, %get3A_338] {strides = array<i32>} : memref<2x40x384xi32, #tpu.memory_space<vmem>>, vector<16xi32>,
        %shift_left3A_340 = arith.constant 16 : i32
        %shift_left3A_341 = vector.broadcast %shift_left3A_340 : i32 to vector<16xi32>
        %shift_left3A_342 = arith.shli %get3A_339, %shift_left3A_341 : vector<16xi32>
        %bitcast3A_343 = vector.bitcast %shift_left3A_342 : vector<16xi32> to vector<16xf32>
        %and3A_344 = arith.constant -65536 : i32
        %and3A_345 = vector.broadcast %and3A_344 : i32 to vector<16xi32>
        %and3A_346 = arith.andi %get3A_339, %and3A_345 : vector<16xi32>
        %bitcast3A_347 = vector.bitcast %and3A_346 : vector<16xi32> to vector<16xf32>
        %add3A_348 = arith.addf %add3A_284, %bitcast3A_343 : vector<16xf32>
        %add3A_349 = arith.addf %add3A_285, %bitcast3A_347 : vector<16xf32>
        %get3A_350 = arith.constant 0 : i32
        %get3A_351 = arith.constant 12 : i32
        %get3A_352 = arith.index_cast %get3A_350 : i32 to index
        %get3A_353 = arith.index_cast %get3A_351 : i32 to index
        %get3A_354 = arith.index_cast %multiple_of3A_169 : i32 to index
        %get3A_355 = tpu.vector_load %arg6[%get3A_352, %get3A_353, %get3A_354] {strides = array<i32>} : memref<2x40x384xi32, #tpu.memory_space<vmem>>, vector<16xi32>,
        %shift_left3A_356 = arith.constant 16 : i32
        %shift_left3A_357 = vector.broadcast %shift_left3A_356 : i32 to vector<16xi32>
        %shift_left3A_358 = arith.shli %get3A_355, %shift_left3A_357 : vector<16xi32>
        %bitcast3A_359 = vector.bitcast %shift_left3A_358 : vector<16xi32> to vector<16xf32>
        %and3A_360 = arith.constant -65536 : i32
        %and3A_361 = vector.broadcast %and3A_360 : i32 to vector<16xi32>
        %and3A_362 = arith.andi %get3A_355, %and3A_361 : vector<16xi32>
        %bitcast3A_363 = vector.bitcast %and3A_362 : vector<16xi32> to vector<16xf32>
        %add3A_364 = arith.addf %add3A_300, %bitcast3A_359 : vector<16xf32>
        %add3A_365 = arith.addf %add3A_301, %bitcast3A_363 : vector<16xf32>
        %get3A_366 = arith.constant 0 : i32
        %get3A_367 = arith.constant 13 : i32
        %get3A_368 = arith.index_cast %get3A_366 : i32 to index
        %get3A_369 = arith.index_cast %get3A_367 : i32 to index
        %get3A_370 = arith.index_cast %multiple_of3A_169 : i32 to index
        %get3A_371 = tpu.vector_load %arg6[%get3A_368, %get3A_369, %get3A_370] {strides = array<i32>} : memref<2x40x384xi32, #tpu.memory_space<vmem>>, vector<16xi32>,
        %shift_left3A_372 = arith.constant 16 : i32
        %shift_left3A_373 = vector.broadcast %shift_left3A_372 : i32 to vector<16xi32>
        %shift_left3A_374 = arith.shli %get3A_371, %shift_left3A_373 : vector<16xi32>
        %bitcast3A_375 = vector.bitcast %shift_left3A_374 : vector<16xi32> to vector<16xf32>
        %and3A_376 = arith.constant -65536 : i32
        %and3A_377 = vector.broadcast %and3A_376 : i32 to vector<16xi32>
        %and3A_378 = arith.andi %get3A_371, %and3A_377 : vector<16xi32>
        %bitcast3A_379 = vector.bitcast %and3A_378 : vector<16xi32> to vector<16xf32>
        %add3A_380 = arith.addf %add3A_316, %bitcast3A_375 : vector<16xf32>
        %add3A_381 = arith.addf %add3A_317, %bitcast3A_379 : vector<16xf32>
        %get3A_382 = arith.constant 0 : i32
        %get3A_383 = arith.constant 14 : i32
        %get3A_384 = arith.index_cast %get3A_382 : i32 to index
        %get3A_385 = arith.index_cast %get3A_383 : i32 to index
        %get3A_386 = arith.index_cast %multiple_of3A_169 : i32 to index
        %get3A_387 = tpu.vector_load %arg6[%get3A_384, %get3A_385, %get3A_386] {strides = array<i32>} : memref<2x40x384xi32, #tpu.memory_space<vmem>>, vector<16xi32>,
        %shift_left3A_388 = arith.constant 16 : i32
        %shift_left3A_389 = vector.broadcast %shift_left3A_388 : i32 to vector<16xi32>
        %shift_left3A_390 = arith.shli %get3A_387, %shift_left3A_389 : vector<16xi32>
        %bitcast3A_391 = vector.bitcast %shift_left3A_390 : vector<16xi32> to vector<16xf32>
        %and3A_392 = arith.constant -65536 : i32
        %and3A_393 = vector.broadcast %and3A_392 : i32 to vector<16xi32>
        %and3A_394 = arith.andi %get3A_387, %and3A_393 : vector<16xi32>
        %bitcast3A_395 = vector.bitcast %and3A_394 : vector<16xi32> to vector<16xf32>
        %add3A_396 = arith.addf %add3A_332, %bitcast3A_391 : vector<16xf32>
        %add3A_397 = arith.addf %add3A_333, %bitcast3A_395 : vector<16xf32>
        %get3A_398 = arith.constant 0 : i32
        %get3A_399 = arith.constant 15 : i32
        %get3A_400 = arith.index_cast %get3A_398 : i32 to index
        %get3A_401 = arith.index_cast %get3A_399 : i32 to index
        %get3A_402 = arith.index_cast %multiple_of3A_169 : i32 to index
        %get3A_403 = tpu.vector_load %arg6[%get3A_400, %get3A_401, %get3A_402] {strides = array<i32>} : memref<2x40x384xi32, #tpu.memory_space<vmem>>, vector<16xi32>,
        %shift_left3A_404 = arith.constant 16 : i32
        %shift_left3A_405 = vector.broadcast %shift_left3A_404 : i32 to vector<16xi32>
        %shift_left3A_406 = arith.shli %get3A_403, %shift_left3A_405 : vector<16xi32>
        %bitcast3A_407 = vector.bitcast %shift_left3A_406 : vector<16xi32> to vector<16xf32>
        %and3A_408 = arith.constant -65536 : i32
        %and3A_409 = vector.broadcast %and3A_408 : i32 to vector<16xi32>
        %and3A_410 = arith.andi %get3A_403, %and3A_409 : vector<16xi32>
        %bitcast3A_411 = vector.bitcast %and3A_410 : vector<16xi32> to vector<16xf32>
        %add3A_412 = arith.addf %add3A_348, %bitcast3A_407 : vector<16xf32>
        %add3A_413 = arith.addf %add3A_349, %bitcast3A_411 : vector<16xf32>
        %get3A_414 = arith.constant 0 : i32
        %get3A_415 = arith.constant 16 : i32
        %get3A_416 = arith.index_cast %get3A_414 : i32 to index
        %get3A_417 = arith.index_cast %get3A_415 : i32 to index
        %get3A_418 = arith.index_cast %multiple_of3A_169 : i32 to index
        %get3A_419 = tpu.vector_load %arg6[%get3A_416, %get3A_417, %get3A_418] {strides = array<i32>} : memref<2x40x384xi32, #tpu.memory_space<vmem>>, vector<16xi32>,
        %shift_left3A_420 = arith.constant 16 : i32
        %shift_left3A_421 = vector.broadcast %shift_left3A_420 : i32 to vector<16xi32>
        %shift_left3A_422 = arith.shli %get3A_419, %shift_left3A_421 : vector<16xi32>
        %bitcast3A_423 = vector.bitcast %shift_left3A_422 : vector<16xi32> to vector<16xf32>
        %and3A_424 = arith.constant -65536 : i32
        %and3A_425 = vector.broadcast %and3A_424 : i32 to vector<16xi32>
        %and3A_426 = arith.andi %get3A_419, %and3A_425 : vector<16xi32>
        %bitcast3A_427 = vector.bitcast %and3A_426 : vector<16xi32> to vector<16xf32>
        %add3A_428 = arith.addf %add3A_364, %bitcast3A_423 : vector<16xf32>
        %add3A_429 = arith.addf %add3A_365, %bitcast3A_427 : vector<16xf32>
        %get3A_430 = arith.constant 0 : i32
        %get3A_431 = arith.constant 17 : i32
        %get3A_432 = arith.index_cast %get3A_430 : i32 to index
        %get3A_433 = arith.index_cast %get3A_431 : i32 to index
        %get3A_434 = arith.index_cast %multiple_of3A_169 : i32 to index
        %get3A_435 = tpu.vector_load %arg6[%get3A_432, %get3A_433, %get3A_434] {strides = array<i32>} : memref<2x40x384xi32, #tpu.memory_space<vmem>>, vector<16xi32>,
        %shift_left3A_436 = arith.constant 16 : i32
        %shift_left3A_437 = vector.broadcast %shift_left3A_436 : i32 to vector<16xi32>
        %shift_left3A_438 = arith.shli %get3A_435, %shift_left3A_437 : vector<16xi32>
        %bitcast3A_439 = vector.bitcast %shift_left3A_438 : vector<16xi32> to vector<16xf32>
        %and3A_440 = arith.constant -65536 : i32
        %and3A_441 = vector.broadcast %and3A_440 : i32 to vector<16xi32>
        %and3A_442 = arith.andi %get3A_435, %and3A_441 : vector<16xi32>
        %bitcast3A_443 = vector.bitcast %and3A_442 : vector<16xi32> to vector<16xf32>
        %add3A_444 = arith.addf %add3A_380, %bitcast3A_439 : vector<16xf32>
        %add3A_445 = arith.addf %add3A_381, %bitcast3A_443 : vector<16xf32>
        %get3A_446 = arith.constant 0 : i32
        %get3A_447 = arith.constant 18 : i32
        %get3A_448 = arith.index_cast %get3A_446 : i32 to index
        %get3A_449 = arith.index_cast %get3A_447 : i32 to index
        %get3A_450 = arith.index_cast %multiple_of3A_169 : i32 to index
        %get3A_451 = tpu.vector_load %arg6[%get3A_448, %get3A_449, %get3A_450] {strides = array<i32>} : memref<2x40x384xi32, #tpu.memory_space<vmem>>, vector<16xi32>,
        %shift_left3A_452 = arith.constant 16 : i32
        %shift_left3A_453 = vector.broadcast %shift_left3A_452 : i32 to vector<16xi32>
        %shift_left3A_454 = arith.shli %get3A_451, %shift_left3A_453 : vector<16xi32>
        %bitcast3A_455 = vector.bitcast %shift_left3A_454 : vector<16xi32> to vector<16xf32>
        %and3A_456 = arith.constant -65536 : i32
        %and3A_457 = vector.broadcast %and3A_456 : i32 to vector<16xi32>
        %and3A_458 = arith.andi %get3A_451, %and3A_457 : vector<16xi32>
        %bitcast3A_459 = vector.bitcast %and3A_458 : vector<16xi32> to vector<16xf32>
        %add3A_460 = arith.addf %add3A_396, %bitcast3A_455 : vector<16xf32>
        %add3A_461 = arith.addf %add3A_397, %bitcast3A_459 : vector<16xf32>
        %get3A_462 = arith.constant 0 : i32
        %get3A_463 = arith.constant 19 : i32
        %get3A_464 = arith.index_cast %get3A_462 : i32 to index
        %get3A_465 = arith.index_cast %get3A_463 : i32 to index
        %get3A_466 = arith.index_cast %multiple_of3A_169 : i32 to index
        %get3A_467 = tpu.vector_load %arg6[%get3A_464, %get3A_465, %get3A_466] {strides = array<i32>} : memref<2x40x384xi32, #tpu.memory_space<vmem>>, vector<16xi32>,
        %shift_left3A_468 = arith.constant 16 : i32
        %shift_left3A_469 = vector.broadcast %shift_left3A_468 : i32 to vector<16xi32>
        %shift_left3A_470 = arith.shli %get3A_467, %shift_left3A_469 : vector<16xi32>
        %bitcast3A_471 = vector.bitcast %shift_left3A_470 : vector<16xi32> to vector<16xf32>
        %and3A_472 = arith.constant -65536 : i32
        %and3A_473 = vector.broadcast %and3A_472 : i32 to vector<16xi32>
        %and3A_474 = arith.andi %get3A_467, %and3A_473 : vector<16xi32>
        %bitcast3A_475 = vector.bitcast %and3A_474 : vector<16xi32> to vector<16xf32>
        %add3A_476 = arith.addf %add3A_412, %bitcast3A_471 : vector<16xf32>
        %add3A_477 = arith.addf %add3A_413, %bitcast3A_475 : vector<16xf32>
        %get3A_478 = arith.constant 0 : i32
        %get3A_479 = arith.constant 20 : i32
        %get3A_480 = arith.index_cast %get3A_478 : i32 to index
        %get3A_481 = arith.index_cast %get3A_479 : i32 to index
        %get3A_482 = arith.index_cast %multiple_of3A_169 : i32 to index
        %get3A_483 = tpu.vector_load %arg6[%get3A_480, %get3A_481, %get3A_482] {strides = array<i32>} : memref<2x40x384xi32, #tpu.memory_space<vmem>>, vector<16xi32>,
        %shift_left3A_484 = arith.constant 16 : i32
        %shift_left3A_485 = vector.broadcast %shift_left3A_484 : i32 to vector<16xi32>
        %shift_left3A_486 = arith.shli %get3A_483, %shift_left3A_485 : vector<16xi32>
        %bitcast3A_487 = vector.bitcast %shift_left3A_486 : vector<16xi32> to vector<16xf32>
        %and3A_488 = arith.constant -65536 : i32
        %and3A_489 = vector.broadcast %and3A_488 : i32 to vector<16xi32>
        %and3A_490 = arith.andi %get3A_483, %and3A_489 : vector<16xi32>
        %bitcast3A_491 = vector.bitcast %and3A_490 : vector<16xi32> to vector<16xf32>
        %add3A_492 = arith.addf %add3A_428, %bitcast3A_487 : vector<16xf32>
        %add3A_493 = arith.addf %add3A_429, %bitcast3A_491 : vector<16xf32>
        %get3A_494 = arith.constant 0 : i32
        %get3A_495 = arith.constant 21 : i32
        %get3A_496 = arith.index_cast %get3A_494 : i32 to index
        %get3A_497 = arith.index_cast %get3A_495 : i32 to index
        %get3A_498 = arith.index_cast %multiple_of3A_169 : i32 to index
        %get3A_499 = tpu.vector_load %arg6[%get3A_496, %get3A_497, %get3A_498] {strides = array<i32>} : memref<2x40x384xi32, #tpu.memory_space<vmem>>, vector<16xi32>,
        %shift_left3A_500 = arith.constant 16 : i32
        %shift_left3A_501 = vector.broadcast %shift_left3A_500 : i32 to vector<16xi32>
        %shift_left3A_502 = arith.shli %get3A_499, %shift_left3A_501 : vector<16xi32>
        %bitcast3A_503 = vector.bitcast %shift_left3A_502 : vector<16xi32> to vector<16xf32>
        %and3A_504 = arith.constant -65536 : i32
        %and3A_505 = vector.broadcast %and3A_504 : i32 to vector<16xi32>
        %and3A_506 = arith.andi %get3A_499, %and3A_505 : vector<16xi32>
        %bitcast3A_507 = vector.bitcast %and3A_506 : vector<16xi32> to vector<16xf32>
        %add3A_508 = arith.addf %add3A_444, %bitcast3A_503 : vector<16xf32>
        %add3A_509 = arith.addf %add3A_445, %bitcast3A_507 : vector<16xf32>
        %get3A_510 = arith.constant 0 : i32
        %get3A_511 = arith.constant 22 : i32
        %get3A_512 = arith.index_cast %get3A_510 : i32 to index
        %get3A_513 = arith.index_cast %get3A_511 : i32 to index
        %get3A_514 = arith.index_cast %multiple_of3A_169 : i32 to index
        %get3A_515 = tpu.vector_load %arg6[%get3A_512, %get3A_513, %get3A_514] {strides = array<i32>} : memref<2x40x384xi32, #tpu.memory_space<vmem>>, vector<16xi32>,
        %shift_left3A_516 = arith.constant 16 : i32
        %shift_left3A_517 = vector.broadcast %shift_left3A_516 : i32 to vector<16xi32>
        %shift_left3A_518 = arith.shli %get3A_515, %shift_left3A_517 : vector<16xi32>
        %bitcast3A_519 = vector.bitcast %shift_left3A_518 : vector<16xi32> to vector<16xf32>
        %and3A_520 = arith.constant -65536 : i32
        %and3A_521 = vector.broadcast %and3A_520 : i32 to vector<16xi32>
        %and3A_522 = arith.andi %get3A_515, %and3A_521 : vector<16xi32>
        %bitcast3A_523 = vector.bitcast %and3A_522 : vector<16xi32> to vector<16xf32>
        %add3A_524 = arith.addf %add3A_460, %bitcast3A_519 : vector<16xf32>
        %add3A_525 = arith.addf %add3A_461, %bitcast3A_523 : vector<16xf32>
        %get3A_526 = arith.constant 0 : i32
        %get3A_527 = arith.constant 23 : i32
        %get3A_528 = arith.index_cast %get3A_526 : i32 to index
        %get3A_529 = arith.index_cast %get3A_527 : i32 to index
        %get3A_530 = arith.index_cast %multiple_of3A_169 : i32 to index
        %get3A_531 = tpu.vector_load %arg6[%get3A_528, %get3A_529, %get3A_530] {strides = array<i32>} : memref<2x40x384xi32, #tpu.memory_space<vmem>>, vector<16xi32>,
        %shift_left3A_532 = arith.constant 16 : i32
        %shift_left3A_533 = vector.broadcast %shift_left3A_532 : i32 to vector<16xi32>
        %shift_left3A_534 = arith.shli %get3A_531, %shift_left3A_533 : vector<16xi32>
        %bitcast3A_535 = vector.bitcast %shift_left3A_534 : vector<16xi32> to vector<16xf32>
        %and3A_536 = arith.constant -65536 : i32
        %and3A_537 = vector.broadcast %and3A_536 : i32 to vector<16xi32>
        %and3A_538 = arith.andi %get3A_531, %and3A_537 : vector<16xi32>
        %bitcast3A_539 = vector.bitcast %and3A_538 : vector<16xi32> to vector<16xf32>
        %add3A_540 = arith.addf %add3A_476, %bitcast3A_535 : vector<16xf32>
        %add3A_541 = arith.addf %add3A_477, %bitcast3A_539 : vector<16xf32>
        %get3A_542 = arith.constant 0 : i32
        %get3A_543 = arith.constant 24 : i32
        %get3A_544 = arith.index_cast %get3A_542 : i32 to index
        %get3A_545 = arith.index_cast %get3A_543 : i32 to index
        %get3A_546 = arith.index_cast %multiple_of3A_169 : i32 to index
        %get3A_547 = tpu.vector_load %arg6[%get3A_544, %get3A_545, %get3A_546] {strides = array<i32>} : memref<2x40x384xi32, #tpu.memory_space<vmem>>, vector<16xi32>,
        %shift_left3A_548 = arith.constant 16 : i32
        %shift_left3A_549 = vector.broadcast %shift_left3A_548 : i32 to vector<16xi32>
        %shift_left3A_550 = arith.shli %get3A_547, %shift_left3A_549 : vector<16xi32>
        %bitcast3A_551 = vector.bitcast %shift_left3A_550 : vector<16xi32> to vector<16xf32>
        %and3A_552 = arith.constant -65536 : i32
        %and3A_553 = vector.broadcast %and3A_552 : i32 to vector<16xi32>
        %and3A_554 = arith.andi %get3A_547, %and3A_553 : vector<16xi32>
        %bitcast3A_555 = vector.bitcast %and3A_554 : vector<16xi32> to vector<16xf32>
        %add3A_556 = arith.addf %add3A_492, %bitcast3A_551 : vector<16xf32>
        %add3A_557 = arith.addf %add3A_493, %bitcast3A_555 : vector<16xf32>
        %get3A_558 = arith.constant 0 : i32
        %get3A_559 = arith.constant 25 : i32
        %get3A_560 = arith.index_cast %get3A_558 : i32 to index
        %get3A_561 = arith.index_cast %get3A_559 : i32 to index
        %get3A_562 = arith.index_cast %multiple_of3A_169 : i32 to index
        %get3A_563 = tpu.vector_load %arg6[%get3A_560, %get3A_561, %get3A_562] {strides = array<i32>} : memref<2x40x384xi32, #tpu.memory_space<vmem>>, vector<16xi32>,
        %shift_left3A_564 = arith.constant 16 : i32
        %shift_left3A_565 = vector.broadcast %shift_left3A_564 : i32 to vector<16xi32>
        %shift_left3A_566 = arith.shli %get3A_563, %shift_left3A_565 : vector<16xi32>
        %bitcast3A_567 = vector.bitcast %shift_left3A_566 : vector<16xi32> to vector<16xf32>
        %and3A_568 = arith.constant -65536 : i32
        %and3A_569 = vector.broadcast %and3A_568 : i32 to vector<16xi32>
        %and3A_570 = arith.andi %get3A_563, %and3A_569 : vector<16xi32>
        %bitcast3A_571 = vector.bitcast %and3A_570 : vector<16xi32> to vector<16xf32>
        %add3A_572 = arith.addf %add3A_508, %bitcast3A_567 : vector<16xf32>
        %add3A_573 = arith.addf %add3A_509, %bitcast3A_571 : vector<16xf32>
        %get3A_574 = arith.constant 0 : i32
        %get3A_575 = arith.constant 26 : i32
        %get3A_576 = arith.index_cast %get3A_574 : i32 to index
        %get3A_577 = arith.index_cast %get3A_575 : i32 to index
        %get3A_578 = arith.index_cast %multiple_of3A_169 : i32 to index
        %get3A_579 = tpu.vector_load %arg6[%get3A_576, %get3A_577, %get3A_578] {strides = array<i32>} : memref<2x40x384xi32, #tpu.memory_space<vmem>>, vector<16xi32>,
        %shift_left3A_580 = arith.constant 16 : i32
        %shift_left3A_581 = vector.broadcast %shift_left3A_580 : i32 to vector<16xi32>
        %shift_left3A_582 = arith.shli %get3A_579, %shift_left3A_581 : vector<16xi32>
        %bitcast3A_583 = vector.bitcast %shift_left3A_582 : vector<16xi32> to vector<16xf32>
        %and3A_584 = arith.constant -65536 : i32
        %and3A_585 = vector.broadcast %and3A_584 : i32 to vector<16xi32>
        %and3A_586 = arith.andi %get3A_579, %and3A_585 : vector<16xi32>
        %bitcast3A_587 = vector.bitcast %and3A_586 : vector<16xi32> to vector<16xf32>
        %add3A_588 = arith.addf %add3A_524, %bitcast3A_583 : vector<16xf32>
        %add3A_589 = arith.addf %add3A_525, %bitcast3A_587 : vector<16xf32>
        %get3A_590 = arith.constant 0 : i32
        %get3A_591 = arith.constant 27 : i32
        %get3A_592 = arith.index_cast %get3A_590 : i32 to index
        %get3A_593 = arith.index_cast %get3A_591 : i32 to index
        %get3A_594 = arith.index_cast %multiple_of3A_169 : i32 to index
        %get3A_595 = tpu.vector_load %arg6[%get3A_592, %get3A_593, %get3A_594] {strides = array<i32>} : memref<2x40x384xi32, #tpu.memory_space<vmem>>, vector<16xi32>,
        %shift_left3A_596 = arith.constant 16 : i32
        %shift_left3A_597 = vector.broadcast %shift_left3A_596 : i32 to vector<16xi32>
        %shift_left3A_598 = arith.shli %get3A_595, %shift_left3A_597 : vector<16xi32>
        %bitcast3A_599 = vector.bitcast %shift_left3A_598 : vector<16xi32> to vector<16xf32>
        %and3A_600 = arith.constant -65536 : i32
        %and3A_601 = vector.broadcast %and3A_600 : i32 to vector<16xi32>
        %and3A_602 = arith.andi %get3A_595, %and3A_601 : vector<16xi32>
        %bitcast3A_603 = vector.bitcast %and3A_602 : vector<16xi32> to vector<16xf32>
        %add3A_604 = arith.addf %add3A_540, %bitcast3A_599 : vector<16xf32>
        %add3A_605 = arith.addf %add3A_541, %bitcast3A_603 : vector<16xf32>
        %get3A_606 = arith.constant 0 : i32
        %get3A_607 = arith.constant 28 : i32
        %get3A_608 = arith.index_cast %get3A_606 : i32 to index
        %get3A_609 = arith.index_cast %get3A_607 : i32 to index
        %get3A_610 = arith.index_cast %multiple_of3A_169 : i32 to index
        %get3A_611 = tpu.vector_load %arg6[%get3A_608, %get3A_609, %get3A_610] {strides = array<i32>} : memref<2x40x384xi32, #tpu.memory_space<vmem>>, vector<16xi32>,
        %shift_left3A_612 = arith.constant 16 : i32
        %shift_left3A_613 = vector.broadcast %shift_left3A_612 : i32 to vector<16xi32>
        %shift_left3A_614 = arith.shli %get3A_611, %shift_left3A_613 : vector<16xi32>
        %bitcast3A_615 = vector.bitcast %shift_left3A_614 : vector<16xi32> to vector<16xf32>
        %and3A_616 = arith.constant -65536 : i32
        %and3A_617 = vector.broadcast %and3A_616 : i32 to vector<16xi32>
        %and3A_618 = arith.andi %get3A_611, %and3A_617 : vector<16xi32>
        %bitcast3A_619 = vector.bitcast %and3A_618 : vector<16xi32> to vector<16xf32>
        %add3A_620 = arith.addf %add3A_556, %bitcast3A_615 : vector<16xf32>
        %add3A_621 = arith.addf %add3A_557, %bitcast3A_619 : vector<16xf32>
        %get3A_622 = arith.constant 0 : i32
        %get3A_623 = arith.constant 29 : i32
        %get3A_624 = arith.index_cast %get3A_622 : i32 to index
        %get3A_625 = arith.index_cast %get3A_623 : i32 to index
        %get3A_626 = arith.index_cast %multiple_of3A_169 : i32 to index
        %get3A_627 = tpu.vector_load %arg6[%get3A_624, %get3A_625, %get3A_626] {strides = array<i32>} : memref<2x40x384xi32, #tpu.memory_space<vmem>>, vector<16xi32>,
        %shift_left3A_628 = arith.constant 16 : i32
        %shift_left3A_629 = vector.broadcast %shift_left3A_628 : i32 to vector<16xi32>
        %shift_left3A_630 = arith.shli %get3A_627, %shift_left3A_629 : vector<16xi32>
        %bitcast3A_631 = vector.bitcast %shift_left3A_630 : vector<16xi32> to vector<16xf32>
        %and3A_632 = arith.constant -65536 : i32
        %and3A_633 = vector.broadcast %and3A_632 : i32 to vector<16xi32>
        %and3A_634 = arith.andi %get3A_627, %and3A_633 : vector<16xi32>
        %bitcast3A_635 = vector.bitcast %and3A_634 : vector<16xi32> to vector<16xf32>
        %add3A_636 = arith.addf %add3A_572, %bitcast3A_631 : vector<16xf32>
        %add3A_637 = arith.addf %add3A_573, %bitcast3A_635 : vector<16xf32>
        %get3A_638 = arith.constant 0 : i32
        %get3A_639 = arith.constant 30 : i32
        %get3A_640 = arith.index_cast %get3A_638 : i32 to index
        %get3A_641 = arith.index_cast %get3A_639 : i32 to index
        %get3A_642 = arith.index_cast %multiple_of3A_169 : i32 to index
        %get3A_643 = tpu.vector_load %arg6[%get3A_640, %get3A_641, %get3A_642] {strides = array<i32>} : memref<2x40x384xi32, #tpu.memory_space<vmem>>, vector<16xi32>,
        %shift_left3A_644 = arith.constant 16 : i32
        %shift_left3A_645 = vector.broadcast %shift_left3A_644 : i32 to vector<16xi32>
        %shift_left3A_646 = arith.shli %get3A_643, %shift_left3A_645 : vector<16xi32>
        %bitcast3A_647 = vector.bitcast %shift_left3A_646 : vector<16xi32> to vector<16xf32>
        %and3A_648 = arith.constant -65536 : i32
        %and3A_649 = vector.broadcast %and3A_648 : i32 to vector<16xi32>
        %and3A_650 = arith.andi %get3A_643, %and3A_649 : vector<16xi32>
        %bitcast3A_651 = vector.bitcast %and3A_650 : vector<16xi32> to vector<16xf32>
        %add3A_652 = arith.addf %add3A_588, %bitcast3A_647 : vector<16xf32>
        %add3A_653 = arith.addf %add3A_589, %bitcast3A_651 : vector<16xf32>
        %get3A_654 = arith.constant 0 : i32
        %get3A_655 = arith.constant 31 : i32
        %get3A_656 = arith.index_cast %get3A_654 : i32 to index
        %get3A_657 = arith.index_cast %get3A_655 : i32 to index
        %get3A_658 = arith.index_cast %multiple_of3A_169 : i32 to index
        %get3A_659 = tpu.vector_load %arg6[%get3A_656, %get3A_657, %get3A_658] {strides = array<i32>} : memref<2x40x384xi32, #tpu.memory_space<vmem>>, vector<16xi32>,
        %shift_left3A_660 = arith.constant 16 : i32
        %shift_left3A_661 = vector.broadcast %shift_left3A_660 : i32 to vector<16xi32>
        %shift_left3A_662 = arith.shli %get3A_659, %shift_left3A_661 : vector<16xi32>
        %bitcast3A_663 = vector.bitcast %shift_left3A_662 : vector<16xi32> to vector<16xf32>
        %and3A_664 = arith.constant -65536 : i32
        %and3A_665 = vector.broadcast %and3A_664 : i32 to vector<16xi32>
        %and3A_666 = arith.andi %get3A_659, %and3A_665 : vector<16xi32>
        %bitcast3A_667 = vector.bitcast %and3A_666 : vector<16xi32> to vector<16xf32>
        %add3A_668 = arith.addf %add3A_604, %bitcast3A_663 : vector<16xf32>
        %add3A_669 = arith.addf %add3A_605, %bitcast3A_667 : vector<16xf32>
        %get3A_670 = arith.constant 0 : i32
        %get3A_671 = arith.constant 32 : i32
        %get3A_672 = arith.index_cast %get3A_670 : i32 to index
        %get3A_673 = arith.index_cast %get3A_671 : i32 to index
        %get3A_674 = arith.index_cast %multiple_of3A_169 : i32 to index
        %get3A_675 = tpu.vector_load %arg6[%get3A_672, %get3A_673, %get3A_674] {strides = array<i32>} : memref<2x40x384xi32, #tpu.memory_space<vmem>>, vector<16xi32>,
        %shift_left3A_676 = arith.constant 16 : i32
        %shift_left3A_677 = vector.broadcast %shift_left3A_676 : i32 to vector<16xi32>
        %shift_left3A_678 = arith.shli %get3A_675, %shift_left3A_677 : vector<16xi32>
        %bitcast3A_679 = vector.bitcast %shift_left3A_678 : vector<16xi32> to vector<16xf32>
        %and3A_680 = arith.constant -65536 : i32
        %and3A_681 = vector.broadcast %and3A_680 : i32 to vector<16xi32>
        %and3A_682 = arith.andi %get3A_675, %and3A_681 : vector<16xi32>
        %bitcast3A_683 = vector.bitcast %and3A_682 : vector<16xi32> to vector<16xf32>
        %add3A_684 = arith.addf %add3A_620, %bitcast3A_679 : vector<16xf32>
        %add3A_685 = arith.addf %add3A_621, %bitcast3A_683 : vector<16xf32>
        %get3A_686 = arith.constant 0 : i32
        %get3A_687 = arith.constant 33 : i32
        %get3A_688 = arith.index_cast %get3A_686 : i32 to index
        %get3A_689 = arith.index_cast %get3A_687 : i32 to index
        %get3A_690 = arith.index_cast %multiple_of3A_169 : i32 to index
        %get3A_691 = tpu.vector_load %arg6[%get3A_688, %get3A_689, %get3A_690] {strides = array<i32>} : memref<2x40x384xi32, #tpu.memory_space<vmem>>, vector<16xi32>,
        %shift_left3A_692 = arith.constant 16 : i32
        %shift_left3A_693 = vector.broadcast %shift_left3A_692 : i32 to vector<16xi32>
        %shift_left3A_694 = arith.shli %get3A_691, %shift_left3A_693 : vector<16xi32>
        %bitcast3A_695 = vector.bitcast %shift_left3A_694 : vector<16xi32> to vector<16xf32>
        %and3A_696 = arith.constant -65536 : i32
        %and3A_697 = vector.broadcast %and3A_696 : i32 to vector<16xi32>
        %and3A_698 = arith.andi %get3A_691, %and3A_697 : vector<16xi32>
        %bitcast3A_699 = vector.bitcast %and3A_698 : vector<16xi32> to vector<16xf32>
        %add3A_700 = arith.addf %add3A_636, %bitcast3A_695 : vector<16xf32>
        %add3A_701 = arith.addf %add3A_637, %bitcast3A_699 : vector<16xf32>
        %get3A_702 = arith.constant 0 : i32
        %get3A_703 = arith.constant 34 : i32
        %get3A_704 = arith.index_cast %get3A_702 : i32 to index
        %get3A_705 = arith.index_cast %get3A_703 : i32 to index
        %get3A_706 = arith.index_cast %multiple_of3A_169 : i32 to index
        %get3A_707 = tpu.vector_load %arg6[%get3A_704, %get3A_705, %get3A_706] {strides = array<i32>} : memref<2x40x384xi32, #tpu.memory_space<vmem>>, vector<16xi32>,
        %shift_left3A_708 = arith.constant 16 : i32
        %shift_left3A_709 = vector.broadcast %shift_left3A_708 : i32 to vector<16xi32>
        %shift_left3A_710 = arith.shli %get3A_707, %shift_left3A_709 : vector<16xi32>
        %bitcast3A_711 = vector.bitcast %shift_left3A_710 : vector<16xi32> to vector<16xf32>
        %and3A_712 = arith.constant -65536 : i32
        %and3A_713 = vector.broadcast %and3A_712 : i32 to vector<16xi32>
        %and3A_714 = arith.andi %get3A_707, %and3A_713 : vector<16xi32>
        %bitcast3A_715 = vector.bitcast %and3A_714 : vector<16xi32> to vector<16xf32>
        %add3A_716 = arith.addf %add3A_652, %bitcast3A_711 : vector<16xf32>
        %add3A_717 = arith.addf %add3A_653, %bitcast3A_715 : vector<16xf32>
        %get3A_718 = arith.constant 0 : i32
        %get3A_719 = arith.constant 35 : i32
        %get3A_720 = arith.index_cast %get3A_718 : i32 to index
        %get3A_721 = arith.index_cast %get3A_719 : i32 to index
        %get3A_722 = arith.index_cast %multiple_of3A_169 : i32 to index
        %get3A_723 = tpu.vector_load %arg6[%get3A_720, %get3A_721, %get3A_722] {strides = array<i32>} : memref<2x40x384xi32, #tpu.memory_space<vmem>>, vector<16xi32>,
        %shift_left3A_724 = arith.constant 16 : i32
        %shift_left3A_725 = vector.broadcast %shift_left3A_724 : i32 to vector<16xi32>
        %shift_left3A_726 = arith.shli %get3A_723, %shift_left3A_725 : vector<16xi32>
        %bitcast3A_727 = vector.bitcast %shift_left3A_726 : vector<16xi32> to vector<16xf32>
        %and3A_728 = arith.constant -65536 : i32
        %and3A_729 = vector.broadcast %and3A_728 : i32 to vector<16xi32>
        %and3A_730 = arith.andi %get3A_723, %and3A_729 : vector<16xi32>
        %bitcast3A_731 = vector.bitcast %and3A_730 : vector<16xi32> to vector<16xf32>
        %add3A_732 = arith.addf %add3A_668, %bitcast3A_727 : vector<16xf32>
        %add3A_733 = arith.addf %add3A_669, %bitcast3A_731 : vector<16xf32>
        %get3A_734 = arith.constant 0 : i32
        %get3A_735 = arith.constant 36 : i32
        %get3A_736 = arith.index_cast %get3A_734 : i32 to index
        %get3A_737 = arith.index_cast %get3A_735 : i32 to index
        %get3A_738 = arith.index_cast %multiple_of3A_169 : i32 to index
        %get3A_739 = tpu.vector_load %arg6[%get3A_736, %get3A_737, %get3A_738] {strides = array<i32>} : memref<2x40x384xi32, #tpu.memory_space<vmem>>, vector<16xi32>,
        %shift_left3A_740 = arith.constant 16 : i32
        %shift_left3A_741 = vector.broadcast %shift_left3A_740 : i32 to vector<16xi32>
        %shift_left3A_742 = arith.shli %get3A_739, %shift_left3A_741 : vector<16xi32>
        %bitcast3A_743 = vector.bitcast %shift_left3A_742 : vector<16xi32> to vector<16xf32>
        %and3A_744 = arith.constant -65536 : i32
        %and3A_745 = vector.broadcast %and3A_744 : i32 to vector<16xi32>
        %and3A_746 = arith.andi %get3A_739, %and3A_745 : vector<16xi32>
        %bitcast3A_747 = vector.bitcast %and3A_746 : vector<16xi32> to vector<16xf32>
        %add3A_748 = arith.addf %add3A_684, %bitcast3A_743 : vector<16xf32>
        %add3A_749 = arith.addf %add3A_685, %bitcast3A_747 : vector<16xf32>
        %get3A_750 = arith.constant 0 : i32
        %get3A_751 = arith.constant 37 : i32
        %get3A_752 = arith.index_cast %get3A_750 : i32 to index
        %get3A_753 = arith.index_cast %get3A_751 : i32 to index
        %get3A_754 = arith.index_cast %multiple_of3A_169 : i32 to index
        %get3A_755 = tpu.vector_load %arg6[%get3A_752, %get3A_753, %get3A_754] {strides = array<i32>} : memref<2x40x384xi32, #tpu.memory_space<vmem>>, vector<16xi32>,
        %shift_left3A_756 = arith.constant 16 : i32
        %shift_left3A_757 = vector.broadcast %shift_left3A_756 : i32 to vector<16xi32>
        %shift_left3A_758 = arith.shli %get3A_755, %shift_left3A_757 : vector<16xi32>
        %bitcast3A_759 = vector.bitcast %shift_left3A_758 : vector<16xi32> to vector<16xf32>
        %and3A_760 = arith.constant -65536 : i32
        %and3A_761 = vector.broadcast %and3A_760 : i32 to vector<16xi32>
        %and3A_762 = arith.andi %get3A_755, %and3A_761 : vector<16xi32>
        %bitcast3A_763 = vector.bitcast %and3A_762 : vector<16xi32> to vector<16xf32>
        %add3A_764 = arith.addf %add3A_700, %bitcast3A_759 : vector<16xf32>
        %add3A_765 = arith.addf %add3A_701, %bitcast3A_763 : vector<16xf32>
        %get3A_766 = arith.constant 0 : i32
        %get3A_767 = arith.constant 38 : i32
        %get3A_768 = arith.index_cast %get3A_766 : i32 to index
        %get3A_769 = arith.index_cast %get3A_767 : i32 to index
        %get3A_770 = arith.index_cast %multiple_of3A_169 : i32 to index
        %get3A_771 = tpu.vector_load %arg6[%get3A_768, %get3A_769, %get3A_770] {strides = array<i32>} : memref<2x40x384xi32, #tpu.memory_space<vmem>>, vector<16xi32>,
        %shift_left3A_772 = arith.constant 16 : i32
        %shift_left3A_773 = vector.broadcast %shift_left3A_772 : i32 to vector<16xi32>
        %shift_left3A_774 = arith.shli %get3A_771, %shift_left3A_773 : vector<16xi32>
        %bitcast3A_775 = vector.bitcast %shift_left3A_774 : vector<16xi32> to vector<16xf32>
        %and3A_776 = arith.constant -65536 : i32
        %and3A_777 = vector.broadcast %and3A_776 : i32 to vector<16xi32>
        %and3A_778 = arith.andi %get3A_771, %and3A_777 : vector<16xi32>
        %bitcast3A_779 = vector.bitcast %and3A_778 : vector<16xi32> to vector<16xf32>
        %add3A_780 = arith.addf %add3A_716, %bitcast3A_775 : vector<16xf32>
        %add3A_781 = arith.addf %add3A_717, %bitcast3A_779 : vector<16xf32>
        %get3A_782 = arith.constant 0 : i32
        %get3A_783 = arith.constant 39 : i32
        %get3A_784 = arith.index_cast %get3A_782 : i32 to index
        %get3A_785 = arith.index_cast %get3A_783 : i32 to index
        %get3A_786 = arith.index_cast %multiple_of3A_169 : i32 to index
        %get3A_787 = tpu.vector_load %arg6[%get3A_784, %get3A_785, %get3A_786] {strides = array<i32>} : memref<2x40x384xi32, #tpu.memory_space<vmem>>, vector<16xi32>,
        %shift_left3A_788 = arith.constant 16 : i32
        %shift_left3A_789 = vector.broadcast %shift_left3A_788 : i32 to vector<16xi32>
        %shift_left3A_790 = arith.shli %get3A_787, %shift_left3A_789 : vector<16xi32>
        %bitcast3A_791 = vector.bitcast %shift_left3A_790 : vector<16xi32> to vector<16xf32>
        %and3A_792 = arith.constant -65536 : i32
        %and3A_793 = vector.broadcast %and3A_792 : i32 to vector<16xi32>
        %and3A_794 = arith.andi %get3A_787, %and3A_793 : vector<16xi32>
        %bitcast3A_795 = vector.bitcast %and3A_794 : vector<16xi32> to vector<16xf32>
        %add3A_796 = arith.addf %add3A_732, %bitcast3A_791 : vector<16xf32>
        %add3A_797 = arith.addf %add3A_733, %bitcast3A_795 : vector<16xf32>
        %add3A_798 = arith.addf %add3A_748, %add3A_764 : vector<16xf32>
        %add3A_799 = arith.addf %add3A_780, %add3A_796 : vector<16xf32>
        %add3A_800 = arith.addf %add3A_798, %add3A_799 : vector<16xf32>
        %add3A_801 = arith.addf %add3A_749, %add3A_765 : vector<16xf32>
        %add3A_802 = arith.addf %add3A_781, %add3A_797 : vector<16xf32>
        %add3A_803 = arith.addf %add3A_801, %add3A_802 : vector<16xf32>
        %add3A_804 = arith.constant 384 : i32
        %add3A_805 = arith.addi %multiple_of3A_169, %add3A_804 : i32
        %swap3A = arith.index_cast %multiple_of3A_169 : i32 to index
        %swap3A_806 = tpu.vector_load %arg7[%swap3A] {strides = array<i32>} : memref<768xf32, #tpu.memory_space<vmem>>, vector<16xf32>,
        tpu.vector_store %arg7[%swap3A], %add3A_800 {strides = array<i32>} : memref<768xf32, #tpu.memory_space<vmem>>, vector<16xf32>,
        %swap3A_807 = arith.index_cast %add3A_805 : i32 to index
        %swap3A_808 = tpu.vector_load %arg7[%swap3A_807] {strides = array<i32>} : memref<768xf32, #tpu.memory_space<vmem>>, vector<16xf32>,
        tpu.vector_store %arg7[%swap3A_807], %add3A_803 {strides = array<i32>} : memref<768xf32, #tpu.memory_space<vmem>>, vector<16xf32>,
        %scan3A_809 = arith.constant 0 : i32
        scf.yield %scan3A_809 : i32
      }
      %scan3A_54 = arith.constant 24 : i32
      %mul3A_55 = arith.constant 200 : i32
      %mul3A_56 = arith.muli %scan3A_11, %mul3A_55 : i32
      %add3A_57 = arith.constant 80 : i32
      %add3A_58 = arith.addi %mul3A_56, %add3A_57 : i32
      %multiple_of3A_59 = tpu.assume_multiple %add3A_58, 40 : i32
      %dma_start3A_60 = arith.constant 0 : i32
      %dma_start3A_61 = arith.constant 0 : i32
      %dma_start3A_62 = arith.constant 0 : i32
      %dma_start3A_63 = tpu.memref_slice %arg6[%dma_start3A_60, %dma_start3A_61, %dma_start3A_62] : memref<2x40x384xi32, #tpu.memory_space<vmem>> -> memref<1x40x384xi32, #tpu.memory_space<vmem>>
      %dma_start3A_64 = tpu.memref_squeeze %dma_start3A_63 : memref<1x40x384xi32, #tpu.memory_space<vmem>> -> memref<40x384xi32, #tpu.memory_space<vmem>>
      %dma_start3A_65 = tpu.memref_slice %arg5[%multiple_of3A_59] : memref<25600xi32, #tpu.memory_space<vmem>> -> memref<40xi32, #tpu.memory_space<vmem>>
      %dma_start3A_66 = arith.constant 0 : i32
      %dma_start3A_67 = arith.constant 0 : i32
      %dma_start3A_68 = tpu.memref_slice %arg3[%dma_start3A_66, %dma_start3A_67] : memref<32000x384xi32, #tpu.memory_space<hbm>> -> memref<32000x384xi32, #tpu.memory_space<hbm>>
      tpu.enqueue_indirect_dma source(%dma_start3A_68 : memref<32000x384xi32, #tpu.memory_space<hbm>>) target(%dma_start3A_64 : memref<40x384xi32, #tpu.memory_space<vmem>>) offsets(%dma_start3A_65 : memref<40xi32, #tpu.memory_space<vmem>>) semaphore(%arg8 : memref<!tpu.dma_semaphore, #tpu.memory_space<semaphore_mem>>)
      %dma_wait3A_69 = arith.constant 1 : i32
      %dma_wait3A_70 = arith.constant 0 : i32
      %dma_wait3A_71 = arith.constant 0 : i32
      %dma_wait3A_72 = tpu.memref_slice %arg6[%dma_wait3A_69, %dma_wait3A_70, %dma_wait3A_71] : memref<2x40x384xi32, #tpu.memory_space<vmem>> -> memref<1x40x384xi32, #tpu.memory_space<vmem>>
      %dma_wait3A_73 = tpu.memref_squeeze %dma_wait3A_72 : memref<1x40x384xi32, #tpu.memory_space<vmem>> -> memref<40x384xi32, #tpu.memory_space<vmem>>
      %dma_wait3A_74 = tpu.memref_slice %arg5[%multiple_of3A_30] : memref<25600xi32, #tpu.memory_space<vmem>> -> memref<40xi32, #tpu.memory_space<vmem>>
      %dma_wait3A_75 = arith.constant 0 : i32
      %dma_wait3A_76 = arith.constant 0 : i32
      %dma_wait3A_77 = tpu.memref_slice %arg3[%dma_wait3A_75, %dma_wait3A_76] : memref<32000x384xi32, #tpu.memory_space<hbm>> -> memref<32000x384xi32, #tpu.memory_space<hbm>>
      tpu.wait_indirect_dma semaphore(%arg9 : memref<!tpu.dma_semaphore, #tpu.memory_space<semaphore_mem>>) src(%dma_wait3A_77 : memref<32000x384xi32, #tpu.memory_space<hbm>>) dst(%dma_wait3A_73 : memref<40x384xi32, #tpu.memory_space<vmem>>)
      %scan3A_78 = arith.constant 0 : i32
      %scan3A_79 = arith.constant 0 : i32
      %scan3A_80 = arith.constant 24 : i32
      %scan3A_81 = arith.addi %scan3A_79, %scan3A_80 : i32
      %scan3A_82 = arith.constant 1 : i32
      %scan3A_83 = scf.for %scan3A_165 = %scan3A_79 to %scan3A_81 step %scan3A_82 iter_args(%scan3A_166 = %scan3A_78) -> (i32)  : i32 {
        %mul3A_167 = arith.constant 16 : i32
        %mul3A_168 = arith.muli %scan3A_165, %mul3A_167 : i32
        %multiple_of3A_169 = tpu.assume_multiple %mul3A_168, 16 : i32
        %get3A = arith.constant 1 : i32
        %get3A_170 = arith.constant 0 : i32
        %get3A_171 = arith.index_cast %get3A : i32 to index
        %get3A_172 = arith.index_cast %get3A_170 : i32 to index
        %get3A_173 = arith.index_cast %multiple_of3A_169 : i32 to index
        %get3A_174 = tpu.vector_load %arg6[%get3A_171, %get3A_172, %get3A_173] {strides = array<i32>} : memref<2x40x384xi32, #tpu.memory_space<vmem>>, vector<16xi32>,
        %shift_left3A = arith.constant 16 : i32
        %shift_left3A_175 = vector.broadcast %shift_left3A : i32 to vector<16xi32>
        %shift_left3A_176 = arith.shli %get3A_174, %shift_left3A_175 : vector<16xi32>
        %bitcast3A = vector.bitcast %shift_left3A_176 : vector<16xi32> to vector<16xf32>
        %and3A = arith.constant -65536 : i32
        %and3A_177 = vector.broadcast %and3A : i32 to vector<16xi32>
        %and3A_178 = arith.andi %get3A_174, %and3A_177 : vector<16xi32>
        %bitcast3A_179 = vector.bitcast %and3A_178 : vector<16xi32> to vector<16xf32>
        %get3A_180 = arith.constant 1 : i32
        %get3A_181 = arith.constant 1 : i32
        %get3A_182 = arith.index_cast %get3A_180 : i32 to index
        %get3A_183 = arith.index_cast %get3A_181 : i32 to index
        %get3A_184 = arith.index_cast %multiple_of3A_169 : i32 to index
        %get3A_185 = tpu.vector_load %arg6[%get3A_182, %get3A_183, %get3A_184] {strides = array<i32>} : memref<2x40x384xi32, #tpu.memory_space<vmem>>, vector<16xi32>,
        %shift_left3A_186 = arith.constant 16 : i32
        %shift_left3A_187 = vector.broadcast %shift_left3A_186 : i32 to vector<16xi32>
        %shift_left3A_188 = arith.shli %get3A_185, %shift_left3A_187 : vector<16xi32>
        %bitcast3A_189 = vector.bitcast %shift_left3A_188 : vector<16xi32> to vector<16xf32>
        %and3A_190 = arith.constant -65536 : i32
        %and3A_191 = vector.broadcast %and3A_190 : i32 to vector<16xi32>
        %and3A_192 = arith.andi %get3A_185, %and3A_191 : vector<16xi32>
        %bitcast3A_193 = vector.bitcast %and3A_192 : vector<16xi32> to vector<16xf32>
        %get3A_194 = arith.constant 1 : i32
        %get3A_195 = arith.constant 2 : i32
        %get3A_196 = arith.index_cast %get3A_194 : i32 to index
        %get3A_197 = arith.index_cast %get3A_195 : i32 to index
        %get3A_198 = arith.index_cast %multiple_of3A_169 : i32 to index
        %get3A_199 = tpu.vector_load %arg6[%get3A_196, %get3A_197, %get3A_198] {strides = array<i32>} : memref<2x40x384xi32, #tpu.memory_space<vmem>>, vector<16xi32>,
        %shift_left3A_200 = arith.constant 16 : i32
        %shift_left3A_201 = vector.broadcast %shift_left3A_200 : i32 to vector<16xi32>
        %shift_left3A_202 = arith.shli %get3A_199, %shift_left3A_201 : vector<16xi32>
        %bitcast3A_203 = vector.bitcast %shift_left3A_202 : vector<16xi32> to vector<16xf32>
        %and3A_204 = arith.constant -65536 : i32
        %and3A_205 = vector.broadcast %and3A_204 : i32 to vector<16xi32>
        %and3A_206 = arith.andi %get3A_199, %and3A_205 : vector<16xi32>
        %bitcast3A_207 = vector.bitcast %and3A_206 : vector<16xi32> to vector<16xf32>
        %get3A_208 = arith.constant 1 : i32
        %get3A_209 = arith.constant 3 : i32
        %get3A_210 = arith.index_cast %get3A_208 : i32 to index
        %get3A_211 = arith.index_cast %get3A_209 : i32 to index
        %get3A_212 = arith.index_cast %multiple_of3A_169 : i32 to index
        %get3A_213 = tpu.vector_load %arg6[%get3A_210, %get3A_211, %get3A_212] {strides = array<i32>} : memref<2x40x384xi32, #tpu.memory_space<vmem>>, vector<16xi32>,
        %shift_left3A_214 = arith.constant 16 : i32
        %shift_left3A_215 = vector.broadcast %shift_left3A_214 : i32 to vector<16xi32>
        %shift_left3A_216 = arith.shli %get3A_213, %shift_left3A_215 : vector<16xi32>
        %bitcast3A_217 = vector.bitcast %shift_left3A_216 : vector<16xi32> to vector<16xf32>
        %and3A_218 = arith.constant -65536 : i32
        %and3A_219 = vector.broadcast %and3A_218 : i32 to vector<16xi32>
        %and3A_220 = arith.andi %get3A_213, %and3A_219 : vector<16xi32>
        %bitcast3A_221 = vector.bitcast %and3A_220 : vector<16xi32> to vector<16xf32>
        %get3A_222 = arith.constant 1 : i32
        %get3A_223 = arith.constant 4 : i32
        %get3A_224 = arith.index_cast %get3A_222 : i32 to index
        %get3A_225 = arith.index_cast %get3A_223 : i32 to index
        %get3A_226 = arith.index_cast %multiple_of3A_169 : i32 to index
        %get3A_227 = tpu.vector_load %arg6[%get3A_224, %get3A_225, %get3A_226] {strides = array<i32>} : memref<2x40x384xi32, #tpu.memory_space<vmem>>, vector<16xi32>,
        %shift_left3A_228 = arith.constant 16 : i32
        %shift_left3A_229 = vector.broadcast %shift_left3A_228 : i32 to vector<16xi32>
        %shift_left3A_230 = arith.shli %get3A_227, %shift_left3A_229 : vector<16xi32>
        %bitcast3A_231 = vector.bitcast %shift_left3A_230 : vector<16xi32> to vector<16xf32>
        %and3A_232 = arith.constant -65536 : i32
        %and3A_233 = vector.broadcast %and3A_232 : i32 to vector<16xi32>
        %and3A_234 = arith.andi %get3A_227, %and3A_233 : vector<16xi32>
        %bitcast3A_235 = vector.bitcast %and3A_234 : vector<16xi32> to vector<16xf32>
        %add3A_236 = arith.addf %bitcast3A, %bitcast3A_231 : vector<16xf32>
        %add3A_237 = arith.addf %bitcast3A_179, %bitcast3A_235 : vector<16xf32>
        %get3A_238 = arith.constant 1 : i32
        %get3A_239 = arith.constant 5 : i32
        %get3A_240 = arith.index_cast %get3A_238 : i32 to index
        %get3A_241 = arith.index_cast %get3A_239 : i32 to index
        %get3A_242 = arith.index_cast %multiple_of3A_169 : i32 to index
        %get3A_243 = tpu.vector_load %arg6[%get3A_240, %get3A_241, %get3A_242] {strides = array<i32>} : memref<2x40x384xi32, #tpu.memory_space<vmem>>, vector<16xi32>,
        %shift_left3A_244 = arith.constant 16 : i32
        %shift_left3A_245 = vector.broadcast %shift_left3A_244 : i32 to vector<16xi32>
        %shift_left3A_246 = arith.shli %get3A_243, %shift_left3A_245 : vector<16xi32>
        %bitcast3A_247 = vector.bitcast %shift_left3A_246 : vector<16xi32> to vector<16xf32>
        %and3A_248 = arith.constant -65536 : i32
        %and3A_249 = vector.broadcast %and3A_248 : i32 to vector<16xi32>
        %and3A_250 = arith.andi %get3A_243, %and3A_249 : vector<16xi32>
        %bitcast3A_251 = vector.bitcast %and3A_250 : vector<16xi32> to vector<16xf32>
        %add3A_252 = arith.addf %bitcast3A_189, %bitcast3A_247 : vector<16xf32>
        %add3A_253 = arith.addf %bitcast3A_193, %bitcast3A_251 : vector<16xf32>
        %get3A_254 = arith.constant 1 : i32
        %get3A_255 = arith.constant 6 : i32
        %get3A_256 = arith.index_cast %get3A_254 : i32 to index
        %get3A_257 = arith.index_cast %get3A_255 : i32 to index
        %get3A_258 = arith.index_cast %multiple_of3A_169 : i32 to index
        %get3A_259 = tpu.vector_load %arg6[%get3A_256, %get3A_257, %get3A_258] {strides = array<i32>} : memref<2x40x384xi32, #tpu.memory_space<vmem>>, vector<16xi32>,
        %shift_left3A_260 = arith.constant 16 : i32
        %shift_left3A_261 = vector.broadcast %shift_left3A_260 : i32 to vector<16xi32>
        %shift_left3A_262 = arith.shli %get3A_259, %shift_left3A_261 : vector<16xi32>
        %bitcast3A_263 = vector.bitcast %shift_left3A_262 : vector<16xi32> to vector<16xf32>
        %and3A_264 = arith.constant -65536 : i32
        %and3A_265 = vector.broadcast %and3A_264 : i32 to vector<16xi32>
        %and3A_266 = arith.andi %get3A_259, %and3A_265 : vector<16xi32>
        %bitcast3A_267 = vector.bitcast %and3A_266 : vector<16xi32> to vector<16xf32>
        %add3A_268 = arith.addf %bitcast3A_203, %bitcast3A_263 : vector<16xf32>
        %add3A_269 = arith.addf %bitcast3A_207, %bitcast3A_267 : vector<16xf32>
        %get3A_270 = arith.constant 1 : i32
        %get3A_271 = arith.constant 7 : i32
        %get3A_272 = arith.index_cast %get3A_270 : i32 to index
        %get3A_273 = arith.index_cast %get3A_271 : i32 to index
        %get3A_274 = arith.index_cast %multiple_of3A_169 : i32 to index
        %get3A_275 = tpu.vector_load %arg6[%get3A_272, %get3A_273, %get3A_274] {strides = array<i32>} : memref<2x40x384xi32, #tpu.memory_space<vmem>>, vector<16xi32>,
        %shift_left3A_276 = arith.constant 16 : i32
        %shift_left3A_277 = vector.broadcast %shift_left3A_276 : i32 to vector<16xi32>
        %shift_left3A_278 = arith.shli %get3A_275, %shift_left3A_277 : vector<16xi32>
        %bitcast3A_279 = vector.bitcast %shift_left3A_278 : vector<16xi32> to vector<16xf32>
        %and3A_280 = arith.constant -65536 : i32
        %and3A_281 = vector.broadcast %and3A_280 : i32 to vector<16xi32>
        %and3A_282 = arith.andi %get3A_275, %and3A_281 : vector<16xi32>
        %bitcast3A_283 = vector.bitcast %and3A_282 : vector<16xi32> to vector<16xf32>
        %add3A_284 = arith.addf %bitcast3A_217, %bitcast3A_279 : vector<16xf32>
        %add3A_285 = arith.addf %bitcast3A_221, %bitcast3A_283 : vector<16xf32>
        %get3A_286 = arith.constant 1 : i32
        %get3A_287 = arith.constant 8 : i32
        %get3A_288 = arith.index_cast %get3A_286 : i32 to index
        %get3A_289 = arith.index_cast %get3A_287 : i32 to index
        %get3A_290 = arith.index_cast %multiple_of3A_169 : i32 to index
        %get3A_291 = tpu.vector_load %arg6[%get3A_288, %get3A_289, %get3A_290] {strides = array<i32>} : memref<2x40x384xi32, #tpu.memory_space<vmem>>, vector<16xi32>,
        %shift_left3A_292 = arith.constant 16 : i32
        %shift_left3A_293 = vector.broadcast %shift_left3A_292 : i32 to vector<16xi32>
        %shift_left3A_294 = arith.shli %get3A_291, %shift_left3A_293 : vector<16xi32>
        %bitcast3A_295 = vector.bitcast %shift_left3A_294 : vector<16xi32> to vector<16xf32>
        %and3A_296 = arith.constant -65536 : i32
        %and3A_297 = vector.broadcast %and3A_296 : i32 to vector<16xi32>
        %and3A_298 = arith.andi %get3A_291, %and3A_297 : vector<16xi32>
        %bitcast3A_299 = vector.bitcast %and3A_298 : vector<16xi32> to vector<16xf32>
        %add3A_300 = arith.addf %add3A_236, %bitcast3A_295 : vector<16xf32>
        %add3A_301 = arith.addf %add3A_237, %bitcast3A_299 : vector<16xf32>
        %get3A_302 = arith.constant 1 : i32
        %get3A_303 = arith.constant 9 : i32
        %get3A_304 = arith.index_cast %get3A_302 : i32 to index
        %get3A_305 = arith.index_cast %get3A_303 : i32 to index
        %get3A_306 = arith.index_cast %multiple_of3A_169 : i32 to index
        %get3A_307 = tpu.vector_load %arg6[%get3A_304, %get3A_305, %get3A_306] {strides = array<i32>} : memref<2x40x384xi32, #tpu.memory_space<vmem>>, vector<16xi32>,
        %shift_left3A_308 = arith.constant 16 : i32
        %shift_left3A_309 = vector.broadcast %shift_left3A_308 : i32 to vector<16xi32>
        %shift_left3A_310 = arith.shli %get3A_307, %shift_left3A_309 : vector<16xi32>
        %bitcast3A_311 = vector.bitcast %shift_left3A_310 : vector<16xi32> to vector<16xf32>
        %and3A_312 = arith.constant -65536 : i32
        %and3A_313 = vector.broadcast %and3A_312 : i32 to vector<16xi32>
        %and3A_314 = arith.andi %get3A_307, %and3A_313 : vector<16xi32>
        %bitcast3A_315 = vector.bitcast %and3A_314 : vector<16xi32> to vector<16xf32>
        %add3A_316 = arith.addf %add3A_252, %bitcast3A_311 : vector<16xf32>
        %add3A_317 = arith.addf %add3A_253, %bitcast3A_315 : vector<16xf32>
        %get3A_318 = arith.constant 1 : i32
        %get3A_319 = arith.constant 10 : i32
        %get3A_320 = arith.index_cast %get3A_318 : i32 to index
        %get3A_321 = arith.index_cast %get3A_319 : i32 to index
        %get3A_322 = arith.index_cast %multiple_of3A_169 : i32 to index
        %get3A_323 = tpu.vector_load %arg6[%get3A_320, %get3A_321, %get3A_322] {strides = array<i32>} : memref<2x40x384xi32, #tpu.memory_space<vmem>>, vector<16xi32>,
        %shift_left3A_324 = arith.constant 16 : i32
        %shift_left3A_325 = vector.broadcast %shift_left3A_324 : i32 to vector<16xi32>
        %shift_left3A_326 = arith.shli %get3A_323, %shift_left3A_325 : vector<16xi32>
        %bitcast3A_327 = vector.bitcast %shift_left3A_326 : vector<16xi32> to vector<16xf32>
        %and3A_328 = arith.constant -65536 : i32
        %and3A_329 = vector.broadcast %and3A_328 : i32 to vector<16xi32>
        %and3A_330 = arith.andi %get3A_323, %and3A_329 : vector<16xi32>
        %bitcast3A_331 = vector.bitcast %and3A_330 : vector<16xi32> to vector<16xf32>
        %add3A_332 = arith.addf %add3A_268, %bitcast3A_327 : vector<16xf32>
        %add3A_333 = arith.addf %add3A_269, %bitcast3A_331 : vector<16xf32>
        %get3A_334 = arith.constant 1 : i32
        %get3A_335 = arith.constant 11 : i32
        %get3A_336 = arith.index_cast %get3A_334 : i32 to index
        %get3A_337 = arith.index_cast %get3A_335 : i32 to index
        %get3A_338 = arith.index_cast %multiple_of3A_169 : i32 to index
        %get3A_339 = tpu.vector_load %arg6[%get3A_336, %get3A_337, %get3A_338] {strides = array<i32>} : memref<2x40x384xi32, #tpu.memory_space<vmem>>, vector<16xi32>,
        %shift_left3A_340 = arith.constant 16 : i32
        %shift_left3A_341 = vector.broadcast %shift_left3A_340 : i32 to vector<16xi32>
        %shift_left3A_342 = arith.shli %get3A_339, %shift_left3A_341 : vector<16xi32>
        %bitcast3A_343 = vector.bitcast %shift_left3A_342 : vector<16xi32> to vector<16xf32>
        %and3A_344 = arith.constant -65536 : i32
        %and3A_345 = vector.broadcast %and3A_344 : i32 to vector<16xi32>
        %and3A_346 = arith.andi %get3A_339, %and3A_345 : vector<16xi32>
        %bitcast3A_347 = vector.bitcast %and3A_346 : vector<16xi32> to vector<16xf32>
        %add3A_348 = arith.addf %add3A_284, %bitcast3A_343 : vector<16xf32>
        %add3A_349 = arith.addf %add3A_285, %bitcast3A_347 : vector<16xf32>
        %get3A_350 = arith.constant 1 : i32
        %get3A_351 = arith.constant 12 : i32
        %get3A_352 = arith.index_cast %get3A_350 : i32 to index
        %get3A_353 = arith.index_cast %get3A_351 : i32 to index
        %get3A_354 = arith.index_cast %multiple_of3A_169 : i32 to index
        %get3A_355 = tpu.vector_load %arg6[%get3A_352, %get3A_353, %get3A_354] {strides = array<i32>} : memref<2x40x384xi32, #tpu.memory_space<vmem>>, vector<16xi32>,
        %shift_left3A_356 = arith.constant 16 : i32
        %shift_left3A_357 = vector.broadcast %shift_left3A_356 : i32 to vector<16xi32>
        %shift_left3A_358 = arith.shli %get3A_355, %shift_left3A_357 : vector<16xi32>
        %bitcast3A_359 = vector.bitcast %shift_left3A_358 : vector<16xi32> to vector<16xf32>
        %and3A_360 = arith.constant -65536 : i32
        %and3A_361 = vector.broadcast %and3A_360 : i32 to vector<16xi32>
        %and3A_362 = arith.andi %get3A_355, %and3A_361 : vector<16xi32>
        %bitcast3A_363 = vector.bitcast %and3A_362 : vector<16xi32> to vector<16xf32>
        %add3A_364 = arith.addf %add3A_300, %bitcast3A_359 : vector<16xf32>
        %add3A_365 = arith.addf %add3A_301, %bitcast3A_363 : vector<16xf32>
        %get3A_366 = arith.constant 1 : i32
        %get3A_367 = arith.constant 13 : i32
        %get3A_368 = arith.index_cast %get3A_366 : i32 to index
        %get3A_369 = arith.index_cast %get3A_367 : i32 to index
        %get3A_370 = arith.index_cast %multiple_of3A_169 : i32 to index
        %get3A_371 = tpu.vector_load %arg6[%get3A_368, %get3A_369, %get3A_370] {strides = array<i32>} : memref<2x40x384xi32, #tpu.memory_space<vmem>>, vector<16xi32>,
        %shift_left3A_372 = arith.constant 16 : i32
        %shift_left3A_373 = vector.broadcast %shift_left3A_372 : i32 to vector<16xi32>
        %shift_left3A_374 = arith.shli %get3A_371, %shift_left3A_373 : vector<16xi32>
        %bitcast3A_375 = vector.bitcast %shift_left3A_374 : vector<16xi32> to vector<16xf32>
        %and3A_376 = arith.constant -65536 : i32
        %and3A_377 = vector.broadcast %and3A_376 : i32 to vector<16xi32>
        %and3A_378 = arith.andi %get3A_371, %and3A_377 : vector<16xi32>
        %bitcast3A_379 = vector.bitcast %and3A_378 : vector<16xi32> to vector<16xf32>
        %add3A_380 = arith.addf %add3A_316, %bitcast3A_375 : vector<16xf32>
        %add3A_381 = arith.addf %add3A_317, %bitcast3A_379 : vector<16xf32>
        %get3A_382 = arith.constant 1 : i32
        %get3A_383 = arith.constant 14 : i32
        %get3A_384 = arith.index_cast %get3A_382 : i32 to index
        %get3A_385 = arith.index_cast %get3A_383 : i32 to index
        %get3A_386 = arith.index_cast %multiple_of3A_169 : i32 to index
        %get3A_387 = tpu.vector_load %arg6[%get3A_384, %get3A_385, %get3A_386] {strides = array<i32>} : memref<2x40x384xi32, #tpu.memory_space<vmem>>, vector<16xi32>,
        %shift_left3A_388 = arith.constant 16 : i32
        %shift_left3A_389 = vector.broadcast %shift_left3A_388 : i32 to vector<16xi32>
        %shift_left3A_390 = arith.shli %get3A_387, %shift_left3A_389 : vector<16xi32>
        %bitcast3A_391 = vector.bitcast %shift_left3A_390 : vector<16xi32> to vector<16xf32>
        %and3A_392 = arith.constant -65536 : i32
        %and3A_393 = vector.broadcast %and3A_392 : i32 to vector<16xi32>
        %and3A_394 = arith.andi %get3A_387, %and3A_393 : vector<16xi32>
        %bitcast3A_395 = vector.bitcast %and3A_394 : vector<16xi32> to vector<16xf32>
        %add3A_396 = arith.addf %add3A_332, %bitcast3A_391 : vector<16xf32>
        %add3A_397 = arith.addf %add3A_333, %bitcast3A_395 : vector<16xf32>
        %get3A_398 = arith.constant 1 : i32
        %get3A_399 = arith.constant 15 : i32
        %get3A_400 = arith.index_cast %get3A_398 : i32 to index
        %get3A_401 = arith.index_cast %get3A_399 : i32 to index
        %get3A_402 = arith.index_cast %multiple_of3A_169 : i32 to index
        %get3A_403 = tpu.vector_load %arg6[%get3A_400, %get3A_401, %get3A_402] {strides = array<i32>} : memref<2x40x384xi32, #tpu.memory_space<vmem>>, vector<16xi32>,
        %shift_left3A_404 = arith.constant 16 : i32
        %shift_left3A_405 = vector.broadcast %shift_left3A_404 : i32 to vector<16xi32>
        %shift_left3A_406 = arith.shli %get3A_403, %shift_left3A_405 : vector<16xi32>
        %bitcast3A_407 = vector.bitcast %shift_left3A_406 : vector<16xi32> to vector<16xf32>
        %and3A_408 = arith.constant -65536 : i32
        %and3A_409 = vector.broadcast %and3A_408 : i32 to vector<16xi32>
        %and3A_410 = arith.andi %get3A_403, %and3A_409 : vector<16xi32>
        %bitcast3A_411 = vector.bitcast %and3A_410 : vector<16xi32> to vector<16xf32>
        %add3A_412 = arith.addf %add3A_348, %bitcast3A_407 : vector<16xf32>
        %add3A_413 = arith.addf %add3A_349, %bitcast3A_411 : vector<16xf32>
        %get3A_414 = arith.constant 1 : i32
        %get3A_415 = arith.constant 16 : i32
        %get3A_416 = arith.index_cast %get3A_414 : i32 to index
        %get3A_417 = arith.index_cast %get3A_415 : i32 to index
        %get3A_418 = arith.index_cast %multiple_of3A_169 : i32 to index
        %get3A_419 = tpu.vector_load %arg6[%get3A_416, %get3A_417, %get3A_418] {strides = array<i32>} : memref<2x40x384xi32, #tpu.memory_space<vmem>>, vector<16xi32>,
        %shift_left3A_420 = arith.constant 16 : i32
        %shift_left3A_421 = vector.broadcast %shift_left3A_420 : i32 to vector<16xi32>
        %shift_left3A_422 = arith.shli %get3A_419, %shift_left3A_421 : vector<16xi32>
        %bitcast3A_423 = vector.bitcast %shift_left3A_422 : vector<16xi32> to vector<16xf32>
        %and3A_424 = arith.constant -65536 : i32
        %and3A_425 = vector.broadcast %and3A_424 : i32 to vector<16xi32>
        %and3A_426 = arith.andi %get3A_419, %and3A_425 : vector<16xi32>
        %bitcast3A_427 = vector.bitcast %and3A_426 : vector<16xi32> to vector<16xf32>
        %add3A_428 = arith.addf %add3A_364, %bitcast3A_423 : vector<16xf32>
        %add3A_429 = arith.addf %add3A_365, %bitcast3A_427 : vector<16xf32>
        %get3A_430 = arith.constant 1 : i32
        %get3A_431 = arith.constant 17 : i32
        %get3A_432 = arith.index_cast %get3A_430 : i32 to index
        %get3A_433 = arith.index_cast %get3A_431 : i32 to index
        %get3A_434 = arith.index_cast %multiple_of3A_169 : i32 to index
        %get3A_435 = tpu.vector_load %arg6[%get3A_432, %get3A_433, %get3A_434] {strides = array<i32>} : memref<2x40x384xi32, #tpu.memory_space<vmem>>, vector<16xi32>,
        %shift_left3A_436 = arith.constant 16 : i32
        %shift_left3A_437 = vector.broadcast %shift_left3A_436 : i32 to vector<16xi32>
        %shift_left3A_438 = arith.shli %get3A_435, %shift_left3A_437 : vector<16xi32>
        %bitcast3A_439 = vector.bitcast %shift_left3A_438 : vector<16xi32> to vector<16xf32>
        %and3A_440 = arith.constant -65536 : i32
        %and3A_441 = vector.broadcast %and3A_440 : i32 to vector<16xi32>
        %and3A_442 = arith.andi %get3A_435, %and3A_441 : vector<16xi32>
        %bitcast3A_443 = vector.bitcast %and3A_442 : vector<16xi32> to vector<16xf32>
        %add3A_444 = arith.addf %add3A_380, %bitcast3A_439 : vector<16xf32>
        %add3A_445 = arith.addf %add3A_381, %bitcast3A_443 : vector<16xf32>
        %get3A_446 = arith.constant 1 : i32
        %get3A_447 = arith.constant 18 : i32
        %get3A_448 = arith.index_cast %get3A_446 : i32 to index
        %get3A_449 = arith.index_cast %get3A_447 : i32 to index
        %get3A_450 = arith.index_cast %multiple_of3A_169 : i32 to index
        %get3A_451 = tpu.vector_load %arg6[%get3A_448, %get3A_449, %get3A_450] {strides = array<i32>} : memref<2x40x384xi32, #tpu.memory_space<vmem>>, vector<16xi32>,
        %shift_left3A_452 = arith.constant 16 : i32
        %shift_left3A_453 = vector.broadcast %shift_left3A_452 : i32 to vector<16xi32>
        %shift_left3A_454 = arith.shli %get3A_451, %shift_left3A_453 : vector<16xi32>
        %bitcast3A_455 = vector.bitcast %shift_left3A_454 : vector<16xi32> to vector<16xf32>
        %and3A_456 = arith.constant -65536 : i32
        %and3A_457 = vector.broadcast %and3A_456 : i32 to vector<16xi32>
        %and3A_458 = arith.andi %get3A_451, %and3A_457 : vector<16xi32>
        %bitcast3A_459 = vector.bitcast %and3A_458 : vector<16xi32> to vector<16xf32>
        %add3A_460 = arith.addf %add3A_396, %bitcast3A_455 : vector<16xf32>
        %add3A_461 = arith.addf %add3A_397, %bitcast3A_459 : vector<16xf32>
        %get3A_462 = arith.constant 1 : i32
        %get3A_463 = arith.constant 19 : i32
        %get3A_464 = arith.index_cast %get3A_462 : i32 to index
        %get3A_465 = arith.index_cast %get3A_463 : i32 to index
        %get3A_466 = arith.index_cast %multiple_of3A_169 : i32 to index
        %get3A_467 = tpu.vector_load %arg6[%get3A_464, %get3A_465, %get3A_466] {strides = array<i32>} : memref<2x40x384xi32, #tpu.memory_space<vmem>>, vector<16xi32>,
        %shift_left3A_468 = arith.constant 16 : i32
        %shift_left3A_469 = vector.broadcast %shift_left3A_468 : i32 to vector<16xi32>
        %shift_left3A_470 = arith.shli %get3A_467, %shift_left3A_469 : vector<16xi32>
        %bitcast3A_471 = vector.bitcast %shift_left3A_470 : vector<16xi32> to vector<16xf32>
        %and3A_472 = arith.constant -65536 : i32
        %and3A_473 = vector.broadcast %and3A_472 : i32 to vector<16xi32>
        %and3A_474 = arith.andi %get3A_467, %and3A_473 : vector<16xi32>
        %bitcast3A_475 = vector.bitcast %and3A_474 : vector<16xi32> to vector<16xf32>
        %add3A_476 = arith.addf %add3A_412, %bitcast3A_471 : vector<16xf32>
        %add3A_477 = arith.addf %add3A_413, %bitcast3A_475 : vector<16xf32>
        %get3A_478 = arith.constant 1 : i32
        %get3A_479 = arith.constant 20 : i32
        %get3A_480 = arith.index_cast %get3A_478 : i32 to index
        %get3A_481 = arith.index_cast %get3A_479 : i32 to index
        %get3A_482 = arith.index_cast %multiple_of3A_169 : i32 to index
        %get3A_483 = tpu.vector_load %arg6[%get3A_480, %get3A_481, %get3A_482] {strides = array<i32>} : memref<2x40x384xi32, #tpu.memory_space<vmem>>, vector<16xi32>,
        %shift_left3A_484 = arith.constant 16 : i32
        %shift_left3A_485 = vector.broadcast %shift_left3A_484 : i32 to vector<16xi32>
        %shift_left3A_486 = arith.shli %get3A_483, %shift_left3A_485 : vector<16xi32>
        %bitcast3A_487 = vector.bitcast %shift_left3A_486 : vector<16xi32> to vector<16xf32>
        %and3A_488 = arith.constant -65536 : i32
        %and3A_489 = vector.broadcast %and3A_488 : i32 to vector<16xi32>
        %and3A_490 = arith.andi %get3A_483, %and3A_489 : vector<16xi32>
        %bitcast3A_491 = vector.bitcast %and3A_490 : vector<16xi32> to vector<16xf32>
        %add3A_492 = arith.addf %add3A_428, %bitcast3A_487 : vector<16xf32>
        %add3A_493 = arith.addf %add3A_429, %bitcast3A_491 : vector<16xf32>
        %get3A_494 = arith.constant 1 : i32
        %get3A_495 = arith.constant 21 : i32
        %get3A_496 = arith.index_cast %get3A_494 : i32 to index
        %get3A_497 = arith.index_cast %get3A_495 : i32 to index
        %get3A_498 = arith.index_cast %multiple_of3A_169 : i32 to index
        %get3A_499 = tpu.vector_load %arg6[%get3A_496, %get3A_497, %get3A_498] {strides = array<i32>} : memref<2x40x384xi32, #tpu.memory_space<vmem>>, vector<16xi32>,
        %shift_left3A_500 = arith.constant 16 : i32
        %shift_left3A_501 = vector.broadcast %shift_left3A_500 : i32 to vector<16xi32>
        %shift_left3A_502 = arith.shli %get3A_499, %shift_left3A_501 : vector<16xi32>
        %bitcast3A_503 = vector.bitcast %shift_left3A_502 : vector<16xi32> to vector<16xf32>
        %and3A_504 = arith.constant -65536 : i32
        %and3A_505 = vector.broadcast %and3A_504 : i32 to vector<16xi32>
        %and3A_506 = arith.andi %get3A_499, %and3A_505 : vector<16xi32>
        %bitcast3A_507 = vector.bitcast %and3A_506 : vector<16xi32> to vector<16xf32>
        %add3A_508 = arith.addf %add3A_444, %bitcast3A_503 : vector<16xf32>
        %add3A_509 = arith.addf %add3A_445, %bitcast3A_507 : vector<16xf32>
        %get3A_510 = arith.constant 1 : i32
        %get3A_511 = arith.constant 22 : i32
        %get3A_512 = arith.index_cast %get3A_510 : i32 to index
        %get3A_513 = arith.index_cast %get3A_511 : i32 to index
        %get3A_514 = arith.index_cast %multiple_of3A_169 : i32 to index
        %get3A_515 = tpu.vector_load %arg6[%get3A_512, %get3A_513, %get3A_514] {strides = array<i32>} : memref<2x40x384xi32, #tpu.memory_space<vmem>>, vector<16xi32>,
        %shift_left3A_516 = arith.constant 16 : i32
        %shift_left3A_517 = vector.broadcast %shift_left3A_516 : i32 to vector<16xi32>
        %shift_left3A_518 = arith.shli %get3A_515, %shift_left3A_517 : vector<16xi32>
        %bitcast3A_519 = vector.bitcast %shift_left3A_518 : vector<16xi32> to vector<16xf32>
        %and3A_520 = arith.constant -65536 : i32
        %and3A_521 = vector.broadcast %and3A_520 : i32 to vector<16xi32>
        %and3A_522 = arith.andi %get3A_515, %and3A_521 : vector<16xi32>
        %bitcast3A_523 = vector.bitcast %and3A_522 : vector<16xi32> to vector<16xf32>
        %add3A_524 = arith.addf %add3A_460, %bitcast3A_519 : vector<16xf32>
        %add3A_525 = arith.addf %add3A_461, %bitcast3A_523 : vector<16xf32>
        %get3A_526 = arith.constant 1 : i32
        %get3A_527 = arith.constant 23 : i32
        %get3A_528 = arith.index_cast %get3A_526 : i32 to index
        %get3A_529 = arith.index_cast %get3A_527 : i32 to index
        %get3A_530 = arith.index_cast %multiple_of3A_169 : i32 to index
        %get3A_531 = tpu.vector_load %arg6[%get3A_528, %get3A_529, %get3A_530] {strides = array<i32>} : memref<2x40x384xi32, #tpu.memory_space<vmem>>, vector<16xi32>,
        %shift_left3A_532 = arith.constant 16 : i32
        %shift_left3A_533 = vector.broadcast %shift_left3A_532 : i32 to vector<16xi32>
        %shift_left3A_534 = arith.shli %get3A_531, %shift_left3A_533 : vector<16xi32>
        %bitcast3A_535 = vector.bitcast %shift_left3A_534 : vector<16xi32> to vector<16xf32>
        %and3A_536 = arith.constant -65536 : i32
        %and3A_537 = vector.broadcast %and3A_536 : i32 to vector<16xi32>
        %and3A_538 = arith.andi %get3A_531, %and3A_537 : vector<16xi32>
        %bitcast3A_539 = vector.bitcast %and3A_538 : vector<16xi32> to vector<16xf32>
        %add3A_540 = arith.addf %add3A_476, %bitcast3A_535 : vector<16xf32>
        %add3A_541 = arith.addf %add3A_477, %bitcast3A_539 : vector<16xf32>
        %get3A_542 = arith.constant 1 : i32
        %get3A_543 = arith.constant 24 : i32
        %get3A_544 = arith.index_cast %get3A_542 : i32 to index
        %get3A_545 = arith.index_cast %get3A_543 : i32 to index
        %get3A_546 = arith.index_cast %multiple_of3A_169 : i32 to index
        %get3A_547 = tpu.vector_load %arg6[%get3A_544, %get3A_545, %get3A_546] {strides = array<i32>} : memref<2x40x384xi32, #tpu.memory_space<vmem>>, vector<16xi32>,
        %shift_left3A_548 = arith.constant 16 : i32
        %shift_left3A_549 = vector.broadcast %shift_left3A_548 : i32 to vector<16xi32>
        %shift_left3A_550 = arith.shli %get3A_547, %shift_left3A_549 : vector<16xi32>
        %bitcast3A_551 = vector.bitcast %shift_left3A_550 : vector<16xi32> to vector<16xf32>
        %and3A_552 = arith.constant -65536 : i32
        %and3A_553 = vector.broadcast %and3A_552 : i32 to vector<16xi32>
        %and3A_554 = arith.andi %get3A_547, %and3A_553 : vector<16xi32>
        %bitcast3A_555 = vector.bitcast %and3A_554 : vector<16xi32> to vector<16xf32>
        %add3A_556 = arith.addf %add3A_492, %bitcast3A_551 : vector<16xf32>
        %add3A_557 = arith.addf %add3A_493, %bitcast3A_555 : vector<16xf32>
        %get3A_558 = arith.constant 1 : i32
        %get3A_559 = arith.constant 25 : i32
        %get3A_560 = arith.index_cast %get3A_558 : i32 to index
        %get3A_561 = arith.index_cast %get3A_559 : i32 to index
        %get3A_562 = arith.index_cast %multiple_of3A_169 : i32 to index
        %get3A_563 = tpu.vector_load %arg6[%get3A_560, %get3A_561, %get3A_562] {strides = array<i32>} : memref<2x40x384xi32, #tpu.memory_space<vmem>>, vector<16xi32>,
        %shift_left3A_564 = arith.constant 16 : i32
        %shift_left3A_565 = vector.broadcast %shift_left3A_564 : i32 to vector<16xi32>
        %shift_left3A_566 = arith.shli %get3A_563, %shift_left3A_565 : vector<16xi32>
        %bitcast3A_567 = vector.bitcast %shift_left3A_566 : vector<16xi32> to vector<16xf32>
        %and3A_568 = arith.constant -65536 : i32
        %and3A_569 = vector.broadcast %and3A_568 : i32 to vector<16xi32>
        %and3A_570 = arith.andi %get3A_563, %and3A_569 : vector<16xi32>
        %bitcast3A_571 = vector.bitcast %and3A_570 : vector<16xi32> to vector<16xf32>
        %add3A_572 = arith.addf %add3A_508, %bitcast3A_567 : vector<16xf32>
        %add3A_573 = arith.addf %add3A_509, %bitcast3A_571 : vector<16xf32>
        %get3A_574 = arith.constant 1 : i32
        %get3A_575 = arith.constant 26 : i32
        %get3A_576 = arith.index_cast %get3A_574 : i32 to index
        %get3A_577 = arith.index_cast %get3A_575 : i32 to index
        %get3A_578 = arith.index_cast %multiple_of3A_169 : i32 to index
        %get3A_579 = tpu.vector_load %arg6[%get3A_576, %get3A_577, %get3A_578] {strides = array<i32>} : memref<2x40x384xi32, #tpu.memory_space<vmem>>, vector<16xi32>,
        %shift_left3A_580 = arith.constant 16 : i32
        %shift_left3A_581 = vector.broadcast %shift_left3A_580 : i32 to vector<16xi32>
        %shift_left3A_582 = arith.shli %get3A_579, %shift_left3A_581 : vector<16xi32>
        %bitcast3A_583 = vector.bitcast %shift_left3A_582 : vector<16xi32> to vector<16xf32>
        %and3A_584 = arith.constant -65536 : i32
        %and3A_585 = vector.broadcast %and3A_584 : i32 to vector<16xi32>
        %and3A_586 = arith.andi %get3A_579, %and3A_585 : vector<16xi32>
        %bitcast3A_587 = vector.bitcast %and3A_586 : vector<16xi32> to vector<16xf32>
        %add3A_588 = arith.addf %add3A_524, %bitcast3A_583 : vector<16xf32>
        %add3A_589 = arith.addf %add3A_525, %bitcast3A_587 : vector<16xf32>
        %get3A_590 = arith.constant 1 : i32
        %get3A_591 = arith.constant 27 : i32
        %get3A_592 = arith.index_cast %get3A_590 : i32 to index
        %get3A_593 = arith.index_cast %get3A_591 : i32 to index
        %get3A_594 = arith.index_cast %multiple_of3A_169 : i32 to index
        %get3A_595 = tpu.vector_load %arg6[%get3A_592, %get3A_593, %get3A_594] {strides = array<i32>} : memref<2x40x384xi32, #tpu.memory_space<vmem>>, vector<16xi32>,
        %shift_left3A_596 = arith.constant 16 : i32
        %shift_left3A_597 = vector.broadcast %shift_left3A_596 : i32 to vector<16xi32>
        %shift_left3A_598 = arith.shli %get3A_595, %shift_left3A_597 : vector<16xi32>
        %bitcast3A_599 = vector.bitcast %shift_left3A_598 : vector<16xi32> to vector<16xf32>
        %and3A_600 = arith.constant -65536 : i32
        %and3A_601 = vector.broadcast %and3A_600 : i32 to vector<16xi32>
        %and3A_602 = arith.andi %get3A_595, %and3A_601 : vector<16xi32>
        %bitcast3A_603 = vector.bitcast %and3A_602 : vector<16xi32> to vector<16xf32>
        %add3A_604 = arith.addf %add3A_540, %bitcast3A_599 : vector<16xf32>
        %add3A_605 = arith.addf %add3A_541, %bitcast3A_603 : vector<16xf32>
        %get3A_606 = arith.constant 1 : i32
        %get3A_607 = arith.constant 28 : i32
        %get3A_608 = arith.index_cast %get3A_606 : i32 to index
        %get3A_609 = arith.index_cast %get3A_607 : i32 to index
        %get3A_610 = arith.index_cast %multiple_of3A_169 : i32 to index
        %get3A_611 = tpu.vector_load %arg6[%get3A_608, %get3A_609, %get3A_610] {strides = array<i32>} : memref<2x40x384xi32, #tpu.memory_space<vmem>>, vector<16xi32>,
        %shift_left3A_612 = arith.constant 16 : i32
        %shift_left3A_613 = vector.broadcast %shift_left3A_612 : i32 to vector<16xi32>
        %shift_left3A_614 = arith.shli %get3A_611, %shift_left3A_613 : vector<16xi32>
        %bitcast3A_615 = vector.bitcast %shift_left3A_614 : vector<16xi32> to vector<16xf32>
        %and3A_616 = arith.constant -65536 : i32
        %and3A_617 = vector.broadcast %and3A_616 : i32 to vector<16xi32>
        %and3A_618 = arith.andi %get3A_611, %and3A_617 : vector<16xi32>
        %bitcast3A_619 = vector.bitcast %and3A_618 : vector<16xi32> to vector<16xf32>
        %add3A_620 = arith.addf %add3A_556, %bitcast3A_615 : vector<16xf32>
        %add3A_621 = arith.addf %add3A_557, %bitcast3A_619 : vector<16xf32>
        %get3A_622 = arith.constant 1 : i32
        %get3A_623 = arith.constant 29 : i32
        %get3A_624 = arith.index_cast %get3A_622 : i32 to index
        %get3A_625 = arith.index_cast %get3A_623 : i32 to index
        %get3A_626 = arith.index_cast %multiple_of3A_169 : i32 to index
        %get3A_627 = tpu.vector_load %arg6[%get3A_624, %get3A_625, %get3A_626] {strides = array<i32>} : memref<2x40x384xi32, #tpu.memory_space<vmem>>, vector<16xi32>,
        %shift_left3A_628 = arith.constant 16 : i32
        %shift_left3A_629 = vector.broadcast %shift_left3A_628 : i32 to vector<16xi32>
        %shift_left3A_630 = arith.shli %get3A_627, %shift_left3A_629 : vector<16xi32>
        %bitcast3A_631 = vector.bitcast %shift_left3A_630 : vector<16xi32> to vector<16xf32>
        %and3A_632 = arith.constant -65536 : i32
        %and3A_633 = vector.broadcast %and3A_632 : i32 to vector<16xi32>
        %and3A_634 = arith.andi %get3A_627, %and3A_633 : vector<16xi32>
        %bitcast3A_635 = vector.bitcast %and3A_634 : vector<16xi32> to vector<16xf32>
        %add3A_636 = arith.addf %add3A_572, %bitcast3A_631 : vector<16xf32>
        %add3A_637 = arith.addf %add3A_573, %bitcast3A_635 : vector<16xf32>
        %get3A_638 = arith.constant 1 : i32
        %get3A_639 = arith.constant 30 : i32
        %get3A_640 = arith.index_cast %get3A_638 : i32 to index
        %get3A_641 = arith.index_cast %get3A_639 : i32 to index
        %get3A_642 = arith.index_cast %multiple_of3A_169 : i32 to index
        %get3A_643 = tpu.vector_load %arg6[%get3A_640, %get3A_641, %get3A_642] {strides = array<i32>} : memref<2x40x384xi32, #tpu.memory_space<vmem>>, vector<16xi32>,
        %shift_left3A_644 = arith.constant 16 : i32
        %shift_left3A_645 = vector.broadcast %shift_left3A_644 : i32 to vector<16xi32>
        %shift_left3A_646 = arith.shli %get3A_643, %shift_left3A_645 : vector<16xi32>
        %bitcast3A_647 = vector.bitcast %shift_left3A_646 : vector<16xi32> to vector<16xf32>
        %and3A_648 = arith.constant -65536 : i32
        %and3A_649 = vector.broadcast %and3A_648 : i32 to vector<16xi32>
        %and3A_650 = arith.andi %get3A_643, %and3A_649 : vector<16xi32>
        %bitcast3A_651 = vector.bitcast %and3A_650 : vector<16xi32> to vector<16xf32>
        %add3A_652 = arith.addf %add3A_588, %bitcast3A_647 : vector<16xf32>
        %add3A_653 = arith.addf %add3A_589, %bitcast3A_651 : vector<16xf32>
        %get3A_654 = arith.constant 1 : i32
        %get3A_655 = arith.constant 31 : i32
        %get3A_656 = arith.index_cast %get3A_654 : i32 to index
        %get3A_657 = arith.index_cast %get3A_655 : i32 to index
        %get3A_658 = arith.index_cast %multiple_of3A_169 : i32 to index
        %get3A_659 = tpu.vector_load %arg6[%get3A_656, %get3A_657, %get3A_658] {strides = array<i32>} : memref<2x40x384xi32, #tpu.memory_space<vmem>>, vector<16xi32>,
        %shift_left3A_660 = arith.constant 16 : i32
        %shift_left3A_661 = vector.broadcast %shift_left3A_660 : i32 to vector<16xi32>
        %shift_left3A_662 = arith.shli %get3A_659, %shift_left3A_661 : vector<16xi32>
        %bitcast3A_663 = vector.bitcast %shift_left3A_662 : vector<16xi32> to vector<16xf32>
        %and3A_664 = arith.constant -65536 : i32
        %and3A_665 = vector.broadcast %and3A_664 : i32 to vector<16xi32>
        %and3A_666 = arith.andi %get3A_659, %and3A_665 : vector<16xi32>
        %bitcast3A_667 = vector.bitcast %and3A_666 : vector<16xi32> to vector<16xf32>
        %add3A_668 = arith.addf %add3A_604, %bitcast3A_663 : vector<16xf32>
        %add3A_669 = arith.addf %add3A_605, %bitcast3A_667 : vector<16xf32>
        %get3A_670 = arith.constant 1 : i32
        %get3A_671 = arith.constant 32 : i32
        %get3A_672 = arith.index_cast %get3A_670 : i32 to index
        %get3A_673 = arith.index_cast %get3A_671 : i32 to index
        %get3A_674 = arith.index_cast %multiple_of3A_169 : i32 to index
        %get3A_675 = tpu.vector_load %arg6[%get3A_672, %get3A_673, %get3A_674] {strides = array<i32>} : memref<2x40x384xi32, #tpu.memory_space<vmem>>, vector<16xi32>,
        %shift_left3A_676 = arith.constant 16 : i32
        %shift_left3A_677 = vector.broadcast %shift_left3A_676 : i32 to vector<16xi32>
        %shift_left3A_678 = arith.shli %get3A_675, %shift_left3A_677 : vector<16xi32>
        %bitcast3A_679 = vector.bitcast %shift_left3A_678 : vector<16xi32> to vector<16xf32>
        %and3A_680 = arith.constant -65536 : i32
        %and3A_681 = vector.broadcast %and3A_680 : i32 to vector<16xi32>
        %and3A_682 = arith.andi %get3A_675, %and3A_681 : vector<16xi32>
        %bitcast3A_683 = vector.bitcast %and3A_682 : vector<16xi32> to vector<16xf32>
        %add3A_684 = arith.addf %add3A_620, %bitcast3A_679 : vector<16xf32>
        %add3A_685 = arith.addf %add3A_621, %bitcast3A_683 : vector<16xf32>
        %get3A_686 = arith.constant 1 : i32
        %get3A_687 = arith.constant 33 : i32
        %get3A_688 = arith.index_cast %get3A_686 : i32 to index
        %get3A_689 = arith.index_cast %get3A_687 : i32 to index
        %get3A_690 = arith.index_cast %multiple_of3A_169 : i32 to index
        %get3A_691 = tpu.vector_load %arg6[%get3A_688, %get3A_689, %get3A_690] {strides = array<i32>} : memref<2x40x384xi32, #tpu.memory_space<vmem>>, vector<16xi32>,
        %shift_left3A_692 = arith.constant 16 : i32
        %shift_left3A_693 = vector.broadcast %shift_left3A_692 : i32 to vector<16xi32>
        %shift_left3A_694 = arith.shli %get3A_691, %shift_left3A_693 : vector<16xi32>
        %bitcast3A_695 = vector.bitcast %shift_left3A_694 : vector<16xi32> to vector<16xf32>
        %and3A_696 = arith.constant -65536 : i32
        %and3A_697 = vector.broadcast %and3A_696 : i32 to vector<16xi32>
        %and3A_698 = arith.andi %get3A_691, %and3A_697 : vector<16xi32>
        %bitcast3A_699 = vector.bitcast %and3A_698 : vector<16xi32> to vector<16xf32>
        %add3A_700 = arith.addf %add3A_636, %bitcast3A_695 : vector<16xf32>
        %add3A_701 = arith.addf %add3A_637, %bitcast3A_699 : vector<16xf32>
        %get3A_702 = arith.constant 1 : i32
        %get3A_703 = arith.constant 34 : i32
        %get3A_704 = arith.index_cast %get3A_702 : i32 to index
        %get3A_705 = arith.index_cast %get3A_703 : i32 to index
        %get3A_706 = arith.index_cast %multiple_of3A_169 : i32 to index
        %get3A_707 = tpu.vector_load %arg6[%get3A_704, %get3A_705, %get3A_706] {strides = array<i32>} : memref<2x40x384xi32, #tpu.memory_space<vmem>>, vector<16xi32>,
        %shift_left3A_708 = arith.constant 16 : i32
        %shift_left3A_709 = vector.broadcast %shift_left3A_708 : i32 to vector<16xi32>
        %shift_left3A_710 = arith.shli %get3A_707, %shift_left3A_709 : vector<16xi32>
        %bitcast3A_711 = vector.bitcast %shift_left3A_710 : vector<16xi32> to vector<16xf32>
        %and3A_712 = arith.constant -65536 : i32
        %and3A_713 = vector.broadcast %and3A_712 : i32 to vector<16xi32>
        %and3A_714 = arith.andi %get3A_707, %and3A_713 : vector<16xi32>
        %bitcast3A_715 = vector.bitcast %and3A_714 : vector<16xi32> to vector<16xf32>
        %add3A_716 = arith.addf %add3A_652, %bitcast3A_711 : vector<16xf32>
        %add3A_717 = arith.addf %add3A_653, %bitcast3A_715 : vector<16xf32>
        %get3A_718 = arith.constant 1 : i32
        %get3A_719 = arith.constant 35 : i32
        %get3A_720 = arith.index_cast %get3A_718 : i32 to index
        %get3A_721 = arith.index_cast %get3A_719 : i32 to index
        %get3A_722 = arith.index_cast %multiple_of3A_169 : i32 to index
        %get3A_723 = tpu.vector_load %arg6[%get3A_720, %get3A_721, %get3A_722] {strides = array<i32>} : memref<2x40x384xi32, #tpu.memory_space<vmem>>, vector<16xi32>,
        %shift_left3A_724 = arith.constant 16 : i32
        %shift_left3A_725 = vector.broadcast %shift_left3A_724 : i32 to vector<16xi32>
        %shift_left3A_726 = arith.shli %get3A_723, %shift_left3A_725 : vector<16xi32>
        %bitcast3A_727 = vector.bitcast %shift_left3A_726 : vector<16xi32> to vector<16xf32>
        %and3A_728 = arith.constant -65536 : i32
        %and3A_729 = vector.broadcast %and3A_728 : i32 to vector<16xi32>
        %and3A_730 = arith.andi %get3A_723, %and3A_729 : vector<16xi32>
        %bitcast3A_731 = vector.bitcast %and3A_730 : vector<16xi32> to vector<16xf32>
        %add3A_732 = arith.addf %add3A_668, %bitcast3A_727 : vector<16xf32>
        %add3A_733 = arith.addf %add3A_669, %bitcast3A_731 : vector<16xf32>
        %get3A_734 = arith.constant 1 : i32
        %get3A_735 = arith.constant 36 : i32
        %get3A_736 = arith.index_cast %get3A_734 : i32 to index
        %get3A_737 = arith.index_cast %get3A_735 : i32 to index
        %get3A_738 = arith.index_cast %multiple_of3A_169 : i32 to index
        %get3A_739 = tpu.vector_load %arg6[%get3A_736, %get3A_737, %get3A_738] {strides = array<i32>} : memref<2x40x384xi32, #tpu.memory_space<vmem>>, vector<16xi32>,
        %shift_left3A_740 = arith.constant 16 : i32
        %shift_left3A_741 = vector.broadcast %shift_left3A_740 : i32 to vector<16xi32>
        %shift_left3A_742 = arith.shli %get3A_739, %shift_left3A_741 : vector<16xi32>
        %bitcast3A_743 = vector.bitcast %shift_left3A_742 : vector<16xi32> to vector<16xf32>
        %and3A_744 = arith.constant -65536 : i32
        %and3A_745 = vector.broadcast %and3A_744 : i32 to vector<16xi32>
        %and3A_746 = arith.andi %get3A_739, %and3A_745 : vector<16xi32>
        %bitcast3A_747 = vector.bitcast %and3A_746 : vector<16xi32> to vector<16xf32>
        %add3A_748 = arith.addf %add3A_684, %bitcast3A_743 : vector<16xf32>
        %add3A_749 = arith.addf %add3A_685, %bitcast3A_747 : vector<16xf32>
        %get3A_750 = arith.constant 1 : i32
        %get3A_751 = arith.constant 37 : i32
        %get3A_752 = arith.index_cast %get3A_750 : i32 to index
        %get3A_753 = arith.index_cast %get3A_751 : i32 to index
        %get3A_754 = arith.index_cast %multiple_of3A_169 : i32 to index
        %get3A_755 = tpu.vector_load %arg6[%get3A_752, %get3A_753, %get3A_754] {strides = array<i32>} : memref<2x40x384xi32, #tpu.memory_space<vmem>>, vector<16xi32>,
        %shift_left3A_756 = arith.constant 16 : i32
        %shift_left3A_757 = vector.broadcast %shift_left3A_756 : i32 to vector<16xi32>
        %shift_left3A_758 = arith.shli %get3A_755, %shift_left3A_757 : vector<16xi32>
        %bitcast3A_759 = vector.bitcast %shift_left3A_758 : vector<16xi32> to vector<16xf32>
        %and3A_760 = arith.constant -65536 : i32
        %and3A_761 = vector.broadcast %and3A_760 : i32 to vector<16xi32>
        %and3A_762 = arith.andi %get3A_755, %and3A_761 : vector<16xi32>
        %bitcast3A_763 = vector.bitcast %and3A_762 : vector<16xi32> to vector<16xf32>
        %add3A_764 = arith.addf %add3A_700, %bitcast3A_759 : vector<16xf32>
        %add3A_765 = arith.addf %add3A_701, %bitcast3A_763 : vector<16xf32>
        %get3A_766 = arith.constant 1 : i32
        %get3A_767 = arith.constant 38 : i32
        %get3A_768 = arith.index_cast %get3A_766 : i32 to index
        %get3A_769 = arith.index_cast %get3A_767 : i32 to index
        %get3A_770 = arith.index_cast %multiple_of3A_169 : i32 to index
        %get3A_771 = tpu.vector_load %arg6[%get3A_768, %get3A_769, %get3A_770] {strides = array<i32>} : memref<2x40x384xi32, #tpu.memory_space<vmem>>, vector<16xi32>,
        %shift_left3A_772 = arith.constant 16 : i32
        %shift_left3A_773 = vector.broadcast %shift_left3A_772 : i32 to vector<16xi32>
        %shift_left3A_774 = arith.shli %get3A_771, %shift_left3A_773 : vector<16xi32>
        %bitcast3A_775 = vector.bitcast %shift_left3A_774 : vector<16xi32> to vector<16xf32>
        %and3A_776 = arith.constant -65536 : i32
        %and3A_777 = vector.broadcast %and3A_776 : i32 to vector<16xi32>
        %and3A_778 = arith.andi %get3A_771, %and3A_777 : vector<16xi32>
        %bitcast3A_779 = vector.bitcast %and3A_778 : vector<16xi32> to vector<16xf32>
        %add3A_780 = arith.addf %add3A_716, %bitcast3A_775 : vector<16xf32>
        %add3A_781 = arith.addf %add3A_717, %bitcast3A_779 : vector<16xf32>
        %get3A_782 = arith.constant 1 : i32
        %get3A_783 = arith.constant 39 : i32
        %get3A_784 = arith.index_cast %get3A_782 : i32 to index
        %get3A_785 = arith.index_cast %get3A_783 : i32 to index
        %get3A_786 = arith.index_cast %multiple_of3A_169 : i32 to index
        %get3A_787 = tpu.vector_load %arg6[%get3A_784, %get3A_785, %get3A_786] {strides = array<i32>} : memref<2x40x384xi32, #tpu.memory_space<vmem>>, vector<16xi32>,
        %shift_left3A_788 = arith.constant 16 : i32
        %shift_left3A_789 = vector.broadcast %shift_left3A_788 : i32 to vector<16xi32>
        %shift_left3A_790 = arith.shli %get3A_787, %shift_left3A_789 : vector<16xi32>
        %bitcast3A_791 = vector.bitcast %shift_left3A_790 : vector<16xi32> to vector<16xf32>
        %and3A_792 = arith.constant -65536 : i32
        %and3A_793 = vector.broadcast %and3A_792 : i32 to vector<16xi32>
        %and3A_794 = arith.andi %get3A_787, %and3A_793 : vector<16xi32>
        %bitcast3A_795 = vector.bitcast %and3A_794 : vector<16xi32> to vector<16xf32>
        %add3A_796 = arith.addf %add3A_732, %bitcast3A_791 : vector<16xf32>
        %add3A_797 = arith.addf %add3A_733, %bitcast3A_795 : vector<16xf32>
        %add3A_798 = arith.addf %add3A_748, %add3A_764 : vector<16xf32>
        %add3A_799 = arith.addf %add3A_780, %add3A_796 : vector<16xf32>
        %add3A_800 = arith.addf %add3A_798, %add3A_799 : vector<16xf32>
        %add3A_801 = arith.addf %add3A_749, %add3A_765 : vector<16xf32>
        %add3A_802 = arith.addf %add3A_781, %add3A_797 : vector<16xf32>
        %add3A_803 = arith.addf %add3A_801, %add3A_802 : vector<16xf32>
        %add3A_804 = arith.constant 384 : i32
        %add3A_805 = arith.addi %multiple_of3A_169, %add3A_804 : i32
        %get3A_806 = arith.index_cast %multiple_of3A_169 : i32 to index
        %get3A_807 = tpu.vector_load %arg7[%get3A_806] {strides = array<i32>} : memref<768xf32, #tpu.memory_space<vmem>>, vector<16xf32>,
        %add3A_808 = arith.addf %get3A_807, %add3A_800 : vector<16xf32>
        %swap3A = arith.index_cast %multiple_of3A_169 : i32 to index
        %swap3A_809 = tpu.vector_load %arg7[%swap3A] {strides = array<i32>} : memref<768xf32, #tpu.memory_space<vmem>>, vector<16xf32>,
        tpu.vector_store %arg7[%swap3A], %add3A_808 {strides = array<i32>} : memref<768xf32, #tpu.memory_space<vmem>>, vector<16xf32>,
        %get3A_810 = arith.index_cast %add3A_805 : i32 to index
        %get3A_811 = tpu.vector_load %arg7[%get3A_810] {strides = array<i32>} : memref<768xf32, #tpu.memory_space<vmem>>, vector<16xf32>,
        %add3A_812 = arith.addf %get3A_811, %add3A_803 : vector<16xf32>
        %swap3A_813 = arith.index_cast %add3A_805 : i32 to index
        %swap3A_814 = tpu.vector_load %arg7[%swap3A_813] {strides = array<i32>} : memref<768xf32, #tpu.memory_space<vmem>>, vector<16xf32>,
        tpu.vector_store %arg7[%swap3A_813], %add3A_812 {strides = array<i32>} : memref<768xf32, #tpu.memory_space<vmem>>, vector<16xf32>,
        %scan3A_815 = arith.constant 0 : i32
        scf.yield %scan3A_815 : i32
      }
      %scan3A_84 = arith.constant 24 : i32
      %mul3A_85 = arith.constant 200 : i32
      %mul3A_86 = arith.muli %scan3A_11, %mul3A_85 : i32
      %add3A_87 = arith.constant 120 : i32
      %add3A_88 = arith.addi %mul3A_86, %add3A_87 : i32
      %multiple_of3A_89 = tpu.assume_multiple %add3A_88, 40 : i32
      %dma_start3A_90 = arith.constant 1 : i32
      %dma_start3A_91 = arith.constant 0 : i32
      %dma_start3A_92 = arith.constant 0 : i32
      %dma_start3A_93 = tpu.memref_slice %arg6[%dma_start3A_90, %dma_start3A_91, %dma_start3A_92] : memref<2x40x384xi32, #tpu.memory_space<vmem>> -> memref<1x40x384xi32, #tpu.memory_space<vmem>>
      %dma_start3A_94 = tpu.memref_squeeze %dma_start3A_93 : memref<1x40x384xi32, #tpu.memory_space<vmem>> -> memref<40x384xi32, #tpu.memory_space<vmem>>
      %dma_start3A_95 = tpu.memref_slice %arg5[%multiple_of3A_89] : memref<25600xi32, #tpu.memory_space<vmem>> -> memref<40xi32, #tpu.memory_space<vmem>>
      %dma_start3A_96 = arith.constant 0 : i32
      %dma_start3A_97 = arith.constant 0 : i32
      %dma_start3A_98 = tpu.memref_slice %arg3[%dma_start3A_96, %dma_start3A_97] : memref<32000x384xi32, #tpu.memory_space<hbm>> -> memref<32000x384xi32, #tpu.memory_space<hbm>>
      tpu.enqueue_indirect_dma source(%dma_start3A_98 : memref<32000x384xi32, #tpu.memory_space<hbm>>) target(%dma_start3A_94 : memref<40x384xi32, #tpu.memory_space<vmem>>) offsets(%dma_start3A_95 : memref<40xi32, #tpu.memory_space<vmem>>) semaphore(%arg9 : memref<!tpu.dma_semaphore, #tpu.memory_space<semaphore_mem>>)
      %dma_wait3A_99 = arith.constant 0 : i32
      %dma_wait3A_100 = arith.constant 0 : i32
      %dma_wait3A_101 = arith.constant 0 : i32
      %dma_wait3A_102 = tpu.memref_slice %arg6[%dma_wait3A_99, %dma_wait3A_100, %dma_wait3A_101] : memref<2x40x384xi32, #tpu.memory_space<vmem>> -> memref<1x40x384xi32, #tpu.memory_space<vmem>>
      %dma_wait3A_103 = tpu.memref_squeeze %dma_wait3A_102 : memref<1x40x384xi32, #tpu.memory_space<vmem>> -> memref<40x384xi32, #tpu.memory_space<vmem>>
      %dma_wait3A_104 = tpu.memref_slice %arg5[%multiple_of3A_59] : memref<25600xi32, #tpu.memory_space<vmem>> -> memref<40xi32, #tpu.memory_space<vmem>>
      %dma_wait3A_105 = arith.constant 0 : i32
      %dma_wait3A_106 = arith.constant 0 : i32
      %dma_wait3A_107 = tpu.memref_slice %arg3[%dma_wait3A_105, %dma_wait3A_106] : memref<32000x384xi32, #tpu.memory_space<hbm>> -> memref<32000x384xi32, #tpu.memory_space<hbm>>
      tpu.wait_indirect_dma semaphore(%arg8 : memref<!tpu.dma_semaphore, #tpu.memory_space<semaphore_mem>>) src(%dma_wait3A_107 : memref<32000x384xi32, #tpu.memory_space<hbm>>) dst(%dma_wait3A_103 : memref<40x384xi32, #tpu.memory_space<vmem>>)
      %scan3A_108 = arith.constant 0 : i32
      %scan3A_109 = arith.constant 0 : i32
      %scan3A_110 = arith.constant 24 : i32
      %scan3A_111 = arith.addi %scan3A_109, %scan3A_110 : i32
      %scan3A_112 = arith.constant 1 : i32
      %scan3A_113 = scf.for %scan3A_165 = %scan3A_109 to %scan3A_111 step %scan3A_112 iter_args(%scan3A_166 = %scan3A_108) -> (i32)  : i32 {
        %mul3A_167 = arith.constant 16 : i32
        %mul3A_168 = arith.muli %scan3A_165, %mul3A_167 : i32
        %multiple_of3A_169 = tpu.assume_multiple %mul3A_168, 16 : i32
        %get3A = arith.constant 0 : i32
        %get3A_170 = arith.constant 0 : i32
        %get3A_171 = arith.index_cast %get3A : i32 to index
        %get3A_172 = arith.index_cast %get3A_170 : i32 to index
        %get3A_173 = arith.index_cast %multiple_of3A_169 : i32 to index
        %get3A_174 = tpu.vector_load %arg6[%get3A_171, %get3A_172, %get3A_173] {strides = array<i32>} : memref<2x40x384xi32, #tpu.memory_space<vmem>>, vector<16xi32>,
        %shift_left3A = arith.constant 16 : i32
        %shift_left3A_175 = vector.broadcast %shift_left3A : i32 to vector<16xi32>
        %shift_left3A_176 = arith.shli %get3A_174, %shift_left3A_175 : vector<16xi32>
        %bitcast3A = vector.bitcast %shift_left3A_176 : vector<16xi32> to vector<16xf32>
        %and3A = arith.constant -65536 : i32
        %and3A_177 = vector.broadcast %and3A : i32 to vector<16xi32>
        %and3A_178 = arith.andi %get3A_174, %and3A_177 : vector<16xi32>
        %bitcast3A_179 = vector.bitcast %and3A_178 : vector<16xi32> to vector<16xf32>
        %get3A_180 = arith.constant 0 : i32
        %get3A_181 = arith.constant 1 : i32
        %get3A_182 = arith.index_cast %get3A_180 : i32 to index
        %get3A_183 = arith.index_cast %get3A_181 : i32 to index
        %get3A_184 = arith.index_cast %multiple_of3A_169 : i32 to index
        %get3A_185 = tpu.vector_load %arg6[%get3A_182, %get3A_183, %get3A_184] {strides = array<i32>} : memref<2x40x384xi32, #tpu.memory_space<vmem>>, vector<16xi32>,
        %shift_left3A_186 = arith.constant 16 : i32
        %shift_left3A_187 = vector.broadcast %shift_left3A_186 : i32 to vector<16xi32>
        %shift_left3A_188 = arith.shli %get3A_185, %shift_left3A_187 : vector<16xi32>
        %bitcast3A_189 = vector.bitcast %shift_left3A_188 : vector<16xi32> to vector<16xf32>
        %and3A_190 = arith.constant -65536 : i32
        %and3A_191 = vector.broadcast %and3A_190 : i32 to vector<16xi32>
        %and3A_192 = arith.andi %get3A_185, %and3A_191 : vector<16xi32>
        %bitcast3A_193 = vector.bitcast %and3A_192 : vector<16xi32> to vector<16xf32>
        %get3A_194 = arith.constant 0 : i32
        %get3A_195 = arith.constant 2 : i32
        %get3A_196 = arith.index_cast %get3A_194 : i32 to index
        %get3A_197 = arith.index_cast %get3A_195 : i32 to index
        %get3A_198 = arith.index_cast %multiple_of3A_169 : i32 to index
        %get3A_199 = tpu.vector_load %arg6[%get3A_196, %get3A_197, %get3A_198] {strides = array<i32>} : memref<2x40x384xi32, #tpu.memory_space<vmem>>, vector<16xi32>,
        %shift_left3A_200 = arith.constant 16 : i32
        %shift_left3A_201 = vector.broadcast %shift_left3A_200 : i32 to vector<16xi32>
        %shift_left3A_202 = arith.shli %get3A_199, %shift_left3A_201 : vector<16xi32>
        %bitcast3A_203 = vector.bitcast %shift_left3A_202 : vector<16xi32> to vector<16xf32>
        %and3A_204 = arith.constant -65536 : i32
        %and3A_205 = vector.broadcast %and3A_204 : i32 to vector<16xi32>
        %and3A_206 = arith.andi %get3A_199, %and3A_205 : vector<16xi32>
        %bitcast3A_207 = vector.bitcast %and3A_206 : vector<16xi32> to vector<16xf32>
        %get3A_208 = arith.constant 0 : i32
        %get3A_209 = arith.constant 3 : i32
        %get3A_210 = arith.index_cast %get3A_208 : i32 to index
        %get3A_211 = arith.index_cast %get3A_209 : i32 to index
        %get3A_212 = arith.index_cast %multiple_of3A_169 : i32 to index
        %get3A_213 = tpu.vector_load %arg6[%get3A_210, %get3A_211, %get3A_212] {strides = array<i32>} : memref<2x40x384xi32, #tpu.memory_space<vmem>>, vector<16xi32>,
        %shift_left3A_214 = arith.constant 16 : i32
        %shift_left3A_215 = vector.broadcast %shift_left3A_214 : i32 to vector<16xi32>
        %shift_left3A_216 = arith.shli %get3A_213, %shift_left3A_215 : vector<16xi32>
        %bitcast3A_217 = vector.bitcast %shift_left3A_216 : vector<16xi32> to vector<16xf32>
        %and3A_218 = arith.constant -65536 : i32
        %and3A_219 = vector.broadcast %and3A_218 : i32 to vector<16xi32>
        %and3A_220 = arith.andi %get3A_213, %and3A_219 : vector<16xi32>
        %bitcast3A_221 = vector.bitcast %and3A_220 : vector<16xi32> to vector<16xf32>
        %get3A_222 = arith.constant 0 : i32
        %get3A_223 = arith.constant 4 : i32
        %get3A_224 = arith.index_cast %get3A_222 : i32 to index
        %get3A_225 = arith.index_cast %get3A_223 : i32 to index
        %get3A_226 = arith.index_cast %multiple_of3A_169 : i32 to index
        %get3A_227 = tpu.vector_load %arg6[%get3A_224, %get3A_225, %get3A_226] {strides = array<i32>} : memref<2x40x384xi32, #tpu.memory_space<vmem>>, vector<16xi32>,
        %shift_left3A_228 = arith.constant 16 : i32
        %shift_left3A_229 = vector.broadcast %shift_left3A_228 : i32 to vector<16xi32>
        %shift_left3A_230 = arith.shli %get3A_227, %shift_left3A_229 : vector<16xi32>
        %bitcast3A_231 = vector.bitcast %shift_left3A_230 : vector<16xi32> to vector<16xf32>
        %and3A_232 = arith.constant -65536 : i32
        %and3A_233 = vector.broadcast %and3A_232 : i32 to vector<16xi32>
        %and3A_234 = arith.andi %get3A_227, %and3A_233 : vector<16xi32>
        %bitcast3A_235 = vector.bitcast %and3A_234 : vector<16xi32> to vector<16xf32>
        %add3A_236 = arith.addf %bitcast3A, %bitcast3A_231 : vector<16xf32>
        %add3A_237 = arith.addf %bitcast3A_179, %bitcast3A_235 : vector<16xf32>
        %get3A_238 = arith.constant 0 : i32
        %get3A_239 = arith.constant 5 : i32
        %get3A_240 = arith.index_cast %get3A_238 : i32 to index
        %get3A_241 = arith.index_cast %get3A_239 : i32 to index
        %get3A_242 = arith.index_cast %multiple_of3A_169 : i32 to index
        %get3A_243 = tpu.vector_load %arg6[%get3A_240, %get3A_241, %get3A_242] {strides = array<i32>} : memref<2x40x384xi32, #tpu.memory_space<vmem>>, vector<16xi32>,
        %shift_left3A_244 = arith.constant 16 : i32
        %shift_left3A_245 = vector.broadcast %shift_left3A_244 : i32 to vector<16xi32>
        %shift_left3A_246 = arith.shli %get3A_243, %shift_left3A_245 : vector<16xi32>
        %bitcast3A_247 = vector.bitcast %shift_left3A_246 : vector<16xi32> to vector<16xf32>
        %and3A_248 = arith.constant -65536 : i32
        %and3A_249 = vector.broadcast %and3A_248 : i32 to vector<16xi32>
        %and3A_250 = arith.andi %get3A_243, %and3A_249 : vector<16xi32>
        %bitcast3A_251 = vector.bitcast %and3A_250 : vector<16xi32> to vector<16xf32>
        %add3A_252 = arith.addf %bitcast3A_189, %bitcast3A_247 : vector<16xf32>
        %add3A_253 = arith.addf %bitcast3A_193, %bitcast3A_251 : vector<16xf32>
        %get3A_254 = arith.constant 0 : i32
        %get3A_255 = arith.constant 6 : i32
        %get3A_256 = arith.index_cast %get3A_254 : i32 to index
        %get3A_257 = arith.index_cast %get3A_255 : i32 to index
        %get3A_258 = arith.index_cast %multiple_of3A_169 : i32 to index
        %get3A_259 = tpu.vector_load %arg6[%get3A_256, %get3A_257, %get3A_258] {strides = array<i32>} : memref<2x40x384xi32, #tpu.memory_space<vmem>>, vector<16xi32>,
        %shift_left3A_260 = arith.constant 16 : i32
        %shift_left3A_261 = vector.broadcast %shift_left3A_260 : i32 to vector<16xi32>
        %shift_left3A_262 = arith.shli %get3A_259, %shift_left3A_261 : vector<16xi32>
        %bitcast3A_263 = vector.bitcast %shift_left3A_262 : vector<16xi32> to vector<16xf32>
        %and3A_264 = arith.constant -65536 : i32
        %and3A_265 = vector.broadcast %and3A_264 : i32 to vector<16xi32>
        %and3A_266 = arith.andi %get3A_259, %and3A_265 : vector<16xi32>
        %bitcast3A_267 = vector.bitcast %and3A_266 : vector<16xi32> to vector<16xf32>
        %add3A_268 = arith.addf %bitcast3A_203, %bitcast3A_263 : vector<16xf32>
        %add3A_269 = arith.addf %bitcast3A_207, %bitcast3A_267 : vector<16xf32>
        %get3A_270 = arith.constant 0 : i32
        %get3A_271 = arith.constant 7 : i32
        %get3A_272 = arith.index_cast %get3A_270 : i32 to index
        %get3A_273 = arith.index_cast %get3A_271 : i32 to index
        %get3A_274 = arith.index_cast %multiple_of3A_169 : i32 to index
        %get3A_275 = tpu.vector_load %arg6[%get3A_272, %get3A_273, %get3A_274] {strides = array<i32>} : memref<2x40x384xi32, #tpu.memory_space<vmem>>, vector<16xi32>,
        %shift_left3A_276 = arith.constant 16 : i32
        %shift_left3A_277 = vector.broadcast %shift_left3A_276 : i32 to vector<16xi32>
        %shift_left3A_278 = arith.shli %get3A_275, %shift_left3A_277 : vector<16xi32>
        %bitcast3A_279 = vector.bitcast %shift_left3A_278 : vector<16xi32> to vector<16xf32>
        %and3A_280 = arith.constant -65536 : i32
        %and3A_281 = vector.broadcast %and3A_280 : i32 to vector<16xi32>
        %and3A_282 = arith.andi %get3A_275, %and3A_281 : vector<16xi32>
        %bitcast3A_283 = vector.bitcast %and3A_282 : vector<16xi32> to vector<16xf32>
        %add3A_284 = arith.addf %bitcast3A_217, %bitcast3A_279 : vector<16xf32>
        %add3A_285 = arith.addf %bitcast3A_221, %bitcast3A_283 : vector<16xf32>
        %get3A_286 = arith.constant 0 : i32
        %get3A_287 = arith.constant 8 : i32
        %get3A_288 = arith.index_cast %get3A_286 : i32 to index
        %get3A_289 = arith.index_cast %get3A_287 : i32 to index
        %get3A_290 = arith.index_cast %multiple_of3A_169 : i32 to index
        %get3A_291 = tpu.vector_load %arg6[%get3A_288, %get3A_289, %get3A_290] {strides = array<i32>} : memref<2x40x384xi32, #tpu.memory_space<vmem>>, vector<16xi32>,
        %shift_left3A_292 = arith.constant 16 : i32
        %shift_left3A_293 = vector.broadcast %shift_left3A_292 : i32 to vector<16xi32>
        %shift_left3A_294 = arith.shli %get3A_291, %shift_left3A_293 : vector<16xi32>
        %bitcast3A_295 = vector.bitcast %shift_left3A_294 : vector<16xi32> to vector<16xf32>
        %and3A_296 = arith.constant -65536 : i32
        %and3A_297 = vector.broadcast %and3A_296 : i32 to vector<16xi32>
        %and3A_298 = arith.andi %get3A_291, %and3A_297 : vector<16xi32>
        %bitcast3A_299 = vector.bitcast %and3A_298 : vector<16xi32> to vector<16xf32>
        %add3A_300 = arith.addf %add3A_236, %bitcast3A_295 : vector<16xf32>
        %add3A_301 = arith.addf %add3A_237, %bitcast3A_299 : vector<16xf32>
        %get3A_302 = arith.constant 0 : i32
        %get3A_303 = arith.constant 9 : i32
        %get3A_304 = arith.index_cast %get3A_302 : i32 to index
        %get3A_305 = arith.index_cast %get3A_303 : i32 to index
        %get3A_306 = arith.index_cast %multiple_of3A_169 : i32 to index
        %get3A_307 = tpu.vector_load %arg6[%get3A_304, %get3A_305, %get3A_306] {strides = array<i32>} : memref<2x40x384xi32, #tpu.memory_space<vmem>>, vector<16xi32>,
        %shift_left3A_308 = arith.constant 16 : i32
        %shift_left3A_309 = vector.broadcast %shift_left3A_308 : i32 to vector<16xi32>
        %shift_left3A_310 = arith.shli %get3A_307, %shift_left3A_309 : vector<16xi32>
        %bitcast3A_311 = vector.bitcast %shift_left3A_310 : vector<16xi32> to vector<16xf32>
        %and3A_312 = arith.constant -65536 : i32
        %and3A_313 = vector.broadcast %and3A_312 : i32 to vector<16xi32>
        %and3A_314 = arith.andi %get3A_307, %and3A_313 : vector<16xi32>
        %bitcast3A_315 = vector.bitcast %and3A_314 : vector<16xi32> to vector<16xf32>
        %add3A_316 = arith.addf %add3A_252, %bitcast3A_311 : vector<16xf32>
        %add3A_317 = arith.addf %add3A_253, %bitcast3A_315 : vector<16xf32>
        %get3A_318 = arith.constant 0 : i32
        %get3A_319 = arith.constant 10 : i32
        %get3A_320 = arith.index_cast %get3A_318 : i32 to index
        %get3A_321 = arith.index_cast %get3A_319 : i32 to index
        %get3A_322 = arith.index_cast %multiple_of3A_169 : i32 to index
        %get3A_323 = tpu.vector_load %arg6[%get3A_320, %get3A_321, %get3A_322] {strides = array<i32>} : memref<2x40x384xi32, #tpu.memory_space<vmem>>, vector<16xi32>,
        %shift_left3A_324 = arith.constant 16 : i32
        %shift_left3A_325 = vector.broadcast %shift_left3A_324 : i32 to vector<16xi32>
        %shift_left3A_326 = arith.shli %get3A_323, %shift_left3A_325 : vector<16xi32>
        %bitcast3A_327 = vector.bitcast %shift_left3A_326 : vector<16xi32> to vector<16xf32>
        %and3A_328 = arith.constant -65536 : i32
        %and3A_329 = vector.broadcast %and3A_328 : i32 to vector<16xi32>
        %and3A_330 = arith.andi %get3A_323, %and3A_329 : vector<16xi32>
        %bitcast3A_331 = vector.bitcast %and3A_330 : vector<16xi32> to vector<16xf32>
        %add3A_332 = arith.addf %add3A_268, %bitcast3A_327 : vector<16xf32>
        %add3A_333 = arith.addf %add3A_269, %bitcast3A_331 : vector<16xf32>
        %get3A_334 = arith.constant 0 : i32
        %get3A_335 = arith.constant 11 : i32
        %get3A_336 = arith.index_cast %get3A_334 : i32 to index
        %get3A_337 = arith.index_cast %get3A_335 : i32 to index
        %get3A_338 = arith.index_cast %multiple_of3A_169 : i32 to index
        %get3A_339 = tpu.vector_load %arg6[%get3A_336, %get3A_337, %get3A_338] {strides = array<i32>} : memref<2x40x384xi32, #tpu.memory_space<vmem>>, vector<16xi32>,
        %shift_left3A_340 = arith.constant 16 : i32
        %shift_left3A_341 = vector.broadcast %shift_left3A_340 : i32 to vector<16xi32>
        %shift_left3A_342 = arith.shli %get3A_339, %shift_left3A_341 : vector<16xi32>
        %bitcast3A_343 = vector.bitcast %shift_left3A_342 : vector<16xi32> to vector<16xf32>
        %and3A_344 = arith.constant -65536 : i32
        %and3A_345 = vector.broadcast %and3A_344 : i32 to vector<16xi32>
        %and3A_346 = arith.andi %get3A_339, %and3A_345 : vector<16xi32>
        %bitcast3A_347 = vector.bitcast %and3A_346 : vector<16xi32> to vector<16xf32>
        %add3A_348 = arith.addf %add3A_284, %bitcast3A_343 : vector<16xf32>
        %add3A_349 = arith.addf %add3A_285, %bitcast3A_347 : vector<16xf32>
        %get3A_350 = arith.constant 0 : i32
        %get3A_351 = arith.constant 12 : i32
        %get3A_352 = arith.index_cast %get3A_350 : i32 to index
        %get3A_353 = arith.index_cast %get3A_351 : i32 to index
        %get3A_354 = arith.index_cast %multiple_of3A_169 : i32 to index
        %get3A_355 = tpu.vector_load %arg6[%get3A_352, %get3A_353, %get3A_354] {strides = array<i32>} : memref<2x40x384xi32, #tpu.memory_space<vmem>>, vector<16xi32>,
        %shift_left3A_356 = arith.constant 16 : i32
        %shift_left3A_357 = vector.broadcast %shift_left3A_356 : i32 to vector<16xi32>
        %shift_left3A_358 = arith.shli %get3A_355, %shift_left3A_357 : vector<16xi32>
        %bitcast3A_359 = vector.bitcast %shift_left3A_358 : vector<16xi32> to vector<16xf32>
        %and3A_360 = arith.constant -65536 : i32
        %and3A_361 = vector.broadcast %and3A_360 : i32 to vector<16xi32>
        %and3A_362 = arith.andi %get3A_355, %and3A_361 : vector<16xi32>
        %bitcast3A_363 = vector.bitcast %and3A_362 : vector<16xi32> to vector<16xf32>
        %add3A_364 = arith.addf %add3A_300, %bitcast3A_359 : vector<16xf32>
        %add3A_365 = arith.addf %add3A_301, %bitcast3A_363 : vector<16xf32>
        %get3A_366 = arith.constant 0 : i32
        %get3A_367 = arith.constant 13 : i32
        %get3A_368 = arith.index_cast %get3A_366 : i32 to index
        %get3A_369 = arith.index_cast %get3A_367 : i32 to index
        %get3A_370 = arith.index_cast %multiple_of3A_169 : i32 to index
        %get3A_371 = tpu.vector_load %arg6[%get3A_368, %get3A_369, %get3A_370] {strides = array<i32>} : memref<2x40x384xi32, #tpu.memory_space<vmem>>, vector<16xi32>,
        %shift_left3A_372 = arith.constant 16 : i32
        %shift_left3A_373 = vector.broadcast %shift_left3A_372 : i32 to vector<16xi32>
        %shift_left3A_374 = arith.shli %get3A_371, %shift_left3A_373 : vector<16xi32>
        %bitcast3A_375 = vector.bitcast %shift_left3A_374 : vector<16xi32> to vector<16xf32>
        %and3A_376 = arith.constant -65536 : i32
        %and3A_377 = vector.broadcast %and3A_376 : i32 to vector<16xi32>
        %and3A_378 = arith.andi %get3A_371, %and3A_377 : vector<16xi32>
        %bitcast3A_379 = vector.bitcast %and3A_378 : vector<16xi32> to vector<16xf32>
        %add3A_380 = arith.addf %add3A_316, %bitcast3A_375 : vector<16xf32>
        %add3A_381 = arith.addf %add3A_317, %bitcast3A_379 : vector<16xf32>
        %get3A_382 = arith.constant 0 : i32
        %get3A_383 = arith.constant 14 : i32
        %get3A_384 = arith.index_cast %get3A_382 : i32 to index
        %get3A_385 = arith.index_cast %get3A_383 : i32 to index
        %get3A_386 = arith.index_cast %multiple_of3A_169 : i32 to index
        %get3A_387 = tpu.vector_load %arg6[%get3A_384, %get3A_385, %get3A_386] {strides = array<i32>} : memref<2x40x384xi32, #tpu.memory_space<vmem>>, vector<16xi32>,
        %shift_left3A_388 = arith.constant 16 : i32
        %shift_left3A_389 = vector.broadcast %shift_left3A_388 : i32 to vector<16xi32>
        %shift_left3A_390 = arith.shli %get3A_387, %shift_left3A_389 : vector<16xi32>
        %bitcast3A_391 = vector.bitcast %shift_left3A_390 : vector<16xi32> to vector<16xf32>
        %and3A_392 = arith.constant -65536 : i32
        %and3A_393 = vector.broadcast %and3A_392 : i32 to vector<16xi32>
        %and3A_394 = arith.andi %get3A_387, %and3A_393 : vector<16xi32>
        %bitcast3A_395 = vector.bitcast %and3A_394 : vector<16xi32> to vector<16xf32>
        %add3A_396 = arith.addf %add3A_332, %bitcast3A_391 : vector<16xf32>
        %add3A_397 = arith.addf %add3A_333, %bitcast3A_395 : vector<16xf32>
        %get3A_398 = arith.constant 0 : i32
        %get3A_399 = arith.constant 15 : i32
        %get3A_400 = arith.index_cast %get3A_398 : i32 to index
        %get3A_401 = arith.index_cast %get3A_399 : i32 to index
        %get3A_402 = arith.index_cast %multiple_of3A_169 : i32 to index
        %get3A_403 = tpu.vector_load %arg6[%get3A_400, %get3A_401, %get3A_402] {strides = array<i32>} : memref<2x40x384xi32, #tpu.memory_space<vmem>>, vector<16xi32>,
        %shift_left3A_404 = arith.constant 16 : i32
        %shift_left3A_405 = vector.broadcast %shift_left3A_404 : i32 to vector<16xi32>
        %shift_left3A_406 = arith.shli %get3A_403, %shift_left3A_405 : vector<16xi32>
        %bitcast3A_407 = vector.bitcast %shift_left3A_406 : vector<16xi32> to vector<16xf32>
        %and3A_408 = arith.constant -65536 : i32
        %and3A_409 = vector.broadcast %and3A_408 : i32 to vector<16xi32>
        %and3A_410 = arith.andi %get3A_403, %and3A_409 : vector<16xi32>
        %bitcast3A_411 = vector.bitcast %and3A_410 : vector<16xi32> to vector<16xf32>
        %add3A_412 = arith.addf %add3A_348, %bitcast3A_407 : vector<16xf32>
        %add3A_413 = arith.addf %add3A_349, %bitcast3A_411 : vector<16xf32>
        %get3A_414 = arith.constant 0 : i32
        %get3A_415 = arith.constant 16 : i32
        %get3A_416 = arith.index_cast %get3A_414 : i32 to index
        %get3A_417 = arith.index_cast %get3A_415 : i32 to index
        %get3A_418 = arith.index_cast %multiple_of3A_169 : i32 to index
        %get3A_419 = tpu.vector_load %arg6[%get3A_416, %get3A_417, %get3A_418] {strides = array<i32>} : memref<2x40x384xi32, #tpu.memory_space<vmem>>, vector<16xi32>,
        %shift_left3A_420 = arith.constant 16 : i32
        %shift_left3A_421 = vector.broadcast %shift_left3A_420 : i32 to vector<16xi32>
        %shift_left3A_422 = arith.shli %get3A_419, %shift_left3A_421 : vector<16xi32>
        %bitcast3A_423 = vector.bitcast %shift_left3A_422 : vector<16xi32> to vector<16xf32>
        %and3A_424 = arith.constant -65536 : i32
        %and3A_425 = vector.broadcast %and3A_424 : i32 to vector<16xi32>
        %and3A_426 = arith.andi %get3A_419, %and3A_425 : vector<16xi32>
        %bitcast3A_427 = vector.bitcast %and3A_426 : vector<16xi32> to vector<16xf32>
        %add3A_428 = arith.addf %add3A_364, %bitcast3A_423 : vector<16xf32>
        %add3A_429 = arith.addf %add3A_365, %bitcast3A_427 : vector<16xf32>
        %get3A_430 = arith.constant 0 : i32
        %get3A_431 = arith.constant 17 : i32
        %get3A_432 = arith.index_cast %get3A_430 : i32 to index
        %get3A_433 = arith.index_cast %get3A_431 : i32 to index
        %get3A_434 = arith.index_cast %multiple_of3A_169 : i32 to index
        %get3A_435 = tpu.vector_load %arg6[%get3A_432, %get3A_433, %get3A_434] {strides = array<i32>} : memref<2x40x384xi32, #tpu.memory_space<vmem>>, vector<16xi32>,
        %shift_left3A_436 = arith.constant 16 : i32
        %shift_left3A_437 = vector.broadcast %shift_left3A_436 : i32 to vector<16xi32>
        %shift_left3A_438 = arith.shli %get3A_435, %shift_left3A_437 : vector<16xi32>
        %bitcast3A_439 = vector.bitcast %shift_left3A_438 : vector<16xi32> to vector<16xf32>
        %and3A_440 = arith.constant -65536 : i32
        %and3A_441 = vector.broadcast %and3A_440 : i32 to vector<16xi32>
        %and3A_442 = arith.andi %get3A_435, %and3A_441 : vector<16xi32>
        %bitcast3A_443 = vector.bitcast %and3A_442 : vector<16xi32> to vector<16xf32>
        %add3A_444 = arith.addf %add3A_380, %bitcast3A_439 : vector<16xf32>
        %add3A_445 = arith.addf %add3A_381, %bitcast3A_443 : vector<16xf32>
        %get3A_446 = arith.constant 0 : i32
        %get3A_447 = arith.constant 18 : i32
        %get3A_448 = arith.index_cast %get3A_446 : i32 to index
        %get3A_449 = arith.index_cast %get3A_447 : i32 to index
        %get3A_450 = arith.index_cast %multiple_of3A_169 : i32 to index
        %get3A_451 = tpu.vector_load %arg6[%get3A_448, %get3A_449, %get3A_450] {strides = array<i32>} : memref<2x40x384xi32, #tpu.memory_space<vmem>>, vector<16xi32>,
        %shift_left3A_452 = arith.constant 16 : i32
        %shift_left3A_453 = vector.broadcast %shift_left3A_452 : i32 to vector<16xi32>
        %shift_left3A_454 = arith.shli %get3A_451, %shift_left3A_453 : vector<16xi32>
        %bitcast3A_455 = vector.bitcast %shift_left3A_454 : vector<16xi32> to vector<16xf32>
        %and3A_456 = arith.constant -65536 : i32
        %and3A_457 = vector.broadcast %and3A_456 : i32 to vector<16xi32>
        %and3A_458 = arith.andi %get3A_451, %and3A_457 : vector<16xi32>
        %bitcast3A_459 = vector.bitcast %and3A_458 : vector<16xi32> to vector<16xf32>
        %add3A_460 = arith.addf %add3A_396, %bitcast3A_455 : vector<16xf32>
        %add3A_461 = arith.addf %add3A_397, %bitcast3A_459 : vector<16xf32>
        %get3A_462 = arith.constant 0 : i32
        %get3A_463 = arith.constant 19 : i32
        %get3A_464 = arith.index_cast %get3A_462 : i32 to index
        %get3A_465 = arith.index_cast %get3A_463 : i32 to index
        %get3A_466 = arith.index_cast %multiple_of3A_169 : i32 to index
        %get3A_467 = tpu.vector_load %arg6[%get3A_464, %get3A_465, %get3A_466] {strides = array<i32>} : memref<2x40x384xi32, #tpu.memory_space<vmem>>, vector<16xi32>,
        %shift_left3A_468 = arith.constant 16 : i32
        %shift_left3A_469 = vector.broadcast %shift_left3A_468 : i32 to vector<16xi32>
        %shift_left3A_470 = arith.shli %get3A_467, %shift_left3A_469 : vector<16xi32>
        %bitcast3A_471 = vector.bitcast %shift_left3A_470 : vector<16xi32> to vector<16xf32>
        %and3A_472 = arith.constant -65536 : i32
        %and3A_473 = vector.broadcast %and3A_472 : i32 to vector<16xi32>
        %and3A_474 = arith.andi %get3A_467, %and3A_473 : vector<16xi32>
        %bitcast3A_475 = vector.bitcast %and3A_474 : vector<16xi32> to vector<16xf32>
        %add3A_476 = arith.addf %add3A_412, %bitcast3A_471 : vector<16xf32>
        %add3A_477 = arith.addf %add3A_413, %bitcast3A_475 : vector<16xf32>
        %get3A_478 = arith.constant 0 : i32
        %get3A_479 = arith.constant 20 : i32
        %get3A_480 = arith.index_cast %get3A_478 : i32 to index
        %get3A_481 = arith.index_cast %get3A_479 : i32 to index
        %get3A_482 = arith.index_cast %multiple_of3A_169 : i32 to index
        %get3A_483 = tpu.vector_load %arg6[%get3A_480, %get3A_481, %get3A_482] {strides = array<i32>} : memref<2x40x384xi32, #tpu.memory_space<vmem>>, vector<16xi32>,
        %shift_left3A_484 = arith.constant 16 : i32
        %shift_left3A_485 = vector.broadcast %shift_left3A_484 : i32 to vector<16xi32>
        %shift_left3A_486 = arith.shli %get3A_483, %shift_left3A_485 : vector<16xi32>
        %bitcast3A_487 = vector.bitcast %shift_left3A_486 : vector<16xi32> to vector<16xf32>
        %and3A_488 = arith.constant -65536 : i32
        %and3A_489 = vector.broadcast %and3A_488 : i32 to vector<16xi32>
        %and3A_490 = arith.andi %get3A_483, %and3A_489 : vector<16xi32>
        %bitcast3A_491 = vector.bitcast %and3A_490 : vector<16xi32> to vector<16xf32>
        %add3A_492 = arith.addf %add3A_428, %bitcast3A_487 : vector<16xf32>
        %add3A_493 = arith.addf %add3A_429, %bitcast3A_491 : vector<16xf32>
        %get3A_494 = arith.constant 0 : i32
        %get3A_495 = arith.constant 21 : i32
        %get3A_496 = arith.index_cast %get3A_494 : i32 to index
        %get3A_497 = arith.index_cast %get3A_495 : i32 to index
        %get3A_498 = arith.index_cast %multiple_of3A_169 : i32 to index
        %get3A_499 = tpu.vector_load %arg6[%get3A_496, %get3A_497, %get3A_498] {strides = array<i32>} : memref<2x40x384xi32, #tpu.memory_space<vmem>>, vector<16xi32>,
        %shift_left3A_500 = arith.constant 16 : i32
        %shift_left3A_501 = vector.broadcast %shift_left3A_500 : i32 to vector<16xi32>
        %shift_left3A_502 = arith.shli %get3A_499, %shift_left3A_501 : vector<16xi32>
        %bitcast3A_503 = vector.bitcast %shift_left3A_502 : vector<16xi32> to vector<16xf32>
        %and3A_504 = arith.constant -65536 : i32
        %and3A_505 = vector.broadcast %and3A_504 : i32 to vector<16xi32>
        %and3A_506 = arith.andi %get3A_499, %and3A_505 : vector<16xi32>
        %bitcast3A_507 = vector.bitcast %and3A_506 : vector<16xi32> to vector<16xf32>
        %add3A_508 = arith.addf %add3A_444, %bitcast3A_503 : vector<16xf32>
        %add3A_509 = arith.addf %add3A_445, %bitcast3A_507 : vector<16xf32>
        %get3A_510 = arith.constant 0 : i32
        %get3A_511 = arith.constant 22 : i32
        %get3A_512 = arith.index_cast %get3A_510 : i32 to index
        %get3A_513 = arith.index_cast %get3A_511 : i32 to index
        %get3A_514 = arith.index_cast %multiple_of3A_169 : i32 to index
        %get3A_515 = tpu.vector_load %arg6[%get3A_512, %get3A_513, %get3A_514] {strides = array<i32>} : memref<2x40x384xi32, #tpu.memory_space<vmem>>, vector<16xi32>,
        %shift_left3A_516 = arith.constant 16 : i32
        %shift_left3A_517 = vector.broadcast %shift_left3A_516 : i32 to vector<16xi32>
        %shift_left3A_518 = arith.shli %get3A_515, %shift_left3A_517 : vector<16xi32>
        %bitcast3A_519 = vector.bitcast %shift_left3A_518 : vector<16xi32> to vector<16xf32>
        %and3A_520 = arith.constant -65536 : i32
        %and3A_521 = vector.broadcast %and3A_520 : i32 to vector<16xi32>
        %and3A_522 = arith.andi %get3A_515, %and3A_521 : vector<16xi32>
        %bitcast3A_523 = vector.bitcast %and3A_522 : vector<16xi32> to vector<16xf32>
        %add3A_524 = arith.addf %add3A_460, %bitcast3A_519 : vector<16xf32>
        %add3A_525 = arith.addf %add3A_461, %bitcast3A_523 : vector<16xf32>
        %get3A_526 = arith.constant 0 : i32
        %get3A_527 = arith.constant 23 : i32
        %get3A_528 = arith.index_cast %get3A_526 : i32 to index
        %get3A_529 = arith.index_cast %get3A_527 : i32 to index
        %get3A_530 = arith.index_cast %multiple_of3A_169 : i32 to index
        %get3A_531 = tpu.vector_load %arg6[%get3A_528, %get3A_529, %get3A_530] {strides = array<i32>} : memref<2x40x384xi32, #tpu.memory_space<vmem>>, vector<16xi32>,
        %shift_left3A_532 = arith.constant 16 : i32
        %shift_left3A_533 = vector.broadcast %shift_left3A_532 : i32 to vector<16xi32>
        %shift_left3A_534 = arith.shli %get3A_531, %shift_left3A_533 : vector<16xi32>
        %bitcast3A_535 = vector.bitcast %shift_left3A_534 : vector<16xi32> to vector<16xf32>
        %and3A_536 = arith.constant -65536 : i32
        %and3A_537 = vector.broadcast %and3A_536 : i32 to vector<16xi32>
        %and3A_538 = arith.andi %get3A_531, %and3A_537 : vector<16xi32>
        %bitcast3A_539 = vector.bitcast %and3A_538 : vector<16xi32> to vector<16xf32>
        %add3A_540 = arith.addf %add3A_476, %bitcast3A_535 : vector<16xf32>
        %add3A_541 = arith.addf %add3A_477, %bitcast3A_539 : vector<16xf32>
        %get3A_542 = arith.constant 0 : i32
        %get3A_543 = arith.constant 24 : i32
        %get3A_544 = arith.index_cast %get3A_542 : i32 to index
        %get3A_545 = arith.index_cast %get3A_543 : i32 to index
        %get3A_546 = arith.index_cast %multiple_of3A_169 : i32 to index
        %get3A_547 = tpu.vector_load %arg6[%get3A_544, %get3A_545, %get3A_546] {strides = array<i32>} : memref<2x40x384xi32, #tpu.memory_space<vmem>>, vector<16xi32>,
        %shift_left3A_548 = arith.constant 16 : i32
        %shift_left3A_549 = vector.broadcast %shift_left3A_548 : i32 to vector<16xi32>
        %shift_left3A_550 = arith.shli %get3A_547, %shift_left3A_549 : vector<16xi32>
        %bitcast3A_551 = vector.bitcast %shift_left3A_550 : vector<16xi32> to vector<16xf32>
        %and3A_552 = arith.constant -65536 : i32
        %and3A_553 = vector.broadcast %and3A_552 : i32 to vector<16xi32>
        %and3A_554 = arith.andi %get3A_547, %and3A_553 : vector<16xi32>
        %bitcast3A_555 = vector.bitcast %and3A_554 : vector<16xi32> to vector<16xf32>
        %add3A_556 = arith.addf %add3A_492, %bitcast3A_551 : vector<16xf32>
        %add3A_557 = arith.addf %add3A_493, %bitcast3A_555 : vector<16xf32>
        %get3A_558 = arith.constant 0 : i32
        %get3A_559 = arith.constant 25 : i32
        %get3A_560 = arith.index_cast %get3A_558 : i32 to index
        %get3A_561 = arith.index_cast %get3A_559 : i32 to index
        %get3A_562 = arith.index_cast %multiple_of3A_169 : i32 to index
        %get3A_563 = tpu.vector_load %arg6[%get3A_560, %get3A_561, %get3A_562] {strides = array<i32>} : memref<2x40x384xi32, #tpu.memory_space<vmem>>, vector<16xi32>,
        %shift_left3A_564 = arith.constant 16 : i32
        %shift_left3A_565 = vector.broadcast %shift_left3A_564 : i32 to vector<16xi32>
        %shift_left3A_566 = arith.shli %get3A_563, %shift_left3A_565 : vector<16xi32>
        %bitcast3A_567 = vector.bitcast %shift_left3A_566 : vector<16xi32> to vector<16xf32>
        %and3A_568 = arith.constant -65536 : i32
        %and3A_569 = vector.broadcast %and3A_568 : i32 to vector<16xi32>
        %and3A_570 = arith.andi %get3A_563, %and3A_569 : vector<16xi32>
        %bitcast3A_571 = vector.bitcast %and3A_570 : vector<16xi32> to vector<16xf32>
        %add3A_572 = arith.addf %add3A_508, %bitcast3A_567 : vector<16xf32>
        %add3A_573 = arith.addf %add3A_509, %bitcast3A_571 : vector<16xf32>
        %get3A_574 = arith.constant 0 : i32
        %get3A_575 = arith.constant 26 : i32
        %get3A_576 = arith.index_cast %get3A_574 : i32 to index
        %get3A_577 = arith.index_cast %get3A_575 : i32 to index
        %get3A_578 = arith.index_cast %multiple_of3A_169 : i32 to index
        %get3A_579 = tpu.vector_load %arg6[%get3A_576, %get3A_577, %get3A_578] {strides = array<i32>} : memref<2x40x384xi32, #tpu.memory_space<vmem>>, vector<16xi32>,
        %shift_left3A_580 = arith.constant 16 : i32
        %shift_left3A_581 = vector.broadcast %shift_left3A_580 : i32 to vector<16xi32>
        %shift_left3A_582 = arith.shli %get3A_579, %shift_left3A_581 : vector<16xi32>
        %bitcast3A_583 = vector.bitcast %shift_left3A_582 : vector<16xi32> to vector<16xf32>
        %and3A_584 = arith.constant -65536 : i32
        %and3A_585 = vector.broadcast %and3A_584 : i32 to vector<16xi32>
        %and3A_586 = arith.andi %get3A_579, %and3A_585 : vector<16xi32>
        %bitcast3A_587 = vector.bitcast %and3A_586 : vector<16xi32> to vector<16xf32>
        %add3A_588 = arith.addf %add3A_524, %bitcast3A_583 : vector<16xf32>
        %add3A_589 = arith.addf %add3A_525, %bitcast3A_587 : vector<16xf32>
        %get3A_590 = arith.constant 0 : i32
        %get3A_591 = arith.constant 27 : i32
        %get3A_592 = arith.index_cast %get3A_590 : i32 to index
        %get3A_593 = arith.index_cast %get3A_591 : i32 to index
        %get3A_594 = arith.index_cast %multiple_of3A_169 : i32 to index
        %get3A_595 = tpu.vector_load %arg6[%get3A_592, %get3A_593, %get3A_594] {strides = array<i32>} : memref<2x40x384xi32, #tpu.memory_space<vmem>>, vector<16xi32>,
        %shift_left3A_596 = arith.constant 16 : i32
        %shift_left3A_597 = vector.broadcast %shift_left3A_596 : i32 to vector<16xi32>
        %shift_left3A_598 = arith.shli %get3A_595, %shift_left3A_597 : vector<16xi32>
        %bitcast3A_599 = vector.bitcast %shift_left3A_598 : vector<16xi32> to vector<16xf32>
        %and3A_600 = arith.constant -65536 : i32
        %and3A_601 = vector.broadcast %and3A_600 : i32 to vector<16xi32>
        %and3A_602 = arith.andi %get3A_595, %and3A_601 : vector<16xi32>
        %bitcast3A_603 = vector.bitcast %and3A_602 : vector<16xi32> to vector<16xf32>
        %add3A_604 = arith.addf %add3A_540, %bitcast3A_599 : vector<16xf32>
        %add3A_605 = arith.addf %add3A_541, %bitcast3A_603 : vector<16xf32>
        %get3A_606 = arith.constant 0 : i32
        %get3A_607 = arith.constant 28 : i32
        %get3A_608 = arith.index_cast %get3A_606 : i32 to index
        %get3A_609 = arith.index_cast %get3A_607 : i32 to index
        %get3A_610 = arith.index_cast %multiple_of3A_169 : i32 to index
        %get3A_611 = tpu.vector_load %arg6[%get3A_608, %get3A_609, %get3A_610] {strides = array<i32>} : memref<2x40x384xi32, #tpu.memory_space<vmem>>, vector<16xi32>,
        %shift_left3A_612 = arith.constant 16 : i32
        %shift_left3A_613 = vector.broadcast %shift_left3A_612 : i32 to vector<16xi32>
        %shift_left3A_614 = arith.shli %get3A_611, %shift_left3A_613 : vector<16xi32>
        %bitcast3A_615 = vector.bitcast %shift_left3A_614 : vector<16xi32> to vector<16xf32>
        %and3A_616 = arith.constant -65536 : i32
        %and3A_617 = vector.broadcast %and3A_616 : i32 to vector<16xi32>
        %and3A_618 = arith.andi %get3A_611, %and3A_617 : vector<16xi32>
        %bitcast3A_619 = vector.bitcast %and3A_618 : vector<16xi32> to vector<16xf32>
        %add3A_620 = arith.addf %add3A_556, %bitcast3A_615 : vector<16xf32>
        %add3A_621 = arith.addf %add3A_557, %bitcast3A_619 : vector<16xf32>
        %get3A_622 = arith.constant 0 : i32
        %get3A_623 = arith.constant 29 : i32
        %get3A_624 = arith.index_cast %get3A_622 : i32 to index
        %get3A_625 = arith.index_cast %get3A_623 : i32 to index
        %get3A_626 = arith.index_cast %multiple_of3A_169 : i32 to index
        %get3A_627 = tpu.vector_load %arg6[%get3A_624, %get3A_625, %get3A_626] {strides = array<i32>} : memref<2x40x384xi32, #tpu.memory_space<vmem>>, vector<16xi32>,
        %shift_left3A_628 = arith.constant 16 : i32
        %shift_left3A_629 = vector.broadcast %shift_left3A_628 : i32 to vector<16xi32>
        %shift_left3A_630 = arith.shli %get3A_627, %shift_left3A_629 : vector<16xi32>
        %bitcast3A_631 = vector.bitcast %shift_left3A_630 : vector<16xi32> to vector<16xf32>
        %and3A_632 = arith.constant -65536 : i32
        %and3A_633 = vector.broadcast %and3A_632 : i32 to vector<16xi32>
        %and3A_634 = arith.andi %get3A_627, %and3A_633 : vector<16xi32>
        %bitcast3A_635 = vector.bitcast %and3A_634 : vector<16xi32> to vector<16xf32>
        %add3A_636 = arith.addf %add3A_572, %bitcast3A_631 : vector<16xf32>
        %add3A_637 = arith.addf %add3A_573, %bitcast3A_635 : vector<16xf32>
        %get3A_638 = arith.constant 0 : i32
        %get3A_639 = arith.constant 30 : i32
        %get3A_640 = arith.index_cast %get3A_638 : i32 to index
        %get3A_641 = arith.index_cast %get3A_639 : i32 to index
        %get3A_642 = arith.index_cast %multiple_of3A_169 : i32 to index
        %get3A_643 = tpu.vector_load %arg6[%get3A_640, %get3A_641, %get3A_642] {strides = array<i32>} : memref<2x40x384xi32, #tpu.memory_space<vmem>>, vector<16xi32>,
        %shift_left3A_644 = arith.constant 16 : i32
        %shift_left3A_645 = vector.broadcast %shift_left3A_644 : i32 to vector<16xi32>
        %shift_left3A_646 = arith.shli %get3A_643, %shift_left3A_645 : vector<16xi32>
        %bitcast3A_647 = vector.bitcast %shift_left3A_646 : vector<16xi32> to vector<16xf32>
        %and3A_648 = arith.constant -65536 : i32
        %and3A_649 = vector.broadcast %and3A_648 : i32 to vector<16xi32>
        %and3A_650 = arith.andi %get3A_643, %and3A_649 : vector<16xi32>
        %bitcast3A_651 = vector.bitcast %and3A_650 : vector<16xi32> to vector<16xf32>
        %add3A_652 = arith.addf %add3A_588, %bitcast3A_647 : vector<16xf32>
        %add3A_653 = arith.addf %add3A_589, %bitcast3A_651 : vector<16xf32>
        %get3A_654 = arith.constant 0 : i32
        %get3A_655 = arith.constant 31 : i32
        %get3A_656 = arith.index_cast %get3A_654 : i32 to index
        %get3A_657 = arith.index_cast %get3A_655 : i32 to index
        %get3A_658 = arith.index_cast %multiple_of3A_169 : i32 to index
        %get3A_659 = tpu.vector_load %arg6[%get3A_656, %get3A_657, %get3A_658] {strides = array<i32>} : memref<2x40x384xi32, #tpu.memory_space<vmem>>, vector<16xi32>,
        %shift_left3A_660 = arith.constant 16 : i32
        %shift_left3A_661 = vector.broadcast %shift_left3A_660 : i32 to vector<16xi32>
        %shift_left3A_662 = arith.shli %get3A_659, %shift_left3A_661 : vector<16xi32>
        %bitcast3A_663 = vector.bitcast %shift_left3A_662 : vector<16xi32> to vector<16xf32>
        %and3A_664 = arith.constant -65536 : i32
        %and3A_665 = vector.broadcast %and3A_664 : i32 to vector<16xi32>
        %and3A_666 = arith.andi %get3A_659, %and3A_665 : vector<16xi32>
        %bitcast3A_667 = vector.bitcast %and3A_666 : vector<16xi32> to vector<16xf32>
        %add3A_668 = arith.addf %add3A_604, %bitcast3A_663 : vector<16xf32>
        %add3A_669 = arith.addf %add3A_605, %bitcast3A_667 : vector<16xf32>
        %get3A_670 = arith.constant 0 : i32
        %get3A_671 = arith.constant 32 : i32
        %get3A_672 = arith.index_cast %get3A_670 : i32 to index
        %get3A_673 = arith.index_cast %get3A_671 : i32 to index
        %get3A_674 = arith.index_cast %multiple_of3A_169 : i32 to index
        %get3A_675 = tpu.vector_load %arg6[%get3A_672, %get3A_673, %get3A_674] {strides = array<i32>} : memref<2x40x384xi32, #tpu.memory_space<vmem>>, vector<16xi32>,
        %shift_left3A_676 = arith.constant 16 : i32
        %shift_left3A_677 = vector.broadcast %shift_left3A_676 : i32 to vector<16xi32>
        %shift_left3A_678 = arith.shli %get3A_675, %shift_left3A_677 : vector<16xi32>
        %bitcast3A_679 = vector.bitcast %shift_left3A_678 : vector<16xi32> to vector<16xf32>
        %and3A_680 = arith.constant -65536 : i32
        %and3A_681 = vector.broadcast %and3A_680 : i32 to vector<16xi32>
        %and3A_682 = arith.andi %get3A_675, %and3A_681 : vector<16xi32>
        %bitcast3A_683 = vector.bitcast %and3A_682 : vector<16xi32> to vector<16xf32>
        %add3A_684 = arith.addf %add3A_620, %bitcast3A_679 : vector<16xf32>
        %add3A_685 = arith.addf %add3A_621, %bitcast3A_683 : vector<16xf32>
        %get3A_686 = arith.constant 0 : i32
        %get3A_687 = arith.constant 33 : i32
        %get3A_688 = arith.index_cast %get3A_686 : i32 to index
        %get3A_689 = arith.index_cast %get3A_687 : i32 to index
        %get3A_690 = arith.index_cast %multiple_of3A_169 : i32 to index
        %get3A_691 = tpu.vector_load %arg6[%get3A_688, %get3A_689, %get3A_690] {strides = array<i32>} : memref<2x40x384xi32, #tpu.memory_space<vmem>>, vector<16xi32>,
        %shift_left3A_692 = arith.constant 16 : i32
        %shift_left3A_693 = vector.broadcast %shift_left3A_692 : i32 to vector<16xi32>
        %shift_left3A_694 = arith.shli %get3A_691, %shift_left3A_693 : vector<16xi32>
        %bitcast3A_695 = vector.bitcast %shift_left3A_694 : vector<16xi32> to vector<16xf32>
        %and3A_696 = arith.constant -65536 : i32
        %and3A_697 = vector.broadcast %and3A_696 : i32 to vector<16xi32>
        %and3A_698 = arith.andi %get3A_691, %and3A_697 : vector<16xi32>
        %bitcast3A_699 = vector.bitcast %and3A_698 : vector<16xi32> to vector<16xf32>
        %add3A_700 = arith.addf %add3A_636, %bitcast3A_695 : vector<16xf32>
        %add3A_701 = arith.addf %add3A_637, %bitcast3A_699 : vector<16xf32>
        %get3A_702 = arith.constant 0 : i32
        %get3A_703 = arith.constant 34 : i32
        %get3A_704 = arith.index_cast %get3A_702 : i32 to index
        %get3A_705 = arith.index_cast %get3A_703 : i32 to index
        %get3A_706 = arith.index_cast %multiple_of3A_169 : i32 to index
        %get3A_707 = tpu.vector_load %arg6[%get3A_704, %get3A_705, %get3A_706] {strides = array<i32>} : memref<2x40x384xi32, #tpu.memory_space<vmem>>, vector<16xi32>,
        %shift_left3A_708 = arith.constant 16 : i32
        %shift_left3A_709 = vector.broadcast %shift_left3A_708 : i32 to vector<16xi32>
        %shift_left3A_710 = arith.shli %get3A_707, %shift_left3A_709 : vector<16xi32>
        %bitcast3A_711 = vector.bitcast %shift_left3A_710 : vector<16xi32> to vector<16xf32>
        %and3A_712 = arith.constant -65536 : i32
        %and3A_713 = vector.broadcast %and3A_712 : i32 to vector<16xi32>
        %and3A_714 = arith.andi %get3A_707, %and3A_713 : vector<16xi32>
        %bitcast3A_715 = vector.bitcast %and3A_714 : vector<16xi32> to vector<16xf32>
        %add3A_716 = arith.addf %add3A_652, %bitcast3A_711 : vector<16xf32>
        %add3A_717 = arith.addf %add3A_653, %bitcast3A_715 : vector<16xf32>
        %get3A_718 = arith.constant 0 : i32
        %get3A_719 = arith.constant 35 : i32
        %get3A_720 = arith.index_cast %get3A_718 : i32 to index
        %get3A_721 = arith.index_cast %get3A_719 : i32 to index
        %get3A_722 = arith.index_cast %multiple_of3A_169 : i32 to index
        %get3A_723 = tpu.vector_load %arg6[%get3A_720, %get3A_721, %get3A_722] {strides = array<i32>} : memref<2x40x384xi32, #tpu.memory_space<vmem>>, vector<16xi32>,
        %shift_left3A_724 = arith.constant 16 : i32
        %shift_left3A_725 = vector.broadcast %shift_left3A_724 : i32 to vector<16xi32>
        %shift_left3A_726 = arith.shli %get3A_723, %shift_left3A_725 : vector<16xi32>
        %bitcast3A_727 = vector.bitcast %shift_left3A_726 : vector<16xi32> to vector<16xf32>
        %and3A_728 = arith.constant -65536 : i32
        %and3A_729 = vector.broadcast %and3A_728 : i32 to vector<16xi32>
        %and3A_730 = arith.andi %get3A_723, %and3A_729 : vector<16xi32>
        %bitcast3A_731 = vector.bitcast %and3A_730 : vector<16xi32> to vector<16xf32>
        %add3A_732 = arith.addf %add3A_668, %bitcast3A_727 : vector<16xf32>
        %add3A_733 = arith.addf %add3A_669, %bitcast3A_731 : vector<16xf32>
        %get3A_734 = arith.constant 0 : i32
        %get3A_735 = arith.constant 36 : i32
        %get3A_736 = arith.index_cast %get3A_734 : i32 to index
        %get3A_737 = arith.index_cast %get3A_735 : i32 to index
        %get3A_738 = arith.index_cast %multiple_of3A_169 : i32 to index
        %get3A_739 = tpu.vector_load %arg6[%get3A_736, %get3A_737, %get3A_738] {strides = array<i32>} : memref<2x40x384xi32, #tpu.memory_space<vmem>>, vector<16xi32>,
        %shift_left3A_740 = arith.constant 16 : i32
        %shift_left3A_741 = vector.broadcast %shift_left3A_740 : i32 to vector<16xi32>
        %shift_left3A_742 = arith.shli %get3A_739, %shift_left3A_741 : vector<16xi32>
        %bitcast3A_743 = vector.bitcast %shift_left3A_742 : vector<16xi32> to vector<16xf32>
        %and3A_744 = arith.constant -65536 : i32
        %and3A_745 = vector.broadcast %and3A_744 : i32 to vector<16xi32>
        %and3A_746 = arith.andi %get3A_739, %and3A_745 : vector<16xi32>
        %bitcast3A_747 = vector.bitcast %and3A_746 : vector<16xi32> to vector<16xf32>
        %add3A_748 = arith.addf %add3A_684, %bitcast3A_743 : vector<16xf32>
        %add3A_749 = arith.addf %add3A_685, %bitcast3A_747 : vector<16xf32>
        %get3A_750 = arith.constant 0 : i32
        %get3A_751 = arith.constant 37 : i32
        %get3A_752 = arith.index_cast %get3A_750 : i32 to index
        %get3A_753 = arith.index_cast %get3A_751 : i32 to index
        %get3A_754 = arith.index_cast %multiple_of3A_169 : i32 to index
        %get3A_755 = tpu.vector_load %arg6[%get3A_752, %get3A_753, %get3A_754] {strides = array<i32>} : memref<2x40x384xi32, #tpu.memory_space<vmem>>, vector<16xi32>,
        %shift_left3A_756 = arith.constant 16 : i32
        %shift_left3A_757 = vector.broadcast %shift_left3A_756 : i32 to vector<16xi32>
        %shift_left3A_758 = arith.shli %get3A_755, %shift_left3A_757 : vector<16xi32>
        %bitcast3A_759 = vector.bitcast %shift_left3A_758 : vector<16xi32> to vector<16xf32>
        %and3A_760 = arith.constant -65536 : i32
        %and3A_761 = vector.broadcast %and3A_760 : i32 to vector<16xi32>
        %and3A_762 = arith.andi %get3A_755, %and3A_761 : vector<16xi32>
        %bitcast3A_763 = vector.bitcast %and3A_762 : vector<16xi32> to vector<16xf32>
        %add3A_764 = arith.addf %add3A_700, %bitcast3A_759 : vector<16xf32>
        %add3A_765 = arith.addf %add3A_701, %bitcast3A_763 : vector<16xf32>
        %get3A_766 = arith.constant 0 : i32
        %get3A_767 = arith.constant 38 : i32
        %get3A_768 = arith.index_cast %get3A_766 : i32 to index
        %get3A_769 = arith.index_cast %get3A_767 : i32 to index
        %get3A_770 = arith.index_cast %multiple_of3A_169 : i32 to index
        %get3A_771 = tpu.vector_load %arg6[%get3A_768, %get3A_769, %get3A_770] {strides = array<i32>} : memref<2x40x384xi32, #tpu.memory_space<vmem>>, vector<16xi32>,
        %shift_left3A_772 = arith.constant 16 : i32
        %shift_left3A_773 = vector.broadcast %shift_left3A_772 : i32 to vector<16xi32>
        %shift_left3A_774 = arith.shli %get3A_771, %shift_left3A_773 : vector<16xi32>
        %bitcast3A_775 = vector.bitcast %shift_left3A_774 : vector<16xi32> to vector<16xf32>
        %and3A_776 = arith.constant -65536 : i32
        %and3A_777 = vector.broadcast %and3A_776 : i32 to vector<16xi32>
        %and3A_778 = arith.andi %get3A_771, %and3A_777 : vector<16xi32>
        %bitcast3A_779 = vector.bitcast %and3A_778 : vector<16xi32> to vector<16xf32>
        %add3A_780 = arith.addf %add3A_716, %bitcast3A_775 : vector<16xf32>
        %add3A_781 = arith.addf %add3A_717, %bitcast3A_779 : vector<16xf32>
        %get3A_782 = arith.constant 0 : i32
        %get3A_783 = arith.constant 39 : i32
        %get3A_784 = arith.index_cast %get3A_782 : i32 to index
        %get3A_785 = arith.index_cast %get3A_783 : i32 to index
        %get3A_786 = arith.index_cast %multiple_of3A_169 : i32 to index
        %get3A_787 = tpu.vector_load %arg6[%get3A_784, %get3A_785, %get3A_786] {strides = array<i32>} : memref<2x40x384xi32, #tpu.memory_space<vmem>>, vector<16xi32>,
        %shift_left3A_788 = arith.constant 16 : i32
        %shift_left3A_789 = vector.broadcast %shift_left3A_788 : i32 to vector<16xi32>
        %shift_left3A_790 = arith.shli %get3A_787, %shift_left3A_789 : vector<16xi32>
        %bitcast3A_791 = vector.bitcast %shift_left3A_790 : vector<16xi32> to vector<16xf32>
        %and3A_792 = arith.constant -65536 : i32
        %and3A_793 = vector.broadcast %and3A_792 : i32 to vector<16xi32>
        %and3A_794 = arith.andi %get3A_787, %and3A_793 : vector<16xi32>
        %bitcast3A_795 = vector.bitcast %and3A_794 : vector<16xi32> to vector<16xf32>
        %add3A_796 = arith.addf %add3A_732, %bitcast3A_791 : vector<16xf32>
        %add3A_797 = arith.addf %add3A_733, %bitcast3A_795 : vector<16xf32>
        %add3A_798 = arith.addf %add3A_748, %add3A_764 : vector<16xf32>
        %add3A_799 = arith.addf %add3A_780, %add3A_796 : vector<16xf32>
        %add3A_800 = arith.addf %add3A_798, %add3A_799 : vector<16xf32>
        %add3A_801 = arith.addf %add3A_749, %add3A_765 : vector<16xf32>
        %add3A_802 = arith.addf %add3A_781, %add3A_797 : vector<16xf32>
        %add3A_803 = arith.addf %add3A_801, %add3A_802 : vector<16xf32>
        %add3A_804 = arith.constant 384 : i32
        %add3A_805 = arith.addi %multiple_of3A_169, %add3A_804 : i32
        %get3A_806 = arith.index_cast %multiple_of3A_169 : i32 to index
        %get3A_807 = tpu.vector_load %arg7[%get3A_806] {strides = array<i32>} : memref<768xf32, #tpu.memory_space<vmem>>, vector<16xf32>,
        %add3A_808 = arith.addf %get3A_807, %add3A_800 : vector<16xf32>
        %swap3A = arith.index_cast %multiple_of3A_169 : i32 to index
        %swap3A_809 = tpu.vector_load %arg7[%swap3A] {strides = array<i32>} : memref<768xf32, #tpu.memory_space<vmem>>, vector<16xf32>,
        tpu.vector_store %arg7[%swap3A], %add3A_808 {strides = array<i32>} : memref<768xf32, #tpu.memory_space<vmem>>, vector<16xf32>,
        %get3A_810 = arith.index_cast %add3A_805 : i32 to index
        %get3A_811 = tpu.vector_load %arg7[%get3A_810] {strides = array<i32>} : memref<768xf32, #tpu.memory_space<vmem>>, vector<16xf32>,
        %add3A_812 = arith.addf %get3A_811, %add3A_803 : vector<16xf32>
        %swap3A_813 = arith.index_cast %add3A_805 : i32 to index
        %swap3A_814 = tpu.vector_load %arg7[%swap3A_813] {strides = array<i32>} : memref<768xf32, #tpu.memory_space<vmem>>, vector<16xf32>,
        tpu.vector_store %arg7[%swap3A_813], %add3A_812 {strides = array<i32>} : memref<768xf32, #tpu.memory_space<vmem>>, vector<16xf32>,
        %scan3A_815 = arith.constant 0 : i32
        scf.yield %scan3A_815 : i32
      }
      %scan3A_114 = arith.constant 24 : i32
      %mul3A_115 = arith.constant 200 : i32
      %mul3A_116 = arith.muli %scan3A_11, %mul3A_115 : i32
      %add3A_117 = arith.constant 160 : i32
      %add3A_118 = arith.addi %mul3A_116, %add3A_117 : i32
      %multiple_of3A_119 = tpu.assume_multiple %add3A_118, 40 : i32
      %dma_start3A_120 = arith.constant 0 : i32
      %dma_start3A_121 = arith.constant 0 : i32
      %dma_start3A_122 = arith.constant 0 : i32
      %dma_start3A_123 = tpu.memref_slice %arg6[%dma_start3A_120, %dma_start3A_121, %dma_start3A_122] : memref<2x40x384xi32, #tpu.memory_space<vmem>> -> memref<1x40x384xi32, #tpu.memory_space<vmem>>
      %dma_start3A_124 = tpu.memref_squeeze %dma_start3A_123 : memref<1x40x384xi32, #tpu.memory_space<vmem>> -> memref<40x384xi32, #tpu.memory_space<vmem>>
      %dma_start3A_125 = tpu.memref_slice %arg5[%multiple_of3A_119] : memref<25600xi32, #tpu.memory_space<vmem>> -> memref<40xi32, #tpu.memory_space<vmem>>
      %dma_start3A_126 = arith.constant 0 : i32
      %dma_start3A_127 = arith.constant 0 : i32
      %dma_start3A_128 = tpu.memref_slice %arg3[%dma_start3A_126, %dma_start3A_127] : memref<32000x384xi32, #tpu.memory_space<hbm>> -> memref<32000x384xi32, #tpu.memory_space<hbm>>
      tpu.enqueue_indirect_dma source(%dma_start3A_128 : memref<32000x384xi32, #tpu.memory_space<hbm>>) target(%dma_start3A_124 : memref<40x384xi32, #tpu.memory_space<vmem>>) offsets(%dma_start3A_125 : memref<40xi32, #tpu.memory_space<vmem>>) semaphore(%arg8 : memref<!tpu.dma_semaphore, #tpu.memory_space<semaphore_mem>>)
      %dma_wait3A_129 = arith.constant 1 : i32
      %dma_wait3A_130 = arith.constant 0 : i32
      %dma_wait3A_131 = arith.constant 0 : i32
      %dma_wait3A_132 = tpu.memref_slice %arg6[%dma_wait3A_129, %dma_wait3A_130, %dma_wait3A_131] : memref<2x40x384xi32, #tpu.memory_space<vmem>> -> memref<1x40x384xi32, #tpu.memory_space<vmem>>
      %dma_wait3A_133 = tpu.memref_squeeze %dma_wait3A_132 : memref<1x40x384xi32, #tpu.memory_space<vmem>> -> memref<40x384xi32, #tpu.memory_space<vmem>>
      %dma_wait3A_134 = tpu.memref_slice %arg5[%multiple_of3A_89] : memref<25600xi32, #tpu.memory_space<vmem>> -> memref<40xi32, #tpu.memory_space<vmem>>
      %dma_wait3A_135 = arith.constant 0 : i32
      %dma_wait3A_136 = arith.constant 0 : i32
      %dma_wait3A_137 = tpu.memref_slice %arg3[%dma_wait3A_135, %dma_wait3A_136] : memref<32000x384xi32, #tpu.memory_space<hbm>> -> memref<32000x384xi32, #tpu.memory_space<hbm>>
      tpu.wait_indirect_dma semaphore(%arg9 : memref<!tpu.dma_semaphore, #tpu.memory_space<semaphore_mem>>) src(%dma_wait3A_137 : memref<32000x384xi32, #tpu.memory_space<hbm>>) dst(%dma_wait3A_133 : memref<40x384xi32, #tpu.memory_space<vmem>>)
      %scan3A_138 = arith.constant 0 : i32
      %scan3A_139 = arith.constant 0 : i32
      %scan3A_140 = arith.constant 24 : i32
      %scan3A_141 = arith.addi %scan3A_139, %scan3A_140 : i32
      %scan3A_142 = arith.constant 1 : i32
      %scan3A_143 = scf.for %scan3A_165 = %scan3A_139 to %scan3A_141 step %scan3A_142 iter_args(%scan3A_166 = %scan3A_138) -> (i32)  : i32 {
        %mul3A_167 = arith.constant 16 : i32
        %mul3A_168 = arith.muli %scan3A_165, %mul3A_167 : i32
        %multiple_of3A_169 = tpu.assume_multiple %mul3A_168, 16 : i32
        %get3A = arith.constant 1 : i32
        %get3A_170 = arith.constant 0 : i32
        %get3A_171 = arith.index_cast %get3A : i32 to index
        %get3A_172 = arith.index_cast %get3A_170 : i32 to index
        %get3A_173 = arith.index_cast %multiple_of3A_169 : i32 to index
        %get3A_174 = tpu.vector_load %arg6[%get3A_171, %get3A_172, %get3A_173] {strides = array<i32>} : memref<2x40x384xi32, #tpu.memory_space<vmem>>, vector<16xi32>,
        %shift_left3A = arith.constant 16 : i32
        %shift_left3A_175 = vector.broadcast %shift_left3A : i32 to vector<16xi32>
        %shift_left3A_176 = arith.shli %get3A_174, %shift_left3A_175 : vector<16xi32>
        %bitcast3A = vector.bitcast %shift_left3A_176 : vector<16xi32> to vector<16xf32>
        %and3A = arith.constant -65536 : i32
        %and3A_177 = vector.broadcast %and3A : i32 to vector<16xi32>
        %and3A_178 = arith.andi %get3A_174, %and3A_177 : vector<16xi32>
        %bitcast3A_179 = vector.bitcast %and3A_178 : vector<16xi32> to vector<16xf32>
        %get3A_180 = arith.constant 1 : i32
        %get3A_181 = arith.constant 1 : i32
        %get3A_182 = arith.index_cast %get3A_180 : i32 to index
        %get3A_183 = arith.index_cast %get3A_181 : i32 to index
        %get3A_184 = arith.index_cast %multiple_of3A_169 : i32 to index
        %get3A_185 = tpu.vector_load %arg6[%get3A_182, %get3A_183, %get3A_184] {strides = array<i32>} : memref<2x40x384xi32, #tpu.memory_space<vmem>>, vector<16xi32>,
        %shift_left3A_186 = arith.constant 16 : i32
        %shift_left3A_187 = vector.broadcast %shift_left3A_186 : i32 to vector<16xi32>
        %shift_left3A_188 = arith.shli %get3A_185, %shift_left3A_187 : vector<16xi32>
        %bitcast3A_189 = vector.bitcast %shift_left3A_188 : vector<16xi32> to vector<16xf32>
        %and3A_190 = arith.constant -65536 : i32
        %and3A_191 = vector.broadcast %and3A_190 : i32 to vector<16xi32>
        %and3A_192 = arith.andi %get3A_185, %and3A_191 : vector<16xi32>
        %bitcast3A_193 = vector.bitcast %and3A_192 : vector<16xi32> to vector<16xf32>
        %get3A_194 = arith.constant 1 : i32
        %get3A_195 = arith.constant 2 : i32
        %get3A_196 = arith.index_cast %get3A_194 : i32 to index
        %get3A_197 = arith.index_cast %get3A_195 : i32 to index
        %get3A_198 = arith.index_cast %multiple_of3A_169 : i32 to index
        %get3A_199 = tpu.vector_load %arg6[%get3A_196, %get3A_197, %get3A_198] {strides = array<i32>} : memref<2x40x384xi32, #tpu.memory_space<vmem>>, vector<16xi32>,
        %shift_left3A_200 = arith.constant 16 : i32
        %shift_left3A_201 = vector.broadcast %shift_left3A_200 : i32 to vector<16xi32>
        %shift_left3A_202 = arith.shli %get3A_199, %shift_left3A_201 : vector<16xi32>
        %bitcast3A_203 = vector.bitcast %shift_left3A_202 : vector<16xi32> to vector<16xf32>
        %and3A_204 = arith.constant -65536 : i32
        %and3A_205 = vector.broadcast %and3A_204 : i32 to vector<16xi32>
        %and3A_206 = arith.andi %get3A_199, %and3A_205 : vector<16xi32>
        %bitcast3A_207 = vector.bitcast %and3A_206 : vector<16xi32> to vector<16xf32>
        %get3A_208 = arith.constant 1 : i32
        %get3A_209 = arith.constant 3 : i32
        %get3A_210 = arith.index_cast %get3A_208 : i32 to index
        %get3A_211 = arith.index_cast %get3A_209 : i32 to index
        %get3A_212 = arith.index_cast %multiple_of3A_169 : i32 to index
        %get3A_213 = tpu.vector_load %arg6[%get3A_210, %get3A_211, %get3A_212] {strides = array<i32>} : memref<2x40x384xi32, #tpu.memory_space<vmem>>, vector<16xi32>,
        %shift_left3A_214 = arith.constant 16 : i32
        %shift_left3A_215 = vector.broadcast %shift_left3A_214 : i32 to vector<16xi32>
        %shift_left3A_216 = arith.shli %get3A_213, %shift_left3A_215 : vector<16xi32>
        %bitcast3A_217 = vector.bitcast %shift_left3A_216 : vector<16xi32> to vector<16xf32>
        %and3A_218 = arith.constant -65536 : i32
        %and3A_219 = vector.broadcast %and3A_218 : i32 to vector<16xi32>
        %and3A_220 = arith.andi %get3A_213, %and3A_219 : vector<16xi32>
        %bitcast3A_221 = vector.bitcast %and3A_220 : vector<16xi32> to vector<16xf32>
        %get3A_222 = arith.constant 1 : i32
        %get3A_223 = arith.constant 4 : i32
        %get3A_224 = arith.index_cast %get3A_222 : i32 to index
        %get3A_225 = arith.index_cast %get3A_223 : i32 to index
        %get3A_226 = arith.index_cast %multiple_of3A_169 : i32 to index
        %get3A_227 = tpu.vector_load %arg6[%get3A_224, %get3A_225, %get3A_226] {strides = array<i32>} : memref<2x40x384xi32, #tpu.memory_space<vmem>>, vector<16xi32>,
        %shift_left3A_228 = arith.constant 16 : i32
        %shift_left3A_229 = vector.broadcast %shift_left3A_228 : i32 to vector<16xi32>
        %shift_left3A_230 = arith.shli %get3A_227, %shift_left3A_229 : vector<16xi32>
        %bitcast3A_231 = vector.bitcast %shift_left3A_230 : vector<16xi32> to vector<16xf32>
        %and3A_232 = arith.constant -65536 : i32
        %and3A_233 = vector.broadcast %and3A_232 : i32 to vector<16xi32>
        %and3A_234 = arith.andi %get3A_227, %and3A_233 : vector<16xi32>
        %bitcast3A_235 = vector.bitcast %and3A_234 : vector<16xi32> to vector<16xf32>
        %add3A_236 = arith.addf %bitcast3A, %bitcast3A_231 : vector<16xf32>
        %add3A_237 = arith.addf %bitcast3A_179, %bitcast3A_235 : vector<16xf32>
        %get3A_238 = arith.constant 1 : i32
        %get3A_239 = arith.constant 5 : i32
        %get3A_240 = arith.index_cast %get3A_238 : i32 to index
        %get3A_241 = arith.index_cast %get3A_239 : i32 to index
        %get3A_242 = arith.index_cast %multiple_of3A_169 : i32 to index
        %get3A_243 = tpu.vector_load %arg6[%get3A_240, %get3A_241, %get3A_242] {strides = array<i32>} : memref<2x40x384xi32, #tpu.memory_space<vmem>>, vector<16xi32>,
        %shift_left3A_244 = arith.constant 16 : i32
        %shift_left3A_245 = vector.broadcast %shift_left3A_244 : i32 to vector<16xi32>
        %shift_left3A_246 = arith.shli %get3A_243, %shift_left3A_245 : vector<16xi32>
        %bitcast3A_247 = vector.bitcast %shift_left3A_246 : vector<16xi32> to vector<16xf32>
        %and3A_248 = arith.constant -65536 : i32
        %and3A_249 = vector.broadcast %and3A_248 : i32 to vector<16xi32>
        %and3A_250 = arith.andi %get3A_243, %and3A_249 : vector<16xi32>
        %bitcast3A_251 = vector.bitcast %and3A_250 : vector<16xi32> to vector<16xf32>
        %add3A_252 = arith.addf %bitcast3A_189, %bitcast3A_247 : vector<16xf32>
        %add3A_253 = arith.addf %bitcast3A_193, %bitcast3A_251 : vector<16xf32>
        %get3A_254 = arith.constant 1 : i32
        %get3A_255 = arith.constant 6 : i32
        %get3A_256 = arith.index_cast %get3A_254 : i32 to index
        %get3A_257 = arith.index_cast %get3A_255 : i32 to index
        %get3A_258 = arith.index_cast %multiple_of3A_169 : i32 to index
        %get3A_259 = tpu.vector_load %arg6[%get3A_256, %get3A_257, %get3A_258] {strides = array<i32>} : memref<2x40x384xi32, #tpu.memory_space<vmem>>, vector<16xi32>,
        %shift_left3A_260 = arith.constant 16 : i32
        %shift_left3A_261 = vector.broadcast %shift_left3A_260 : i32 to vector<16xi32>
        %shift_left3A_262 = arith.shli %get3A_259, %shift_left3A_261 : vector<16xi32>
        %bitcast3A_263 = vector.bitcast %shift_left3A_262 : vector<16xi32> to vector<16xf32>
        %and3A_264 = arith.constant -65536 : i32
        %and3A_265 = vector.broadcast %and3A_264 : i32 to vector<16xi32>
        %and3A_266 = arith.andi %get3A_259, %and3A_265 : vector<16xi32>
        %bitcast3A_267 = vector.bitcast %and3A_266 : vector<16xi32> to vector<16xf32>
        %add3A_268 = arith.addf %bitcast3A_203, %bitcast3A_263 : vector<16xf32>
        %add3A_269 = arith.addf %bitcast3A_207, %bitcast3A_267 : vector<16xf32>
        %get3A_270 = arith.constant 1 : i32
        %get3A_271 = arith.constant 7 : i32
        %get3A_272 = arith.index_cast %get3A_270 : i32 to index
        %get3A_273 = arith.index_cast %get3A_271 : i32 to index
        %get3A_274 = arith.index_cast %multiple_of3A_169 : i32 to index
        %get3A_275 = tpu.vector_load %arg6[%get3A_272, %get3A_273, %get3A_274] {strides = array<i32>} : memref<2x40x384xi32, #tpu.memory_space<vmem>>, vector<16xi32>,
        %shift_left3A_276 = arith.constant 16 : i32
        %shift_left3A_277 = vector.broadcast %shift_left3A_276 : i32 to vector<16xi32>
        %shift_left3A_278 = arith.shli %get3A_275, %shift_left3A_277 : vector<16xi32>
        %bitcast3A_279 = vector.bitcast %shift_left3A_278 : vector<16xi32> to vector<16xf32>
        %and3A_280 = arith.constant -65536 : i32
        %and3A_281 = vector.broadcast %and3A_280 : i32 to vector<16xi32>
        %and3A_282 = arith.andi %get3A_275, %and3A_281 : vector<16xi32>
        %bitcast3A_283 = vector.bitcast %and3A_282 : vector<16xi32> to vector<16xf32>
        %add3A_284 = arith.addf %bitcast3A_217, %bitcast3A_279 : vector<16xf32>
        %add3A_285 = arith.addf %bitcast3A_221, %bitcast3A_283 : vector<16xf32>
        %get3A_286 = arith.constant 1 : i32
        %get3A_287 = arith.constant 8 : i32
        %get3A_288 = arith.index_cast %get3A_286 : i32 to index
        %get3A_289 = arith.index_cast %get3A_287 : i32 to index
        %get3A_290 = arith.index_cast %multiple_of3A_169 : i32 to index
        %get3A_291 = tpu.vector_load %arg6[%get3A_288, %get3A_289, %get3A_290] {strides = array<i32>} : memref<2x40x384xi32, #tpu.memory_space<vmem>>, vector<16xi32>,
        %shift_left3A_292 = arith.constant 16 : i32
        %shift_left3A_293 = vector.broadcast %shift_left3A_292 : i32 to vector<16xi32>
        %shift_left3A_294 = arith.shli %get3A_291, %shift_left3A_293 : vector<16xi32>
        %bitcast3A_295 = vector.bitcast %shift_left3A_294 : vector<16xi32> to vector<16xf32>
        %and3A_296 = arith.constant -65536 : i32
        %and3A_297 = vector.broadcast %and3A_296 : i32 to vector<16xi32>
        %and3A_298 = arith.andi %get3A_291, %and3A_297 : vector<16xi32>
        %bitcast3A_299 = vector.bitcast %and3A_298 : vector<16xi32> to vector<16xf32>
        %add3A_300 = arith.addf %add3A_236, %bitcast3A_295 : vector<16xf32>
        %add3A_301 = arith.addf %add3A_237, %bitcast3A_299 : vector<16xf32>
        %get3A_302 = arith.constant 1 : i32
        %get3A_303 = arith.constant 9 : i32
        %get3A_304 = arith.index_cast %get3A_302 : i32 to index
        %get3A_305 = arith.index_cast %get3A_303 : i32 to index
        %get3A_306 = arith.index_cast %multiple_of3A_169 : i32 to index
        %get3A_307 = tpu.vector_load %arg6[%get3A_304, %get3A_305, %get3A_306] {strides = array<i32>} : memref<2x40x384xi32, #tpu.memory_space<vmem>>, vector<16xi32>,
        %shift_left3A_308 = arith.constant 16 : i32
        %shift_left3A_309 = vector.broadcast %shift_left3A_308 : i32 to vector<16xi32>
        %shift_left3A_310 = arith.shli %get3A_307, %shift_left3A_309 : vector<16xi32>
        %bitcast3A_311 = vector.bitcast %shift_left3A_310 : vector<16xi32> to vector<16xf32>
        %and3A_312 = arith.constant -65536 : i32
        %and3A_313 = vector.broadcast %and3A_312 : i32 to vector<16xi32>
        %and3A_314 = arith.andi %get3A_307, %and3A_313 : vector<16xi32>
        %bitcast3A_315 = vector.bitcast %and3A_314 : vector<16xi32> to vector<16xf32>
        %add3A_316 = arith.addf %add3A_252, %bitcast3A_311 : vector<16xf32>
        %add3A_317 = arith.addf %add3A_253, %bitcast3A_315 : vector<16xf32>
        %get3A_318 = arith.constant 1 : i32
        %get3A_319 = arith.constant 10 : i32
        %get3A_320 = arith.index_cast %get3A_318 : i32 to index
        %get3A_321 = arith.index_cast %get3A_319 : i32 to index
        %get3A_322 = arith.index_cast %multiple_of3A_169 : i32 to index
        %get3A_323 = tpu.vector_load %arg6[%get3A_320, %get3A_321, %get3A_322] {strides = array<i32>} : memref<2x40x384xi32, #tpu.memory_space<vmem>>, vector<16xi32>,
        %shift_left3A_324 = arith.constant 16 : i32
        %shift_left3A_325 = vector.broadcast %shift_left3A_324 : i32 to vector<16xi32>
        %shift_left3A_326 = arith.shli %get3A_323, %shift_left3A_325 : vector<16xi32>
        %bitcast3A_327 = vector.bitcast %shift_left3A_326 : vector<16xi32> to vector<16xf32>
        %and3A_328 = arith.constant -65536 : i32
        %and3A_329 = vector.broadcast %and3A_328 : i32 to vector<16xi32>
        %and3A_330 = arith.andi %get3A_323, %and3A_329 : vector<16xi32>
        %bitcast3A_331 = vector.bitcast %and3A_330 : vector<16xi32> to vector<16xf32>
        %add3A_332 = arith.addf %add3A_268, %bitcast3A_327 : vector<16xf32>
        %add3A_333 = arith.addf %add3A_269, %bitcast3A_331 : vector<16xf32>
        %get3A_334 = arith.constant 1 : i32
        %get3A_335 = arith.constant 11 : i32
        %get3A_336 = arith.index_cast %get3A_334 : i32 to index
        %get3A_337 = arith.index_cast %get3A_335 : i32 to index
        %get3A_338 = arith.index_cast %multiple_of3A_169 : i32 to index
        %get3A_339 = tpu.vector_load %arg6[%get3A_336, %get3A_337, %get3A_338] {strides = array<i32>} : memref<2x40x384xi32, #tpu.memory_space<vmem>>, vector<16xi32>,
        %shift_left3A_340 = arith.constant 16 : i32
        %shift_left3A_341 = vector.broadcast %shift_left3A_340 : i32 to vector<16xi32>
        %shift_left3A_342 = arith.shli %get3A_339, %shift_left3A_341 : vector<16xi32>
        %bitcast3A_343 = vector.bitcast %shift_left3A_342 : vector<16xi32> to vector<16xf32>
        %and3A_344 = arith.constant -65536 : i32
        %and3A_345 = vector.broadcast %and3A_344 : i32 to vector<16xi32>
        %and3A_346 = arith.andi %get3A_339, %and3A_345 : vector<16xi32>
        %bitcast3A_347 = vector.bitcast %and3A_346 : vector<16xi32> to vector<16xf32>
        %add3A_348 = arith.addf %add3A_284, %bitcast3A_343 : vector<16xf32>
        %add3A_349 = arith.addf %add3A_285, %bitcast3A_347 : vector<16xf32>
        %get3A_350 = arith.constant 1 : i32
        %get3A_351 = arith.constant 12 : i32
        %get3A_352 = arith.index_cast %get3A_350 : i32 to index
        %get3A_353 = arith.index_cast %get3A_351 : i32 to index
        %get3A_354 = arith.index_cast %multiple_of3A_169 : i32 to index
        %get3A_355 = tpu.vector_load %arg6[%get3A_352, %get3A_353, %get3A_354] {strides = array<i32>} : memref<2x40x384xi32, #tpu.memory_space<vmem>>, vector<16xi32>,
        %shift_left3A_356 = arith.constant 16 : i32
        %shift_left3A_357 = vector.broadcast %shift_left3A_356 : i32 to vector<16xi32>
        %shift_left3A_358 = arith.shli %get3A_355, %shift_left3A_357 : vector<16xi32>
        %bitcast3A_359 = vector.bitcast %shift_left3A_358 : vector<16xi32> to vector<16xf32>
        %and3A_360 = arith.constant -65536 : i32
        %and3A_361 = vector.broadcast %and3A_360 : i32 to vector<16xi32>
        %and3A_362 = arith.andi %get3A_355, %and3A_361 : vector<16xi32>
        %bitcast3A_363 = vector.bitcast %and3A_362 : vector<16xi32> to vector<16xf32>
        %add3A_364 = arith.addf %add3A_300, %bitcast3A_359 : vector<16xf32>
        %add3A_365 = arith.addf %add3A_301, %bitcast3A_363 : vector<16xf32>
        %get3A_366 = arith.constant 1 : i32
        %get3A_367 = arith.constant 13 : i32
        %get3A_368 = arith.index_cast %get3A_366 : i32 to index
        %get3A_369 = arith.index_cast %get3A_367 : i32 to index
        %get3A_370 = arith.index_cast %multiple_of3A_169 : i32 to index
        %get3A_371 = tpu.vector_load %arg6[%get3A_368, %get3A_369, %get3A_370] {strides = array<i32>} : memref<2x40x384xi32, #tpu.memory_space<vmem>>, vector<16xi32>,
        %shift_left3A_372 = arith.constant 16 : i32
        %shift_left3A_373 = vector.broadcast %shift_left3A_372 : i32 to vector<16xi32>
        %shift_left3A_374 = arith.shli %get3A_371, %shift_left3A_373 : vector<16xi32>
        %bitcast3A_375 = vector.bitcast %shift_left3A_374 : vector<16xi32> to vector<16xf32>
        %and3A_376 = arith.constant -65536 : i32
        %and3A_377 = vector.broadcast %and3A_376 : i32 to vector<16xi32>
        %and3A_378 = arith.andi %get3A_371, %and3A_377 : vector<16xi32>
        %bitcast3A_379 = vector.bitcast %and3A_378 : vector<16xi32> to vector<16xf32>
        %add3A_380 = arith.addf %add3A_316, %bitcast3A_375 : vector<16xf32>
        %add3A_381 = arith.addf %add3A_317, %bitcast3A_379 : vector<16xf32>
        %get3A_382 = arith.constant 1 : i32
        %get3A_383 = arith.constant 14 : i32
        %get3A_384 = arith.index_cast %get3A_382 : i32 to index
        %get3A_385 = arith.index_cast %get3A_383 : i32 to index
        %get3A_386 = arith.index_cast %multiple_of3A_169 : i32 to index
        %get3A_387 = tpu.vector_load %arg6[%get3A_384, %get3A_385, %get3A_386] {strides = array<i32>} : memref<2x40x384xi32, #tpu.memory_space<vmem>>, vector<16xi32>,
        %shift_left3A_388 = arith.constant 16 : i32
        %shift_left3A_389 = vector.broadcast %shift_left3A_388 : i32 to vector<16xi32>
        %shift_left3A_390 = arith.shli %get3A_387, %shift_left3A_389 : vector<16xi32>
        %bitcast3A_391 = vector.bitcast %shift_left3A_390 : vector<16xi32> to vector<16xf32>
        %and3A_392 = arith.constant -65536 : i32
        %and3A_393 = vector.broadcast %and3A_392 : i32 to vector<16xi32>
        %and3A_394 = arith.andi %get3A_387, %and3A_393 : vector<16xi32>
        %bitcast3A_395 = vector.bitcast %and3A_394 : vector<16xi32> to vector<16xf32>
        %add3A_396 = arith.addf %add3A_332, %bitcast3A_391 : vector<16xf32>
        %add3A_397 = arith.addf %add3A_333, %bitcast3A_395 : vector<16xf32>
        %get3A_398 = arith.constant 1 : i32
        %get3A_399 = arith.constant 15 : i32
        %get3A_400 = arith.index_cast %get3A_398 : i32 to index
        %get3A_401 = arith.index_cast %get3A_399 : i32 to index
        %get3A_402 = arith.index_cast %multiple_of3A_169 : i32 to index
        %get3A_403 = tpu.vector_load %arg6[%get3A_400, %get3A_401, %get3A_402] {strides = array<i32>} : memref<2x40x384xi32, #tpu.memory_space<vmem>>, vector<16xi32>,
        %shift_left3A_404 = arith.constant 16 : i32
        %shift_left3A_405 = vector.broadcast %shift_left3A_404 : i32 to vector<16xi32>
        %shift_left3A_406 = arith.shli %get3A_403, %shift_left3A_405 : vector<16xi32>
        %bitcast3A_407 = vector.bitcast %shift_left3A_406 : vector<16xi32> to vector<16xf32>
        %and3A_408 = arith.constant -65536 : i32
        %and3A_409 = vector.broadcast %and3A_408 : i32 to vector<16xi32>
        %and3A_410 = arith.andi %get3A_403, %and3A_409 : vector<16xi32>
        %bitcast3A_411 = vector.bitcast %and3A_410 : vector<16xi32> to vector<16xf32>
        %add3A_412 = arith.addf %add3A_348, %bitcast3A_407 : vector<16xf32>
        %add3A_413 = arith.addf %add3A_349, %bitcast3A_411 : vector<16xf32>
        %get3A_414 = arith.constant 1 : i32
        %get3A_415 = arith.constant 16 : i32
        %get3A_416 = arith.index_cast %get3A_414 : i32 to index
        %get3A_417 = arith.index_cast %get3A_415 : i32 to index
        %get3A_418 = arith.index_cast %multiple_of3A_169 : i32 to index
        %get3A_419 = tpu.vector_load %arg6[%get3A_416, %get3A_417, %get3A_418] {strides = array<i32>} : memref<2x40x384xi32, #tpu.memory_space<vmem>>, vector<16xi32>,
        %shift_left3A_420 = arith.constant 16 : i32
        %shift_left3A_421 = vector.broadcast %shift_left3A_420 : i32 to vector<16xi32>
        %shift_left3A_422 = arith.shli %get3A_419, %shift_left3A_421 : vector<16xi32>
        %bitcast3A_423 = vector.bitcast %shift_left3A_422 : vector<16xi32> to vector<16xf32>
        %and3A_424 = arith.constant -65536 : i32
        %and3A_425 = vector.broadcast %and3A_424 : i32 to vector<16xi32>
        %and3A_426 = arith.andi %get3A_419, %and3A_425 : vector<16xi32>
        %bitcast3A_427 = vector.bitcast %and3A_426 : vector<16xi32> to vector<16xf32>
        %add3A_428 = arith.addf %add3A_364, %bitcast3A_423 : vector<16xf32>
        %add3A_429 = arith.addf %add3A_365, %bitcast3A_427 : vector<16xf32>
        %get3A_430 = arith.constant 1 : i32
        %get3A_431 = arith.constant 17 : i32
        %get3A_432 = arith.index_cast %get3A_430 : i32 to index
        %get3A_433 = arith.index_cast %get3A_431 : i32 to index
        %get3A_434 = arith.index_cast %multiple_of3A_169 : i32 to index
        %get3A_435 = tpu.vector_load %arg6[%get3A_432, %get3A_433, %get3A_434] {strides = array<i32>} : memref<2x40x384xi32, #tpu.memory_space<vmem>>, vector<16xi32>,
        %shift_left3A_436 = arith.constant 16 : i32
        %shift_left3A_437 = vector.broadcast %shift_left3A_436 : i32 to vector<16xi32>
        %shift_left3A_438 = arith.shli %get3A_435, %shift_left3A_437 : vector<16xi32>
        %bitcast3A_439 = vector.bitcast %shift_left3A_438 : vector<16xi32> to vector<16xf32>
        %and3A_440 = arith.constant -65536 : i32
        %and3A_441 = vector.broadcast %and3A_440 : i32 to vector<16xi32>
        %and3A_442 = arith.andi %get3A_435, %and3A_441 : vector<16xi32>
        %bitcast3A_443 = vector.bitcast %and3A_442 : vector<16xi32> to vector<16xf32>
        %add3A_444 = arith.addf %add3A_380, %bitcast3A_439 : vector<16xf32>
        %add3A_445 = arith.addf %add3A_381, %bitcast3A_443 : vector<16xf32>
        %get3A_446 = arith.constant 1 : i32
        %get3A_447 = arith.constant 18 : i32
        %get3A_448 = arith.index_cast %get3A_446 : i32 to index
        %get3A_449 = arith.index_cast %get3A_447 : i32 to index
        %get3A_450 = arith.index_cast %multiple_of3A_169 : i32 to index
        %get3A_451 = tpu.vector_load %arg6[%get3A_448, %get3A_449, %get3A_450] {strides = array<i32>} : memref<2x40x384xi32, #tpu.memory_space<vmem>>, vector<16xi32>,
        %shift_left3A_452 = arith.constant 16 : i32
        %shift_left3A_453 = vector.broadcast %shift_left3A_452 : i32 to vector<16xi32>
        %shift_left3A_454 = arith.shli %get3A_451, %shift_left3A_453 : vector<16xi32>
        %bitcast3A_455 = vector.bitcast %shift_left3A_454 : vector<16xi32> to vector<16xf32>
        %and3A_456 = arith.constant -65536 : i32
        %and3A_457 = vector.broadcast %and3A_456 : i32 to vector<16xi32>
        %and3A_458 = arith.andi %get3A_451, %and3A_457 : vector<16xi32>
        %bitcast3A_459 = vector.bitcast %and3A_458 : vector<16xi32> to vector<16xf32>
        %add3A_460 = arith.addf %add3A_396, %bitcast3A_455 : vector<16xf32>
        %add3A_461 = arith.addf %add3A_397, %bitcast3A_459 : vector<16xf32>
        %get3A_462 = arith.constant 1 : i32
        %get3A_463 = arith.constant 19 : i32
        %get3A_464 = arith.index_cast %get3A_462 : i32 to index
        %get3A_465 = arith.index_cast %get3A_463 : i32 to index
        %get3A_466 = arith.index_cast %multiple_of3A_169 : i32 to index
        %get3A_467 = tpu.vector_load %arg6[%get3A_464, %get3A_465, %get3A_466] {strides = array<i32>} : memref<2x40x384xi32, #tpu.memory_space<vmem>>, vector<16xi32>,
        %shift_left3A_468 = arith.constant 16 : i32
        %shift_left3A_469 = vector.broadcast %shift_left3A_468 : i32 to vector<16xi32>
        %shift_left3A_470 = arith.shli %get3A_467, %shift_left3A_469 : vector<16xi32>
        %bitcast3A_471 = vector.bitcast %shift_left3A_470 : vector<16xi32> to vector<16xf32>
        %and3A_472 = arith.constant -65536 : i32
        %and3A_473 = vector.broadcast %and3A_472 : i32 to vector<16xi32>
        %and3A_474 = arith.andi %get3A_467, %and3A_473 : vector<16xi32>
        %bitcast3A_475 = vector.bitcast %and3A_474 : vector<16xi32> to vector<16xf32>
        %add3A_476 = arith.addf %add3A_412, %bitcast3A_471 : vector<16xf32>
        %add3A_477 = arith.addf %add3A_413, %bitcast3A_475 : vector<16xf32>
        %get3A_478 = arith.constant 1 : i32
        %get3A_479 = arith.constant 20 : i32
        %get3A_480 = arith.index_cast %get3A_478 : i32 to index
        %get3A_481 = arith.index_cast %get3A_479 : i32 to index
        %get3A_482 = arith.index_cast %multiple_of3A_169 : i32 to index
        %get3A_483 = tpu.vector_load %arg6[%get3A_480, %get3A_481, %get3A_482] {strides = array<i32>} : memref<2x40x384xi32, #tpu.memory_space<vmem>>, vector<16xi32>,
        %shift_left3A_484 = arith.constant 16 : i32
        %shift_left3A_485 = vector.broadcast %shift_left3A_484 : i32 to vector<16xi32>
        %shift_left3A_486 = arith.shli %get3A_483, %shift_left3A_485 : vector<16xi32>
        %bitcast3A_487 = vector.bitcast %shift_left3A_486 : vector<16xi32> to vector<16xf32>
        %and3A_488 = arith.constant -65536 : i32
        %and3A_489 = vector.broadcast %and3A_488 : i32 to vector<16xi32>
        %and3A_490 = arith.andi %get3A_483, %and3A_489 : vector<16xi32>
        %bitcast3A_491 = vector.bitcast %and3A_490 : vector<16xi32> to vector<16xf32>
        %add3A_492 = arith.addf %add3A_428, %bitcast3A_487 : vector<16xf32>
        %add3A_493 = arith.addf %add3A_429, %bitcast3A_491 : vector<16xf32>
        %get3A_494 = arith.constant 1 : i32
        %get3A_495 = arith.constant 21 : i32
        %get3A_496 = arith.index_cast %get3A_494 : i32 to index
        %get3A_497 = arith.index_cast %get3A_495 : i32 to index
        %get3A_498 = arith.index_cast %multiple_of3A_169 : i32 to index
        %get3A_499 = tpu.vector_load %arg6[%get3A_496, %get3A_497, %get3A_498] {strides = array<i32>} : memref<2x40x384xi32, #tpu.memory_space<vmem>>, vector<16xi32>,
        %shift_left3A_500 = arith.constant 16 : i32
        %shift_left3A_501 = vector.broadcast %shift_left3A_500 : i32 to vector<16xi32>
        %shift_left3A_502 = arith.shli %get3A_499, %shift_left3A_501 : vector<16xi32>
        %bitcast3A_503 = vector.bitcast %shift_left3A_502 : vector<16xi32> to vector<16xf32>
        %and3A_504 = arith.constant -65536 : i32
        %and3A_505 = vector.broadcast %and3A_504 : i32 to vector<16xi32>
        %and3A_506 = arith.andi %get3A_499, %and3A_505 : vector<16xi32>
        %bitcast3A_507 = vector.bitcast %and3A_506 : vector<16xi32> to vector<16xf32>
        %add3A_508 = arith.addf %add3A_444, %bitcast3A_503 : vector<16xf32>
        %add3A_509 = arith.addf %add3A_445, %bitcast3A_507 : vector<16xf32>
        %get3A_510 = arith.constant 1 : i32
        %get3A_511 = arith.constant 22 : i32
        %get3A_512 = arith.index_cast %get3A_510 : i32 to index
        %get3A_513 = arith.index_cast %get3A_511 : i32 to index
        %get3A_514 = arith.index_cast %multiple_of3A_169 : i32 to index
        %get3A_515 = tpu.vector_load %arg6[%get3A_512, %get3A_513, %get3A_514] {strides = array<i32>} : memref<2x40x384xi32, #tpu.memory_space<vmem>>, vector<16xi32>,
        %shift_left3A_516 = arith.constant 16 : i32
        %shift_left3A_517 = vector.broadcast %shift_left3A_516 : i32 to vector<16xi32>
        %shift_left3A_518 = arith.shli %get3A_515, %shift_left3A_517 : vector<16xi32>
        %bitcast3A_519 = vector.bitcast %shift_left3A_518 : vector<16xi32> to vector<16xf32>
        %and3A_520 = arith.constant -65536 : i32
        %and3A_521 = vector.broadcast %and3A_520 : i32 to vector<16xi32>
        %and3A_522 = arith.andi %get3A_515, %and3A_521 : vector<16xi32>
        %bitcast3A_523 = vector.bitcast %and3A_522 : vector<16xi32> to vector<16xf32>
        %add3A_524 = arith.addf %add3A_460, %bitcast3A_519 : vector<16xf32>
        %add3A_525 = arith.addf %add3A_461, %bitcast3A_523 : vector<16xf32>
        %get3A_526 = arith.constant 1 : i32
        %get3A_527 = arith.constant 23 : i32
        %get3A_528 = arith.index_cast %get3A_526 : i32 to index
        %get3A_529 = arith.index_cast %get3A_527 : i32 to index
        %get3A_530 = arith.index_cast %multiple_of3A_169 : i32 to index
        %get3A_531 = tpu.vector_load %arg6[%get3A_528, %get3A_529, %get3A_530] {strides = array<i32>} : memref<2x40x384xi32, #tpu.memory_space<vmem>>, vector<16xi32>,
        %shift_left3A_532 = arith.constant 16 : i32
        %shift_left3A_533 = vector.broadcast %shift_left3A_532 : i32 to vector<16xi32>
        %shift_left3A_534 = arith.shli %get3A_531, %shift_left3A_533 : vector<16xi32>
        %bitcast3A_535 = vector.bitcast %shift_left3A_534 : vector<16xi32> to vector<16xf32>
        %and3A_536 = arith.constant -65536 : i32
        %and3A_537 = vector.broadcast %and3A_536 : i32 to vector<16xi32>
        %and3A_538 = arith.andi %get3A_531, %and3A_537 : vector<16xi32>
        %bitcast3A_539 = vector.bitcast %and3A_538 : vector<16xi32> to vector<16xf32>
        %add3A_540 = arith.addf %add3A_476, %bitcast3A_535 : vector<16xf32>
        %add3A_541 = arith.addf %add3A_477, %bitcast3A_539 : vector<16xf32>
        %get3A_542 = arith.constant 1 : i32
        %get3A_543 = arith.constant 24 : i32
        %get3A_544 = arith.index_cast %get3A_542 : i32 to index
        %get3A_545 = arith.index_cast %get3A_543 : i32 to index
        %get3A_546 = arith.index_cast %multiple_of3A_169 : i32 to index
        %get3A_547 = tpu.vector_load %arg6[%get3A_544, %get3A_545, %get3A_546] {strides = array<i32>} : memref<2x40x384xi32, #tpu.memory_space<vmem>>, vector<16xi32>,
        %shift_left3A_548 = arith.constant 16 : i32
        %shift_left3A_549 = vector.broadcast %shift_left3A_548 : i32 to vector<16xi32>
        %shift_left3A_550 = arith.shli %get3A_547, %shift_left3A_549 : vector<16xi32>
        %bitcast3A_551 = vector.bitcast %shift_left3A_550 : vector<16xi32> to vector<16xf32>
        %and3A_552 = arith.constant -65536 : i32
        %and3A_553 = vector.broadcast %and3A_552 : i32 to vector<16xi32>
        %and3A_554 = arith.andi %get3A_547, %and3A_553 : vector<16xi32>
        %bitcast3A_555 = vector.bitcast %and3A_554 : vector<16xi32> to vector<16xf32>
        %add3A_556 = arith.addf %add3A_492, %bitcast3A_551 : vector<16xf32>
        %add3A_557 = arith.addf %add3A_493, %bitcast3A_555 : vector<16xf32>
        %get3A_558 = arith.constant 1 : i32
        %get3A_559 = arith.constant 25 : i32
        %get3A_560 = arith.index_cast %get3A_558 : i32 to index
        %get3A_561 = arith.index_cast %get3A_559 : i32 to index
        %get3A_562 = arith.index_cast %multiple_of3A_169 : i32 to index
        %get3A_563 = tpu.vector_load %arg6[%get3A_560, %get3A_561, %get3A_562] {strides = array<i32>} : memref<2x40x384xi32, #tpu.memory_space<vmem>>, vector<16xi32>,
        %shift_left3A_564 = arith.constant 16 : i32
        %shift_left3A_565 = vector.broadcast %shift_left3A_564 : i32 to vector<16xi32>
        %shift_left3A_566 = arith.shli %get3A_563, %shift_left3A_565 : vector<16xi32>
        %bitcast3A_567 = vector.bitcast %shift_left3A_566 : vector<16xi32> to vector<16xf32>
        %and3A_568 = arith.constant -65536 : i32
        %and3A_569 = vector.broadcast %and3A_568 : i32 to vector<16xi32>
        %and3A_570 = arith.andi %get3A_563, %and3A_569 : vector<16xi32>
        %bitcast3A_571 = vector.bitcast %and3A_570 : vector<16xi32> to vector<16xf32>
        %add3A_572 = arith.addf %add3A_508, %bitcast3A_567 : vector<16xf32>
        %add3A_573 = arith.addf %add3A_509, %bitcast3A_571 : vector<16xf32>
        %get3A_574 = arith.constant 1 : i32
        %get3A_575 = arith.constant 26 : i32
        %get3A_576 = arith.index_cast %get3A_574 : i32 to index
        %get3A_577 = arith.index_cast %get3A_575 : i32 to index
        %get3A_578 = arith.index_cast %multiple_of3A_169 : i32 to index
        %get3A_579 = tpu.vector_load %arg6[%get3A_576, %get3A_577, %get3A_578] {strides = array<i32>} : memref<2x40x384xi32, #tpu.memory_space<vmem>>, vector<16xi32>,
        %shift_left3A_580 = arith.constant 16 : i32
        %shift_left3A_581 = vector.broadcast %shift_left3A_580 : i32 to vector<16xi32>
        %shift_left3A_582 = arith.shli %get3A_579, %shift_left3A_581 : vector<16xi32>
        %bitcast3A_583 = vector.bitcast %shift_left3A_582 : vector<16xi32> to vector<16xf32>
        %and3A_584 = arith.constant -65536 : i32
        %and3A_585 = vector.broadcast %and3A_584 : i32 to vector<16xi32>
        %and3A_586 = arith.andi %get3A_579, %and3A_585 : vector<16xi32>
        %bitcast3A_587 = vector.bitcast %and3A_586 : vector<16xi32> to vector<16xf32>
        %add3A_588 = arith.addf %add3A_524, %bitcast3A_583 : vector<16xf32>
        %add3A_589 = arith.addf %add3A_525, %bitcast3A_587 : vector<16xf32>
        %get3A_590 = arith.constant 1 : i32
        %get3A_591 = arith.constant 27 : i32
        %get3A_592 = arith.index_cast %get3A_590 : i32 to index
        %get3A_593 = arith.index_cast %get3A_591 : i32 to index
        %get3A_594 = arith.index_cast %multiple_of3A_169 : i32 to index
        %get3A_595 = tpu.vector_load %arg6[%get3A_592, %get3A_593, %get3A_594] {strides = array<i32>} : memref<2x40x384xi32, #tpu.memory_space<vmem>>, vector<16xi32>,
        %shift_left3A_596 = arith.constant 16 : i32
        %shift_left3A_597 = vector.broadcast %shift_left3A_596 : i32 to vector<16xi32>
        %shift_left3A_598 = arith.shli %get3A_595, %shift_left3A_597 : vector<16xi32>
        %bitcast3A_599 = vector.bitcast %shift_left3A_598 : vector<16xi32> to vector<16xf32>
        %and3A_600 = arith.constant -65536 : i32
        %and3A_601 = vector.broadcast %and3A_600 : i32 to vector<16xi32>
        %and3A_602 = arith.andi %get3A_595, %and3A_601 : vector<16xi32>
        %bitcast3A_603 = vector.bitcast %and3A_602 : vector<16xi32> to vector<16xf32>
        %add3A_604 = arith.addf %add3A_540, %bitcast3A_599 : vector<16xf32>
        %add3A_605 = arith.addf %add3A_541, %bitcast3A_603 : vector<16xf32>
        %get3A_606 = arith.constant 1 : i32
        %get3A_607 = arith.constant 28 : i32
        %get3A_608 = arith.index_cast %get3A_606 : i32 to index
        %get3A_609 = arith.index_cast %get3A_607 : i32 to index
        %get3A_610 = arith.index_cast %multiple_of3A_169 : i32 to index
        %get3A_611 = tpu.vector_load %arg6[%get3A_608, %get3A_609, %get3A_610] {strides = array<i32>} : memref<2x40x384xi32, #tpu.memory_space<vmem>>, vector<16xi32>,
        %shift_left3A_612 = arith.constant 16 : i32
        %shift_left3A_613 = vector.broadcast %shift_left3A_612 : i32 to vector<16xi32>
        %shift_left3A_614 = arith.shli %get3A_611, %shift_left3A_613 : vector<16xi32>
        %bitcast3A_615 = vector.bitcast %shift_left3A_614 : vector<16xi32> to vector<16xf32>
        %and3A_616 = arith.constant -65536 : i32
        %and3A_617 = vector.broadcast %and3A_616 : i32 to vector<16xi32>
        %and3A_618 = arith.andi %get3A_611, %and3A_617 : vector<16xi32>
        %bitcast3A_619 = vector.bitcast %and3A_618 : vector<16xi32> to vector<16xf32>
        %add3A_620 = arith.addf %add3A_556, %bitcast3A_615 : vector<16xf32>
        %add3A_621 = arith.addf %add3A_557, %bitcast3A_619 : vector<16xf32>
        %get3A_622 = arith.constant 1 : i32
        %get3A_623 = arith.constant 29 : i32
        %get3A_624 = arith.index_cast %get3A_622 : i32 to index
        %get3A_625 = arith.index_cast %get3A_623 : i32 to index
        %get3A_626 = arith.index_cast %multiple_of3A_169 : i32 to index
        %get3A_627 = tpu.vector_load %arg6[%get3A_624, %get3A_625, %get3A_626] {strides = array<i32>} : memref<2x40x384xi32, #tpu.memory_space<vmem>>, vector<16xi32>,
        %shift_left3A_628 = arith.constant 16 : i32
        %shift_left3A_629 = vector.broadcast %shift_left3A_628 : i32 to vector<16xi32>
        %shift_left3A_630 = arith.shli %get3A_627, %shift_left3A_629 : vector<16xi32>
        %bitcast3A_631 = vector.bitcast %shift_left3A_630 : vector<16xi32> to vector<16xf32>
        %and3A_632 = arith.constant -65536 : i32
        %and3A_633 = vector.broadcast %and3A_632 : i32 to vector<16xi32>
        %and3A_634 = arith.andi %get3A_627, %and3A_633 : vector<16xi32>
        %bitcast3A_635 = vector.bitcast %and3A_634 : vector<16xi32> to vector<16xf32>
        %add3A_636 = arith.addf %add3A_572, %bitcast3A_631 : vector<16xf32>
        %add3A_637 = arith.addf %add3A_573, %bitcast3A_635 : vector<16xf32>
        %get3A_638 = arith.constant 1 : i32
        %get3A_639 = arith.constant 30 : i32
        %get3A_640 = arith.index_cast %get3A_638 : i32 to index
        %get3A_641 = arith.index_cast %get3A_639 : i32 to index
        %get3A_642 = arith.index_cast %multiple_of3A_169 : i32 to index
        %get3A_643 = tpu.vector_load %arg6[%get3A_640, %get3A_641, %get3A_642] {strides = array<i32>} : memref<2x40x384xi32, #tpu.memory_space<vmem>>, vector<16xi32>,
        %shift_left3A_644 = arith.constant 16 : i32
        %shift_left3A_645 = vector.broadcast %shift_left3A_644 : i32 to vector<16xi32>
        %shift_left3A_646 = arith.shli %get3A_643, %shift_left3A_645 : vector<16xi32>
        %bitcast3A_647 = vector.bitcast %shift_left3A_646 : vector<16xi32> to vector<16xf32>
        %and3A_648 = arith.constant -65536 : i32
        %and3A_649 = vector.broadcast %and3A_648 : i32 to vector<16xi32>
        %and3A_650 = arith.andi %get3A_643, %and3A_649 : vector<16xi32>
        %bitcast3A_651 = vector.bitcast %and3A_650 : vector<16xi32> to vector<16xf32>
        %add3A_652 = arith.addf %add3A_588, %bitcast3A_647 : vector<16xf32>
        %add3A_653 = arith.addf %add3A_589, %bitcast3A_651 : vector<16xf32>
        %get3A_654 = arith.constant 1 : i32
        %get3A_655 = arith.constant 31 : i32
        %get3A_656 = arith.index_cast %get3A_654 : i32 to index
        %get3A_657 = arith.index_cast %get3A_655 : i32 to index
        %get3A_658 = arith.index_cast %multiple_of3A_169 : i32 to index
        %get3A_659 = tpu.vector_load %arg6[%get3A_656, %get3A_657, %get3A_658] {strides = array<i32>} : memref<2x40x384xi32, #tpu.memory_space<vmem>>, vector<16xi32>,
        %shift_left3A_660 = arith.constant 16 : i32
        %shift_left3A_661 = vector.broadcast %shift_left3A_660 : i32 to vector<16xi32>
        %shift_left3A_662 = arith.shli %get3A_659, %shift_left3A_661 : vector<16xi32>
        %bitcast3A_663 = vector.bitcast %shift_left3A_662 : vector<16xi32> to vector<16xf32>
        %and3A_664 = arith.constant -65536 : i32
        %and3A_665 = vector.broadcast %and3A_664 : i32 to vector<16xi32>
        %and3A_666 = arith.andi %get3A_659, %and3A_665 : vector<16xi32>
        %bitcast3A_667 = vector.bitcast %and3A_666 : vector<16xi32> to vector<16xf32>
        %add3A_668 = arith.addf %add3A_604, %bitcast3A_663 : vector<16xf32>
        %add3A_669 = arith.addf %add3A_605, %bitcast3A_667 : vector<16xf32>
        %get3A_670 = arith.constant 1 : i32
        %get3A_671 = arith.constant 32 : i32
        %get3A_672 = arith.index_cast %get3A_670 : i32 to index
        %get3A_673 = arith.index_cast %get3A_671 : i32 to index
        %get3A_674 = arith.index_cast %multiple_of3A_169 : i32 to index
        %get3A_675 = tpu.vector_load %arg6[%get3A_672, %get3A_673, %get3A_674] {strides = array<i32>} : memref<2x40x384xi32, #tpu.memory_space<vmem>>, vector<16xi32>,
        %shift_left3A_676 = arith.constant 16 : i32
        %shift_left3A_677 = vector.broadcast %shift_left3A_676 : i32 to vector<16xi32>
        %shift_left3A_678 = arith.shli %get3A_675, %shift_left3A_677 : vector<16xi32>
        %bitcast3A_679 = vector.bitcast %shift_left3A_678 : vector<16xi32> to vector<16xf32>
        %and3A_680 = arith.constant -65536 : i32
        %and3A_681 = vector.broadcast %and3A_680 : i32 to vector<16xi32>
        %and3A_682 = arith.andi %get3A_675, %and3A_681 : vector<16xi32>
        %bitcast3A_683 = vector.bitcast %and3A_682 : vector<16xi32> to vector<16xf32>
        %add3A_684 = arith.addf %add3A_620, %bitcast3A_679 : vector<16xf32>
        %add3A_685 = arith.addf %add3A_621, %bitcast3A_683 : vector<16xf32>
        %get3A_686 = arith.constant 1 : i32
        %get3A_687 = arith.constant 33 : i32
        %get3A_688 = arith.index_cast %get3A_686 : i32 to index
        %get3A_689 = arith.index_cast %get3A_687 : i32 to index
        %get3A_690 = arith.index_cast %multiple_of3A_169 : i32 to index
        %get3A_691 = tpu.vector_load %arg6[%get3A_688, %get3A_689, %get3A_690] {strides = array<i32>} : memref<2x40x384xi32, #tpu.memory_space<vmem>>, vector<16xi32>,
        %shift_left3A_692 = arith.constant 16 : i32
        %shift_left3A_693 = vector.broadcast %shift_left3A_692 : i32 to vector<16xi32>
        %shift_left3A_694 = arith.shli %get3A_691, %shift_left3A_693 : vector<16xi32>
        %bitcast3A_695 = vector.bitcast %shift_left3A_694 : vector<16xi32> to vector<16xf32>
        %and3A_696 = arith.constant -65536 : i32
        %and3A_697 = vector.broadcast %and3A_696 : i32 to vector<16xi32>
        %and3A_698 = arith.andi %get3A_691, %and3A_697 : vector<16xi32>
        %bitcast3A_699 = vector.bitcast %and3A_698 : vector<16xi32> to vector<16xf32>
        %add3A_700 = arith.addf %add3A_636, %bitcast3A_695 : vector<16xf32>
        %add3A_701 = arith.addf %add3A_637, %bitcast3A_699 : vector<16xf32>
        %get3A_702 = arith.constant 1 : i32
        %get3A_703 = arith.constant 34 : i32
        %get3A_704 = arith.index_cast %get3A_702 : i32 to index
        %get3A_705 = arith.index_cast %get3A_703 : i32 to index
        %get3A_706 = arith.index_cast %multiple_of3A_169 : i32 to index
        %get3A_707 = tpu.vector_load %arg6[%get3A_704, %get3A_705, %get3A_706] {strides = array<i32>} : memref<2x40x384xi32, #tpu.memory_space<vmem>>, vector<16xi32>,
        %shift_left3A_708 = arith.constant 16 : i32
        %shift_left3A_709 = vector.broadcast %shift_left3A_708 : i32 to vector<16xi32>
        %shift_left3A_710 = arith.shli %get3A_707, %shift_left3A_709 : vector<16xi32>
        %bitcast3A_711 = vector.bitcast %shift_left3A_710 : vector<16xi32> to vector<16xf32>
        %and3A_712 = arith.constant -65536 : i32
        %and3A_713 = vector.broadcast %and3A_712 : i32 to vector<16xi32>
        %and3A_714 = arith.andi %get3A_707, %and3A_713 : vector<16xi32>
        %bitcast3A_715 = vector.bitcast %and3A_714 : vector<16xi32> to vector<16xf32>
        %add3A_716 = arith.addf %add3A_652, %bitcast3A_711 : vector<16xf32>
        %add3A_717 = arith.addf %add3A_653, %bitcast3A_715 : vector<16xf32>
        %get3A_718 = arith.constant 1 : i32
        %get3A_719 = arith.constant 35 : i32
        %get3A_720 = arith.index_cast %get3A_718 : i32 to index
        %get3A_721 = arith.index_cast %get3A_719 : i32 to index
        %get3A_722 = arith.index_cast %multiple_of3A_169 : i32 to index
        %get3A_723 = tpu.vector_load %arg6[%get3A_720, %get3A_721, %get3A_722] {strides = array<i32>} : memref<2x40x384xi32, #tpu.memory_space<vmem>>, vector<16xi32>,
        %shift_left3A_724 = arith.constant 16 : i32
        %shift_left3A_725 = vector.broadcast %shift_left3A_724 : i32 to vector<16xi32>
        %shift_left3A_726 = arith.shli %get3A_723, %shift_left3A_725 : vector<16xi32>
        %bitcast3A_727 = vector.bitcast %shift_left3A_726 : vector<16xi32> to vector<16xf32>
        %and3A_728 = arith.constant -65536 : i32
        %and3A_729 = vector.broadcast %and3A_728 : i32 to vector<16xi32>
        %and3A_730 = arith.andi %get3A_723, %and3A_729 : vector<16xi32>
        %bitcast3A_731 = vector.bitcast %and3A_730 : vector<16xi32> to vector<16xf32>
        %add3A_732 = arith.addf %add3A_668, %bitcast3A_727 : vector<16xf32>
        %add3A_733 = arith.addf %add3A_669, %bitcast3A_731 : vector<16xf32>
        %get3A_734 = arith.constant 1 : i32
        %get3A_735 = arith.constant 36 : i32
        %get3A_736 = arith.index_cast %get3A_734 : i32 to index
        %get3A_737 = arith.index_cast %get3A_735 : i32 to index
        %get3A_738 = arith.index_cast %multiple_of3A_169 : i32 to index
        %get3A_739 = tpu.vector_load %arg6[%get3A_736, %get3A_737, %get3A_738] {strides = array<i32>} : memref<2x40x384xi32, #tpu.memory_space<vmem>>, vector<16xi32>,
        %shift_left3A_740 = arith.constant 16 : i32
        %shift_left3A_741 = vector.broadcast %shift_left3A_740 : i32 to vector<16xi32>
        %shift_left3A_742 = arith.shli %get3A_739, %shift_left3A_741 : vector<16xi32>
        %bitcast3A_743 = vector.bitcast %shift_left3A_742 : vector<16xi32> to vector<16xf32>
        %and3A_744 = arith.constant -65536 : i32
        %and3A_745 = vector.broadcast %and3A_744 : i32 to vector<16xi32>
        %and3A_746 = arith.andi %get3A_739, %and3A_745 : vector<16xi32>
        %bitcast3A_747 = vector.bitcast %and3A_746 : vector<16xi32> to vector<16xf32>
        %add3A_748 = arith.addf %add3A_684, %bitcast3A_743 : vector<16xf32>
        %add3A_749 = arith.addf %add3A_685, %bitcast3A_747 : vector<16xf32>
        %get3A_750 = arith.constant 1 : i32
        %get3A_751 = arith.constant 37 : i32
        %get3A_752 = arith.index_cast %get3A_750 : i32 to index
        %get3A_753 = arith.index_cast %get3A_751 : i32 to index
        %get3A_754 = arith.index_cast %multiple_of3A_169 : i32 to index
        %get3A_755 = tpu.vector_load %arg6[%get3A_752, %get3A_753, %get3A_754] {strides = array<i32>} : memref<2x40x384xi32, #tpu.memory_space<vmem>>, vector<16xi32>,
        %shift_left3A_756 = arith.constant 16 : i32
        %shift_left3A_757 = vector.broadcast %shift_left3A_756 : i32 to vector<16xi32>
        %shift_left3A_758 = arith.shli %get3A_755, %shift_left3A_757 : vector<16xi32>
        %bitcast3A_759 = vector.bitcast %shift_left3A_758 : vector<16xi32> to vector<16xf32>
        %and3A_760 = arith.constant -65536 : i32
        %and3A_761 = vector.broadcast %and3A_760 : i32 to vector<16xi32>
        %and3A_762 = arith.andi %get3A_755, %and3A_761 : vector<16xi32>
        %bitcast3A_763 = vector.bitcast %and3A_762 : vector<16xi32> to vector<16xf32>
        %add3A_764 = arith.addf %add3A_700, %bitcast3A_759 : vector<16xf32>
        %add3A_765 = arith.addf %add3A_701, %bitcast3A_763 : vector<16xf32>
        %get3A_766 = arith.constant 1 : i32
        %get3A_767 = arith.constant 38 : i32
        %get3A_768 = arith.index_cast %get3A_766 : i32 to index
        %get3A_769 = arith.index_cast %get3A_767 : i32 to index
        %get3A_770 = arith.index_cast %multiple_of3A_169 : i32 to index
        %get3A_771 = tpu.vector_load %arg6[%get3A_768, %get3A_769, %get3A_770] {strides = array<i32>} : memref<2x40x384xi32, #tpu.memory_space<vmem>>, vector<16xi32>,
        %shift_left3A_772 = arith.constant 16 : i32
        %shift_left3A_773 = vector.broadcast %shift_left3A_772 : i32 to vector<16xi32>
        %shift_left3A_774 = arith.shli %get3A_771, %shift_left3A_773 : vector<16xi32>
        %bitcast3A_775 = vector.bitcast %shift_left3A_774 : vector<16xi32> to vector<16xf32>
        %and3A_776 = arith.constant -65536 : i32
        %and3A_777 = vector.broadcast %and3A_776 : i32 to vector<16xi32>
        %and3A_778 = arith.andi %get3A_771, %and3A_777 : vector<16xi32>
        %bitcast3A_779 = vector.bitcast %and3A_778 : vector<16xi32> to vector<16xf32>
        %add3A_780 = arith.addf %add3A_716, %bitcast3A_775 : vector<16xf32>
        %add3A_781 = arith.addf %add3A_717, %bitcast3A_779 : vector<16xf32>
        %get3A_782 = arith.constant 1 : i32
        %get3A_783 = arith.constant 39 : i32
        %get3A_784 = arith.index_cast %get3A_782 : i32 to index
        %get3A_785 = arith.index_cast %get3A_783 : i32 to index
        %get3A_786 = arith.index_cast %multiple_of3A_169 : i32 to index
        %get3A_787 = tpu.vector_load %arg6[%get3A_784, %get3A_785, %get3A_786] {strides = array<i32>} : memref<2x40x384xi32, #tpu.memory_space<vmem>>, vector<16xi32>,
        %shift_left3A_788 = arith.constant 16 : i32
        %shift_left3A_789 = vector.broadcast %shift_left3A_788 : i32 to vector<16xi32>
        %shift_left3A_790 = arith.shli %get3A_787, %shift_left3A_789 : vector<16xi32>
        %bitcast3A_791 = vector.bitcast %shift_left3A_790 : vector<16xi32> to vector<16xf32>
        %and3A_792 = arith.constant -65536 : i32
        %and3A_793 = vector.broadcast %and3A_792 : i32 to vector<16xi32>
        %and3A_794 = arith.andi %get3A_787, %and3A_793 : vector<16xi32>
        %bitcast3A_795 = vector.bitcast %and3A_794 : vector<16xi32> to vector<16xf32>
        %add3A_796 = arith.addf %add3A_732, %bitcast3A_791 : vector<16xf32>
        %add3A_797 = arith.addf %add3A_733, %bitcast3A_795 : vector<16xf32>
        %add3A_798 = arith.addf %add3A_748, %add3A_764 : vector<16xf32>
        %add3A_799 = arith.addf %add3A_780, %add3A_796 : vector<16xf32>
        %add3A_800 = arith.addf %add3A_798, %add3A_799 : vector<16xf32>
        %add3A_801 = arith.addf %add3A_749, %add3A_765 : vector<16xf32>
        %add3A_802 = arith.addf %add3A_781, %add3A_797 : vector<16xf32>
        %add3A_803 = arith.addf %add3A_801, %add3A_802 : vector<16xf32>
        %add3A_804 = arith.constant 384 : i32
        %add3A_805 = arith.addi %multiple_of3A_169, %add3A_804 : i32
        %get3A_806 = arith.index_cast %multiple_of3A_169 : i32 to index
        %get3A_807 = tpu.vector_load %arg7[%get3A_806] {strides = array<i32>} : memref<768xf32, #tpu.memory_space<vmem>>, vector<16xf32>,
        %add3A_808 = arith.addf %get3A_807, %add3A_800 : vector<16xf32>
        %swap3A = arith.index_cast %multiple_of3A_169 : i32 to index
        %swap3A_809 = tpu.vector_load %arg7[%swap3A] {strides = array<i32>} : memref<768xf32, #tpu.memory_space<vmem>>, vector<16xf32>,
        tpu.vector_store %arg7[%swap3A], %add3A_808 {strides = array<i32>} : memref<768xf32, #tpu.memory_space<vmem>>, vector<16xf32>,
        %get3A_810 = arith.index_cast %add3A_805 : i32 to index
        %get3A_811 = tpu.vector_load %arg7[%get3A_810] {strides = array<i32>} : memref<768xf32, #tpu.memory_space<vmem>>, vector<16xf32>,
        %add3A_812 = arith.addf %get3A_811, %add3A_803 : vector<16xf32>
        %swap3A_813 = arith.index_cast %add3A_805 : i32 to index
        %swap3A_814 = tpu.vector_load %arg7[%swap3A_813] {strides = array<i32>} : memref<768xf32, #tpu.memory_space<vmem>>, vector<16xf32>,
        tpu.vector_store %arg7[%swap3A_813], %add3A_812 {strides = array<i32>} : memref<768xf32, #tpu.memory_space<vmem>>, vector<16xf32>,
        %scan3A_815 = arith.constant 0 : i32
        scf.yield %scan3A_815 : i32
      }
      %scan3A_144 = arith.constant 24 : i32
      %dma_wait3A_145 = arith.constant 0 : i32
      %dma_wait3A_146 = arith.constant 0 : i32
      %dma_wait3A_147 = arith.constant 0 : i32
      %dma_wait3A_148 = tpu.memref_slice %arg6[%dma_wait3A_145, %dma_wait3A_146, %dma_wait3A_147] : memref<2x40x384xi32, #tpu.memory_space<vmem>> -> memref<1x40x384xi32, #tpu.memory_space<vmem>>
      %dma_wait3A_149 = tpu.memref_squeeze %dma_wait3A_148 : memref<1x40x384xi32, #tpu.memory_space<vmem>> -> memref<40x384xi32, #tpu.memory_space<vmem>>
      %dma_wait3A_150 = tpu.memref_slice %arg5[%multiple_of3A_119] : memref<25600xi32, #tpu.memory_space<vmem>> -> memref<40xi32, #tpu.memory_space<vmem>>
      %dma_wait3A_151 = arith.constant 0 : i32
      %dma_wait3A_152 = arith.constant 0 : i32
      %dma_wait3A_153 = tpu.memref_slice %arg3[%dma_wait3A_151, %dma_wait3A_152] : memref<32000x384xi32, #tpu.memory_space<hbm>> -> memref<32000x384xi32, #tpu.memory_space<hbm>>
      tpu.wait_indirect_dma semaphore(%arg8 : memref<!tpu.dma_semaphore, #tpu.memory_space<semaphore_mem>>) src(%dma_wait3A_153 : memref<32000x384xi32, #tpu.memory_space<hbm>>) dst(%dma_wait3A_149 : memref<40x384xi32, #tpu.memory_space<vmem>>)
      %scan3A_154 = arith.constant 0 : i32
      %scan3A_155 = arith.constant 0 : i32
      %scan3A_156 = arith.constant 24 : i32
      %scan3A_157 = arith.addi %scan3A_155, %scan3A_156 : i32
      %scan3A_158 = arith.constant 1 : i32
      %scan3A_159 = scf.for %scan3A_165 = %scan3A_155 to %scan3A_157 step %scan3A_158 iter_args(%scan3A_166 = %scan3A_154) -> (i32)  : i32 {
        %mul3A_167 = arith.constant 16 : i32
        %mul3A_168 = arith.muli %scan3A_165, %mul3A_167 : i32
        %multiple_of3A_169 = tpu.assume_multiple %mul3A_168, 16 : i32
        %get3A = arith.constant 0 : i32
        %get3A_170 = arith.constant 0 : i32
        %get3A_171 = arith.index_cast %get3A : i32 to index
        %get3A_172 = arith.index_cast %get3A_170 : i32 to index
        %get3A_173 = arith.index_cast %multiple_of3A_169 : i32 to index
        %get3A_174 = tpu.vector_load %arg6[%get3A_171, %get3A_172, %get3A_173] {strides = array<i32>} : memref<2x40x384xi32, #tpu.memory_space<vmem>>, vector<16xi32>,
        %shift_left3A = arith.constant 16 : i32
        %shift_left3A_175 = vector.broadcast %shift_left3A : i32 to vector<16xi32>
        %shift_left3A_176 = arith.shli %get3A_174, %shift_left3A_175 : vector<16xi32>
        %bitcast3A = vector.bitcast %shift_left3A_176 : vector<16xi32> to vector<16xf32>
        %and3A = arith.constant -65536 : i32
        %and3A_177 = vector.broadcast %and3A : i32 to vector<16xi32>
        %and3A_178 = arith.andi %get3A_174, %and3A_177 : vector<16xi32>
        %bitcast3A_179 = vector.bitcast %and3A_178 : vector<16xi32> to vector<16xf32>
        %get3A_180 = arith.constant 0 : i32
        %get3A_181 = arith.constant 1 : i32
        %get3A_182 = arith.index_cast %get3A_180 : i32 to index
        %get3A_183 = arith.index_cast %get3A_181 : i32 to index
        %get3A_184 = arith.index_cast %multiple_of3A_169 : i32 to index
        %get3A_185 = tpu.vector_load %arg6[%get3A_182, %get3A_183, %get3A_184] {strides = array<i32>} : memref<2x40x384xi32, #tpu.memory_space<vmem>>, vector<16xi32>,
        %shift_left3A_186 = arith.constant 16 : i32
        %shift_left3A_187 = vector.broadcast %shift_left3A_186 : i32 to vector<16xi32>
        %shift_left3A_188 = arith.shli %get3A_185, %shift_left3A_187 : vector<16xi32>
        %bitcast3A_189 = vector.bitcast %shift_left3A_188 : vector<16xi32> to vector<16xf32>
        %and3A_190 = arith.constant -65536 : i32
        %and3A_191 = vector.broadcast %and3A_190 : i32 to vector<16xi32>
        %and3A_192 = arith.andi %get3A_185, %and3A_191 : vector<16xi32>
        %bitcast3A_193 = vector.bitcast %and3A_192 : vector<16xi32> to vector<16xf32>
        %get3A_194 = arith.constant 0 : i32
        %get3A_195 = arith.constant 2 : i32
        %get3A_196 = arith.index_cast %get3A_194 : i32 to index
        %get3A_197 = arith.index_cast %get3A_195 : i32 to index
        %get3A_198 = arith.index_cast %multiple_of3A_169 : i32 to index
        %get3A_199 = tpu.vector_load %arg6[%get3A_196, %get3A_197, %get3A_198] {strides = array<i32>} : memref<2x40x384xi32, #tpu.memory_space<vmem>>, vector<16xi32>,
        %shift_left3A_200 = arith.constant 16 : i32
        %shift_left3A_201 = vector.broadcast %shift_left3A_200 : i32 to vector<16xi32>
        %shift_left3A_202 = arith.shli %get3A_199, %shift_left3A_201 : vector<16xi32>
        %bitcast3A_203 = vector.bitcast %shift_left3A_202 : vector<16xi32> to vector<16xf32>
        %and3A_204 = arith.constant -65536 : i32
        %and3A_205 = vector.broadcast %and3A_204 : i32 to vector<16xi32>
        %and3A_206 = arith.andi %get3A_199, %and3A_205 : vector<16xi32>
        %bitcast3A_207 = vector.bitcast %and3A_206 : vector<16xi32> to vector<16xf32>
        %get3A_208 = arith.constant 0 : i32
        %get3A_209 = arith.constant 3 : i32
        %get3A_210 = arith.index_cast %get3A_208 : i32 to index
        %get3A_211 = arith.index_cast %get3A_209 : i32 to index
        %get3A_212 = arith.index_cast %multiple_of3A_169 : i32 to index
        %get3A_213 = tpu.vector_load %arg6[%get3A_210, %get3A_211, %get3A_212] {strides = array<i32>} : memref<2x40x384xi32, #tpu.memory_space<vmem>>, vector<16xi32>,
        %shift_left3A_214 = arith.constant 16 : i32
        %shift_left3A_215 = vector.broadcast %shift_left3A_214 : i32 to vector<16xi32>
        %shift_left3A_216 = arith.shli %get3A_213, %shift_left3A_215 : vector<16xi32>
        %bitcast3A_217 = vector.bitcast %shift_left3A_216 : vector<16xi32> to vector<16xf32>
        %and3A_218 = arith.constant -65536 : i32
        %and3A_219 = vector.broadcast %and3A_218 : i32 to vector<16xi32>
        %and3A_220 = arith.andi %get3A_213, %and3A_219 : vector<16xi32>
        %bitcast3A_221 = vector.bitcast %and3A_220 : vector<16xi32> to vector<16xf32>
        %get3A_222 = arith.constant 0 : i32
        %get3A_223 = arith.constant 4 : i32
        %get3A_224 = arith.index_cast %get3A_222 : i32 to index
        %get3A_225 = arith.index_cast %get3A_223 : i32 to index
        %get3A_226 = arith.index_cast %multiple_of3A_169 : i32 to index
        %get3A_227 = tpu.vector_load %arg6[%get3A_224, %get3A_225, %get3A_226] {strides = array<i32>} : memref<2x40x384xi32, #tpu.memory_space<vmem>>, vector<16xi32>,
        %shift_left3A_228 = arith.constant 16 : i32
        %shift_left3A_229 = vector.broadcast %shift_left3A_228 : i32 to vector<16xi32>
        %shift_left3A_230 = arith.shli %get3A_227, %shift_left3A_229 : vector<16xi32>
        %bitcast3A_231 = vector.bitcast %shift_left3A_230 : vector<16xi32> to vector<16xf32>
        %and3A_232 = arith.constant -65536 : i32
        %and3A_233 = vector.broadcast %and3A_232 : i32 to vector<16xi32>
        %and3A_234 = arith.andi %get3A_227, %and3A_233 : vector<16xi32>
        %bitcast3A_235 = vector.bitcast %and3A_234 : vector<16xi32> to vector<16xf32>
        %add3A_236 = arith.addf %bitcast3A, %bitcast3A_231 : vector<16xf32>
        %add3A_237 = arith.addf %bitcast3A_179, %bitcast3A_235 : vector<16xf32>
        %get3A_238 = arith.constant 0 : i32
        %get3A_239 = arith.constant 5 : i32
        %get3A_240 = arith.index_cast %get3A_238 : i32 to index
        %get3A_241 = arith.index_cast %get3A_239 : i32 to index
        %get3A_242 = arith.index_cast %multiple_of3A_169 : i32 to index
        %get3A_243 = tpu.vector_load %arg6[%get3A_240, %get3A_241, %get3A_242] {strides = array<i32>} : memref<2x40x384xi32, #tpu.memory_space<vmem>>, vector<16xi32>,
        %shift_left3A_244 = arith.constant 16 : i32
        %shift_left3A_245 = vector.broadcast %shift_left3A_244 : i32 to vector<16xi32>
        %shift_left3A_246 = arith.shli %get3A_243, %shift_left3A_245 : vector<16xi32>
        %bitcast3A_247 = vector.bitcast %shift_left3A_246 : vector<16xi32> to vector<16xf32>
        %and3A_248 = arith.constant -65536 : i32
        %and3A_249 = vector.broadcast %and3A_248 : i32 to vector<16xi32>
        %and3A_250 = arith.andi %get3A_243, %and3A_249 : vector<16xi32>
        %bitcast3A_251 = vector.bitcast %and3A_250 : vector<16xi32> to vector<16xf32>
        %add3A_252 = arith.addf %bitcast3A_189, %bitcast3A_247 : vector<16xf32>
        %add3A_253 = arith.addf %bitcast3A_193, %bitcast3A_251 : vector<16xf32>
        %get3A_254 = arith.constant 0 : i32
        %get3A_255 = arith.constant 6 : i32
        %get3A_256 = arith.index_cast %get3A_254 : i32 to index
        %get3A_257 = arith.index_cast %get3A_255 : i32 to index
        %get3A_258 = arith.index_cast %multiple_of3A_169 : i32 to index
        %get3A_259 = tpu.vector_load %arg6[%get3A_256, %get3A_257, %get3A_258] {strides = array<i32>} : memref<2x40x384xi32, #tpu.memory_space<vmem>>, vector<16xi32>,
        %shift_left3A_260 = arith.constant 16 : i32
        %shift_left3A_261 = vector.broadcast %shift_left3A_260 : i32 to vector<16xi32>
        %shift_left3A_262 = arith.shli %get3A_259, %shift_left3A_261 : vector<16xi32>
        %bitcast3A_263 = vector.bitcast %shift_left3A_262 : vector<16xi32> to vector<16xf32>
        %and3A_264 = arith.constant -65536 : i32
        %and3A_265 = vector.broadcast %and3A_264 : i32 to vector<16xi32>
        %and3A_266 = arith.andi %get3A_259, %and3A_265 : vector<16xi32>
        %bitcast3A_267 = vector.bitcast %and3A_266 : vector<16xi32> to vector<16xf32>
        %add3A_268 = arith.addf %bitcast3A_203, %bitcast3A_263 : vector<16xf32>
        %add3A_269 = arith.addf %bitcast3A_207, %bitcast3A_267 : vector<16xf32>
        %get3A_270 = arith.constant 0 : i32
        %get3A_271 = arith.constant 7 : i32
        %get3A_272 = arith.index_cast %get3A_270 : i32 to index
        %get3A_273 = arith.index_cast %get3A_271 : i32 to index
        %get3A_274 = arith.index_cast %multiple_of3A_169 : i32 to index
        %get3A_275 = tpu.vector_load %arg6[%get3A_272, %get3A_273, %get3A_274] {strides = array<i32>} : memref<2x40x384xi32, #tpu.memory_space<vmem>>, vector<16xi32>,
        %shift_left3A_276 = arith.constant 16 : i32
        %shift_left3A_277 = vector.broadcast %shift_left3A_276 : i32 to vector<16xi32>
        %shift_left3A_278 = arith.shli %get3A_275, %shift_left3A_277 : vector<16xi32>
        %bitcast3A_279 = vector.bitcast %shift_left3A_278 : vector<16xi32> to vector<16xf32>
        %and3A_280 = arith.constant -65536 : i32
        %and3A_281 = vector.broadcast %and3A_280 : i32 to vector<16xi32>
        %and3A_282 = arith.andi %get3A_275, %and3A_281 : vector<16xi32>
        %bitcast3A_283 = vector.bitcast %and3A_282 : vector<16xi32> to vector<16xf32>
        %add3A_284 = arith.addf %bitcast3A_217, %bitcast3A_279 : vector<16xf32>
        %add3A_285 = arith.addf %bitcast3A_221, %bitcast3A_283 : vector<16xf32>
        %get3A_286 = arith.constant 0 : i32
        %get3A_287 = arith.constant 8 : i32
        %get3A_288 = arith.index_cast %get3A_286 : i32 to index
        %get3A_289 = arith.index_cast %get3A_287 : i32 to index
        %get3A_290 = arith.index_cast %multiple_of3A_169 : i32 to index
        %get3A_291 = tpu.vector_load %arg6[%get3A_288, %get3A_289, %get3A_290] {strides = array<i32>} : memref<2x40x384xi32, #tpu.memory_space<vmem>>, vector<16xi32>,
        %shift_left3A_292 = arith.constant 16 : i32
        %shift_left3A_293 = vector.broadcast %shift_left3A_292 : i32 to vector<16xi32>
        %shift_left3A_294 = arith.shli %get3A_291, %shift_left3A_293 : vector<16xi32>
        %bitcast3A_295 = vector.bitcast %shift_left3A_294 : vector<16xi32> to vector<16xf32>
        %and3A_296 = arith.constant -65536 : i32
        %and3A_297 = vector.broadcast %and3A_296 : i32 to vector<16xi32>
        %and3A_298 = arith.andi %get3A_291, %and3A_297 : vector<16xi32>
        %bitcast3A_299 = vector.bitcast %and3A_298 : vector<16xi32> to vector<16xf32>
        %add3A_300 = arith.addf %add3A_236, %bitcast3A_295 : vector<16xf32>
        %add3A_301 = arith.addf %add3A_237, %bitcast3A_299 : vector<16xf32>
        %get3A_302 = arith.constant 0 : i32
        %get3A_303 = arith.constant 9 : i32
        %get3A_304 = arith.index_cast %get3A_302 : i32 to index
        %get3A_305 = arith.index_cast %get3A_303 : i32 to index
        %get3A_306 = arith.index_cast %multiple_of3A_169 : i32 to index
        %get3A_307 = tpu.vector_load %arg6[%get3A_304, %get3A_305, %get3A_306] {strides = array<i32>} : memref<2x40x384xi32, #tpu.memory_space<vmem>>, vector<16xi32>,
        %shift_left3A_308 = arith.constant 16 : i32
        %shift_left3A_309 = vector.broadcast %shift_left3A_308 : i32 to vector<16xi32>
        %shift_left3A_310 = arith.shli %get3A_307, %shift_left3A_309 : vector<16xi32>
        %bitcast3A_311 = vector.bitcast %shift_left3A_310 : vector<16xi32> to vector<16xf32>
        %and3A_312 = arith.constant -65536 : i32
        %and3A_313 = vector.broadcast %and3A_312 : i32 to vector<16xi32>
        %and3A_314 = arith.andi %get3A_307, %and3A_313 : vector<16xi32>
        %bitcast3A_315 = vector.bitcast %and3A_314 : vector<16xi32> to vector<16xf32>
        %add3A_316 = arith.addf %add3A_252, %bitcast3A_311 : vector<16xf32>
        %add3A_317 = arith.addf %add3A_253, %bitcast3A_315 : vector<16xf32>
        %get3A_318 = arith.constant 0 : i32
        %get3A_319 = arith.constant 10 : i32
        %get3A_320 = arith.index_cast %get3A_318 : i32 to index
        %get3A_321 = arith.index_cast %get3A_319 : i32 to index
        %get3A_322 = arith.index_cast %multiple_of3A_169 : i32 to index
        %get3A_323 = tpu.vector_load %arg6[%get3A_320, %get3A_321, %get3A_322] {strides = array<i32>} : memref<2x40x384xi32, #tpu.memory_space<vmem>>, vector<16xi32>,
        %shift_left3A_324 = arith.constant 16 : i32
        %shift_left3A_325 = vector.broadcast %shift_left3A_324 : i32 to vector<16xi32>
        %shift_left3A_326 = arith.shli %get3A_323, %shift_left3A_325 : vector<16xi32>
        %bitcast3A_327 = vector.bitcast %shift_left3A_326 : vector<16xi32> to vector<16xf32>
        %and3A_328 = arith.constant -65536 : i32
        %and3A_329 = vector.broadcast %and3A_328 : i32 to vector<16xi32>
        %and3A_330 = arith.andi %get3A_323, %and3A_329 : vector<16xi32>
        %bitcast3A_331 = vector.bitcast %and3A_330 : vector<16xi32> to vector<16xf32>
        %add3A_332 = arith.addf %add3A_268, %bitcast3A_327 : vector<16xf32>
        %add3A_333 = arith.addf %add3A_269, %bitcast3A_331 : vector<16xf32>
        %get3A_334 = arith.constant 0 : i32
        %get3A_335 = arith.constant 11 : i32
        %get3A_336 = arith.index_cast %get3A_334 : i32 to index
        %get3A_337 = arith.index_cast %get3A_335 : i32 to index
        %get3A_338 = arith.index_cast %multiple_of3A_169 : i32 to index
        %get3A_339 = tpu.vector_load %arg6[%get3A_336, %get3A_337, %get3A_338] {strides = array<i32>} : memref<2x40x384xi32, #tpu.memory_space<vmem>>, vector<16xi32>,
        %shift_left3A_340 = arith.constant 16 : i32
        %shift_left3A_341 = vector.broadcast %shift_left3A_340 : i32 to vector<16xi32>
        %shift_left3A_342 = arith.shli %get3A_339, %shift_left3A_341 : vector<16xi32>
        %bitcast3A_343 = vector.bitcast %shift_left3A_342 : vector<16xi32> to vector<16xf32>
        %and3A_344 = arith.constant -65536 : i32
        %and3A_345 = vector.broadcast %and3A_344 : i32 to vector<16xi32>
        %and3A_346 = arith.andi %get3A_339, %and3A_345 : vector<16xi32>
        %bitcast3A_347 = vector.bitcast %and3A_346 : vector<16xi32> to vector<16xf32>
        %add3A_348 = arith.addf %add3A_284, %bitcast3A_343 : vector<16xf32>
        %add3A_349 = arith.addf %add3A_285, %bitcast3A_347 : vector<16xf32>
        %get3A_350 = arith.constant 0 : i32
        %get3A_351 = arith.constant 12 : i32
        %get3A_352 = arith.index_cast %get3A_350 : i32 to index
        %get3A_353 = arith.index_cast %get3A_351 : i32 to index
        %get3A_354 = arith.index_cast %multiple_of3A_169 : i32 to index
        %get3A_355 = tpu.vector_load %arg6[%get3A_352, %get3A_353, %get3A_354] {strides = array<i32>} : memref<2x40x384xi32, #tpu.memory_space<vmem>>, vector<16xi32>,
        %shift_left3A_356 = arith.constant 16 : i32
        %shift_left3A_357 = vector.broadcast %shift_left3A_356 : i32 to vector<16xi32>
        %shift_left3A_358 = arith.shli %get3A_355, %shift_left3A_357 : vector<16xi32>
        %bitcast3A_359 = vector.bitcast %shift_left3A_358 : vector<16xi32> to vector<16xf32>
        %and3A_360 = arith.constant -65536 : i32
        %and3A_361 = vector.broadcast %and3A_360 : i32 to vector<16xi32>
        %and3A_362 = arith.andi %get3A_355, %and3A_361 : vector<16xi32>
        %bitcast3A_363 = vector.bitcast %and3A_362 : vector<16xi32> to vector<16xf32>
        %add3A_364 = arith.addf %add3A_300, %bitcast3A_359 : vector<16xf32>
        %add3A_365 = arith.addf %add3A_301, %bitcast3A_363 : vector<16xf32>
        %get3A_366 = arith.constant 0 : i32
        %get3A_367 = arith.constant 13 : i32
        %get3A_368 = arith.index_cast %get3A_366 : i32 to index
        %get3A_369 = arith.index_cast %get3A_367 : i32 to index
        %get3A_370 = arith.index_cast %multiple_of3A_169 : i32 to index
        %get3A_371 = tpu.vector_load %arg6[%get3A_368, %get3A_369, %get3A_370] {strides = array<i32>} : memref<2x40x384xi32, #tpu.memory_space<vmem>>, vector<16xi32>,
        %shift_left3A_372 = arith.constant 16 : i32
        %shift_left3A_373 = vector.broadcast %shift_left3A_372 : i32 to vector<16xi32>
        %shift_left3A_374 = arith.shli %get3A_371, %shift_left3A_373 : vector<16xi32>
        %bitcast3A_375 = vector.bitcast %shift_left3A_374 : vector<16xi32> to vector<16xf32>
        %and3A_376 = arith.constant -65536 : i32
        %and3A_377 = vector.broadcast %and3A_376 : i32 to vector<16xi32>
        %and3A_378 = arith.andi %get3A_371, %and3A_377 : vector<16xi32>
        %bitcast3A_379 = vector.bitcast %and3A_378 : vector<16xi32> to vector<16xf32>
        %add3A_380 = arith.addf %add3A_316, %bitcast3A_375 : vector<16xf32>
        %add3A_381 = arith.addf %add3A_317, %bitcast3A_379 : vector<16xf32>
        %get3A_382 = arith.constant 0 : i32
        %get3A_383 = arith.constant 14 : i32
        %get3A_384 = arith.index_cast %get3A_382 : i32 to index
        %get3A_385 = arith.index_cast %get3A_383 : i32 to index
        %get3A_386 = arith.index_cast %multiple_of3A_169 : i32 to index
        %get3A_387 = tpu.vector_load %arg6[%get3A_384, %get3A_385, %get3A_386] {strides = array<i32>} : memref<2x40x384xi32, #tpu.memory_space<vmem>>, vector<16xi32>,
        %shift_left3A_388 = arith.constant 16 : i32
        %shift_left3A_389 = vector.broadcast %shift_left3A_388 : i32 to vector<16xi32>
        %shift_left3A_390 = arith.shli %get3A_387, %shift_left3A_389 : vector<16xi32>
        %bitcast3A_391 = vector.bitcast %shift_left3A_390 : vector<16xi32> to vector<16xf32>
        %and3A_392 = arith.constant -65536 : i32
        %and3A_393 = vector.broadcast %and3A_392 : i32 to vector<16xi32>
        %and3A_394 = arith.andi %get3A_387, %and3A_393 : vector<16xi32>
        %bitcast3A_395 = vector.bitcast %and3A_394 : vector<16xi32> to vector<16xf32>
        %add3A_396 = arith.addf %add3A_332, %bitcast3A_391 : vector<16xf32>
        %add3A_397 = arith.addf %add3A_333, %bitcast3A_395 : vector<16xf32>
        %get3A_398 = arith.constant 0 : i32
        %get3A_399 = arith.constant 15 : i32
        %get3A_400 = arith.index_cast %get3A_398 : i32 to index
        %get3A_401 = arith.index_cast %get3A_399 : i32 to index
        %get3A_402 = arith.index_cast %multiple_of3A_169 : i32 to index
        %get3A_403 = tpu.vector_load %arg6[%get3A_400, %get3A_401, %get3A_402] {strides = array<i32>} : memref<2x40x384xi32, #tpu.memory_space<vmem>>, vector<16xi32>,
        %shift_left3A_404 = arith.constant 16 : i32
        %shift_left3A_405 = vector.broadcast %shift_left3A_404 : i32 to vector<16xi32>
        %shift_left3A_406 = arith.shli %get3A_403, %shift_left3A_405 : vector<16xi32>
        %bitcast3A_407 = vector.bitcast %shift_left3A_406 : vector<16xi32> to vector<16xf32>
        %and3A_408 = arith.constant -65536 : i32
        %and3A_409 = vector.broadcast %and3A_408 : i32 to vector<16xi32>
        %and3A_410 = arith.andi %get3A_403, %and3A_409 : vector<16xi32>
        %bitcast3A_411 = vector.bitcast %and3A_410 : vector<16xi32> to vector<16xf32>
        %add3A_412 = arith.addf %add3A_348, %bitcast3A_407 : vector<16xf32>
        %add3A_413 = arith.addf %add3A_349, %bitcast3A_411 : vector<16xf32>
        %get3A_414 = arith.constant 0 : i32
        %get3A_415 = arith.constant 16 : i32
        %get3A_416 = arith.index_cast %get3A_414 : i32 to index
        %get3A_417 = arith.index_cast %get3A_415 : i32 to index
        %get3A_418 = arith.index_cast %multiple_of3A_169 : i32 to index
        %get3A_419 = tpu.vector_load %arg6[%get3A_416, %get3A_417, %get3A_418] {strides = array<i32>} : memref<2x40x384xi32, #tpu.memory_space<vmem>>, vector<16xi32>,
        %shift_left3A_420 = arith.constant 16 : i32
        %shift_left3A_421 = vector.broadcast %shift_left3A_420 : i32 to vector<16xi32>
        %shift_left3A_422 = arith.shli %get3A_419, %shift_left3A_421 : vector<16xi32>
        %bitcast3A_423 = vector.bitcast %shift_left3A_422 : vector<16xi32> to vector<16xf32>
        %and3A_424 = arith.constant -65536 : i32
        %and3A_425 = vector.broadcast %and3A_424 : i32 to vector<16xi32>
        %and3A_426 = arith.andi %get3A_419, %and3A_425 : vector<16xi32>
        %bitcast3A_427 = vector.bitcast %and3A_426 : vector<16xi32> to vector<16xf32>
        %add3A_428 = arith.addf %add3A_364, %bitcast3A_423 : vector<16xf32>
        %add3A_429 = arith.addf %add3A_365, %bitcast3A_427 : vector<16xf32>
        %get3A_430 = arith.constant 0 : i32
        %get3A_431 = arith.constant 17 : i32
        %get3A_432 = arith.index_cast %get3A_430 : i32 to index
        %get3A_433 = arith.index_cast %get3A_431 : i32 to index
        %get3A_434 = arith.index_cast %multiple_of3A_169 : i32 to index
        %get3A_435 = tpu.vector_load %arg6[%get3A_432, %get3A_433, %get3A_434] {strides = array<i32>} : memref<2x40x384xi32, #tpu.memory_space<vmem>>, vector<16xi32>,
        %shift_left3A_436 = arith.constant 16 : i32
        %shift_left3A_437 = vector.broadcast %shift_left3A_436 : i32 to vector<16xi32>
        %shift_left3A_438 = arith.shli %get3A_435, %shift_left3A_437 : vector<16xi32>
        %bitcast3A_439 = vector.bitcast %shift_left3A_438 : vector<16xi32> to vector<16xf32>
        %and3A_440 = arith.constant -65536 : i32
        %and3A_441 = vector.broadcast %and3A_440 : i32 to vector<16xi32>
        %and3A_442 = arith.andi %get3A_435, %and3A_441 : vector<16xi32>
        %bitcast3A_443 = vector.bitcast %and3A_442 : vector<16xi32> to vector<16xf32>
        %add3A_444 = arith.addf %add3A_380, %bitcast3A_439 : vector<16xf32>
        %add3A_445 = arith.addf %add3A_381, %bitcast3A_443 : vector<16xf32>
        %get3A_446 = arith.constant 0 : i32
        %get3A_447 = arith.constant 18 : i32
        %get3A_448 = arith.index_cast %get3A_446 : i32 to index
        %get3A_449 = arith.index_cast %get3A_447 : i32 to index
        %get3A_450 = arith.index_cast %multiple_of3A_169 : i32 to index
        %get3A_451 = tpu.vector_load %arg6[%get3A_448, %get3A_449, %get3A_450] {strides = array<i32>} : memref<2x40x384xi32, #tpu.memory_space<vmem>>, vector<16xi32>,
        %shift_left3A_452 = arith.constant 16 : i32
        %shift_left3A_453 = vector.broadcast %shift_left3A_452 : i32 to vector<16xi32>
        %shift_left3A_454 = arith.shli %get3A_451, %shift_left3A_453 : vector<16xi32>
        %bitcast3A_455 = vector.bitcast %shift_left3A_454 : vector<16xi32> to vector<16xf32>
        %and3A_456 = arith.constant -65536 : i32
        %and3A_457 = vector.broadcast %and3A_456 : i32 to vector<16xi32>
        %and3A_458 = arith.andi %get3A_451, %and3A_457 : vector<16xi32>
        %bitcast3A_459 = vector.bitcast %and3A_458 : vector<16xi32> to vector<16xf32>
        %add3A_460 = arith.addf %add3A_396, %bitcast3A_455 : vector<16xf32>
        %add3A_461 = arith.addf %add3A_397, %bitcast3A_459 : vector<16xf32>
        %get3A_462 = arith.constant 0 : i32
        %get3A_463 = arith.constant 19 : i32
        %get3A_464 = arith.index_cast %get3A_462 : i32 to index
        %get3A_465 = arith.index_cast %get3A_463 : i32 to index
        %get3A_466 = arith.index_cast %multiple_of3A_169 : i32 to index
        %get3A_467 = tpu.vector_load %arg6[%get3A_464, %get3A_465, %get3A_466] {strides = array<i32>} : memref<2x40x384xi32, #tpu.memory_space<vmem>>, vector<16xi32>,
        %shift_left3A_468 = arith.constant 16 : i32
        %shift_left3A_469 = vector.broadcast %shift_left3A_468 : i32 to vector<16xi32>
        %shift_left3A_470 = arith.shli %get3A_467, %shift_left3A_469 : vector<16xi32>
        %bitcast3A_471 = vector.bitcast %shift_left3A_470 : vector<16xi32> to vector<16xf32>
        %and3A_472 = arith.constant -65536 : i32
        %and3A_473 = vector.broadcast %and3A_472 : i32 to vector<16xi32>
        %and3A_474 = arith.andi %get3A_467, %and3A_473 : vector<16xi32>
        %bitcast3A_475 = vector.bitcast %and3A_474 : vector<16xi32> to vector<16xf32>
        %add3A_476 = arith.addf %add3A_412, %bitcast3A_471 : vector<16xf32>
        %add3A_477 = arith.addf %add3A_413, %bitcast3A_475 : vector<16xf32>
        %get3A_478 = arith.constant 0 : i32
        %get3A_479 = arith.constant 20 : i32
        %get3A_480 = arith.index_cast %get3A_478 : i32 to index
        %get3A_481 = arith.index_cast %get3A_479 : i32 to index
        %get3A_482 = arith.index_cast %multiple_of3A_169 : i32 to index
        %get3A_483 = tpu.vector_load %arg6[%get3A_480, %get3A_481, %get3A_482] {strides = array<i32>} : memref<2x40x384xi32, #tpu.memory_space<vmem>>, vector<16xi32>,
        %shift_left3A_484 = arith.constant 16 : i32
        %shift_left3A_485 = vector.broadcast %shift_left3A_484 : i32 to vector<16xi32>
        %shift_left3A_486 = arith.shli %get3A_483, %shift_left3A_485 : vector<16xi32>
        %bitcast3A_487 = vector.bitcast %shift_left3A_486 : vector<16xi32> to vector<16xf32>
        %and3A_488 = arith.constant -65536 : i32
        %and3A_489 = vector.broadcast %and3A_488 : i32 to vector<16xi32>
        %and3A_490 = arith.andi %get3A_483, %and3A_489 : vector<16xi32>
        %bitcast3A_491 = vector.bitcast %and3A_490 : vector<16xi32> to vector<16xf32>
        %add3A_492 = arith.addf %add3A_428, %bitcast3A_487 : vector<16xf32>
        %add3A_493 = arith.addf %add3A_429, %bitcast3A_491 : vector<16xf32>
        %get3A_494 = arith.constant 0 : i32
        %get3A_495 = arith.constant 21 : i32
        %get3A_496 = arith.index_cast %get3A_494 : i32 to index
        %get3A_497 = arith.index_cast %get3A_495 : i32 to index
        %get3A_498 = arith.index_cast %multiple_of3A_169 : i32 to index
        %get3A_499 = tpu.vector_load %arg6[%get3A_496, %get3A_497, %get3A_498] {strides = array<i32>} : memref<2x40x384xi32, #tpu.memory_space<vmem>>, vector<16xi32>,
        %shift_left3A_500 = arith.constant 16 : i32
        %shift_left3A_501 = vector.broadcast %shift_left3A_500 : i32 to vector<16xi32>
        %shift_left3A_502 = arith.shli %get3A_499, %shift_left3A_501 : vector<16xi32>
        %bitcast3A_503 = vector.bitcast %shift_left3A_502 : vector<16xi32> to vector<16xf32>
        %and3A_504 = arith.constant -65536 : i32
        %and3A_505 = vector.broadcast %and3A_504 : i32 to vector<16xi32>
        %and3A_506 = arith.andi %get3A_499, %and3A_505 : vector<16xi32>
        %bitcast3A_507 = vector.bitcast %and3A_506 : vector<16xi32> to vector<16xf32>
        %add3A_508 = arith.addf %add3A_444, %bitcast3A_503 : vector<16xf32>
        %add3A_509 = arith.addf %add3A_445, %bitcast3A_507 : vector<16xf32>
        %get3A_510 = arith.constant 0 : i32
        %get3A_511 = arith.constant 22 : i32
        %get3A_512 = arith.index_cast %get3A_510 : i32 to index
        %get3A_513 = arith.index_cast %get3A_511 : i32 to index
        %get3A_514 = arith.index_cast %multiple_of3A_169 : i32 to index
        %get3A_515 = tpu.vector_load %arg6[%get3A_512, %get3A_513, %get3A_514] {strides = array<i32>} : memref<2x40x384xi32, #tpu.memory_space<vmem>>, vector<16xi32>,
        %shift_left3A_516 = arith.constant 16 : i32
        %shift_left3A_517 = vector.broadcast %shift_left3A_516 : i32 to vector<16xi32>
        %shift_left3A_518 = arith.shli %get3A_515, %shift_left3A_517 : vector<16xi32>
        %bitcast3A_519 = vector.bitcast %shift_left3A_518 : vector<16xi32> to vector<16xf32>
        %and3A_520 = arith.constant -65536 : i32
        %and3A_521 = vector.broadcast %and3A_520 : i32 to vector<16xi32>
        %and3A_522 = arith.andi %get3A_515, %and3A_521 : vector<16xi32>
        %bitcast3A_523 = vector.bitcast %and3A_522 : vector<16xi32> to vector<16xf32>
        %add3A_524 = arith.addf %add3A_460, %bitcast3A_519 : vector<16xf32>
        %add3A_525 = arith.addf %add3A_461, %bitcast3A_523 : vector<16xf32>
        %get3A_526 = arith.constant 0 : i32
        %get3A_527 = arith.constant 23 : i32
        %get3A_528 = arith.index_cast %get3A_526 : i32 to index
        %get3A_529 = arith.index_cast %get3A_527 : i32 to index
        %get3A_530 = arith.index_cast %multiple_of3A_169 : i32 to index
        %get3A_531 = tpu.vector_load %arg6[%get3A_528, %get3A_529, %get3A_530] {strides = array<i32>} : memref<2x40x384xi32, #tpu.memory_space<vmem>>, vector<16xi32>,
        %shift_left3A_532 = arith.constant 16 : i32
        %shift_left3A_533 = vector.broadcast %shift_left3A_532 : i32 to vector<16xi32>
        %shift_left3A_534 = arith.shli %get3A_531, %shift_left3A_533 : vector<16xi32>
        %bitcast3A_535 = vector.bitcast %shift_left3A_534 : vector<16xi32> to vector<16xf32>
        %and3A_536 = arith.constant -65536 : i32
        %and3A_537 = vector.broadcast %and3A_536 : i32 to vector<16xi32>
        %and3A_538 = arith.andi %get3A_531, %and3A_537 : vector<16xi32>
        %bitcast3A_539 = vector.bitcast %and3A_538 : vector<16xi32> to vector<16xf32>
        %add3A_540 = arith.addf %add3A_476, %bitcast3A_535 : vector<16xf32>
        %add3A_541 = arith.addf %add3A_477, %bitcast3A_539 : vector<16xf32>
        %get3A_542 = arith.constant 0 : i32
        %get3A_543 = arith.constant 24 : i32
        %get3A_544 = arith.index_cast %get3A_542 : i32 to index
        %get3A_545 = arith.index_cast %get3A_543 : i32 to index
        %get3A_546 = arith.index_cast %multiple_of3A_169 : i32 to index
        %get3A_547 = tpu.vector_load %arg6[%get3A_544, %get3A_545, %get3A_546] {strides = array<i32>} : memref<2x40x384xi32, #tpu.memory_space<vmem>>, vector<16xi32>,
        %shift_left3A_548 = arith.constant 16 : i32
        %shift_left3A_549 = vector.broadcast %shift_left3A_548 : i32 to vector<16xi32>
        %shift_left3A_550 = arith.shli %get3A_547, %shift_left3A_549 : vector<16xi32>
        %bitcast3A_551 = vector.bitcast %shift_left3A_550 : vector<16xi32> to vector<16xf32>
        %and3A_552 = arith.constant -65536 : i32
        %and3A_553 = vector.broadcast %and3A_552 : i32 to vector<16xi32>
        %and3A_554 = arith.andi %get3A_547, %and3A_553 : vector<16xi32>
        %bitcast3A_555 = vector.bitcast %and3A_554 : vector<16xi32> to vector<16xf32>
        %add3A_556 = arith.addf %add3A_492, %bitcast3A_551 : vector<16xf32>
        %add3A_557 = arith.addf %add3A_493, %bitcast3A_555 : vector<16xf32>
        %get3A_558 = arith.constant 0 : i32
        %get3A_559 = arith.constant 25 : i32
        %get3A_560 = arith.index_cast %get3A_558 : i32 to index
        %get3A_561 = arith.index_cast %get3A_559 : i32 to index
        %get3A_562 = arith.index_cast %multiple_of3A_169 : i32 to index
        %get3A_563 = tpu.vector_load %arg6[%get3A_560, %get3A_561, %get3A_562] {strides = array<i32>} : memref<2x40x384xi32, #tpu.memory_space<vmem>>, vector<16xi32>,
        %shift_left3A_564 = arith.constant 16 : i32
        %shift_left3A_565 = vector.broadcast %shift_left3A_564 : i32 to vector<16xi32>
        %shift_left3A_566 = arith.shli %get3A_563, %shift_left3A_565 : vector<16xi32>
        %bitcast3A_567 = vector.bitcast %shift_left3A_566 : vector<16xi32> to vector<16xf32>
        %and3A_568 = arith.constant -65536 : i32
        %and3A_569 = vector.broadcast %and3A_568 : i32 to vector<16xi32>
        %and3A_570 = arith.andi %get3A_563, %and3A_569 : vector<16xi32>
        %bitcast3A_571 = vector.bitcast %and3A_570 : vector<16xi32> to vector<16xf32>
        %add3A_572 = arith.addf %add3A_508, %bitcast3A_567 : vector<16xf32>
        %add3A_573 = arith.addf %add3A_509, %bitcast3A_571 : vector<16xf32>
        %get3A_574 = arith.constant 0 : i32
        %get3A_575 = arith.constant 26 : i32
        %get3A_576 = arith.index_cast %get3A_574 : i32 to index
        %get3A_577 = arith.index_cast %get3A_575 : i32 to index
        %get3A_578 = arith.index_cast %multiple_of3A_169 : i32 to index
        %get3A_579 = tpu.vector_load %arg6[%get3A_576, %get3A_577, %get3A_578] {strides = array<i32>} : memref<2x40x384xi32, #tpu.memory_space<vmem>>, vector<16xi32>,
        %shift_left3A_580 = arith.constant 16 : i32
        %shift_left3A_581 = vector.broadcast %shift_left3A_580 : i32 to vector<16xi32>
        %shift_left3A_582 = arith.shli %get3A_579, %shift_left3A_581 : vector<16xi32>
        %bitcast3A_583 = vector.bitcast %shift_left3A_582 : vector<16xi32> to vector<16xf32>
        %and3A_584 = arith.constant -65536 : i32
        %and3A_585 = vector.broadcast %and3A_584 : i32 to vector<16xi32>
        %and3A_586 = arith.andi %get3A_579, %and3A_585 : vector<16xi32>
        %bitcast3A_587 = vector.bitcast %and3A_586 : vector<16xi32> to vector<16xf32>
        %add3A_588 = arith.addf %add3A_524, %bitcast3A_583 : vector<16xf32>
        %add3A_589 = arith.addf %add3A_525, %bitcast3A_587 : vector<16xf32>
        %get3A_590 = arith.constant 0 : i32
        %get3A_591 = arith.constant 27 : i32
        %get3A_592 = arith.index_cast %get3A_590 : i32 to index
        %get3A_593 = arith.index_cast %get3A_591 : i32 to index
        %get3A_594 = arith.index_cast %multiple_of3A_169 : i32 to index
        %get3A_595 = tpu.vector_load %arg6[%get3A_592, %get3A_593, %get3A_594] {strides = array<i32>} : memref<2x40x384xi32, #tpu.memory_space<vmem>>, vector<16xi32>,
        %shift_left3A_596 = arith.constant 16 : i32
        %shift_left3A_597 = vector.broadcast %shift_left3A_596 : i32 to vector<16xi32>
        %shift_left3A_598 = arith.shli %get3A_595, %shift_left3A_597 : vector<16xi32>
        %bitcast3A_599 = vector.bitcast %shift_left3A_598 : vector<16xi32> to vector<16xf32>
        %and3A_600 = arith.constant -65536 : i32
        %and3A_601 = vector.broadcast %and3A_600 : i32 to vector<16xi32>
        %and3A_602 = arith.andi %get3A_595, %and3A_601 : vector<16xi32>
        %bitcast3A_603 = vector.bitcast %and3A_602 : vector<16xi32> to vector<16xf32>
        %add3A_604 = arith.addf %add3A_540, %bitcast3A_599 : vector<16xf32>
        %add3A_605 = arith.addf %add3A_541, %bitcast3A_603 : vector<16xf32>
        %get3A_606 = arith.constant 0 : i32
        %get3A_607 = arith.constant 28 : i32
        %get3A_608 = arith.index_cast %get3A_606 : i32 to index
        %get3A_609 = arith.index_cast %get3A_607 : i32 to index
        %get3A_610 = arith.index_cast %multiple_of3A_169 : i32 to index
        %get3A_611 = tpu.vector_load %arg6[%get3A_608, %get3A_609, %get3A_610] {strides = array<i32>} : memref<2x40x384xi32, #tpu.memory_space<vmem>>, vector<16xi32>,
        %shift_left3A_612 = arith.constant 16 : i32
        %shift_left3A_613 = vector.broadcast %shift_left3A_612 : i32 to vector<16xi32>
        %shift_left3A_614 = arith.shli %get3A_611, %shift_left3A_613 : vector<16xi32>
        %bitcast3A_615 = vector.bitcast %shift_left3A_614 : vector<16xi32> to vector<16xf32>
        %and3A_616 = arith.constant -65536 : i32
        %and3A_617 = vector.broadcast %and3A_616 : i32 to vector<16xi32>
        %and3A_618 = arith.andi %get3A_611, %and3A_617 : vector<16xi32>
        %bitcast3A_619 = vector.bitcast %and3A_618 : vector<16xi32> to vector<16xf32>
        %add3A_620 = arith.addf %add3A_556, %bitcast3A_615 : vector<16xf32>
        %add3A_621 = arith.addf %add3A_557, %bitcast3A_619 : vector<16xf32>
        %get3A_622 = arith.constant 0 : i32
        %get3A_623 = arith.constant 29 : i32
        %get3A_624 = arith.index_cast %get3A_622 : i32 to index
        %get3A_625 = arith.index_cast %get3A_623 : i32 to index
        %get3A_626 = arith.index_cast %multiple_of3A_169 : i32 to index
        %get3A_627 = tpu.vector_load %arg6[%get3A_624, %get3A_625, %get3A_626] {strides = array<i32>} : memref<2x40x384xi32, #tpu.memory_space<vmem>>, vector<16xi32>,
        %shift_left3A_628 = arith.constant 16 : i32
        %shift_left3A_629 = vector.broadcast %shift_left3A_628 : i32 to vector<16xi32>
        %shift_left3A_630 = arith.shli %get3A_627, %shift_left3A_629 : vector<16xi32>
        %bitcast3A_631 = vector.bitcast %shift_left3A_630 : vector<16xi32> to vector<16xf32>
        %and3A_632 = arith.constant -65536 : i32
        %and3A_633 = vector.broadcast %and3A_632 : i32 to vector<16xi32>
        %and3A_634 = arith.andi %get3A_627, %and3A_633 : vector<16xi32>
        %bitcast3A_635 = vector.bitcast %and3A_634 : vector<16xi32> to vector<16xf32>
        %add3A_636 = arith.addf %add3A_572, %bitcast3A_631 : vector<16xf32>
        %add3A_637 = arith.addf %add3A_573, %bitcast3A_635 : vector<16xf32>
        %get3A_638 = arith.constant 0 : i32
        %get3A_639 = arith.constant 30 : i32
        %get3A_640 = arith.index_cast %get3A_638 : i32 to index
        %get3A_641 = arith.index_cast %get3A_639 : i32 to index
        %get3A_642 = arith.index_cast %multiple_of3A_169 : i32 to index
        %get3A_643 = tpu.vector_load %arg6[%get3A_640, %get3A_641, %get3A_642] {strides = array<i32>} : memref<2x40x384xi32, #tpu.memory_space<vmem>>, vector<16xi32>,
        %shift_left3A_644 = arith.constant 16 : i32
        %shift_left3A_645 = vector.broadcast %shift_left3A_644 : i32 to vector<16xi32>
        %shift_left3A_646 = arith.shli %get3A_643, %shift_left3A_645 : vector<16xi32>
        %bitcast3A_647 = vector.bitcast %shift_left3A_646 : vector<16xi32> to vector<16xf32>
        %and3A_648 = arith.constant -65536 : i32
        %and3A_649 = vector.broadcast %and3A_648 : i32 to vector<16xi32>
        %and3A_650 = arith.andi %get3A_643, %and3A_649 : vector<16xi32>
        %bitcast3A_651 = vector.bitcast %and3A_650 : vector<16xi32> to vector<16xf32>
        %add3A_652 = arith.addf %add3A_588, %bitcast3A_647 : vector<16xf32>
        %add3A_653 = arith.addf %add3A_589, %bitcast3A_651 : vector<16xf32>
        %get3A_654 = arith.constant 0 : i32
        %get3A_655 = arith.constant 31 : i32
        %get3A_656 = arith.index_cast %get3A_654 : i32 to index
        %get3A_657 = arith.index_cast %get3A_655 : i32 to index
        %get3A_658 = arith.index_cast %multiple_of3A_169 : i32 to index
        %get3A_659 = tpu.vector_load %arg6[%get3A_656, %get3A_657, %get3A_658] {strides = array<i32>} : memref<2x40x384xi32, #tpu.memory_space<vmem>>, vector<16xi32>,
        %shift_left3A_660 = arith.constant 16 : i32
        %shift_left3A_661 = vector.broadcast %shift_left3A_660 : i32 to vector<16xi32>
        %shift_left3A_662 = arith.shli %get3A_659, %shift_left3A_661 : vector<16xi32>
        %bitcast3A_663 = vector.bitcast %shift_left3A_662 : vector<16xi32> to vector<16xf32>
        %and3A_664 = arith.constant -65536 : i32
        %and3A_665 = vector.broadcast %and3A_664 : i32 to vector<16xi32>
        %and3A_666 = arith.andi %get3A_659, %and3A_665 : vector<16xi32>
        %bitcast3A_667 = vector.bitcast %and3A_666 : vector<16xi32> to vector<16xf32>
        %add3A_668 = arith.addf %add3A_604, %bitcast3A_663 : vector<16xf32>
        %add3A_669 = arith.addf %add3A_605, %bitcast3A_667 : vector<16xf32>
        %get3A_670 = arith.constant 0 : i32
        %get3A_671 = arith.constant 32 : i32
        %get3A_672 = arith.index_cast %get3A_670 : i32 to index
        %get3A_673 = arith.index_cast %get3A_671 : i32 to index
        %get3A_674 = arith.index_cast %multiple_of3A_169 : i32 to index
        %get3A_675 = tpu.vector_load %arg6[%get3A_672, %get3A_673, %get3A_674] {strides = array<i32>} : memref<2x40x384xi32, #tpu.memory_space<vmem>>, vector<16xi32>,
        %shift_left3A_676 = arith.constant 16 : i32
        %shift_left3A_677 = vector.broadcast %shift_left3A_676 : i32 to vector<16xi32>
        %shift_left3A_678 = arith.shli %get3A_675, %shift_left3A_677 : vector<16xi32>
        %bitcast3A_679 = vector.bitcast %shift_left3A_678 : vector<16xi32> to vector<16xf32>
        %and3A_680 = arith.constant -65536 : i32
        %and3A_681 = vector.broadcast %and3A_680 : i32 to vector<16xi32>
        %and3A_682 = arith.andi %get3A_675, %and3A_681 : vector<16xi32>
        %bitcast3A_683 = vector.bitcast %and3A_682 : vector<16xi32> to vector<16xf32>
        %add3A_684 = arith.addf %add3A_620, %bitcast3A_679 : vector<16xf32>
        %add3A_685 = arith.addf %add3A_621, %bitcast3A_683 : vector<16xf32>
        %get3A_686 = arith.constant 0 : i32
        %get3A_687 = arith.constant 33 : i32
        %get3A_688 = arith.index_cast %get3A_686 : i32 to index
        %get3A_689 = arith.index_cast %get3A_687 : i32 to index
        %get3A_690 = arith.index_cast %multiple_of3A_169 : i32 to index
        %get3A_691 = tpu.vector_load %arg6[%get3A_688, %get3A_689, %get3A_690] {strides = array<i32>} : memref<2x40x384xi32, #tpu.memory_space<vmem>>, vector<16xi32>,
        %shift_left3A_692 = arith.constant 16 : i32
        %shift_left3A_693 = vector.broadcast %shift_left3A_692 : i32 to vector<16xi32>
        %shift_left3A_694 = arith.shli %get3A_691, %shift_left3A_693 : vector<16xi32>
        %bitcast3A_695 = vector.bitcast %shift_left3A_694 : vector<16xi32> to vector<16xf32>
        %and3A_696 = arith.constant -65536 : i32
        %and3A_697 = vector.broadcast %and3A_696 : i32 to vector<16xi32>
        %and3A_698 = arith.andi %get3A_691, %and3A_697 : vector<16xi32>
        %bitcast3A_699 = vector.bitcast %and3A_698 : vector<16xi32> to vector<16xf32>
        %add3A_700 = arith.addf %add3A_636, %bitcast3A_695 : vector<16xf32>
        %add3A_701 = arith.addf %add3A_637, %bitcast3A_699 : vector<16xf32>
        %get3A_702 = arith.constant 0 : i32
        %get3A_703 = arith.constant 34 : i32
        %get3A_704 = arith.index_cast %get3A_702 : i32 to index
        %get3A_705 = arith.index_cast %get3A_703 : i32 to index
        %get3A_706 = arith.index_cast %multiple_of3A_169 : i32 to index
        %get3A_707 = tpu.vector_load %arg6[%get3A_704, %get3A_705, %get3A_706] {strides = array<i32>} : memref<2x40x384xi32, #tpu.memory_space<vmem>>, vector<16xi32>,
        %shift_left3A_708 = arith.constant 16 : i32
        %shift_left3A_709 = vector.broadcast %shift_left3A_708 : i32 to vector<16xi32>
        %shift_left3A_710 = arith.shli %get3A_707, %shift_left3A_709 : vector<16xi32>
        %bitcast3A_711 = vector.bitcast %shift_left3A_710 : vector<16xi32> to vector<16xf32>
        %and3A_712 = arith.constant -65536 : i32
        %and3A_713 = vector.broadcast %and3A_712 : i32 to vector<16xi32>
        %and3A_714 = arith.andi %get3A_707, %and3A_713 : vector<16xi32>
        %bitcast3A_715 = vector.bitcast %and3A_714 : vector<16xi32> to vector<16xf32>
        %add3A_716 = arith.addf %add3A_652, %bitcast3A_711 : vector<16xf32>
        %add3A_717 = arith.addf %add3A_653, %bitcast3A_715 : vector<16xf32>
        %get3A_718 = arith.constant 0 : i32
        %get3A_719 = arith.constant 35 : i32
        %get3A_720 = arith.index_cast %get3A_718 : i32 to index
        %get3A_721 = arith.index_cast %get3A_719 : i32 to index
        %get3A_722 = arith.index_cast %multiple_of3A_169 : i32 to index
        %get3A_723 = tpu.vector_load %arg6[%get3A_720, %get3A_721, %get3A_722] {strides = array<i32>} : memref<2x40x384xi32, #tpu.memory_space<vmem>>, vector<16xi32>,
        %shift_left3A_724 = arith.constant 16 : i32
        %shift_left3A_725 = vector.broadcast %shift_left3A_724 : i32 to vector<16xi32>
        %shift_left3A_726 = arith.shli %get3A_723, %shift_left3A_725 : vector<16xi32>
        %bitcast3A_727 = vector.bitcast %shift_left3A_726 : vector<16xi32> to vector<16xf32>
        %and3A_728 = arith.constant -65536 : i32
        %and3A_729 = vector.broadcast %and3A_728 : i32 to vector<16xi32>
        %and3A_730 = arith.andi %get3A_723, %and3A_729 : vector<16xi32>
        %bitcast3A_731 = vector.bitcast %and3A_730 : vector<16xi32> to vector<16xf32>
        %add3A_732 = arith.addf %add3A_668, %bitcast3A_727 : vector<16xf32>
        %add3A_733 = arith.addf %add3A_669, %bitcast3A_731 : vector<16xf32>
        %get3A_734 = arith.constant 0 : i32
        %get3A_735 = arith.constant 36 : i32
        %get3A_736 = arith.index_cast %get3A_734 : i32 to index
        %get3A_737 = arith.index_cast %get3A_735 : i32 to index
        %get3A_738 = arith.index_cast %multiple_of3A_169 : i32 to index
        %get3A_739 = tpu.vector_load %arg6[%get3A_736, %get3A_737, %get3A_738] {strides = array<i32>} : memref<2x40x384xi32, #tpu.memory_space<vmem>>, vector<16xi32>,
        %shift_left3A_740 = arith.constant 16 : i32
        %shift_left3A_741 = vector.broadcast %shift_left3A_740 : i32 to vector<16xi32>
        %shift_left3A_742 = arith.shli %get3A_739, %shift_left3A_741 : vector<16xi32>
        %bitcast3A_743 = vector.bitcast %shift_left3A_742 : vector<16xi32> to vector<16xf32>
        %and3A_744 = arith.constant -65536 : i32
        %and3A_745 = vector.broadcast %and3A_744 : i32 to vector<16xi32>
        %and3A_746 = arith.andi %get3A_739, %and3A_745 : vector<16xi32>
        %bitcast3A_747 = vector.bitcast %and3A_746 : vector<16xi32> to vector<16xf32>
        %add3A_748 = arith.addf %add3A_684, %bitcast3A_743 : vector<16xf32>
        %add3A_749 = arith.addf %add3A_685, %bitcast3A_747 : vector<16xf32>
        %get3A_750 = arith.constant 0 : i32
        %get3A_751 = arith.constant 37 : i32
        %get3A_752 = arith.index_cast %get3A_750 : i32 to index
        %get3A_753 = arith.index_cast %get3A_751 : i32 to index
        %get3A_754 = arith.index_cast %multiple_of3A_169 : i32 to index
        %get3A_755 = tpu.vector_load %arg6[%get3A_752, %get3A_753, %get3A_754] {strides = array<i32>} : memref<2x40x384xi32, #tpu.memory_space<vmem>>, vector<16xi32>,
        %shift_left3A_756 = arith.constant 16 : i32
        %shift_left3A_757 = vector.broadcast %shift_left3A_756 : i32 to vector<16xi32>
        %shift_left3A_758 = arith.shli %get3A_755, %shift_left3A_757 : vector<16xi32>
        %bitcast3A_759 = vector.bitcast %shift_left3A_758 : vector<16xi32> to vector<16xf32>
        %and3A_760 = arith.constant -65536 : i32
        %and3A_761 = vector.broadcast %and3A_760 : i32 to vector<16xi32>
        %and3A_762 = arith.andi %get3A_755, %and3A_761 : vector<16xi32>
        %bitcast3A_763 = vector.bitcast %and3A_762 : vector<16xi32> to vector<16xf32>
        %add3A_764 = arith.addf %add3A_700, %bitcast3A_759 : vector<16xf32>
        %add3A_765 = arith.addf %add3A_701, %bitcast3A_763 : vector<16xf32>
        %get3A_766 = arith.constant 0 : i32
        %get3A_767 = arith.constant 38 : i32
        %get3A_768 = arith.index_cast %get3A_766 : i32 to index
        %get3A_769 = arith.index_cast %get3A_767 : i32 to index
        %get3A_770 = arith.index_cast %multiple_of3A_169 : i32 to index
        %get3A_771 = tpu.vector_load %arg6[%get3A_768, %get3A_769, %get3A_770] {strides = array<i32>} : memref<2x40x384xi32, #tpu.memory_space<vmem>>, vector<16xi32>,
        %shift_left3A_772 = arith.constant 16 : i32
        %shift_left3A_773 = vector.broadcast %shift_left3A_772 : i32 to vector<16xi32>
        %shift_left3A_774 = arith.shli %get3A_771, %shift_left3A_773 : vector<16xi32>
        %bitcast3A_775 = vector.bitcast %shift_left3A_774 : vector<16xi32> to vector<16xf32>
        %and3A_776 = arith.constant -65536 : i32
        %and3A_777 = vector.broadcast %and3A_776 : i32 to vector<16xi32>
        %and3A_778 = arith.andi %get3A_771, %and3A_777 : vector<16xi32>
        %bitcast3A_779 = vector.bitcast %and3A_778 : vector<16xi32> to vector<16xf32>
        %add3A_780 = arith.addf %add3A_716, %bitcast3A_775 : vector<16xf32>
        %add3A_781 = arith.addf %add3A_717, %bitcast3A_779 : vector<16xf32>
        %get3A_782 = arith.constant 0 : i32
        %get3A_783 = arith.constant 39 : i32
        %get3A_784 = arith.index_cast %get3A_782 : i32 to index
        %get3A_785 = arith.index_cast %get3A_783 : i32 to index
        %get3A_786 = arith.index_cast %multiple_of3A_169 : i32 to index
        %get3A_787 = tpu.vector_load %arg6[%get3A_784, %get3A_785, %get3A_786] {strides = array<i32>} : memref<2x40x384xi32, #tpu.memory_space<vmem>>, vector<16xi32>,
        %shift_left3A_788 = arith.constant 16 : i32
        %shift_left3A_789 = vector.broadcast %shift_left3A_788 : i32 to vector<16xi32>
        %shift_left3A_790 = arith.shli %get3A_787, %shift_left3A_789 : vector<16xi32>
        %bitcast3A_791 = vector.bitcast %shift_left3A_790 : vector<16xi32> to vector<16xf32>
        %and3A_792 = arith.constant -65536 : i32
        %and3A_793 = vector.broadcast %and3A_792 : i32 to vector<16xi32>
        %and3A_794 = arith.andi %get3A_787, %and3A_793 : vector<16xi32>
        %bitcast3A_795 = vector.bitcast %and3A_794 : vector<16xi32> to vector<16xf32>
        %add3A_796 = arith.addf %add3A_732, %bitcast3A_791 : vector<16xf32>
        %add3A_797 = arith.addf %add3A_733, %bitcast3A_795 : vector<16xf32>
        %add3A_798 = arith.addf %add3A_748, %add3A_764 : vector<16xf32>
        %add3A_799 = arith.addf %add3A_780, %add3A_796 : vector<16xf32>
        %add3A_800 = arith.addf %add3A_798, %add3A_799 : vector<16xf32>
        %add3A_801 = arith.addf %add3A_749, %add3A_765 : vector<16xf32>
        %add3A_802 = arith.addf %add3A_781, %add3A_797 : vector<16xf32>
        %add3A_803 = arith.addf %add3A_801, %add3A_802 : vector<16xf32>
        %add3A_804 = arith.constant 384 : i32
        %add3A_805 = arith.addi %multiple_of3A_169, %add3A_804 : i32
        %get3A_806 = arith.index_cast %multiple_of3A_169 : i32 to index
        %get3A_807 = tpu.vector_load %arg7[%get3A_806] {strides = array<i32>} : memref<768xf32, #tpu.memory_space<vmem>>, vector<16xf32>,
        %add3A_808 = arith.addf %get3A_807, %add3A_800 : vector<16xf32>
        %mul3A_809 = arith.constant 5.000000e-03 : f32
        %mul3A_810 = vector.broadcast %mul3A_809 : f32 to vector<16xf32>
        %mul3A_811 = arith.mulf %add3A_808, %mul3A_810 : vector<16xf32>
        %swap3A = arith.index_cast %multiple_of3A_169 : i32 to index
        %swap3A_812 = tpu.vector_load %arg7[%swap3A] {strides = array<i32>} : memref<768xf32, #tpu.memory_space<vmem>>, vector<16xf32>,
        tpu.vector_store %arg7[%swap3A], %mul3A_811 {strides = array<i32>} : memref<768xf32, #tpu.memory_space<vmem>>, vector<16xf32>,
        %get3A_813 = arith.index_cast %add3A_805 : i32 to index
        %get3A_814 = tpu.vector_load %arg7[%get3A_813] {strides = array<i32>} : memref<768xf32, #tpu.memory_space<vmem>>, vector<16xf32>,
        %add3A_815 = arith.addf %get3A_814, %add3A_803 : vector<16xf32>
        %mul3A_816 = arith.constant 5.000000e-03 : f32
        %mul3A_817 = vector.broadcast %mul3A_816 : f32 to vector<16xf32>
        %mul3A_818 = arith.mulf %add3A_815, %mul3A_817 : vector<16xf32>
        %swap3A_819 = arith.index_cast %add3A_805 : i32 to index
        %swap3A_820 = tpu.vector_load %arg7[%swap3A_819] {strides = array<i32>} : memref<768xf32, #tpu.memory_space<vmem>>, vector<16xf32>,
        tpu.vector_store %arg7[%swap3A_819], %mul3A_818 {strides = array<i32>} : memref<768xf32, #tpu.memory_space<vmem>>, vector<16xf32>,
        %scan3A_821 = arith.constant 0 : i32
        scf.yield %scan3A_821 : i32
      }
      %scan3A_160 = arith.constant 24 : i32
      %mul3A_161 = arith.constant 768 : i32
      %mul3A_162 = arith.muli %add3A_13, %mul3A_161 : i32
      %multiple_of3A_163 = tpu.assume_multiple %mul3A_162, 768 : i32
      "tpu.region"() ({
        %run_scoped3A = tpu.sem_alloc : memref<!tpu.dma_semaphore, #tpu.memory_space<semaphore_mem>>
        %dma_start3A_165 = tpu.memref_slice %arg4[%multiple_of3A_163] : memref<3145728xf32, #tpu.memory_space<hbm>> -> memref<768xf32, #tpu.memory_space<hbm>>
        %dma_start3A_166 = tpu.memref_slice %arg4[%multiple_of3A_163] : memref<3145728xf32, #tpu.memory_space<hbm>> -> memref<768xf32, #tpu.memory_space<hbm>>
        tpu.enqueue_dma source(%arg7 : memref<768xf32, #tpu.memory_space<vmem>>) target(%dma_start3A_166 : memref<768xf32, #tpu.memory_space<hbm>>) target_semaphore(%run_scoped3A : memref<!tpu.dma_semaphore, #tpu.memory_space<semaphore_mem>>)
        %dma_wait3A_167 = tpu.memref_slice %arg4[%multiple_of3A_163] : memref<3145728xf32, #tpu.memory_space<hbm>> -> memref<768xf32, #tpu.memory_space<hbm>>
        %dma_wait3A_168 = tpu.memref_slice %arg4[%multiple_of3A_163] : memref<3145728xf32, #tpu.memory_space<hbm>> -> memref<768xf32, #tpu.memory_space<hbm>>
        tpu.wait_dma2 semaphore(%run_scoped3A : memref<!tpu.dma_semaphore, #tpu.memory_space<semaphore_mem>>) src(%arg7 : memref<768xf32, #tpu.memory_space<vmem>>) dst(%dma_wait3A_168 : memref<768xf32, #tpu.memory_space<hbm>>)
        tpu.yield
      }) : () -> ()
      %scan3A_164 = arith.constant 0 : i32
      scf.yield %scan3A_164 : i32
    }
    %scan3A_10 = arith.constant 128 : i32
    return
  }
}

module attributes {stable_mosaic.version = 14 : i64} {
  func.func @_pack_body(%arg0: i32, %arg1: memref<2000x768xf32, #tpu.memory_space<vmem>>, %arg2: memref<2000x384xi32, #tpu.memory_space<vmem>>) attributes {dimension_semantics = [#tpu.dimension_semantics<arbitrary>], iteration_bounds = array<i64: 16>, scalar_prefetch = 0 : i64, scratch_operands = 0 : i64, tpu.core_type = #tpu.core_type<tc>, window_params = [{transform_indices = @transform_0, window_bounds = array<i64: 2000, 768>}, {transform_indices = @transform_1, window_bounds = array<i64: 2000, 384>}]} {
    %get3A = arith.constant 0 : index
    %get3A_0 = arith.constant 0 : index
    %get3A_1 = vector.load %arg1[%get3A, %get3A_0] : memref<2000x768xf32, #tpu.memory_space<vmem>>, vector<2000x768xf32>
    %bitcast_convert_type3A = tpu.bitcast %get3A_1 : vector<2000x768xf32> -> vector<2000x768xi32>
    %slice3A = vector.extract_strided_slice %bitcast_convert_type3A {offsets = [0, 0], sizes = [2000, 384], strides = [1, 1]} : vector<2000x768xi32> to vector<2000x384xi32>
    %slice3A_2 = vector.extract_strided_slice %bitcast_convert_type3A {offsets = [0, 384], sizes = [2000, 384], strides = [1, 1]} : vector<2000x768xi32> to vector<2000x384xi32>
    %shift_right_logical3A = arith.constant 16 : i32
    %shift_right_logical3A_3 = vector.broadcast %shift_right_logical3A : i32 to vector<2000x384xi32>
    %shift_right_logical3A_4 = arith.shrui %slice3A, %shift_right_logical3A_3 : vector<2000x384xi32>
    %and3A = arith.constant 1 : i32
    %and3A_5 = vector.broadcast %and3A : i32 to vector<2000x384xi32>
    %and3A_6 = arith.andi %shift_right_logical3A_4, %and3A_5 : vector<2000x384xi32>
    %add3A = arith.constant 32767 : i32
    %add3A_7 = vector.broadcast %add3A : i32 to vector<2000x384xi32>
    %add3A_8 = arith.addi %add3A_7, %and3A_6 : vector<2000x384xi32>
    %add3A_9 = arith.addi %slice3A, %add3A_8 : vector<2000x384xi32>
    %shift_right_logical3A_10 = arith.constant 16 : i32
    %shift_right_logical3A_11 = vector.broadcast %shift_right_logical3A_10 : i32 to vector<2000x384xi32>
    %shift_right_logical3A_12 = arith.shrui %slice3A_2, %shift_right_logical3A_11 : vector<2000x384xi32>
    %and3A_13 = arith.constant 1 : i32
    %and3A_14 = vector.broadcast %and3A_13 : i32 to vector<2000x384xi32>
    %and3A_15 = arith.andi %shift_right_logical3A_12, %and3A_14 : vector<2000x384xi32>
    %add3A_16 = arith.constant 32767 : i32
    %add3A_17 = vector.broadcast %add3A_16 : i32 to vector<2000x384xi32>
    %add3A_18 = arith.addi %add3A_17, %and3A_15 : vector<2000x384xi32>
    %add3A_19 = arith.addi %slice3A_2, %add3A_18 : vector<2000x384xi32>
    %shift_right_logical3A_20 = arith.constant 16 : i32
    %shift_right_logical3A_21 = vector.broadcast %shift_right_logical3A_20 : i32 to vector<2000x384xi32>
    %shift_right_logical3A_22 = arith.shrui %add3A_9, %shift_right_logical3A_21 : vector<2000x384xi32>
    %and3A_23 = arith.constant -65536 : i32
    %and3A_24 = vector.broadcast %and3A_23 : i32 to vector<2000x384xi32>
    %and3A_25 = arith.andi %add3A_19, %and3A_24 : vector<2000x384xi32>
    %or3A = arith.ori %shift_right_logical3A_22, %and3A_25 : vector<2000x384xi32>
    %swap3A = arith.constant 0 : index
    %swap3A_26 = arith.constant 0 : index
    %swap3A_27 = vector.load %arg2[%swap3A, %swap3A_26] : memref<2000x384xi32, #tpu.memory_space<vmem>>, vector<2000x384xi32>
    tpu.vector_store %arg2[%swap3A, %swap3A_26], %or3A {strides = array<i32>} : memref<2000x384xi32, #tpu.memory_space<vmem>>, vector<2000x384xi32>,
    return
  }
  func.func @transform_0(%arg0: i32) -> (i32, i32) {
    %c0_i32 = arith.constant 0 : i32
    %c0_i32_0 = arith.constant 0 : i32
    return %arg0, %c0_i32 : i32, i32
  }
  func.func @transform_1(%arg0: i32) -> (i32, i32) {
    %c0_i32 = arith.constant 0 : i32
    %c0_i32_0 = arith.constant 0 : i32
    return %arg0, %c0_i32 : i32, i32
  }
}

module attributes {stable_mosaic.version = 14 : i64} {
  func.func @_mm_body(%arg0: i32, %arg1: i32, %arg2: memref<2048x768xf32, #tpu.memory_space<vmem>>, %arg3: memref<768x1280xbf16, #tpu.memory_space<vmem>>, %arg4: memref<1x1280xf32, #tpu.memory_space<vmem>>, %arg5: memref<2048x1280xf32, #tpu.memory_space<vmem>>) attributes {dimension_semantics = [#tpu.dimension_semantics<arbitrary>, #tpu.dimension_semantics<arbitrary>], iteration_bounds = array<i64: 2, 25>, scalar_prefetch = 0 : i64, scratch_operands = 0 : i64, tpu.core_type = #tpu.core_type<tc>, window_params = [{transform_indices = @transform_0, window_bounds = array<i64: 2048, 768>}, {transform_indices = @transform_1, window_bounds = array<i64: 768, 1280>}, {transform_indices = @transform_2, window_bounds = array<i64: 1, 1280>}, {transform_indices = @transform_3, window_bounds = array<i64: 2048, 1280>}]} {
    %get3A = arith.constant 0 : index
    %get3A_0 = arith.constant 0 : index
    %get3A_1 = vector.load %arg2[%get3A, %get3A_0] : memref<2048x768xf32, #tpu.memory_space<vmem>>, vector<2048x768xf32>
    %convert_element_type3A = arith.truncf %get3A_1 : vector<2048x768xf32> to vector<2048x768xbf16>
    %get3A_2 = arith.constant 0 : index
    %get3A_3 = arith.constant 0 : index
    %get3A_4 = vector.load %arg3[%get3A_2, %get3A_3] : memref<768x1280xbf16, #tpu.memory_space<vmem>>, vector<768x1280xbf16>
    %dot_general3A = arith.constant dense<0.000000e+00> : vector<2048x1280xf32>
    %dot_general3A_5 = tpu.matmul %convert_element_type3A, %get3A_4, %dot_general3A {dimension_numbers = #tpu.dot_dimension_numbers<[1], [0], [0], [1], [0, 0, 1, 1], [], []>, transpose_lhs_hint = false} : vector<2048x768xbf16>, vector<768x1280xbf16>, vector<2048x1280xf32> -> vector<2048x1280xf32>
    %get3A_6 = arith.constant 0 : index
    %get3A_7 = arith.constant 0 : index
    %get3A_8 = vector.load %arg4[%get3A_6, %get3A_7] : memref<1x1280xf32, #tpu.memory_space<vmem>>, vector<1x1280xf32>
    %add3A = vector.broadcast %get3A_8 : vector<1x1280xf32> to vector<2048x1280xf32>
    %add3A_9 = arith.addf %dot_general3A_5, %add3A : vector<2048x1280xf32>
    %swap3A = arith.constant 0 : index
    %swap3A_10 = arith.constant 0 : index
    %swap3A_11 = vector.load %arg5[%swap3A, %swap3A_10] : memref<2048x1280xf32, #tpu.memory_space<vmem>>, vector<2048x1280xf32>
    tpu.vector_store %arg5[%swap3A, %swap3A_10], %add3A_9 {strides = array<i32>} : memref<2048x1280xf32, #tpu.memory_space<vmem>>, vector<2048x1280xf32>,
    return
  }
  func.func @transform_0(%arg0: i32, %arg1: i32) -> (i32, i32) {
    %c0_i32 = arith.constant 0 : i32
    %c0_i32_0 = arith.constant 0 : i32
    return %arg0, %c0_i32 : i32, i32
  }
  func.func @transform_1(%arg0: i32, %arg1: i32) -> (i32, i32) {
    %c0_i32 = arith.constant 0 : i32
    %c0_i32_0 = arith.constant 0 : i32
    return %c0_i32, %arg1 : i32, i32
  }
  func.func @transform_2(%arg0: i32, %arg1: i32) -> (i32, i32) {
    %c0_i32 = arith.constant 0 : i32
    %c0_i32_0 = arith.constant 0 : i32
    return %c0_i32, %arg1 : i32, i32
  }
  func.func @transform_3(%arg0: i32, %arg1: i32) -> (i32, i32) {
    %c0_i32 = arith.constant 0 : i32
    return %arg0, %arg1 : i32, i32
  }
}

</mosaic_0001>

<sc_bundles>
// kernel: kernel.5.cloned.1.call-start
scs
__scs_entry_jumppad:
0x0: {  	(pc) =	sbr.rel $0x88, $3  }
0x1: {  	(tag) =	ssettag $0x0;
	lr =	simm.s32 $0x1  }
0x2: {  	[smem:$0x3F9D] =	sst lr;
	_ =	strace $0xD0000000  }
0x3: {  	_ = 	snop  }
0x4: {  	_ = 	snop  }
0x5: {  	_ = 	snop  }
0x6: {  	_ = 	snop  }
0x7: {  	_ = 	snop  }
__scs_overlays_trampoline_lowered:
0x8: {  	[smem:$0x3FAC] =	sst s0  }
0x9: {  	[smem:$0x3FAD] =	sst s1  }
0xa: {  	[smem:$0x3FAE] =	sst s2  }
0xb: {  	[smem:$0x3FAF] =	sst s3  }
0xc: {  	[smem:$0x3FB0] =	sst s4  }
0xd: {  	[smem:$0x3FB1] =	sst s5  }
0xe: {  	[smem:$0x3FB2] =	sst s6  }
0xf: {  	[smem:$0x3FB3] =	sst s7  }
0x10: {  	[smem:$0x3FB4] =	sst s8  }
0x11: {  	[smem:$0x3FB5] =	sst s9;
	s0 =	simm.s32 @!p0 $0x0  }
0x12: {  	s1 =	sld [smem:$0x3F9B];
	s0 =	simm.s32 @p0 $0x1  }
0x13: {  	[smem:$0x3FB6] =	sst s0;
	s0 =	simm.s32 @!p1 $0x0  }
0x14: {  	s2 =	sld [smem:$0x3F9A];
	s0 =	simm.s32 @p1 $0x1  }
0x15: {  	[smem:$0x3FB7] =	sst s0;
	s0 =	simm.s32 @!p2 $0x0  }
0x16: {  	s3 =	sld [smem:$0x3FDB];
	s0 =	simm.s32 @p2 $0x1  }
0x17: {  	s4 =	simm.s32 $0x1BF5;
	[smem:$0x3FB9] =	sst s0  }
0x18: {  	s0 =	sld [smem:$0x3F9C];
	_ =	swait.ge [sflag:s4], $0x0  }
0x19: {  	s7 =	sld [smem:$0x3F9D]  }
0x1a: {  	s8 =	sadd.s32 $0xFFFFE003, lr  }
0x1b: {  	s9 =	sadd.s32 $0xFFFFFEF7, lr;
	s5 =	simm.s32 $0xFFFFFFFF;
	p2 =	slt.u32 s8, $0xFFFFF086  }
0x1c: {  	p1 =	slt.u32 s9, $0xF7A;
	s5 =	simm.s32 @!p2 $0x0  }
0x1d: {  	s5 =	simm.s32 @p1 $0x1;
	p0 =	seq.s32 s7, s2  }
0x1e: {  	s7 =	smul.u32 @!p0 $0xF7A, s2;
	p2 =	seq.s32 @!p0 s5, $0x0  }
0x1f: {  	s9 =	smul.u32 $0xF7A, s1;
	s8 =	simm.s32 @!p0 $0x1BF5;
	p2 =	por !p2, p0  }
0x20: {  	[sflag:s8] =	ssyncset.s32 @!p0 $0xFFFFF086;
	s6 =	sadd.s32 @!p0 s3, s7;
	s7 =	simm.s32 @!p0 $0x108  }
0x21: {  	s3 =	sadd.s32 s3, s9;
	s6 =	sadd.s32 @!p0 $0x88, s6;
	s7 =	simm.s32 @p2 $0x1082  }
0x22: {  	[simem:s7], [sflag:s8] =	dma.local @!p0 [hbm:s6], $0xF7A  }
0x23: {  	s9 =	sor.u32 $0xD0000000, s2;
	s6 =	simm.s32 $0x108;
	_ =	swait.ge @!p0 [sflag:s8], $0x0  }
0x24: {  	s3 =	sadd.s32 $0x88, s3;
	s6 =	simm.s32 @!p1 $0x1082;
	[sflag:s4] =	ssyncset.s32 $0xFFFFF086  }
0x25: {  	[simem:s6], [sflag:s4] =	dma.local [hbm:s3], $0xF7A  }
0x26: {  	[smem:$0x3F9D] =	sst s1;
	(tag) =	ssettag s2;
	_ =	strace s9  }
0x27: {  	s1 =	sld [smem:$0x3FAD]  }
0x28: {  	s2 =	sld [smem:$0x3FAE]  }
0x29: {  	s4 =	sld [smem:$0x3FB0]  }
0x2a: {  	p0 =	seq.s32 s5, $0x0;
	s5 =	sld [smem:$0x3FB1]  }
0x2b: {  	s6 =	sld [smem:$0x3FB2]  }
0x2c: {  	s7 =	sld [smem:$0x3FB3]  }
0x2d: {  	s3 =	simm.s32 $0x108;
	s8 =	sld [smem:$0x3FB4]  }
0x2e: {  	s3 =	simm.s32 @!p0 $0x1082;
	s9 =	sld [smem:$0x3FB5]  }
0x2f: {  	lr =	sadd.s32 s0, s3;
	s0 =	sld [smem:$0x3FAC]  }
0x30: {  	s3 =	sld [smem:$0x3FAF]  }
0x31: {  	[smem:$0x3FB8] =	sst s10  }
0x32: {  	s10 =	sld [smem:$0x3FB6];
	_ =	sdelay $0x3  }
0x33: {  	p0 =	seq.s32 s10, $0x1;
	s10 =	sld [smem:$0x3FB8];
	_ =	sdelay $0x3  }
0x34: {  	[smem:$0x3FB8] =	sst s10  }
0x35: {  	s10 =	sld [smem:$0x3FB7];
	_ =	sdelay $0x3  }
0x36: {  	p1 =	seq.s32 s10, $0x1;
	s10 =	sld [smem:$0x3FB8];
	_ =	sdelay $0x3  }
0x37: {  	[smem:$0x3FB8] =	sst s10  }
0x38: {  	s10 =	sld [smem:$0x3FB9]  }
0x39: {  	_ = 	snop;
	(pc) =	sbr.ind lr, $3  }
0x3a: {  	_ = 	snop  }
0x3b: {  	_ = 	snop  }
0x3c: {  	p2 =	seq.s32 s10, $0x1;
	s10 =	sld [smem:$0x3FB8]  }
0x3d: {  	_ =	shalt  }
0x3e: {  	_ =	shalt  }
0x3f: {  	_ =	shalt  }
0x40: {  	_ =	shalt  }
0x41: {  	_ =	shalt  }
0x42: {  	_ =	shalt  }
0x43: {  	_ =	shalt  }
0x44: {  	_ =	shalt  }
0x45: {  	_ =	shalt  }
0x46: {  	_ =	shalt  }
0x47: {  	_ =	shalt  }
0x48: {  	_ =	shalt  }
0x49: {  	_ =	shalt  }
0x4a: {  	_ =	shalt  }
0x4b: {  	_ =	shalt  }
0x4c: {  	_ =	shalt  }
0x4d: {  	_ =	shalt  }
0x4e: {  	_ =	shalt  }
0x4f: {  	_ =	shalt  }
0x50: {  	_ =	shalt  }
0x51: {  	_ =	shalt  }
0x52: {  	_ =	shalt  }
0x53: {  	_ =	shalt  }
0x54: {  	_ =	shalt  }
0x55: {  	_ =	shalt  }
0x56: {  	_ =	shalt  }
0x57: {  	_ =	shalt  }
0x58: {  	_ =	shalt  }
0x59: {  	_ =	shalt  }
0x5a: {  	_ =	shalt  }
0x5b: {  	_ =	shalt  }
0x5c: {  	_ =	shalt  }
0x5d: {  	_ =	shalt  }
0x5e: {  	_ =	shalt  }
0x5f: {  	_ =	shalt  }
0x60: {  	_ =	shalt  }
0x61: {  	_ =	shalt  }
0x62: {  	_ =	shalt  }
0x63: {  	_ =	shalt  }
0x64: {  	_ =	shalt  }
0x65: {  	_ =	shalt  }
0x66: {  	_ =	shalt  }
0x67: {  	_ =	shalt  }
0x68: {  	_ =	shalt  }
0x69: {  	_ =	shalt  }
0x6a: {  	_ =	shalt  }
0x6b: {  	_ =	shalt  }
0x6c: {  	_ =	shalt  }
0x6d: {  	_ =	shalt  }
0x6e: {  	_ =	shalt  }
0x6f: {  	_ =	shalt  }
0x70: {  	_ =	shalt  }
0x71: {  	_ =	shalt  }
0x72: {  	_ =	shalt  }
0x73: {  	_ =	shalt  }
0x74: {  	_ =	shalt  }
0x75: {  	_ =	shalt  }
0x76: {  	_ =	shalt  }
0x77: {  	_ =	shalt  }
0x78: {  	_ =	shalt  }
0x79: {  	_ =	shalt  }
0x7a: {  	_ =	shalt  }
0x7b: {  	_ =	shalt  }
0x7c: {  	_ =	shalt  }
0x7d: {  	_ =	shalt  }
0x7e: {  	_ =	shalt  }
0x7f: {  	_ =	shalt  }
0x80: {  	_ =	shalt  }
0x81: {  	_ =	shalt  }
0x82: {  	_ =	shalt  }
0x83: {  	_ =	shalt  }
0x84: {  	_ =	shalt  }
0x85: {  	_ =	shalt  }
0x86: {  	_ =	shalt  }
0x87: {  	_ =	shalt  }
.Lfunc_end0:
.L_simem_size_0:
called_computation_lowered:
.L_overlay_start_0:
0x88: {  	s2 =	sld [smem:$0x3FD9]  }
0x89: {  	s3 =	sld [smem:$0x3FFE];
	_ =	sdelay $0x1  }
0x8a: {  	s1 =	srdreg.scid  }
0x8b: {  	s0 =	sand.u32 $0x1, s1  }
0x8c: {  	s17 =	sshll.u32 s0, $0xA;
	s2 =	sadd.s32 s3, s2  }
0x8d: {  	s2 =	sadd.s32 s2, s17  }
0x8e: {  	[smem:$0x3FC4] =	sst s2  }
0x8f: {  	_ = 	snop  }
0x90: {  	s2 =	sld [smem:$0x3FD0];
	(tm) =	ssettm $0x1  }
0x91: {  	s18 =	sld [smem:$0x3FFB];
	_ =	sdelay $0x3  }
0x92: {  	_ =	strace s18  }
0x93: {  	s3 =	sld [smem:$0x3FFC];
	_ =	sdelay $0x3  }
0x94: {  	_ =	strace s3  }
0x95: {  	s3 =	sld [smem:$0x3FFD];
	_ =	sdelay $0x3  }
0x96: {  	_ =	strace s3  }
0x97: {  	_ =	strace $0x8FFFFFFF  }
0x98: {  	s19 =	sld [smem:$0x3FDB];
	_ =	sdelay $0x1  }
0x99: {  	s4 =	simm.s32 $_scs_section_size  }
0x9a: {  	s5 =	simm.s32 $_size__tile_overlayer_lowered;
	s6 =	simm.s32 $_tile_overlayer_lowered  }
0x9b: {  	s22 =	simm.s32 $0x1BFF;
	s21 =	sshll.u32 s6, $0x1;
	s3 =	sadd.s32 s4, s19  }
0x9c: {  	s7 =	simm.s32 $0x0;
	s20 =	sshll.u32 s5, $0x1;
	s5 =	sadd.s32 s21, s3  }
0x9d: {  	[timem:s7], [sflag:s22] =	dma.local [hbm:s5], s20  }
0x9e: {  	_ =	swait.ge [sflag:s22], s20  }
0x9f: {  	s4 =	ssub.s32 $0x0, s20;
	[sflag:s22] =	ssyncset.done $0x0  }
0xa0: {  	[sflag:s22] =	ssyncadd.s32 s4;
	_ =	sdelay $0x1  }
0xa1: {  	s23 =	simm.s32 $0x1B8B  }
0xa2: {  	_ =	swait.ge [sflag:s23], $0x1  }
0xa3: {  	[sflag:s23] =	ssyncset.done $0x0  }
0xa4: {  	s25 =	simm.s32 $0x1B8E;
	s24 =	sld [smem:$0x3FFE];
	[sflag:s23] =	ssyncadd.s32 $0xFFFFFFFF  }
0xa5: {  	s26 =	simm.s32 $execute0_lowered;
	[smem:$0x3FD2] =	sst s25  }
0xa6: {  	s5 =	sshll.u32 s26, $0x1;
	_ =	strace $0x80000046;
	[dreg:$0x1] =	wrdreg $0xFFFFFFFF  }
0xa7: {  	s28 =	simm.s32 $_size_execute0_lowered;
	s3 =	sadd.s32 s3, s5;
	[dreg:$0x0] =	wrdreg $0x0  }
0xa8: {  	s5 =	sshll.u32 s28, $0x1;
	[dreg:$0x2] =	wrdreg s3  }
0xa9: {  	[dreg:$0x3] =	wrdreg s5  }
0xaa: {  	[dreg:$0x4] =	wrdreg $0xC0  }
0xab: {  	_ =	task [dreg:s7], $0x5FFFF  }
0xac: {  	[dreg:$0x1] =	wrdreg $0xFFFFFFFF  }
0xad: {  	[dreg:$0x0] =	wrdreg $0x60  }
0xae: {  	[dreg:$0x2] =	wrdreg s24  }
0xaf: {  	[dreg:$0x3] =	wrdreg s2  }
0xb0: {  	[dreg:$0x4] =	wrdreg $0x9  }
0xb1: {  	_ =	task.clear_ibuf [dreg:s7], $0x5FFFF;
	_ =	strace $0x90000046  }
0xb2: {  	s29 =	simm.s32 $0x9;
	_ =	strace $0x80000048  }
0xb3: {  	_ =	swait.ge [sflag:s29], $0x1  }
0xb4: {  	[sflag:s29] =	ssyncadd.s32 $0xFFFFFFFF  }
0xb5: {  	_ =	strace $0x90000048  }
0xb6: {  	_ =	sfence  }
0xb7: {  	s30 =	sld [smem:$0x0];
	_ =	sdelay $0x2  }
0xb8: {  	s31 =	sshll.u32 s1, $0xD;
	s1 =	sshrl.u32 s1, $0x2  }
0xb9: {  	s3 =	sand.u32 $0x4000, s31;
	s1 =	sadd.s32 s1, s30  }
0xba: {  	s0 =	sor.u32 s3, s0;
	s1 =	sshll.u32 s1, $0x11  }
0xbb: {  	s0 =	sor.u32 s1, s0  }
0xbc: {  	s0 =	sadd.s32 $0x8F2B, s0  }
0xbd: {  	[sflag:s0] =	ssyncadd.remote.s32 $0x1  }
0xbe: {  	_ =	sfence.sel $0xFFFF  }
0xbf: {  	[dreg:$0x0] =	wrdreg $0xFFFFFFFF;
	(pc) =	sbr.abs _section_cstart, $3  }
0xc0: {  	[dreg:$0x1] =	wrdreg $0xFFFFFFFF  }
0xc1: {  	_ =	task.clear_ibuf [dreg:s7], $0x2FFFF;
	_ =	strace $0x9FFFFFFF  }
0xc2: {  	(tm) =	ssettm $0x7FFFFFFF  }
0xc3: {  	_ =	shalt  }
tec
execute0_lowered:
.L_overlay_start_1:
0x0: {  	(tag) =	ssettag $0x1  }
0x1: {  	s0 =	rddreg [dreg:$0x0];
	s1 =	srdreg.scid  }
0x2: {  	s3 =	stileid.u32;
	s2 =	rddreg [dreg:$0x1];
	s4 =	simm.s32 $0x0  }
0x3: {  	s9 =	simm.s32 $0x3;
	s10 =	simm.s32 $0x6400;
	s11 =	simm.s32 $0x6C00  }
0x4: {  	s12 =	simm.s32 $0x7000;
	s13 =	simm.s32 $0x7800;
	s14 =	simm.s32 $0x7C00  }
0x5: {  	s15 =	simm.s32 $0x8400;
	s16 =	simm.s32 $0x8800;
	s17 =	simm.s32 $0x9000  }
0x6: {  	s18 =	simm.s32 $0x9400;
	s19 =	simm.s32 $0x9C00;
	s28 =	simm.s32 $0xCC00  }
0x7: {  	s29 =	simm.s32 $0xD000;
	s30 =	simm.s32 $0xD800;
	s31 =	simm.s32 $0x1  }
0x8: {  	s1 =	sand.u32 $0x1, s1;
	s3 =	sshll.u32 s3, $0x1;
	[smem:$0x7FF] =	sst s4  }
0x9: {  	s7 =	sadd.s32 $0x100, s2;
	s3 =	sor.u32 s1, s3;
	_ =	strace $0x80000047  }
0xa: {  	s1 =	ssub.s32 $0x2, s1;
	s23 =	smul.u32 $0xC80, s3;
	s25 =	sshll.u32 s3, $0x7  }
0xb: {  	s24 =	sshrl.u32 s1, $0x1;
	s3 =	simm.s32 $0x0;
	[dreg:$0x4] =	wrdreg s25  }
0xc: {  	s25 =	simm.s32 $0xC000;
	s4 =	sadd.s32 s23, s0;
	s0 =	sadd.s32 $0x19600, s0  }
0xd: {  	v2 =	vlaneseq.u32;
	[dreg:$0x3] =	wrdreg s0;
	s0 =	ssub.s32 s1, s24;
	s26 =	sadd.s32 $0x600, s4  }
0xe: {  	vm0 =	vmmov $0xffff;
	vm1 =	vmmov $0xff;
	v1 =	vshrl.u32 v2, $0x3;
	s24 =	simm.s32 $0xB800;
	[dreg:$0x5] =	wrdreg s26;
	s0 =	smax.u32 s0, $0x1  }
0xf: {  	v0 =	vand.u32 $0x7, v2;
	v2 =	vor.u32 $0x8, v2;
	v1 =	vmul.u32 $0x8, v1;
	s1 =	simm.s32 $0x2;
	s26 =	simm.s32 $0xC400;
	[dreg:$0x6] =	wrdreg s0  }
.LBB2_1:
0x10: {  	[dreg:$0x7] =	wrdreg s3  }
0x11: {  	s0 =	simm.s32 $0x0;
	s23 =	rddreg [dreg:$0x5]  }
0x12: {  	[tilespmem:s0], [sflag:$0x3] =	stream.linear.gather [hbm4b:s23+s0], $0x6400, $0x38;
	[tilespmem:$0xDF00] =	vst v63  }
0x13: {  	_ =	swait.ge [sflag:s9], $0x6400  }
0x14: {  	[sflag:s9] =	ssyncset.done $0x0  }
0x15: {  	s8 =	simm.s32 $0x0;
	[sflag:s9] =	ssyncadd.s32 $0xFFFF9C00  }
.LBB2_2:
0x16: {  	s0 =	smul.u32 $0x320, s8;
	_ =	sdelay $0x1  }
0x17: {  	s6 =	sshra.s32 s0, $0x2  }
0x18: {  	v3 =	vld [tilespmem:s6+$0x0];
	_ =	sdelay $0x4  }
0x19: {  	v4 =	vshrl.u32 v3, $0x3  }
0x1a: {  	v4 =	vmul.u32 $0x18, v4  }
0x1b: {  	v3 =	vand.u32 $0x7, v3  }
0x1c: {  	v3 =	vor.u32 v3, v4  }
0x1d: {  	v4 =	vperm.xlane v3, v0;
	_ =	sdelay $0x1  }
0x1e: {  	v4 =	vadd.s32 v1, v4;
	_ =	sdelay $0x1  }
0x1f: {  	v3 =	vperm.xlane v3, v2;
	_ =	sdelay $0x1  }
0x20: {  	s0 =	simm.s32 $0x0;
	v3 =	vadd.s32 v1, v3  }
0x21: {  	[tilespmem:s10], [sflag:$0x1] =	stream.indirect_vreg.gather [hbm4b:s2+s0], $0x80, v4, vm0, $0xb8;
	[tilespmem:$0xDF00] =	vst v63  }
0x22: {  	_ = 	snop  }
0x23: {  	[tilespmem:s11], [sflag:$0x1] =	stream.indirect_vreg.gather [hbm4b:s7+s0], $0x80, v4, vm1, $0xb8;
	[tilespmem:$0xDF00] =	vst v63  }
0x24: {  	_ = 	snop  }
0x25: {  	[tilespmem:s12], [sflag:$0x1] =	stream.indirect_vreg.gather [hbm4b:s2+s0], $0x80, v3, vm0, $0xb8;
	[tilespmem:$0xDF00] =	vst v63  }
0x26: {  	_ = 	snop  }
0x27: {  	[tilespmem:s13], [sflag:$0x1] =	stream.indirect_vreg.gather [hbm4b:s7+s0], $0x80, v3, vm1, $0xb8;
	[tilespmem:$0xDF00] =	vst v63  }
0x28: {  	v3 =	vld [tilespmem:s6+$0x10];
	_ =	sdelay $0x4  }
0x29: {  	v4 =	vshrl.u32 v3, $0x3  }
0x2a: {  	v4 =	vmul.u32 $0x18, v4  }
0x2b: {  	v3 =	vand.u32 $0x7, v3  }
0x2c: {  	v3 =	vor.u32 v3, v4  }
0x2d: {  	v4 =	vperm.xlane v3, v0;
	_ =	sdelay $0x1  }
0x2e: {  	v4 =	vadd.s32 v1, v4;
	_ =	sdelay $0x1  }
0x2f: {  	v3 =	vperm.xlane v3, v2;
	_ =	sdelay $0x1  }
0x30: {  	v3 =	vadd.s32 v1, v3  }
0x31: {  	[tilespmem:s14], [sflag:$0x1] =	stream.indirect_vreg.gather [hbm4b:s2+s0], $0x80, v4, vm0, $0xb8;
	[tilespmem:$0xDF00] =	vst v63  }
0x32: {  	_ = 	snop  }
0x33: {  	[tilespmem:s15], [sflag:$0x1] =	stream.indirect_vreg.gather [hbm4b:s7+s0], $0x80, v4, vm1, $0xb8;
	[tilespmem:$0xDF00] =	vst v63  }
0x34: {  	_ = 	snop  }
0x35: {  	[tilespmem:s16], [sflag:$0x1] =	stream.indirect_vreg.gather [hbm4b:s2+s0], $0x80, v3, vm0, $0xb8;
	[tilespmem:$0xDF00] =	vst v63  }
0x36: {  	_ = 	snop  }
0x37: {  	[tilespmem:s17], [sflag:$0x1] =	stream.indirect_vreg.gather [hbm4b:s7+s0], $0x80, v3, vm1, $0xb8;
	[tilespmem:$0xDF00] =	vst v63  }
0x38: {  	v3 =	vld.msk [tilespmem:s6+$0x20], $0xff;
	_ =	sdelay $0x4  }
0x39: {  	v4 =	vshrl.u32 v3, $0x3  }
0x3a: {  	v4 =	vmul.u32 $0x18, v4  }
0x3b: {  	v3 =	vand.u32 $0x7, v3  }
0x3c: {  	v3 =	vor.u32 v3, v4  }
0x3d: {  	v3 =	vperm.xlane v3, v0;
	_ =	sdelay $0x1  }
0x3e: {  	v3 =	vadd.s32 v1, v3;
	_ =	sdelay $0x4  }
0x3f: {  	[tilespmem:s18], [sflag:$0x1] =	stream.indirect_vreg.gather [hbm4b:s2+s0], $0x80, v3, vm0, $0xb8;
	[tilespmem:$0xDF00] =	vst v63  }
0x40: {  	_ = 	snop  }
0x41: {  	[tilespmem:s19], [sflag:$0x1] =	stream.indirect_vreg.gather [hbm4b:s7+s0], $0x80, v3, vm1, $0xb8;
	[tilespmem:$0xDF00] =	vst v63  }
0x42: {  	v3 =	vld [tilespmem:s6+$0x28];
	_ =	sdelay $0x4  }
0x43: {  	v4 =	vshrl.u32 v3, $0x3  }
0x44: {  	v4 =	vmul.u32 $0x18, v4  }
0x45: {  	v3 =	vand.u32 $0x7, v3  }
0x46: {  	v3 =	vor.u32 v3, v4  }
0x47: {  	v4 =	vperm.xlane v3, v0;
	_ =	sdelay $0x1  }
0x48: {  	v4 =	vadd.s32 v1, v4;
	_ =	sdelay $0x1  }
0x49: {  	v3 =	vperm.xlane v3, v2;
	_ =	sdelay $0x1  }
0x4a: {  	s3 =	simm.s32 $0xA000;
	v3 =	vadd.s32 v1, v3  }
0x4b: {  	[tilespmem:s3], [sflag:$0x2] =	stream.indirect_vreg.gather [hbm4b:s2+s0], $0x80, v4, vm0, $0xb8;
	[tilespmem:$0xDF00] =	vst v63  }
0x4c: {  	s20 =	simm.s32 $0xA800  }
0x4d: {  	[tilespmem:s20], [sflag:$0x2] =	stream.indirect_vreg.gather [hbm4b:s7+s0], $0x80, v4, vm1, $0xb8;
	[tilespmem:$0xDF00] =	vst v63  }
0x4e: {  	s21 =	simm.s32 $0xAC00  }
0x4f: {  	[tilespmem:s21], [sflag:$0x2] =	stream.indirect_vreg.gather [hbm4b:s2+s0], $0x80, v3, vm0, $0xb8;
	[tilespmem:$0xDF00] =	vst v63  }
0x50: {  	s22 =	simm.s32 $0xB400  }
0x51: {  	[tilespmem:s22], [sflag:$0x2] =	stream.indirect_vreg.gather [hbm4b:s7+s0], $0x80, v3, vm1, $0xb8;
	[tilespmem:$0xDF00] =	vst v63  }
0x52: {  	v3 =	vld [tilespmem:s6+$0x38];
	_ =	sdelay $0x4  }
0x53: {  	v4 =	vshrl.u32 v3, $0x3  }
0x54: {  	v4 =	vmul.u32 $0x18, v4  }
0x55: {  	v3 =	vand.u32 $0x7, v3  }
0x56: {  	v3 =	vor.u32 v3, v4  }
0x57: {  	v4 =	vperm.xlane v3, v0;
	_ =	sdelay $0x1  }
0x58: {  	v4 =	vadd.s32 v1, v4;
	_ =	sdelay $0x1  }
0x59: {  	v3 =	vperm.xlane v3, v2;
	_ =	sdelay $0x1  }
0x5a: {  	v3 =	vadd.s32 v1, v3  }
0x5b: {  	[tilespmem:s24], [sflag:$0x2] =	stream.indirect_vreg.gather [hbm4b:s2+s0], $0x80, v4, vm0, $0xb8;
	[tilespmem:$0xDF00] =	vst v63  }
0x5c: {  	_ = 	snop  }
0x5d: {  	[tilespmem:s25], [sflag:$0x2] =	stream.indirect_vreg.gather [hbm4b:s7+s0], $0x80, v4, vm1, $0xb8;
	[tilespmem:$0xDF00] =	vst v63  }
0x5e: {  	_ = 	snop  }
0x5f: {  	[tilespmem:s26], [sflag:$0x2] =	stream.indirect_vreg.gather [hbm4b:s2+s0], $0x80, v3, vm0, $0xb8;
	[tilespmem:$0xDF00] =	vst v63  }
0x60: {  	_ = 	snop  }
0x61: {  	[tilespmem:s28], [sflag:$0x2] =	stream.indirect_vreg.gather [hbm4b:s7+s0], $0x80, v3, vm1, $0xb8;
	[tilespmem:$0xDF00] =	vst v63  }
0x62: {  	v3 =	vld.msk [tilespmem:s6+$0x48], $0xff;
	_ =	sdelay $0x4  }
0x63: {  	v4 =	vshrl.u32 v3, $0x3  }
0x64: {  	v4 =	vmul.u32 $0x18, v4  }
0x65: {  	v3 =	vand.u32 $0x7, v3  }
0x66: {  	v3 =	vor.u32 v3, v4  }
0x67: {  	v3 =	vperm.xlane v3, v0;
	_ =	sdelay $0x1  }
0x68: {  	v3 =	vadd.s32 v1, v3;
	_ =	sdelay $0x4  }
0x69: {  	[tilespmem:s29], [sflag:$0x2] =	stream.indirect_vreg.gather [hbm4b:s2+s0], $0x80, v3, vm0, $0xb8;
	[tilespmem:$0xDF00] =	vst v63  }
0x6a: {  	_ = 	snop  }
0x6b: {  	[tilespmem:s30], [sflag:$0x2] =	stream.indirect_vreg.gather [hbm4b:s7+s0], $0x80, v3, vm1, $0xb8;
	[tilespmem:$0xDF00] =	vst v63  }
0x6c: {  	_ =	swait.ge [sflag:s31], $0x3C00  }
0x6d: {  	s23 =	sand.u32 $0x70, s0;
	s4 =	sand.u32 $0xC00, s0;
	[sflag:s31] =	ssyncset.done $0x0  }
0x6e: {  	s3 =	sor.u32 s23, s4;
	[sflag:s31] =	ssyncadd.s32 $0xFFFFC400  }
0x6f: {  	v6 =	vld [tilespmem:s3+$0x7D00]  }
0x70: {  	v3 =	vld [tilespmem:s3+$0x7080]  }
0x71: {  	v4 =	vld [tilespmem:s3+$0x7000]  }
0x72: {  	v5 =	vld [tilespmem:s3+$0x7300]  }
0x73: {  	v7 =	vld [tilespmem:s3+$0x7200]  }
0x74: {  	v16 =	vld [tilespmem:s3+$0x6580]  }
0x75: {  	v18 =	vld [tilespmem:s3+$0x7280]  }
0x76: {  	v13 =	vld [tilespmem:s3+$0x7100]  }
0x77: {  	v9 =	vld [tilespmem:s3+$0x6600]  }
0x78: {  	v21 =	vld [tilespmem:s3+$0x6700]  }
0x79: {  	v23 =	vld [tilespmem:s3+$0x6480]  }
0x7a: {  	v20 =	vld [tilespmem:s3+$0x6680]  }
0x7b: {  	v22 =	vld [tilespmem:s3+$0x6400];
	v35 =	vshll.u32 v7, $0x10;
	v15 =	vand.u32 $0xFFFF0000, v7;
	v8 =	vand.u32 $0xFFFF0000, v18  }
0x7c: {  	v7 =	vshll.u32 v9, $0x10;
	v25 =	vand.u32 $0xFFFF0000, v9;
	v11 =	vand.u32 $0xFFFF0000, v5  }
0x7d: {  	v26 =	vld [tilespmem:s3+$0x6780];
	v17 =	vand.u32 $0xFFFF0000, v21;
	v12 =	vshll.u32 v13, $0x10;
	v9 =	vshll.u32 v5, $0x10  }
0x7e: {  	v10 =	vld [tilespmem:s3+$0x7F00];
	v5 =	vshll.u32 v23, $0x10;
	v28 =	vand.u32 $0xFFFF0000, v4;
	v19 =	vshll.u32 v3, $0x10  }
0x7f: {  	v32 =	vld [tilespmem:s3+$0x7C00];
	v24 =	vshll.u32 v20, $0x10;
	v14 =	vand.u32 $0xFFFF0000, v3;
	v3 =	vshll.u32 v6, $0x10  }
0x80: {  	v31 =	vld [tilespmem:s3+$0x7180];
	v27 =	vshll.u32 v22, $0x10;
	v30 =	vshll.u32 v16, $0x10;
	v16 =	vand.u32 $0xFFFF0000, v16  }
0x81: {  	v22 =	vand.u32 $0xFFFF0000, v22;
	v18 =	vshll.u32 v18, $0x10;
	v5 =	vadd.f32 v24, v5  }
0x82: {  	v29 =	vld [tilespmem:s3+$0x7C80];
	v24 =	vshll.u32 v4, $0x10;
	v7 =	vadd.f32 v7, v27;
	v27 =	vshll.u32 v26, $0x10  }
0x83: {  	v34 =	vld [tilespmem:s3+$0x6500];
	v4 =	vshll.u32 v10, $0x10;
	v22 =	vadd.f32 v25, v22;
	v25 =	vand.u32 $0xFFFF0000, v26  }
0x84: {  	v26 =	vand.u32 $0xFFFF0000, v32;
	v27 =	vadd.f32 v27, v30;
	v33 =	vadd.f32 v19, v5;
	v19 =	vld [tilespmem:s3+$0x7380]  }
0x85: {  	v37 =	vadd.f32 v24, v7;
	v5 =	vld [tilespmem:s3+$0x7E80];
	v24 =	vand.u32 $0xFFFF0000, v20;
	v20 =	vshll.u32 v31, $0x10  }
0x86: {  	v38 =	vadd.f32 v25, v16;
	v16 =	vshll.u32 v32, $0x10;
	v36 =	vadd.f32 v20, v27;
	v20 =	vld [tilespmem:s3+$0x7D80]  }
0x87: {  	v30 =	vshll.u32 v29, $0x10;
	v25 =	vshll.u32 v21, $0x10;
	v21 =	vld [tilespmem:s3+$0x7F80];
	v7 =	vand.u32 $0xFFFF0000, v29  }
0x88: {  	v27 =	vadd.f32 v18, v33;
	v33 =	vadd.f32 v28, v22;
	v28 =	vand.u32 $0xFFFF0000, v31  }
0x89: {  	v29 =	vshll.u32 v34, $0x10;
	v22 =	vld [tilespmem:s3+$0x8980];
	v28 =	vadd.f32 v28, v38;
	v18 =	vshll.u32 v19, $0x10  }
0x8a: {  	s5 =	simm.s32 $0x0;
	v31 =	vld [tilespmem:s3+$0x7E00];
	v32 =	vadd.f32 v18, v36;
	v18 =	vshll.u32 v5, $0x10;
	v36 =	vand.u32 $0xFFFF0000, v34  }
0x8b: {  	s4 =	simm.s32 $0xDC00;
	s20 =	simm.s32 $0xDC00;
	s21 =	simm.s32 $0x10;
	v34 =	vand.u32 $0xFFFF0000, v23;
	v23 =	vadd.f32 v35, v37;
	v35 =	vshll.u32 v20, $0x10  }
.LBB2_3:
0x8c: {  	p0 =	sne.s32 s21, $0x170;
	v17 =	vadd.f32 v17, v36;
	v15 =	vadd.f32 v15, v33;
	v33 =	vshll.u32 v21, $0x10;
	s0 =	sadd.s32 $0x80, s0;
	s20 =	sadd.s32 $0x10, s20  }
0x8d: {  	v13 =	vand.u32 $0xFFFF0000, v13;
	v27 =	vadd.f32 v30, v27;
	v30 =	vadd.f32 v35, v32;
	s22 =	smov.u32 s21;
	s21 =	sadd.s32 $0x10, s21  }
0x8e: {  	v13 =	vadd.f32 v13, v17;
	v15 =	vadd.f32 v26, v15;
	v17 =	vshll.u32 v22, $0x10;
	v26 =	vld [tilespmem:s3+$0x8B80]  }
0x8f: {  	v24 =	vadd.f32 v24, v34;
	v30 =	vadd.f32 v33, v30;
	v32 =	vand.u32 $0xFFFF0000, v31  }
0x90: {  	v25 =	vadd.f32 v25, v29;
	v19 =	vand.u32 $0xFFFF0000, v19;
	v29 =	vshll.u32 v31, $0x10  }
0x91: {  	v6 =	vand.u32 $0xFFFF0000, v6;
	v19 =	vadd.f32 v19, v28;
	v14 =	vadd.f32 v14, v24;
	v24 =	vld [tilespmem:s3+$0x9580]  }
0x92: {  	v12 =	vadd.f32 v12, v25;
	v11 =	vadd.f32 v11, v13;
	v13 =	vand.u32 $0xFFFF0000, v20;
	v20 =	vld [tilespmem:s3+$0x8900]  }
0x93: {  	v17 =	vadd.f32 v17, v30;
	v13 =	vadd.f32 v13, v19;
	v19 =	vshll.u32 v26, $0x10  }
0x94: {  	v8 =	vadd.f32 v8, v14;
	v6 =	vadd.f32 v6, v11;
	v11 =	vand.u32 $0xFFFF0000, v21;
	v14 =	vld [tilespmem:s3+$0x8880]  }
0x95: {  	v10 =	vand.u32 $0xFFFF0000, v10;
	v9 =	vadd.f32 v9, v12;
	v11 =	vadd.f32 v11, v13  }
0x96: {  	v6 =	vadd.f32 v10, v6;
	v10 =	vand.u32 $0xFFFF0000, v22;
	v12 =	vadd.f32 v19, v17;
	v13 =	vld [tilespmem:s3+$0x9780]  }
0x97: {  	v16 =	vadd.f32 v16, v23;
	v10 =	vadd.f32 v10, v11;
	v17 =	vld [tilespmem:s3+$0x8800];
	v19 =	vand.u32 $0xFFFF0000, v20  }
0x98: {  	v11 =	vadd.f32 v18, v27;
	v6 =	vadd.f32 v19, v6;
	v18 =	vld [tilespmem:s3+$0x8A80];
	v19 =	vand.u32 $0xFFFF0000, v26  }
0x99: {  	v21 =	vshll.u32 v14, $0x10;
	v22 =	vld [tilespmem:s3+$0x8B00];
	v10 =	vadd.f32 v19, v10;
	v19 =	vshll.u32 v24, $0x10  }
0x9a: {  	v23 =	vand.u32 $0xFFFF0000, v24;
	v11 =	vadd.f32 v21, v11;
	v21 =	vld [tilespmem:s3+$0x9480];
	v12 =	vadd.f32 v19, v12  }
0x9b: {  	v16 =	vadd.f32 v29, v16;
	v19 =	vld [tilespmem:s3+$0x8A00];
	v10 =	vadd.f32 v23, v10;
	v23 =	vand.u32 $0xFFFF0000, v13  }
0x9c: {  	v7 =	vadd.f32 v7, v8;
	v8 =	vadd.f32 v32, v15;
	v15 =	vshll.u32 v17, $0x10  }
0x9d: {  	v5 =	vand.u32 $0xFFFF0000, v5;
	v3 =	vadd.f32 v3, v9;
	v9 =	vld [tilespmem:s3+$0x9400];
	v10 =	vadd.f32 v23, v10  }
0x9e: {  	v15 =	vadd.f32 v15, v16;
	v16 =	vshll.u32 v18, $0x10;
	v23 =	vand.u32 $0xFFFF0000, v22;
	v24 =	vld [tilespmem:s3+$0x9500]  }
0x9f: {  	v14 =	vand.u32 $0xFFFF0000, v14;
	v11 =	vadd.f32 v16, v11;
	v6 =	vadd.f32 v23, v6  }
0xa0: {  	v3 =	vadd.f32 v4, v3;
	v4 =	vshll.u32 v20, $0x10;
	v16 =	vand.u32 $0xFFFF0000, v19;
	v20 =	vld [tilespmem:s3+$0x9700]  }
0xa1: {  	v5 =	vadd.f32 v5, v7;
	v7 =	vshll.u32 v19, $0x10;
	v19 =	vshll.u32 v21, $0x10  }
0xa2: {  	v3 =	vadd.f32 v4, v3;
	v17 =	vand.u32 $0xFFFF0000, v17;
	v4 =	vadd.f32 v7, v15  }
0xa3: {  	v7 =	vadd.f32 v17, v8;
	v8 =	vshll.u32 v9, $0x10;
	v15 =	vand.u32 $0xFFFF0000, v24;
	v17 =	vld [tilespmem:s3+$0x9600]  }
0xa4: {  	v22 =	vshll.u32 v22, $0x10;
	v9 =	vand.u32 $0xFFFF0000, v9;
	v6 =	vadd.f32 v15, v6  }
0xa5: {  	v7 =	vadd.f32 v16, v7;
	v15 =	vand.u32 $0xFFFF0000, v18;
	v16 =	vand.u32 $0xFFFF0000, v20  }
0xa6: {  	v4 =	vadd.f32 v8, v4;
	v8 =	vshll.u32 v13, $0x10;
	v6 =	vadd.f32 v16, v6  }
0xa7: {  	v5 =	vadd.f32 v14, v5;
	v13 =	vand.u32 $0xFFFF0000, v21;
	v8 =	vadd.f32 v8, v12;
	v14 =	vld [tilespmem:s3+$0x9680]  }
0xa8: {  	v7 =	vadd.f32 v9, v7;
	v9 =	vadd.f32 v19, v11;
	v11 =	vshll.u32 v17, $0x10  }
0xa9: {  	v3 =	vadd.f32 v22, v3;
	v12 =	vand.u32 $0xFFFF0000, v17;
	v4 =	vadd.f32 v11, v4  }
0xaa: {  	v5 =	vadd.f32 v15, v5;
	v11 =	vshll.u32 v24, $0x10;
	v7 =	vadd.f32 v12, v7  }
0xab: {  	v6 =	vadd.f32 v10, v6;
	v3 =	vadd.f32 v11, v3;
	v11 =	vshll.u32 v20, $0x10  }
0xac: {  	v5 =	vadd.f32 v13, v5;
	v10 =	vshll.u32 v14, $0x10  }
0xad: {  	v12 =	vand.u32 $0xFFFF0000, v14;
	v3 =	vadd.f32 v11, v3;
	v9 =	vadd.f32 v10, v9  }
0xae: {  	v5 =	vadd.f32 v12, v5  }
0xaf: {  	v3 =	vadd.f32 v8, v3;
	v4 =	vadd.f32 v9, v4  }
0xb0: {  	v5 =	vadd.f32 v5, v7  }
0xb1: {  	v3 =	vadd.f32 v3, v4  }
0xb2: {  	v4 =	vadd.f32 v6, v5  }
0xb3: {  	s23 =	sand.u32 $0xC00, s0;
	s3 =	sand.u32 $0x70, s22;
	[tilespmem:s4+$0x0] =	vst v3;
	s4 =	sand.u32 $0x1F0, s5  }
0xb4: {  	s3 =	sor.u32 s3, s23;
	s5 =	smov.u32 s22;
	[tilespmem:s4+$0xDD80] =	vst v4;
	s4 =	smov.u32 s20  }
0xb5: {  	v6 =	vld [tilespmem:s3+$0x7D00]  }
0xb6: {  	v3 =	vld [tilespmem:s3+$0x7080]  }
0xb7: {  	v4 =	vld [tilespmem:s3+$0x7000]  }
0xb8: {  	v5 =	vld [tilespmem:s3+$0x7300]  }
0xb9: {  	v7 =	vld [tilespmem:s3+$0x7200]  }
0xba: {  	v16 =	vld [tilespmem:s3+$0x6580]  }
0xbb: {  	v18 =	vld [tilespmem:s3+$0x7280]  }
0xbc: {  	v13 =	vld [tilespmem:s3+$0x7100]  }
0xbd: {  	v9 =	vld [tilespmem:s3+$0x6600]  }
0xbe: {  	v22 =	vld [tilespmem:s3+$0x6700]  }
0xbf: {  	v35 =	vshll.u32 v7, $0x10;
	v23 =	vld [tilespmem:s3+$0x6480]  }
0xc0: {  	v20 =	vld [tilespmem:s3+$0x6680]  }
0xc1: {  	v15 =	vand.u32 $0xFFFF0000, v7;
	v8 =	vand.u32 $0xFFFF0000, v18;
	v21 =	vld [tilespmem:s3+$0x6400]  }
0xc2: {  	v11 =	vand.u32 $0xFFFF0000, v5;
	v7 =	vshll.u32 v9, $0x10;
	v25 =	vand.u32 $0xFFFF0000, v9;
	v26 =	vld [tilespmem:s3+$0x6780]  }
0xc3: {  	v12 =	vshll.u32 v13, $0x10;
	v9 =	vshll.u32 v5, $0x10;
	v17 =	vand.u32 $0xFFFF0000, v22;
	v10 =	vld [tilespmem:s3+$0x7F00]  }
0xc4: {  	v19 =	vshll.u32 v3, $0x10;
	v28 =	vand.u32 $0xFFFF0000, v4;
	v5 =	vshll.u32 v23, $0x10;
	v29 =	vld [tilespmem:s3+$0x7C80]  }
0xc5: {  	v14 =	vand.u32 $0xFFFF0000, v3;
	v3 =	vshll.u32 v6, $0x10;
	v24 =	vshll.u32 v20, $0x10;
	v31 =	vld [tilespmem:s3+$0x7180]  }
0xc6: {  	v30 =	vshll.u32 v4, $0x10;
	v27 =	vshll.u32 v21, $0x10;
	v24 =	vadd.f32 v24, v5;
	v5 =	vld [tilespmem:s3+$0x7E80]  }
0xc7: {  	v32 =	vshll.u32 v16, $0x10;
	v16 =	vand.u32 $0xFFFF0000, v16;
	v7 =	vadd.f32 v7, v27;
	v33 =	vld [tilespmem:s3+$0x7C00]  }
0xc8: {  	v27 =	vshll.u32 v26, $0x10;
	v34 =	vadd.f32 v19, v24;
	v19 =	vld [tilespmem:s3+$0x7380];
	v4 =	vshll.u32 v10, $0x10  }
0xc9: {  	v27 =	vadd.f32 v27, v32;
	v37 =	vadd.f32 v30, v7;
	v7 =	vand.u32 $0xFFFF0000, v29  }
0xca: {  	v21 =	vand.u32 $0xFFFF0000, v21;
	v24 =	vand.u32 $0xFFFF0000, v20;
	v36 =	vld [tilespmem:s3+$0x6500];
	v20 =	vshll.u32 v31, $0x10  }
0xcb: {  	v18 =	vshll.u32 v18, $0x10;
	v32 =	vadd.f32 v25, v21;
	v38 =	vadd.f32 v20, v27;
	v20 =	vld [tilespmem:s3+$0x7D80]  }
0xcc: {  	v21 =	vand.u32 $0xFFFF0000, v26;
	v27 =	vadd.f32 v18, v34;
	v26 =	vand.u32 $0xFFFF0000, v33  }
.Ltmp0:
0xcd: {  	v30 =	vshll.u32 v29, $0x10;
	v34 =	vadd.f32 v21, v16;
	v16 =	vshll.u32 v33, $0x10;
	v21 =	vld [tilespmem:s3+$0x7F80];
	(pc) =	sbr.rel @p0 .LBB2_3-.Ltmp0, $4  }
0xce: {  	v25 =	vshll.u32 v22, $0x10;
	v33 =	vadd.f32 v28, v32;
	v18 =	vshll.u32 v19, $0x10  }
0xcf: {  	v28 =	vand.u32 $0xFFFF0000, v31;
	v32 =	vadd.f32 v18, v38;
	v18 =	vshll.u32 v5, $0x10;
	v22 =	vld [tilespmem:s3+$0x8980]  }
0xd0: {  	v28 =	vadd.f32 v28, v34;
	v29 =	vshll.u32 v36, $0x10;
	v36 =	vand.u32 $0xFFFF0000, v36;
	v31 =	vld [tilespmem:s3+$0x7E00]  }
0xd1: {  	v34 =	vand.u32 $0xFFFF0000, v23;
	v23 =	vadd.f32 v35, v37;
	v35 =	vshll.u32 v20, $0x10  }
0xd2: {  	v17 =	vadd.f32 v17, v36;
	v15 =	vadd.f32 v15, v33  }
0xd3: {  	v55 =	vshll.u32 v21, $0x10;
	v27 =	vadd.f32 v30, v27;
	v30 =	vadd.f32 v35, v32  }
0xd4: {  	v24 =	vadd.f32 v24, v34;
	v25 =	vadd.f32 v25, v29;
	v19 =	vand.u32 $0xFFFF0000, v19  }
0xd5: {  	v13 =	vand.u32 $0xFFFF0000, v13;
	v19 =	vadd.f32 v19, v28;
	v16 =	vadd.f32 v16, v23  }
0xd6: {  	v6 =	vand.u32 $0xFFFF0000, v6;
	v13 =	vadd.f32 v13, v17;
	v15 =	vadd.f32 v26, v15  }
0xd7: {  	v10 =	vand.u32 $0xFFFF0000, v10;
	v30 =	vadd.f32 v55, v30;
	v14 =	vadd.f32 v14, v24  }
0xd8: {  	v17 =	vshll.u32 v22, $0x10;
	v26 =	vld [tilespmem:s3+$0x8B80];
	v12 =	vadd.f32 v12, v25;
	v11 =	vadd.f32 v11, v13  }
0xd9: {  	v29 =	vshll.u32 v31, $0x10;
	v17 =	vadd.f32 v17, v30;
	v8 =	vadd.f32 v8, v14  }
0xda: {  	v13 =	vand.u32 $0xFFFF0000, v20;
	v9 =	vadd.f32 v9, v12;
	v16 =	vadd.f32 v29, v16  }
0xdb: {  	v56 =	vand.u32 $0xFFFF0000, v31;
	v20 =	vld [tilespmem:s3+$0x8900];
	v13 =	vadd.f32 v13, v19;
	v6 =	vadd.f32 v6, v11  }
0xdc: {  	v14 =	vld [tilespmem:s3+$0x8880];
	v11 =	vand.u32 $0xFFFF0000, v21;
	v7 =	vadd.f32 v7, v8;
	v8 =	vadd.f32 v56, v15  }
0xdd: {  	v3 =	vadd.f32 v3, v9;
	v19 =	vshll.u32 v26, $0x10;
	v11 =	vadd.f32 v11, v13  }
0xde: {  	v5 =	vand.u32 $0xFFFF0000, v5;
	v6 =	vadd.f32 v10, v6;
	v12 =	vadd.f32 v19, v17  }
0xdf: {  	v24 =	vld [tilespmem:s3+$0x9580];
	v10 =	vand.u32 $0xFFFF0000, v22;
	v3 =	vadd.f32 v4, v3;
	v5 =	vadd.f32 v5, v7  }
0xe0: {  	v13 =	vld [tilespmem:s3+$0x9780];
	v19 =	vand.u32 $0xFFFF0000, v20;
	v10 =	vadd.f32 v10, v11;
	v11 =	vadd.f32 v18, v27  }
0xe1: {  	v17 =	vld [tilespmem:s3+$0x8800];
	v21 =	vshll.u32 v14, $0x10;
	v14 =	vand.u32 $0xFFFF0000, v14;
	v4 =	vshll.u32 v20, $0x10  }
0xe2: {  	v18 =	vld [tilespmem:s3+$0x8A80];
	v6 =	vadd.f32 v19, v6;
	v19 =	vand.u32 $0xFFFF0000, v26;
	v3 =	vadd.f32 v4, v3  }
0xe3: {  	v22 =	vld [tilespmem:s3+$0x8B00];
	v5 =	vadd.f32 v14, v5;
	v10 =	vadd.f32 v19, v10  }
0xe4: {  	v19 =	vshll.u32 v24, $0x10;
	v11 =	vadd.f32 v21, v11;
	v21 =	vand.u32 $0xFFFF0000, v24;
	v24 =	vld [tilespmem:s3+$0x9500]  }
0xe5: {  	v12 =	vadd.f32 v19, v12;
	v19 =	vld [tilespmem:s3+$0x8A00];
	v10 =	vadd.f32 v21, v10  }
0xe6: {  	v23 =	vld [tilespmem:s3+$0x9480];
	v21 =	vand.u32 $0xFFFF0000, v13;
	v15 =	vshll.u32 v17, $0x10;
	v17 =	vand.u32 $0xFFFF0000, v17  }
0xe7: {  	v9 =	vld [tilespmem:s3+$0x9400];
	v15 =	vadd.f32 v15, v16;
	v16 =	vshll.u32 v18, $0x10;
	v14 =	vand.u32 $0xFFFF0000, v18  }
0xe8: {  	v10 =	vadd.f32 v21, v10;
	v21 =	vand.u32 $0xFFFF0000, v22;
	v11 =	vadd.f32 v16, v11  }
0xe9: {  	v20 =	vld [tilespmem:s3+$0x9700];
	v5 =	vadd.f32 v14, v5;
	v6 =	vadd.f32 v21, v6;
	v21 =	vshll.u32 v22, $0x10  }
0xea: {  	v14 =	vshll.u32 v24, $0x10;
	v16 =	vand.u32 $0xFFFF0000, v19;
	v7 =	vshll.u32 v19, $0x10  }
0xeb: {  	v19 =	vshll.u32 v23, $0x10;
	v3 =	vadd.f32 v21, v3;
	v4 =	vadd.f32 v7, v15  }
0xec: {  	v7 =	vadd.f32 v17, v8;
	v8 =	vshll.u32 v9, $0x10;
	v15 =	vand.u32 $0xFFFF0000, v24;
	v17 =	vld [tilespmem:s3+$0x9600]  }
0xed: {  	v6 =	vadd.f32 v15, v6;
	v4 =	vadd.f32 v8, v4;
	v8 =	vshll.u32 v13, $0x10;
	v13 =	vld [tilespmem:s3+$0x9680]  }
0xee: {  	v11 =	vadd.f32 v19, v11;
	v15 =	vand.u32 $0xFFFF0000, v20;
	v7 =	vadd.f32 v16, v7  }
0xef: {  	v9 =	vand.u32 $0xFFFF0000, v9;
	v3 =	vadd.f32 v14, v3;
	v6 =	vadd.f32 v15, v6  }
0xf0: {  	v8 =	vadd.f32 v8, v12;
	v7 =	vadd.f32 v9, v7;
	v9 =	vand.u32 $0xFFFF0000, v23  }
0xf1: {  	v12 =	vshll.u32 v17, $0x10;
	v15 =	vand.u32 $0xFFFF0000, v17;
	v5 =	vadd.f32 v9, v5  }
0xf2: {  	v4 =	vadd.f32 v12, v4;
	v12 =	vshll.u32 v20, $0x10;
	v9 =	vshll.u32 v13, $0x10  }
0xf3: {  	v13 =	vand.u32 $0xFFFF0000, v13;
	v3 =	vadd.f32 v12, v3;
	v9 =	vadd.f32 v9, v11  }
0xf4: {  	v7 =	vadd.f32 v15, v7;
	v5 =	vadd.f32 v13, v5  }
0xf5: {  	v3 =	vadd.f32 v8, v3;
	v4 =	vadd.f32 v9, v4  }
0xf6: {  	v6 =	vadd.f32 v10, v6;
	v5 =	vadd.f32 v5, v7  }
0xf7: {  	v3 =	vadd.f32 v3, v4  }
0xf8: {  	v4 =	vadd.f32 v6, v5  }
0xf9: {  	s0 =	sand.u32 $0x1F0, s5;
	[tilespmem:s4+$0x0] =	vst v3  }
0xfa: {  	[tilespmem:s0+$0xDD80] =	vst v4  }
0xfb: {  	v3 =	vld [tilespmem:s6+$0x50];
	_ =	sdelay $0x4  }
0xfc: {  	v4 =	vshrl.u32 v3, $0x3  }
0xfd: {  	v4 =	vmul.u32 $0x18, v4  }
0xfe: {  	v3 =	vand.u32 $0x7, v3  }
0xff: {  	v3 =	vor.u32 v3, v4  }
0x100: {  	v4 =	vperm.xlane v3, v0;
	_ =	sdelay $0x1  }
0x101: {  	v4 =	vadd.s32 v1, v4;
	_ =	sdelay $0x1  }
0x102: {  	v3 =	vperm.xlane v3, v2;
	_ =	sdelay $0x1  }
0x103: {  	s0 =	simm.s32 $0x0;
	v3 =	vadd.s32 v1, v3  }
0x104: {  	[tilespmem:s10], [sflag:$0x1] =	stream.indirect_vreg.gather [hbm4b:s2+s0], $0x80, v4, vm0, $0xb8;
	[tilespmem:$0xDF00] =	vst v63  }
0x105: {  	_ = 	snop  }
0x106: {  	[tilespmem:s11], [sflag:$0x1] =	stream.indirect_vreg.gather [hbm4b:s7+s0], $0x80, v4, vm1, $0xb8;
	[tilespmem:$0xDF00] =	vst v63  }
0x107: {  	_ = 	snop  }
0x108: {  	[tilespmem:s12], [sflag:$0x1] =	stream.indirect_vreg.gather [hbm4b:s2+s0], $0x80, v3, vm0, $0xb8;
	[tilespmem:$0xDF00] =	vst v63  }
0x109: {  	_ = 	snop  }
0x10a: {  	[tilespmem:s13], [sflag:$0x1] =	stream.indirect_vreg.gather [hbm4b:s7+s0], $0x80, v3, vm1, $0xb8;
	[tilespmem:$0xDF00] =	vst v63  }
0x10b: {  	v3 =	vld [tilespmem:s6+$0x60];
	_ =	sdelay $0x4  }
0x10c: {  	v4 =	vshrl.u32 v3, $0x3  }
0x10d: {  	v4 =	vmul.u32 $0x18, v4  }
0x10e: {  	v3 =	vand.u32 $0x7, v3  }
0x10f: {  	v3 =	vor.u32 v3, v4  }
0x110: {  	v4 =	vperm.xlane v3, v0;
	_ =	sdelay $0x1  }
0x111: {  	v4 =	vadd.s32 v1, v4;
	_ =	sdelay $0x1  }
0x112: {  	v3 =	vperm.xlane v3, v2;
	_ =	sdelay $0x1  }
0x113: {  	v3 =	vadd.s32 v1, v3  }
0x114: {  	[tilespmem:s14], [sflag:$0x1] =	stream.indirect_vreg.gather [hbm4b:s2+s0], $0x80, v4, vm0, $0xb8;
	[tilespmem:$0xDF00] =	vst v63  }
0x115: {  	_ = 	snop  }
0x116: {  	[tilespmem:s15], [sflag:$0x1] =	stream.indirect_vreg.gather [hbm4b:s7+s0], $0x80, v4, vm1, $0xb8;
	[tilespmem:$0xDF00] =	vst v63  }
0x117: {  	_ = 	snop  }
0x118: {  	[tilespmem:s16], [sflag:$0x1] =	stream.indirect_vreg.gather [hbm4b:s2+s0], $0x80, v3, vm0, $0xb8;
	[tilespmem:$0xDF00] =	vst v63  }
0x119: {  	_ = 	snop  }
0x11a: {  	[tilespmem:s17], [sflag:$0x1] =	stream.indirect_vreg.gather [hbm4b:s7+s0], $0x80, v3, vm1, $0xb8;
	[tilespmem:$0xDF00] =	vst v63  }
0x11b: {  	v3 =	vld.msk [tilespmem:s6+$0x70], $0xff;
	_ =	sdelay $0x4  }
0x11c: {  	v4 =	vshrl.u32 v3, $0x3  }
0x11d: {  	v4 =	vmul.u32 $0x18, v4  }
0x11e: {  	v3 =	vand.u32 $0x7, v3  }
0x11f: {  	v3 =	vor.u32 v3, v4  }
0x120: {  	v3 =	vperm.xlane v3, v0;
	_ =	sdelay $0x1  }
0x121: {  	v3 =	vadd.s32 v1, v3;
	_ =	sdelay $0x4  }
0x122: {  	[tilespmem:s18], [sflag:$0x1] =	stream.indirect_vreg.gather [hbm4b:s2+s0], $0x80, v3, vm0, $0xb8;
	[tilespmem:$0xDF00] =	vst v63  }
0x123: {  	_ = 	snop  }
0x124: {  	[tilespmem:s19], [sflag:$0x1] =	stream.indirect_vreg.gather [hbm4b:s7+s0], $0x80, v3, vm1, $0xb8;
	[tilespmem:$0xDF00] =	vst v63  }
0x125: {  	_ =	swait.ge [sflag:s1], $0x3C00  }
0x126: {  	s22 =	sand.u32 $0x70, s0;
	s23 =	sand.u32 $0xC00, s0;
	[sflag:s1] =	ssyncset.done $0x0  }
0x127: {  	s3 =	sor.u32 s22, s23;
	[sflag:s1] =	ssyncadd.s32 $0xFFFFC400  }
0x128: {  	v3 =	vld [tilespmem:s3+$0xAC00]  }
0x129: {  	v4 =	vld [tilespmem:s3+$0xAD00]  }
0x12a: {  	v5 =	vld [tilespmem:s3+$0xB980]  }
0x12b: {  	v6 =	vld [tilespmem:s3+$0xAF80]  }
0x12c: {  	v7 =	vld [tilespmem:s3+$0xAD80]  }
0x12d: {  	v8 =	vld [tilespmem:s3+$0xA380]  }
0x12e: {  	v9 =	vld [tilespmem:s3+$0xA200]  }
0x12f: {  	v10 =	vld [tilespmem:s3+$0xA180]  }
0x130: {  	v11 =	vld [tilespmem:s3+$0xA300]  }
0x131: {  	v15 =	vld [tilespmem:s3+$0xA280]  }
0x132: {  	v17 =	vld [tilespmem:s3+$0xA000];
	v13 =	vand.u32 $0xFFFF0000, v4;
	v14 =	vand.u32 $0xFFFF0000, v5  }
0x133: {  	v26 =	vld [tilespmem:s3+$0xBB80];
	v16 =	vand.u32 $0xFFFF0000, v6;
	v21 =	vand.u32 $0xFFFF0000, v7;
	v25 =	vshll.u32 v6, $0x10  }
0x134: {  	v20 =	vld [tilespmem:s3+$0xAF00];
	v12 =	vshll.u32 v8, $0x10;
	v18 =	vand.u32 $0xFFFF0000, v9;
	v8 =	vand.u32 $0xFFFF0000, v8  }
0x135: {  	v22 =	vld [tilespmem:s3+$0xA080];
	v19 =	vshll.u32 v10, $0x10;
	v10 =	vand.u32 $0xFFFF0000, v10;
	v7 =	vshll.u32 v7, $0x10  }
0x136: {  	v6 =	vld [tilespmem:s3+$0xA100];
	v23 =	vand.u32 $0xFFFF0000, v11;
	v27 =	vshll.u32 v5, $0x10;
	v5 =	vshll.u32 v9, $0x10  }
0x137: {  	v9 =	vshll.u32 v11, $0x10;
	v4 =	vshll.u32 v4, $0x10;
	v11 =	vld [tilespmem:s3+$0xB900];
	v24 =	vshll.u32 v3, $0x10  }
0x138: {  	v31 =	vld [tilespmem:s3+$0xBB00];
	v28 =	vshll.u32 v17, $0x10;
	v58 =	vshll.u32 v26, $0x10;
	v12 =	vadd.f32 v12, v19  }
0x139: {  	v61 =	vand.u32 $0xFFFF0000, v26;
	v26 =	vld [tilespmem:s3+$0xC500];
	v5 =	vadd.f32 v5, v28;
	v8 =	vadd.f32 v8, v10  }
0x13a: {  	v57 =	vld [tilespmem:s3+$0xB800];
	v29 =	vshll.u32 v22, $0x10;
	v10 =	vand.u32 $0xFFFF0000, v15;
	v30 =	vadd.f32 v7, v12  }
0x13b: {  	v28 =	vld [tilespmem:s3+$0xAE00];
	v12 =	vadd.f32 v24, v5;
	v5 =	vand.u32 $0xFFFF0000, v20;
	v8 =	vadd.f32 v21, v8  }
0x13c: {  	v37 =	vld [tilespmem:s3+$0xBA00];
	v19 =	vshll.u32 v6, $0x10;
	v6 =	vand.u32 $0xFFFF0000, v6;
	v24 =	vand.u32 $0xFFFF0000, v11  }
0x13d: {  	v7 =	vld [tilespmem:s3+$0xC580];
	v21 =	vadd.f32 v25, v30;
	v16 =	vadd.f32 v16, v8;
	v30 =	vand.u32 $0xFFFF0000, v31  }
0x13e: {  	v33 =	vshll.u32 v26, $0x10;
	v9 =	vadd.f32 v9, v19;
	v6 =	vadd.f32 v23, v6  }
0x13f: {  	v19 =	vshll.u32 v20, $0x10;
	v23 =	vand.u32 $0xFFFF0000, v3;
	v62 =	vadd.f32 v27, v21  }
0x140: {  	v59 =	vld [tilespmem:s3+$0xAC80];
	v63 =	vadd.f32 v14, v16;
	v14 =	vand.u32 $0xFFFF0000, v28;
	v3 =	vadd.f32 v4, v9  }
0x141: {  	v27 =	vshll.u32 v37, $0x10;
	v16 =	vand.u32 $0xFFFF0000, v57;
	v4 =	vadd.f32 v13, v6  }
0x142: {  	v60 =	vld [tilespmem:s3+$0xAE80];
	v6 =	vand.u32 $0xFFFF0000, v17;
	v17 =	vshll.u32 v7, $0x10;
	v13 =	vadd.f32 v19, v3  }
0x143: {  	v20 =	vadd.f32 v5, v4;
	v5 =	vand.u32 $0xFFFF0000, v22;
	v22 =	vshll.u32 v15, $0x10  }
0x144: {  	v9 =	vld [tilespmem:s3+$0xC780];
	v6 =	vadd.f32 v18, v6;
	v19 =	vshll.u32 v11, $0x10;
	v29 =	vadd.f32 v22, v29  }
0x145: {  	v3 =	vld [tilespmem:s3+$0xD180];
	v11 =	vshll.u32 v59, $0x10;
	v5 =	vadd.f32 v10, v5;
	v4 =	vadd.f32 v19, v13  }
0x146: {  	v13 =	vadd.f32 v23, v6;
	v6 =	vshll.u32 v31, $0x10;
	v11 =	vadd.f32 v11, v29;
	v29 =	vld [tilespmem:s3+$0xB880]  }
0x147: {  	v15 =	vshll.u32 v60, $0x10;
	v10 =	vand.u32 $0xFFFF0000, v59;
	v23 =	vadd.f32 v6, v4;
	v4 =	vld [tilespmem:s3+$0xD380]  }
0x148: {  	v18 =	vshll.u32 v28, $0x10;
	v10 =	vadd.f32 v10, v5;
	v25 =	vadd.f32 v15, v11;
	v11 =	vld [tilespmem:s3+$0xD100]  }
0x149: {  	v21 =	vld [tilespmem:s3+$0xC700];
	v32 =	vadd.f32 v58, v62;
	v22 =	vshll.u32 v57, $0x10;
	v15 =	vand.u32 $0xFFFF0000, v60  }
0x14a: {  	v31 =	vadd.f32 v61, v63;
	v19 =	vshll.u32 v9, $0x10;
	v5 =	vld [tilespmem:s3+$0xBA80];
	v28 =	vadd.f32 v15, v10  }
0x14b: {  	s20 =	simm.s32 $0xDC00;
	v6 =	vshll.u32 v3, $0x10;
	v10 =	vld [tilespmem:s3+$0xC400];
	v15 =	vadd.f32 v14, v13;
	v38 =	vand.u32 $0xFFFF0000, v29  }
0x14c: {  	s21 =	simm.s32 $0x10;
	s5 =	simm.s32 $0x0;
	s4 =	simm.s32 $0xDC00;
	v13 =	vand.u32 $0xFFFF0000, v37;
	v8 =	vshll.u32 v4, $0x10;
	v14 =	vadd.f32 v38, v28;
	v28 =	vld [tilespmem:s3+$0xC600]  }
.LBB2_5:
0x14d: {  	p0 =	sne.s32 s21, $0x170;
	v20 =	vadd.f32 v24, v20;
	v17 =	vadd.f32 v17, v32;
	v24 =	vshll.u32 v11, $0x10;
	s0 =	sadd.s32 $0x80, s0;
	s20 =	sadd.s32 $0x10, s20  }
0x14e: {  	v12 =	vadd.f32 v18, v12;
	v18 =	vshll.u32 v29, $0x10;
	v23 =	vadd.f32 v33, v23;
	s22 =	smov.u32 s21;
	s21 =	sadd.s32 $0x10, s21;
	v29 =	vld [tilespmem:s3+$0xD300]  }
0x14f: {  	v7 =	vand.u32 $0xFFFF0000, v7;
	v33 =	vshll.u32 v21, $0x10;
	v32 =	vld [tilespmem:s3+$0xC480];
	v17 =	vadd.f32 v19, v17  }
0x150: {  	v18 =	vadd.f32 v18, v25;
	v12 =	vadd.f32 v22, v12;
	v19 =	vand.u32 $0xFFFF0000, v26  }
0x151: {  	v9 =	vand.u32 $0xFFFF0000, v9;
	v23 =	vadd.f32 v33, v23;
	v22 =	vand.u32 $0xFFFF0000, v28;
	v25 =	vld [tilespmem:s3+$0xC680]  }
0x152: {  	v26 =	vshll.u32 v5, $0x10;
	v20 =	vadd.f32 v30, v20;
	v12 =	vadd.f32 v27, v12;
	v27 =	vld [tilespmem:s3+$0xD000]  }
0x153: {  	v18 =	vadd.f32 v26, v18;
	v26 =	vshll.u32 v10, $0x10;
	v30 =	vld [tilespmem:s3+$0xD080];
	v33 =	vshll.u32 v29, $0x10  }
0x154: {  	v7 =	vadd.f32 v7, v31;
	v12 =	vadd.f32 v26, v12;
	v26 =	vshll.u32 v32, $0x10  }
0x155: {  	v19 =	vadd.f32 v19, v20;
	v20 =	vshll.u32 v28, $0x10;
	v18 =	vadd.f32 v26, v18  }
0x156: {  	v7 =	vadd.f32 v9, v7;
	v12 =	vadd.f32 v20, v12;
	v20 =	vshll.u32 v25, $0x10  }
0x157: {  	v9 =	vadd.f32 v20, v18;
	v18 =	vand.u32 $0xFFFF0000, v21;
	v20 =	vshll.u32 v27, $0x10  }
0x158: {  	v11 =	vand.u32 $0xFFFF0000, v11;
	v12 =	vadd.f32 v20, v12;
	v20 =	vshll.u32 v30, $0x10  }
0x159: {  	v3 =	vand.u32 $0xFFFF0000, v3;
	v9 =	vadd.f32 v20, v9;
	v20 =	vadd.f32 v24, v23;
	v21 =	vld [tilespmem:s3+$0xD280]  }
0x15a: {  	v3 =	vadd.f32 v3, v7;
	v7 =	vand.u32 $0xFFFF0000, v29;
	v18 =	vadd.f32 v18, v19  }
0x15b: {  	v4 =	vand.u32 $0xFFFF0000, v4;
	v6 =	vadd.f32 v6, v17;
	v17 =	vld [tilespmem:s3+$0xD200];
	v19 =	vadd.f32 v33, v20  }
0x15c: {  	v3 =	vadd.f32 v4, v3;
	v11 =	vadd.f32 v11, v18;
	_ =	sdelay $0x1  }
0x15d: {  	v7 =	vadd.f32 v7, v11;
	v4 =	vshll.u32 v21, $0x10  }
0x15e: {  	v5 =	vand.u32 $0xFFFF0000, v5;
	v11 =	vadd.f32 v16, v15;
	v4 =	vadd.f32 v4, v9  }
0x15f: {  	v5 =	vadd.f32 v5, v14;
	v6 =	vadd.f32 v8, v6;
	v9 =	vshll.u32 v17, $0x10  }
0x160: {  	v8 =	vadd.f32 v13, v11;
	v11 =	vand.u32 $0xFFFF0000, v32;
	v9 =	vadd.f32 v9, v12  }
0x161: {  	v10 =	vand.u32 $0xFFFF0000, v10;
	v6 =	vadd.f32 v6, v19;
	v5 =	vadd.f32 v11, v5;
	v11 =	vld [tilespmem:s4+$0x0]  }
0x162: {  	v8 =	vadd.f32 v10, v8;
	v10 =	vand.u32 $0xFFFF0000, v25;
	v4 =	vadd.f32 v4, v9  }
0x163: {  	v3 =	vadd.f32 v3, v7;
	v5 =	vadd.f32 v10, v5  }
0x164: {  	v7 =	vadd.f32 v22, v8;
	v8 =	vand.u32 $0xFFFF0000, v30;
	v4 =	vadd.f32 v6, v4  }
0x165: {  	v5 =	vadd.f32 v8, v5;
	v6 =	vand.u32 $0xFFFF0000, v27  }
0x166: {  	v6 =	vadd.f32 v6, v7;
	v4 =	vadd.f32 v4, v11  }
0x167: {  	v8 =	vand.u32 $0xFFFF0000, v21;
	v7 =	vand.u32 $0xFFFF0000, v17  }
0x168: {  	s23 =	sand.u32 $0x1F0, s5;
	s5 =	smov.u32 s22;
	v5 =	vadd.f32 v8, v5;
	v6 =	vadd.f32 v7, v6;
	[tilespmem:s4+$0x0] =	vst v4;
	s4 =	smov.u32 s20  }
0x169: {  	v4 =	vld [tilespmem:s23+$0xDD80]  }
0x16a: {  	v5 =	vadd.f32 v5, v6;
	_ =	sdelay $0x1  }
0x16b: {  	v3 =	vadd.f32 v3, v5  }
0x16c: {  	s22 =	sand.u32 $0xC00, s0;
	s3 =	sand.u32 $0x70, s5  }
0x16d: {  	s3 =	sor.u32 s3, s22;
	v3 =	vadd.f32 v3, v4;
	_ =	sdelay $0x1  }
0x16e: {  	[tilespmem:s23+$0xDD80] =	vst v3  }
0x16f: {  	v3 =	vld [tilespmem:s3+$0xAC00]  }
0x170: {  	v4 =	vld [tilespmem:s3+$0xAD00]  }
0x171: {  	v5 =	vld [tilespmem:s3+$0xB980]  }
0x172: {  	v6 =	vld [tilespmem:s3+$0xAF80]  }
0x173: {  	v7 =	vld [tilespmem:s3+$0xAD80]  }
0x174: {  	v8 =	vld [tilespmem:s3+$0xA380]  }
0x175: {  	v9 =	vld [tilespmem:s3+$0xA200]  }
0x176: {  	v11 =	vand.u32 $0xFFFF0000, v4;
	v10 =	vld [tilespmem:s3+$0xA180];
	v13 =	vand.u32 $0xFFFF0000, v5  }
0x177: {  	v12 =	vld [tilespmem:s3+$0xA300];
	v14 =	vand.u32 $0xFFFF0000, v6  }
0x178: {  	v21 =	vshll.u32 v6, $0x10;
	v15 =	vld [tilespmem:s3+$0xA280];
	v16 =	vand.u32 $0xFFFF0000, v7  }
0x179: {  	v6 =	vld [tilespmem:s3+$0xA100];
	v17 =	vshll.u32 v8, $0x10  }
0x17a: {  	v8 =	vand.u32 $0xFFFF0000, v8;
	v18 =	vld [tilespmem:s3+$0xA000];
	v19 =	vand.u32 $0xFFFF0000, v9  }
0x17b: {  	v7 =	vshll.u32 v7, $0x10;
	v20 =	vshll.u32 v10, $0x10;
	v10 =	vand.u32 $0xFFFF0000, v10;
	v22 =	vld [tilespmem:s3+$0xAF00]  }
0x17c: {  	v27 =	vshll.u32 v5, $0x10;
	v23 =	vld [tilespmem:s3+$0xA080];
	v24 =	vand.u32 $0xFFFF0000, v12;
	v17 =	vadd.f32 v17, v20  }
0x17d: {  	v4 =	vshll.u32 v4, $0x10;
	v5 =	vshll.u32 v9, $0x10;
	v9 =	vshll.u32 v12, $0x10;
	v25 =	vld [tilespmem:s3+$0xB900]  }
0x17e: {  	v20 =	vshll.u32 v3, $0x10;
	v12 =	vshll.u32 v6, $0x10;
	v6 =	vand.u32 $0xFFFF0000, v6;
	v26 =	vld [tilespmem:s3+$0xBB80]  }
0x17f: {  	v30 =	vadd.f32 v7, v17;
	v28 =	vshll.u32 v18, $0x10;
	v9 =	vadd.f32 v9, v12;
	v7 =	vld [tilespmem:s3+$0xC580]  }
0x180: {  	v6 =	vadd.f32 v24, v6;
	v5 =	vadd.f32 v5, v28;
	v28 =	vld [tilespmem:s3+$0xAE00];
	v17 =	vshll.u32 v22, $0x10  }
0x181: {  	v29 =	vand.u32 $0xFFFF0000, v3;
	v24 =	vshll.u32 v23, $0x10;
	v3 =	vadd.f32 v4, v9;
	v31 =	vld [tilespmem:s3+$0xBB00]  }
0x182: {  	v4 =	vadd.f32 v11, v6;
	v12 =	vadd.f32 v20, v5;
	v5 =	vand.u32 $0xFFFF0000, v22;
	v9 =	vld [tilespmem:s3+$0xC780]  }
0x183: {  	v6 =	vand.u32 $0xFFFF0000, v18;
	v22 =	vshll.u32 v25, $0x10;
	v11 =	vadd.f32 v17, v3;
	v33 =	vld [tilespmem:s3+$0xB800]  }
0x184: {  	v6 =	vadd.f32 v19, v6;
	v32 =	vshll.u32 v26, $0x10;
	v17 =	vshll.u32 v7, $0x10;
	v3 =	vld [tilespmem:s3+$0xD180]  }
0x185: {  	v20 =	vadd.f32 v5, v4;
	v34 =	vld [tilespmem:s3+$0xAC80];
	v18 =	vshll.u32 v28, $0x10;
	v4 =	vadd.f32 v22, v11  }
0x186: {  	v35 =	vand.u32 $0xFFFF0000, v23;
	v36 =	vadd.f32 v29, v6;
	v5 =	vld [tilespmem:s3+$0xBA80];
	v6 =	vshll.u32 v31, $0x10  }
0x187: {  	v11 =	vshll.u32 v15, $0x10;
	v37 =	vld [tilespmem:s3+$0xAE80];
	v23 =	vadd.f32 v6, v4;
	v19 =	vshll.u32 v9, $0x10  }
0x188: {  	v8 =	vadd.f32 v8, v10;
	v29 =	vadd.f32 v11, v24;
	v24 =	vand.u32 $0xFFFF0000, v25;
	v4 =	vld [tilespmem:s3+$0xD380]  }
0x189: {  	v38 =	vand.u32 $0xFFFF0000, v26;
	v22 =	vshll.u32 v33, $0x10;
	v11 =	vld [tilespmem:s3+$0xD100];
	v6 =	vshll.u32 v3, $0x10  }
0x18a: {  	v10 =	vand.u32 $0xFFFF0000, v15;
	v8 =	vadd.f32 v16, v8;
	v15 =	vshll.u32 v34, $0x10;
	v39 =	vld [tilespmem:s3+$0xBA00]  }
0x18b: {  	v10 =	vadd.f32 v10, v35;
	v16 =	vand.u32 $0xFFFF0000, v34;
	v15 =	vadd.f32 v15, v29;
	v29 =	vld [tilespmem:s3+$0xB880]  }
0x18c: {  	v21 =	vadd.f32 v21, v30;
	v14 =	vadd.f32 v14, v8;
	v25 =	vshll.u32 v37, $0x10  }
0x18d: {  	v10 =	vadd.f32 v16, v10;
	v25 =	vadd.f32 v25, v15;
	v26 =	vld [tilespmem:s3+$0xC500];
	v8 =	vshll.u32 v4, $0x10  }
.Ltmp1:
0x18e: {  	v34 =	vadd.f32 v13, v14;
	v16 =	vadd.f32 v27, v21;
	v15 =	vand.u32 $0xFFFF0000, v37;
	(pc) =	sbr.rel @p0 .LBB2_5-.Ltmp1, $4  }
0x18f: {  	v13 =	vand.u32 $0xFFFF0000, v28;
	v14 =	vadd.f32 v15, v10;
	v27 =	vshll.u32 v39, $0x10;
	v21 =	vld [tilespmem:s3+$0xC700]  }
0x190: {  	v30 =	vand.u32 $0xFFFF0000, v31;
	v32 =	vadd.f32 v32, v16;
	v28 =	vand.u32 $0xFFFF0000, v29;
	v10 =	vld [tilespmem:s3+$0xC400]  }
0x191: {  	v16 =	vand.u32 $0xFFFF0000, v33;
	v15 =	vadd.f32 v13, v36;
	v14 =	vadd.f32 v28, v14  }
0x192: {  	v31 =	vadd.f32 v38, v34;
	v13 =	vand.u32 $0xFFFF0000, v39;
	v33 =	vshll.u32 v26, $0x10;
	v28 =	vld [tilespmem:s3+$0xC600]  }
0x193: {  	v20 =	vadd.f32 v24, v20;
	v17 =	vadd.f32 v17, v32  }
0x194: {  	v24 =	vshll.u32 v11, $0x10;
	v12 =	vadd.f32 v18, v12;
	v18 =	vshll.u32 v29, $0x10  }
0x195: {  	v23 =	vadd.f32 v33, v23;
	v7 =	vand.u32 $0xFFFF0000, v7;
	v9 =	vand.u32 $0xFFFF0000, v9  }
0x196: {  	v58 =	vld [tilespmem:s3+$0xC480];
	v3 =	vand.u32 $0xFFFF0000, v3;
	v11 =	vand.u32 $0xFFFF0000, v11;
	v15 =	vadd.f32 v16, v15  }
0x197: {  	v4 =	vand.u32 $0xFFFF0000, v4;
	v18 =	vadd.f32 v18, v25;
	v12 =	vadd.f32 v22, v12  }
0x198: {  	v17 =	vadd.f32 v19, v17;
	v19 =	vshll.u32 v21, $0x10;
	v22 =	vand.u32 $0xFFFF0000, v26;
	v26 =	vld [tilespmem:s3+$0xC680]  }
0x199: {  	v19 =	vadd.f32 v19, v23;
	v23 =	vshll.u32 v5, $0x10;
	v12 =	vadd.f32 v27, v12  }
0x19a: {  	v20 =	vadd.f32 v30, v20;
	v27 =	vld [tilespmem:s3+$0xD000];
	v18 =	vadd.f32 v23, v18;
	v23 =	vshll.u32 v10, $0x10  }
0x19b: {  	v7 =	vadd.f32 v7, v31;
	v30 =	vld [tilespmem:s3+$0xD080];
	v12 =	vadd.f32 v23, v12;
	v23 =	vshll.u32 v58, $0x10  }
0x19c: {  	v29 =	vld [tilespmem:s3+$0xD300];
	v20 =	vadd.f32 v22, v20;
	v18 =	vadd.f32 v23, v18;
	v23 =	vshll.u32 v28, $0x10  }
0x19d: {  	v6 =	vadd.f32 v6, v17;
	v22 =	vshll.u32 v26, $0x10;
	v12 =	vadd.f32 v23, v12;
	v23 =	vld [tilespmem:s3+$0xD280]  }
0x19e: {  	v7 =	vadd.f32 v9, v7;
	v5 =	vand.u32 $0xFFFF0000, v5;
	v9 =	vadd.f32 v22, v18;
	v22 =	vld [tilespmem:s3+$0xD200]  }
0x19f: {  	v5 =	vadd.f32 v5, v14;
	v6 =	vadd.f32 v8, v6;
	v18 =	vshll.u32 v27, $0x10  }
0x1a0: {  	v8 =	vadd.f32 v13, v15;
	v12 =	vadd.f32 v18, v12;
	v18 =	vshll.u32 v30, $0x10  }
0x1a1: {  	v13 =	vand.u32 $0xFFFF0000, v58;
	v9 =	vadd.f32 v18, v9;
	v18 =	vadd.f32 v24, v19  }
0x1a2: {  	v59 =	vshll.u32 v29, $0x10;
	v3 =	vadd.f32 v3, v7;
	v5 =	vadd.f32 v13, v5  }
0x1a3: {  	v7 =	vadd.f32 v59, v18;
	v17 =	vshll.u32 v23, $0x10;
	v14 =	vshll.u32 v22, $0x10  }
0x1a4: {  	v21 =	vand.u32 $0xFFFF0000, v21;
	v9 =	vadd.f32 v17, v9;
	v12 =	vadd.f32 v14, v12  }
0x1a5: {  	v10 =	vand.u32 $0xFFFF0000, v10;
	v3 =	vadd.f32 v4, v3;
	v6 =	vadd.f32 v6, v7;
	v7 =	vld [tilespmem:s4+$0x0]  }
0x1a6: {  	v8 =	vadd.f32 v10, v8;
	v10 =	vand.u32 $0xFFFF0000, v26;
	v9 =	vadd.f32 v9, v12  }
0x1a7: {  	v25 =	vand.u32 $0xFFFF0000, v28;
	v5 =	vadd.f32 v10, v5;
	v19 =	vadd.f32 v21, v20  }
0x1a8: {  	v10 =	vand.u32 $0xFFFF0000, v30;
	v8 =	vadd.f32 v25, v8;
	v6 =	vadd.f32 v6, v9  }
0x1a9: {  	v4 =	vand.u32 $0xFFFF0000, v27;
	v5 =	vadd.f32 v10, v5;
	v11 =	vadd.f32 v11, v19  }
0x1aa: {  	v4 =	vadd.f32 v4, v8;
	v9 =	vand.u32 $0xFFFF0000, v29;
	v6 =	vadd.f32 v6, v7  }
0x1ab: {  	v8 =	vand.u32 $0xFFFF0000, v22;
	v7 =	vadd.f32 v9, v11;
	v9 =	vand.u32 $0xFFFF0000, v23  }
0x1ac: {  	s0 =	sand.u32 $0x1F0, s5;
	v4 =	vadd.f32 v8, v4;
	v5 =	vadd.f32 v9, v5;
	[tilespmem:s4+$0x0] =	vst v6  }
0x1ad: {  	v6 =	vld [tilespmem:s0+$0xDD80]  }
0x1ae: {  	v3 =	vadd.f32 v3, v7;
	v4 =	vadd.f32 v5, v4;
	_ =	sdelay $0x1  }
0x1af: {  	v3 =	vadd.f32 v3, v4;
	_ =	sdelay $0x1  }
0x1b0: {  	v3 =	vadd.f32 v3, v6;
	_ =	sdelay $0x1  }
0x1b1: {  	[tilespmem:s0+$0xDD80] =	vst v3  }
0x1b2: {  	v3 =	vld [tilespmem:s6+$0x78];
	_ =	sdelay $0x4  }
0x1b3: {  	v4 =	vshrl.u32 v3, $0x3  }
0x1b4: {  	v4 =	vmul.u32 $0x18, v4  }
0x1b5: {  	v3 =	vand.u32 $0x7, v3  }
0x1b6: {  	v3 =	vor.u32 v3, v4  }
0x1b7: {  	v4 =	vperm.xlane v3, v0;
	_ =	sdelay $0x1  }
0x1b8: {  	v4 =	vadd.s32 v1, v4;
	_ =	sdelay $0x1  }
0x1b9: {  	v3 =	vperm.xlane v3, v2;
	_ =	sdelay $0x1  }
0x1ba: {  	s4 =	simm.s32 $0xA000;
	s0 =	simm.s32 $0x0;
	v3 =	vadd.s32 v1, v3  }
0x1bb: {  	[tilespmem:s4], [sflag:$0x2] =	stream.indirect_vreg.gather [hbm4b:s2+s0], $0x80, v4, vm0, $0xb8;
	[tilespmem:$0xDF00] =	vst v63  }
0x1bc: {  	s5 =	simm.s32 $0xA800  }
0x1bd: {  	[tilespmem:s5], [sflag:$0x2] =	stream.indirect_vreg.gather [hbm4b:s7+s0], $0x80, v4, vm1, $0xb8;
	[tilespmem:$0xDF00] =	vst v63  }
0x1be: {  	s20 =	simm.s32 $0xAC00  }
0x1bf: {  	[tilespmem:s20], [sflag:$0x2] =	stream.indirect_vreg.gather [hbm4b:s2+s0], $0x80, v3, vm0, $0xb8;
	[tilespmem:$0xDF00] =	vst v63  }
0x1c0: {  	s21 =	simm.s32 $0xB400  }
0x1c1: {  	[tilespmem:s21], [sflag:$0x2] =	stream.indirect_vreg.gather [hbm4b:s7+s0], $0x80, v3, vm1, $0xb8;
	[tilespmem:$0xDF00] =	vst v63  }
0x1c2: {  	v3 =	vld [tilespmem:s6+$0x88];
	_ =	sdelay $0x4  }
0x1c3: {  	v4 =	vshrl.u32 v3, $0x3  }
0x1c4: {  	v4 =	vmul.u32 $0x18, v4  }
0x1c5: {  	v3 =	vand.u32 $0x7, v3  }
0x1c6: {  	v3 =	vor.u32 v3, v4  }
0x1c7: {  	v4 =	vperm.xlane v3, v0;
	_ =	sdelay $0x1  }
0x1c8: {  	v4 =	vadd.s32 v1, v4;
	_ =	sdelay $0x1  }
0x1c9: {  	v3 =	vperm.xlane v3, v2;
	_ =	sdelay $0x1  }
0x1ca: {  	v3 =	vadd.s32 v1, v3  }
0x1cb: {  	[tilespmem:s24], [sflag:$0x2] =	stream.indirect_vreg.gather [hbm4b:s2+s0], $0x80, v4, vm0, $0xb8;
	[tilespmem:$0xDF00] =	vst v63  }
0x1cc: {  	_ = 	snop  }
0x1cd: {  	[tilespmem:s25], [sflag:$0x2] =	stream.indirect_vreg.gather [hbm4b:s7+s0], $0x80, v4, vm1, $0xb8;
	[tilespmem:$0xDF00] =	vst v63  }
0x1ce: {  	_ = 	snop  }
0x1cf: {  	[tilespmem:s26], [sflag:$0x2] =	stream.indirect_vreg.gather [hbm4b:s2+s0], $0x80, v3, vm0, $0xb8;
	[tilespmem:$0xDF00] =	vst v63  }
0x1d0: {  	_ = 	snop  }
0x1d1: {  	[tilespmem:s28], [sflag:$0x2] =	stream.indirect_vreg.gather [hbm4b:s7+s0], $0x80, v3, vm1, $0xb8;
	[tilespmem:$0xDF00] =	vst v63  }
0x1d2: {  	v3 =	vld.msk [tilespmem:s6+$0x98], $0xff;
	_ =	sdelay $0x4  }
0x1d3: {  	v4 =	vshrl.u32 v3, $0x3  }
0x1d4: {  	v4 =	vmul.u32 $0x18, v4  }
0x1d5: {  	v3 =	vand.u32 $0x7, v3  }
0x1d6: {  	v3 =	vor.u32 v3, v4  }
0x1d7: {  	v3 =	vperm.xlane v3, v0;
	_ =	sdelay $0x1  }
0x1d8: {  	v3 =	vadd.s32 v1, v3;
	_ =	sdelay $0x4  }
0x1d9: {  	[tilespmem:s29], [sflag:$0x2] =	stream.indirect_vreg.gather [hbm4b:s2+s0], $0x80, v3, vm0, $0xb8;
	[tilespmem:$0xDF00] =	vst v63  }
0x1da: {  	_ = 	snop  }
0x1db: {  	[tilespmem:s30], [sflag:$0x2] =	stream.indirect_vreg.gather [hbm4b:s7+s0], $0x80, v3, vm1, $0xb8;
	[tilespmem:$0xDF00] =	vst v63  }
0x1dc: {  	_ =	swait.ge [sflag:s31], $0x3C00  }
0x1dd: {  	s22 =	sand.u32 $0x70, s0;
	s23 =	sand.u32 $0xC00, s0;
	[sflag:s31] =	ssyncset.done $0x0  }
0x1de: {  	s3 =	sor.u32 s22, s23;
	[sflag:s31] =	ssyncadd.s32 $0xFFFFC400  }
0x1df: {  	v3 =	vld [tilespmem:s3+$0x7000]  }
0x1e0: {  	v4 =	vld [tilespmem:s3+$0x7100]  }
0x1e1: {  	v5 =	vld [tilespmem:s3+$0x7D80]  }
0x1e2: {  	v6 =	vld [tilespmem:s3+$0x7380]  }
0x1e3: {  	v7 =	vld [tilespmem:s3+$0x7180]  }
0x1e4: {  	v8 =	vld [tilespmem:s3+$0x6780]  }
0x1e5: {  	v9 =	vld [tilespmem:s3+$0x6600]  }
0x1e6: {  	v10 =	vld [tilespmem:s3+$0x6580]  }
0x1e7: {  	v11 =	vld [tilespmem:s3+$0x6700]  }
0x1e8: {  	v15 =	vld [tilespmem:s3+$0x6680]  }
0x1e9: {  	v17 =	vld [tilespmem:s3+$0x6400];
	v13 =	vand.u32 $0xFFFF0000, v4;
	v14 =	vand.u32 $0xFFFF0000, v5  }
0x1ea: {  	v26 =	vld [tilespmem:s3+$0x7F80];
	v16 =	vand.u32 $0xFFFF0000, v6;
	v21 =	vand.u32 $0xFFFF0000, v7;
	v25 =	vshll.u32 v6, $0x10  }
0x1eb: {  	v20 =	vld [tilespmem:s3+$0x7300];
	v12 =	vshll.u32 v8, $0x10;
	v18 =	vand.u32 $0xFFFF0000, v9;
	v8 =	vand.u32 $0xFFFF0000, v8  }
0x1ec: {  	v22 =	vld [tilespmem:s3+$0x6480];
	v19 =	vshll.u32 v10, $0x10;
	v10 =	vand.u32 $0xFFFF0000, v10;
	v7 =	vshll.u32 v7, $0x10  }
0x1ed: {  	v6 =	vld [tilespmem:s3+$0x6500];
	v23 =	vand.u32 $0xFFFF0000, v11;
	v27 =	vshll.u32 v5, $0x10;
	v5 =	vshll.u32 v9, $0x10  }
0x1ee: {  	v9 =	vshll.u32 v11, $0x10;
	v4 =	vshll.u32 v4, $0x10;
	v11 =	vld [tilespmem:s3+$0x7D00];
	v24 =	vshll.u32 v3, $0x10  }
0x1ef: {  	v31 =	vld [tilespmem:s3+$0x7F00];
	v28 =	vshll.u32 v17, $0x10;
	v61 =	vshll.u32 v26, $0x10;
	v12 =	vadd.f32 v12, v19  }
0x1f0: {  	v36 =	vand.u32 $0xFFFF0000, v26;
	v26 =	vld [tilespmem:s3+$0x8900];
	v5 =	vadd.f32 v5, v28;
	v8 =	vadd.f32 v8, v10  }
0x1f1: {  	v60 =	vld [tilespmem:s3+$0x7C00];
	v29 =	vshll.u32 v22, $0x10;
	v10 =	vand.u32 $0xFFFF0000, v15;
	v30 =	vadd.f32 v7, v12  }
0x1f2: {  	v28 =	vld [tilespmem:s3+$0x7200];
	v12 =	vadd.f32 v24, v5;
	v5 =	vand.u32 $0xFFFF0000, v20;
	v8 =	vadd.f32 v21, v8  }
0x1f3: {  	v37 =	vld [tilespmem:s3+$0x7E00];
	v19 =	vshll.u32 v6, $0x10;
	v6 =	vand.u32 $0xFFFF0000, v6;
	v24 =	vand.u32 $0xFFFF0000, v11  }
0x1f4: {  	v7 =	vld [tilespmem:s3+$0x8980];
	v21 =	vadd.f32 v25, v30;
	v16 =	vadd.f32 v16, v8;
	v30 =	vand.u32 $0xFFFF0000, v31  }
0x1f5: {  	v33 =	vshll.u32 v26, $0x10;
	v9 =	vadd.f32 v9, v19;
	v6 =	vadd.f32 v23, v6  }
0x1f6: {  	v19 =	vshll.u32 v20, $0x10;
	v23 =	vand.u32 $0xFFFF0000, v3;
	v62 =	vadd.f32 v27, v21  }
0x1f7: {  	v34 =	vld [tilespmem:s3+$0x7080];
	v63 =	vadd.f32 v14, v16;
	v14 =	vand.u32 $0xFFFF0000, v28;
	v3 =	vadd.f32 v4, v9  }
0x1f8: {  	v27 =	vshll.u32 v37, $0x10;
	v16 =	vand.u32 $0xFFFF0000, v60;
	v4 =	vadd.f32 v13, v6  }
0x1f9: {  	v35 =	vld [tilespmem:s3+$0x7280];
	v6 =	vand.u32 $0xFFFF0000, v17;
	v17 =	vshll.u32 v7, $0x10;
	v13 =	vadd.f32 v19, v3  }
0x1fa: {  	v20 =	vadd.f32 v5, v4;
	v5 =	vand.u32 $0xFFFF0000, v22;
	v22 =	vshll.u32 v15, $0x10  }
0x1fb: {  	v9 =	vld [tilespmem:s3+$0x8B80];
	v6 =	vadd.f32 v18, v6;
	v19 =	vshll.u32 v11, $0x10;
	v29 =	vadd.f32 v22, v29  }
0x1fc: {  	v3 =	vld [tilespmem:s3+$0x9580];
	v11 =	vshll.u32 v34, $0x10;
	v5 =	vadd.f32 v10, v5;
	v4 =	vadd.f32 v19, v13  }
0x1fd: {  	v13 =	vadd.f32 v23, v6;
	v6 =	vshll.u32 v31, $0x10;
	v11 =	vadd.f32 v11, v29;
	v29 =	vld [tilespmem:s3+$0x7C80]  }
0x1fe: {  	v15 =	vshll.u32 v35, $0x10;
	v10 =	vand.u32 $0xFFFF0000, v34;
	v23 =	vadd.f32 v6, v4;
	v4 =	vld [tilespmem:s3+$0x9780]  }
0x1ff: {  	v18 =	vshll.u32 v28, $0x10;
	v10 =	vadd.f32 v10, v5;
	v25 =	vadd.f32 v15, v11;
	v11 =	vld [tilespmem:s3+$0x9500]  }
0x200: {  	v21 =	vld [tilespmem:s3+$0x8B00];
	v32 =	vadd.f32 v61, v62;
	v22 =	vshll.u32 v60, $0x10;
	v15 =	vand.u32 $0xFFFF0000, v35  }
0x201: {  	v31 =	vadd.f32 v36, v63;
	v19 =	vshll.u32 v9, $0x10;
	v5 =	vld [tilespmem:s3+$0x7E80];
	v28 =	vadd.f32 v15, v10  }
0x202: {  	s4 =	simm.s32 $0xDC00;
	v6 =	vshll.u32 v3, $0x10;
	v10 =	vld [tilespmem:s3+$0x8800];
	v15 =	vadd.f32 v14, v13;
	v38 =	vand.u32 $0xFFFF0000, v29  }
0x203: {  	s5 =	simm.s32 $0x0;
	s20 =	simm.s32 $0xDC00;
	s21 =	simm.s32 $0x10;
	v13 =	vand.u32 $0xFFFF0000, v37;
	v8 =	vshll.u32 v4, $0x10;
	v14 =	vadd.f32 v38, v28;
	v28 =	vld [tilespmem:s3+$0x8A00]  }
.LBB2_7:
0x204: {  	p0 =	sne.s32 s21, $0x170;
	v20 =	vadd.f32 v24, v20;
	v17 =	vadd.f32 v17, v32;
	v24 =	vshll.u32 v11, $0x10;
	s0 =	sadd.s32 $0x80, s0;
	s20 =	sadd.s32 $0x10, s20  }
0x205: {  	v12 =	vadd.f32 v18, v12;
	v18 =	vshll.u32 v29, $0x10;
	v23 =	vadd.f32 v33, v23;
	s22 =	smov.u32 s21;
	s21 =	sadd.s32 $0x10, s21;
	v29 =	vld [tilespmem:s3+$0x9700]  }
0x206: {  	v7 =	vand.u32 $0xFFFF0000, v7;
	v33 =	vshll.u32 v21, $0x10;
	v32 =	vld [tilespmem:s3+$0x8880];
	v17 =	vadd.f32 v19, v17  }
0x207: {  	v18 =	vadd.f32 v18, v25;
	v12 =	vadd.f32 v22, v12;
	v19 =	vand.u32 $0xFFFF0000, v26  }
0x208: {  	v9 =	vand.u32 $0xFFFF0000, v9;
	v23 =	vadd.f32 v33, v23;
	v22 =	vand.u32 $0xFFFF0000, v28;
	v25 =	vld [tilespmem:s3+$0x8A80]  }
0x209: {  	v26 =	vshll.u32 v5, $0x10;
	v20 =	vadd.f32 v30, v20;
	v12 =	vadd.f32 v27, v12;
	v27 =	vld [tilespmem:s3+$0x9400]  }
0x20a: {  	v18 =	vadd.f32 v26, v18;
	v26 =	vshll.u32 v10, $0x10;
	v30 =	vld [tilespmem:s3+$0x9480];
	v33 =	vshll.u32 v29, $0x10  }
0x20b: {  	v7 =	vadd.f32 v7, v31;
	v12 =	vadd.f32 v26, v12;
	v26 =	vshll.u32 v32, $0x10  }
0x20c: {  	v19 =	vadd.f32 v19, v20;
	v20 =	vshll.u32 v28, $0x10;
	v18 =	vadd.f32 v26, v18  }
0x20d: {  	v7 =	vadd.f32 v9, v7;
	v12 =	vadd.f32 v20, v12;
	v20 =	vshll.u32 v25, $0x10  }
0x20e: {  	v9 =	vadd.f32 v20, v18;
	v18 =	vand.u32 $0xFFFF0000, v21;
	v20 =	vshll.u32 v27, $0x10  }
0x20f: {  	v11 =	vand.u32 $0xFFFF0000, v11;
	v12 =	vadd.f32 v20, v12;
	v20 =	vshll.u32 v30, $0x10  }
0x210: {  	v3 =	vand.u32 $0xFFFF0000, v3;
	v9 =	vadd.f32 v20, v9;
	v20 =	vadd.f32 v24, v23;
	v21 =	vld [tilespmem:s3+$0x9680]  }
0x211: {  	v3 =	vadd.f32 v3, v7;
	v7 =	vand.u32 $0xFFFF0000, v29;
	v18 =	vadd.f32 v18, v19  }
0x212: {  	v4 =	vand.u32 $0xFFFF0000, v4;
	v6 =	vadd.f32 v6, v17;
	v17 =	vld [tilespmem:s3+$0x9600];
	v19 =	vadd.f32 v33, v20  }
0x213: {  	v3 =	vadd.f32 v4, v3;
	v11 =	vadd.f32 v11, v18;
	_ =	sdelay $0x1  }
0x214: {  	v7 =	vadd.f32 v7, v11;
	v4 =	vshll.u32 v21, $0x10  }
0x215: {  	v5 =	vand.u32 $0xFFFF0000, v5;
	v11 =	vadd.f32 v16, v15;
	v4 =	vadd.f32 v4, v9  }
0x216: {  	v5 =	vadd.f32 v5, v14;
	v6 =	vadd.f32 v8, v6;
	v9 =	vshll.u32 v17, $0x10  }
0x217: {  	v8 =	vadd.f32 v13, v11;
	v11 =	vand.u32 $0xFFFF0000, v32;
	v9 =	vadd.f32 v9, v12  }
0x218: {  	v10 =	vand.u32 $0xFFFF0000, v10;
	v6 =	vadd.f32 v6, v19;
	v5 =	vadd.f32 v11, v5;
	v11 =	vld [tilespmem:s4+$0x0]  }
0x219: {  	v8 =	vadd.f32 v10, v8;
	v10 =	vand.u32 $0xFFFF0000, v25;
	v4 =	vadd.f32 v4, v9  }
0x21a: {  	v3 =	vadd.f32 v3, v7;
	v5 =	vadd.f32 v10, v5  }
0x21b: {  	v7 =	vadd.f32 v22, v8;
	v8 =	vand.u32 $0xFFFF0000, v30;
	v4 =	vadd.f32 v6, v4  }
0x21c: {  	v5 =	vadd.f32 v8, v5;
	v6 =	vand.u32 $0xFFFF0000, v27  }
0x21d: {  	v6 =	vadd.f32 v6, v7;
	v4 =	vadd.f32 v4, v11  }
0x21e: {  	v8 =	vand.u32 $0xFFFF0000, v21;
	v7 =	vand.u32 $0xFFFF0000, v17  }
0x21f: {  	s23 =	sand.u32 $0x1F0, s5;
	s5 =	smov.u32 s22;
	v5 =	vadd.f32 v8, v5;
	v6 =	vadd.f32 v7, v6;
	[tilespmem:s4+$0x0] =	vst v4;
	s4 =	smov.u32 s20  }
0x220: {  	v4 =	vld [tilespmem:s23+$0xDD80]  }
0x221: {  	v5 =	vadd.f32 v5, v6;
	_ =	sdelay $0x1  }
0x222: {  	v3 =	vadd.f32 v3, v5  }
0x223: {  	s22 =	sand.u32 $0xC00, s0;
	s3 =	sand.u32 $0x70, s5  }
0x224: {  	s3 =	sor.u32 s3, s22;
	v3 =	vadd.f32 v3, v4;
	_ =	sdelay $0x1  }
0x225: {  	[tilespmem:s23+$0xDD80] =	vst v3  }
0x226: {  	v3 =	vld [tilespmem:s3+$0x7000]  }
0x227: {  	v4 =	vld [tilespmem:s3+$0x7100]  }
0x228: {  	v5 =	vld [tilespmem:s3+$0x7D80]  }
0x229: {  	v6 =	vld [tilespmem:s3+$0x7380]  }
0x22a: {  	v7 =	vld [tilespmem:s3+$0x7180]  }
0x22b: {  	v8 =	vld [tilespmem:s3+$0x6780]  }
0x22c: {  	v9 =	vld [tilespmem:s3+$0x6600]  }
0x22d: {  	v11 =	vand.u32 $0xFFFF0000, v4;
	v10 =	vld [tilespmem:s3+$0x6580];
	v13 =	vand.u32 $0xFFFF0000, v5  }
0x22e: {  	v12 =	vld [tilespmem:s3+$0x6700];
	v14 =	vand.u32 $0xFFFF0000, v6  }
0x22f: {  	v21 =	vshll.u32 v6, $0x10;
	v15 =	vld [tilespmem:s3+$0x6680];
	v16 =	vand.u32 $0xFFFF0000, v7  }
0x230: {  	v6 =	vld [tilespmem:s3+$0x6500];
	v17 =	vshll.u32 v8, $0x10  }
0x231: {  	v8 =	vand.u32 $0xFFFF0000, v8;
	v18 =	vld [tilespmem:s3+$0x6400];
	v19 =	vand.u32 $0xFFFF0000, v9  }
0x232: {  	v7 =	vshll.u32 v7, $0x10;
	v20 =	vshll.u32 v10, $0x10;
	v10 =	vand.u32 $0xFFFF0000, v10;
	v22 =	vld [tilespmem:s3+$0x7300]  }
0x233: {  	v27 =	vshll.u32 v5, $0x10;
	v23 =	vld [tilespmem:s3+$0x6480];
	v24 =	vand.u32 $0xFFFF0000, v12;
	v17 =	vadd.f32 v17, v20  }
0x234: {  	v4 =	vshll.u32 v4, $0x10;
	v5 =	vshll.u32 v9, $0x10;
	v9 =	vshll.u32 v12, $0x10;
	v25 =	vld [tilespmem:s3+$0x7D00]  }
0x235: {  	v20 =	vshll.u32 v3, $0x10;
	v12 =	vshll.u32 v6, $0x10;
	v6 =	vand.u32 $0xFFFF0000, v6;
	v26 =	vld [tilespmem:s3+$0x7F80]  }
0x236: {  	v30 =	vadd.f32 v7, v17;
	v28 =	vshll.u32 v18, $0x10;
	v9 =	vadd.f32 v9, v12;
	v7 =	vld [tilespmem:s3+$0x8980]  }
0x237: {  	v6 =	vadd.f32 v24, v6;
	v5 =	vadd.f32 v5, v28;
	v28 =	vld [tilespmem:s3+$0x7200];
	v17 =	vshll.u32 v22, $0x10  }
0x238: {  	v29 =	vand.u32 $0xFFFF0000, v3;
	v24 =	vshll.u32 v23, $0x10;
	v3 =	vadd.f32 v4, v9;
	v31 =	vld [tilespmem:s3+$0x7F00]  }
0x239: {  	v4 =	vadd.f32 v11, v6;
	v12 =	vadd.f32 v20, v5;
	v5 =	vand.u32 $0xFFFF0000, v22;
	v9 =	vld [tilespmem:s3+$0x8B80]  }
0x23a: {  	v6 =	vand.u32 $0xFFFF0000, v18;
	v22 =	vshll.u32 v25, $0x10;
	v11 =	vadd.f32 v17, v3;
	v33 =	vld [tilespmem:s3+$0x7C00]  }
0x23b: {  	v6 =	vadd.f32 v19, v6;
	v32 =	vshll.u32 v26, $0x10;
	v17 =	vshll.u32 v7, $0x10;
	v3 =	vld [tilespmem:s3+$0x9580]  }
0x23c: {  	v20 =	vadd.f32 v5, v4;
	v34 =	vld [tilespmem:s3+$0x7080];
	v18 =	vshll.u32 v28, $0x10;
	v4 =	vadd.f32 v22, v11  }
0x23d: {  	v35 =	vand.u32 $0xFFFF0000, v23;
	v36 =	vadd.f32 v29, v6;
	v5 =	vld [tilespmem:s3+$0x7E80];
	v6 =	vshll.u32 v31, $0x10  }
0x23e: {  	v11 =	vshll.u32 v15, $0x10;
	v37 =	vld [tilespmem:s3+$0x7280];
	v23 =	vadd.f32 v6, v4;
	v19 =	vshll.u32 v9, $0x10  }
0x23f: {  	v8 =	vadd.f32 v8, v10;
	v29 =	vadd.f32 v11, v24;
	v24 =	vand.u32 $0xFFFF0000, v25;
	v4 =	vld [tilespmem:s3+$0x9780]  }
0x240: {  	v38 =	vand.u32 $0xFFFF0000, v26;
	v22 =	vshll.u32 v33, $0x10;
	v11 =	vld [tilespmem:s3+$0x9500];
	v6 =	vshll.u32 v3, $0x10  }
0x241: {  	v10 =	vand.u32 $0xFFFF0000, v15;
	v8 =	vadd.f32 v16, v8;
	v15 =	vshll.u32 v34, $0x10;
	v39 =	vld [tilespmem:s3+$0x7E00]  }
0x242: {  	v10 =	vadd.f32 v10, v35;
	v16 =	vand.u32 $0xFFFF0000, v34;
	v15 =	vadd.f32 v15, v29;
	v29 =	vld [tilespmem:s3+$0x7C80]  }
0x243: {  	v21 =	vadd.f32 v21, v30;
	v14 =	vadd.f32 v14, v8;
	v25 =	vshll.u32 v37, $0x10  }
0x244: {  	v10 =	vadd.f32 v16, v10;
	v25 =	vadd.f32 v25, v15;
	v26 =	vld [tilespmem:s3+$0x8900];
	v8 =	vshll.u32 v4, $0x10  }
.Ltmp2:
0x245: {  	v34 =	vadd.f32 v13, v14;
	v16 =	vadd.f32 v27, v21;
	v15 =	vand.u32 $0xFFFF0000, v37;
	(pc) =	sbr.rel @p0 .LBB2_7-.Ltmp2, $4  }
0x246: {  	v13 =	vand.u32 $0xFFFF0000, v28;
	v14 =	vadd.f32 v15, v10;
	v27 =	vshll.u32 v39, $0x10;
	v21 =	vld [tilespmem:s3+$0x8B00]  }
0x247: {  	v30 =	vand.u32 $0xFFFF0000, v31;
	v32 =	vadd.f32 v32, v16;
	v28 =	vand.u32 $0xFFFF0000, v29;
	v10 =	vld [tilespmem:s3+$0x8800]  }
0x248: {  	v16 =	vand.u32 $0xFFFF0000, v33;
	v15 =	vadd.f32 v13, v36;
	v14 =	vadd.f32 v28, v14  }
0x249: {  	v31 =	vadd.f32 v38, v34;
	v13 =	vand.u32 $0xFFFF0000, v39;
	v33 =	vshll.u32 v26, $0x10;
	v28 =	vld [tilespmem:s3+$0x8A00]  }
0x24a: {  	v20 =	vadd.f32 v24, v20;
	v17 =	vadd.f32 v17, v32  }
0x24b: {  	v24 =	vshll.u32 v11, $0x10;
	v12 =	vadd.f32 v18, v12;
	v18 =	vshll.u32 v29, $0x10  }
0x24c: {  	v23 =	vadd.f32 v33, v23;
	v7 =	vand.u32 $0xFFFF0000, v7;
	v9 =	vand.u32 $0xFFFF0000, v9  }
0x24d: {  	v58 =	vld [tilespmem:s3+$0x8880];
	v3 =	vand.u32 $0xFFFF0000, v3;
	v11 =	vand.u32 $0xFFFF0000, v11;
	v15 =	vadd.f32 v16, v15  }
0x24e: {  	v4 =	vand.u32 $0xFFFF0000, v4;
	v18 =	vadd.f32 v18, v25;
	v12 =	vadd.f32 v22, v12  }
0x24f: {  	v17 =	vadd.f32 v19, v17;
	v19 =	vshll.u32 v21, $0x10;
	v22 =	vand.u32 $0xFFFF0000, v26;
	v26 =	vld [tilespmem:s3+$0x8A80]  }
0x250: {  	v19 =	vadd.f32 v19, v23;
	v23 =	vshll.u32 v5, $0x10;
	v12 =	vadd.f32 v27, v12  }
0x251: {  	v20 =	vadd.f32 v30, v20;
	v27 =	vld [tilespmem:s3+$0x9400];
	v18 =	vadd.f32 v23, v18;
	v23 =	vshll.u32 v10, $0x10  }
0x252: {  	v7 =	vadd.f32 v7, v31;
	v30 =	vld [tilespmem:s3+$0x9480];
	v12 =	vadd.f32 v23, v12;
	v23 =	vshll.u32 v58, $0x10  }
0x253: {  	v29 =	vld [tilespmem:s3+$0x9700];
	v20 =	vadd.f32 v22, v20;
	v18 =	vadd.f32 v23, v18;
	v23 =	vshll.u32 v28, $0x10  }
0x254: {  	v6 =	vadd.f32 v6, v17;
	v22 =	vshll.u32 v26, $0x10;
	v12 =	vadd.f32 v23, v12;
	v23 =	vld [tilespmem:s3+$0x9680]  }
0x255: {  	v7 =	vadd.f32 v9, v7;
	v5 =	vand.u32 $0xFFFF0000, v5;
	v9 =	vadd.f32 v22, v18;
	v22 =	vld [tilespmem:s3+$0x9600]  }
0x256: {  	v5 =	vadd.f32 v5, v14;
	v6 =	vadd.f32 v8, v6;
	v18 =	vshll.u32 v27, $0x10  }
0x257: {  	v8 =	vadd.f32 v13, v15;
	v12 =	vadd.f32 v18, v12;
	v18 =	vshll.u32 v30, $0x10  }
0x258: {  	v13 =	vand.u32 $0xFFFF0000, v58;
	v9 =	vadd.f32 v18, v9;
	v18 =	vadd.f32 v24, v19  }
0x259: {  	v59 =	vshll.u32 v29, $0x10;
	v3 =	vadd.f32 v3, v7;
	v5 =	vadd.f32 v13, v5  }
0x25a: {  	v7 =	vadd.f32 v59, v18;
	v17 =	vshll.u32 v23, $0x10;
	v14 =	vshll.u32 v22, $0x10  }
0x25b: {  	v21 =	vand.u32 $0xFFFF0000, v21;
	v9 =	vadd.f32 v17, v9;
	v12 =	vadd.f32 v14, v12  }
0x25c: {  	v10 =	vand.u32 $0xFFFF0000, v10;
	v3 =	vadd.f32 v4, v3;
	v6 =	vadd.f32 v6, v7;
	v7 =	vld [tilespmem:s4+$0x0]  }
0x25d: {  	v8 =	vadd.f32 v10, v8;
	v10 =	vand.u32 $0xFFFF0000, v26;
	v9 =	vadd.f32 v9, v12  }
0x25e: {  	v25 =	vand.u32 $0xFFFF0000, v28;
	v5 =	vadd.f32 v10, v5;
	v19 =	vadd.f32 v21, v20  }
0x25f: {  	v10 =	vand.u32 $0xFFFF0000, v30;
	v8 =	vadd.f32 v25, v8;
	v6 =	vadd.f32 v6, v9  }
0x260: {  	v4 =	vand.u32 $0xFFFF0000, v27;
	v5 =	vadd.f32 v10, v5;
	v11 =	vadd.f32 v11, v19  }
0x261: {  	v4 =	vadd.f32 v4, v8;
	v9 =	vand.u32 $0xFFFF0000, v29;
	v6 =	vadd.f32 v6, v7  }
0x262: {  	v8 =	vand.u32 $0xFFFF0000, v22;
	v7 =	vadd.f32 v9, v11;
	v9 =	vand.u32 $0xFFFF0000, v23  }
0x263: {  	s0 =	sand.u32 $0x1F0, s5;
	v4 =	vadd.f32 v8, v4;
	v5 =	vadd.f32 v9, v5;
	[tilespmem:s4+$0x0] =	vst v6  }
0x264: {  	v6 =	vld [tilespmem:s0+$0xDD80]  }
0x265: {  	v3 =	vadd.f32 v3, v7;
	v4 =	vadd.f32 v5, v4;
	_ =	sdelay $0x1  }
0x266: {  	v3 =	vadd.f32 v3, v4;
	_ =	sdelay $0x1  }
0x267: {  	v3 =	vadd.f32 v3, v6;
	_ =	sdelay $0x1  }
0x268: {  	[tilespmem:s0+$0xDD80] =	vst v3  }
0x269: {  	v3 =	vld [tilespmem:s6+$0xA0];
	_ =	sdelay $0x4  }
0x26a: {  	v4 =	vshrl.u32 v3, $0x3  }
0x26b: {  	v4 =	vmul.u32 $0x18, v4  }
0x26c: {  	v3 =	vand.u32 $0x7, v3  }
0x26d: {  	v3 =	vor.u32 v3, v4  }
0x26e: {  	v4 =	vperm.xlane v3, v0;
	_ =	sdelay $0x1  }
0x26f: {  	v4 =	vadd.s32 v1, v4;
	_ =	sdelay $0x1  }
0x270: {  	v3 =	vperm.xlane v3, v2;
	_ =	sdelay $0x1  }
0x271: {  	s0 =	simm.s32 $0x0;
	v3 =	vadd.s32 v1, v3  }
0x272: {  	[tilespmem:s10], [sflag:$0x1] =	stream.indirect_vreg.gather [hbm4b:s2+s0], $0x80, v4, vm0, $0xb8;
	[tilespmem:$0xDF00] =	vst v63  }
0x273: {  	_ = 	snop  }
0x274: {  	[tilespmem:s11], [sflag:$0x1] =	stream.indirect_vreg.gather [hbm4b:s7+s0], $0x80, v4, vm1, $0xb8;
	[tilespmem:$0xDF00] =	vst v63  }
0x275: {  	_ = 	snop  }
0x276: {  	[tilespmem:s12], [sflag:$0x1] =	stream.indirect_vreg.gather [hbm4b:s2+s0], $0x80, v3, vm0, $0xb8;
	[tilespmem:$0xDF00] =	vst v63  }
0x277: {  	_ = 	snop  }
0x278: {  	[tilespmem:s13], [sflag:$0x1] =	stream.indirect_vreg.gather [hbm4b:s7+s0], $0x80, v3, vm1, $0xb8;
	[tilespmem:$0xDF00] =	vst v63  }
0x279: {  	v3 =	vld [tilespmem:s6+$0xB0];
	_ =	sdelay $0x4  }
0x27a: {  	v4 =	vshrl.u32 v3, $0x3  }
0x27b: {  	v4 =	vmul.u32 $0x18, v4  }
0x27c: {  	v3 =	vand.u32 $0x7, v3  }
0x27d: {  	v3 =	vor.u32 v3, v4  }
0x27e: {  	v4 =	vperm.xlane v3, v0;
	_ =	sdelay $0x1  }
0x27f: {  	v4 =	vadd.s32 v1, v4;
	_ =	sdelay $0x1  }
0x280: {  	v3 =	vperm.xlane v3, v2;
	_ =	sdelay $0x1  }
0x281: {  	v3 =	vadd.s32 v1, v3  }
0x282: {  	[tilespmem:s14], [sflag:$0x1] =	stream.indirect_vreg.gather [hbm4b:s2+s0], $0x80, v4, vm0, $0xb8;
	[tilespmem:$0xDF00] =	vst v63  }
0x283: {  	_ = 	snop  }
0x284: {  	[tilespmem:s15], [sflag:$0x1] =	stream.indirect_vreg.gather [hbm4b:s7+s0], $0x80, v4, vm1, $0xb8;
	[tilespmem:$0xDF00] =	vst v63  }
0x285: {  	_ = 	snop  }
0x286: {  	[tilespmem:s16], [sflag:$0x1] =	stream.indirect_vreg.gather [hbm4b:s2+s0], $0x80, v3, vm0, $0xb8;
	[tilespmem:$0xDF00] =	vst v63  }
0x287: {  	_ = 	snop  }
0x288: {  	[tilespmem:s17], [sflag:$0x1] =	stream.indirect_vreg.gather [hbm4b:s7+s0], $0x80, v3, vm1, $0xb8;
	[tilespmem:$0xDF00] =	vst v63  }
0x289: {  	v3 =	vld.msk [tilespmem:s6+$0xC0], $0xff;
	_ =	sdelay $0x4  }
0x28a: {  	v4 =	vshrl.u32 v3, $0x3  }
0x28b: {  	v4 =	vmul.u32 $0x18, v4  }
0x28c: {  	v3 =	vand.u32 $0x7, v3  }
0x28d: {  	v3 =	vor.u32 v3, v4  }
0x28e: {  	v3 =	vperm.xlane v3, v0;
	_ =	sdelay $0x1  }
0x28f: {  	v3 =	vadd.s32 v1, v3;
	_ =	sdelay $0x4  }
0x290: {  	[tilespmem:s18], [sflag:$0x1] =	stream.indirect_vreg.gather [hbm4b:s2+s0], $0x80, v3, vm0, $0xb8;
	[tilespmem:$0xDF00] =	vst v63  }
0x291: {  	_ = 	snop  }
0x292: {  	[tilespmem:s19], [sflag:$0x1] =	stream.indirect_vreg.gather [hbm4b:s7+s0], $0x80, v3, vm1, $0xb8;
	[tilespmem:$0xDF00] =	vst v63  }
0x293: {  	_ =	swait.ge [sflag:s1], $0x3C00  }
0x294: {  	s22 =	sand.u32 $0x70, s0;
	s23 =	sand.u32 $0xC00, s0;
	[sflag:s1] =	ssyncset.done $0x0  }
0x295: {  	s3 =	sor.u32 s22, s23;
	[sflag:s1] =	ssyncadd.s32 $0xFFFFC400  }
0x296: {  	v3 =	vld [tilespmem:s3+$0xAC00]  }
0x297: {  	v4 =	vld [tilespmem:s3+$0xAD00]  }
0x298: {  	v5 =	vld [tilespmem:s3+$0xB980]  }
0x299: {  	v6 =	vld [tilespmem:s3+$0xAF80]  }
0x29a: {  	v7 =	vld [tilespmem:s3+$0xAD80]  }
0x29b: {  	v8 =	vld [tilespmem:s3+$0xA380]  }
0x29c: {  	v9 =	vld [tilespmem:s3+$0xA200]  }
0x29d: {  	v10 =	vld [tilespmem:s3+$0xA180]  }
0x29e: {  	v11 =	vld [tilespmem:s3+$0xA300]  }
0x29f: {  	v15 =	vld [tilespmem:s3+$0xA280]  }
0x2a0: {  	v17 =	vld [tilespmem:s3+$0xA000];
	v13 =	vand.u32 $0xFFFF0000, v4;
	v14 =	vand.u32 $0xFFFF0000, v5  }
0x2a1: {  	v26 =	vld [tilespmem:s3+$0xBB80];
	v16 =	vand.u32 $0xFFFF0000, v6;
	v21 =	vand.u32 $0xFFFF0000, v7;
	v25 =	vshll.u32 v6, $0x10  }
0x2a2: {  	v20 =	vld [tilespmem:s3+$0xAF00];
	v12 =	vshll.u32 v8, $0x10;
	v18 =	vand.u32 $0xFFFF0000, v9;
	v8 =	vand.u32 $0xFFFF0000, v8  }
0x2a3: {  	v22 =	vld [tilespmem:s3+$0xA080];
	v19 =	vshll.u32 v10, $0x10;
	v10 =	vand.u32 $0xFFFF0000, v10;
	v7 =	vshll.u32 v7, $0x10  }
0x2a4: {  	v6 =	vld [tilespmem:s3+$0xA100];
	v23 =	vand.u32 $0xFFFF0000, v11;
	v27 =	vshll.u32 v5, $0x10;
	v5 =	vshll.u32 v9, $0x10  }
0x2a5: {  	v9 =	vshll.u32 v11, $0x10;
	v4 =	vshll.u32 v4, $0x10;
	v11 =	vld [tilespmem:s3+$0xB900];
	v24 =	vshll.u32 v3, $0x10  }
0x2a6: {  	v31 =	vld [tilespmem:s3+$0xBB00];
	v28 =	vshll.u32 v17, $0x10;
	v61 =	vshll.u32 v26, $0x10;
	v12 =	vadd.f32 v12, v19  }
0x2a7: {  	v36 =	vand.u32 $0xFFFF0000, v26;
	v26 =	vld [tilespmem:s3+$0xC500];
	v5 =	vadd.f32 v5, v28;
	v8 =	vadd.f32 v8, v10  }
0x2a8: {  	v60 =	vld [tilespmem:s3+$0xB800];
	v29 =	vshll.u32 v22, $0x10;
	v10 =	vand.u32 $0xFFFF0000, v15;
	v30 =	vadd.f32 v7, v12  }
0x2a9: {  	v28 =	vld [tilespmem:s3+$0xAE00];
	v12 =	vadd.f32 v24, v5;
	v5 =	vand.u32 $0xFFFF0000, v20;
	v8 =	vadd.f32 v21, v8  }
0x2aa: {  	v37 =	vld [tilespmem:s3+$0xBA00];
	v19 =	vshll.u32 v6, $0x10;
	v6 =	vand.u32 $0xFFFF0000, v6;
	v24 =	vand.u32 $0xFFFF0000, v11  }
0x2ab: {  	v7 =	vld [tilespmem:s3+$0xC580];
	v21 =	vadd.f32 v25, v30;
	v16 =	vadd.f32 v16, v8;
	v30 =	vand.u32 $0xFFFF0000, v31  }
0x2ac: {  	v33 =	vshll.u32 v26, $0x10;
	v9 =	vadd.f32 v9, v19;
	v6 =	vadd.f32 v23, v6  }
0x2ad: {  	v19 =	vshll.u32 v20, $0x10;
	v23 =	vand.u32 $0xFFFF0000, v3;
	v62 =	vadd.f32 v27, v21  }
0x2ae: {  	v34 =	vld [tilespmem:s3+$0xAC80];
	v63 =	vadd.f32 v14, v16;
	v14 =	vand.u32 $0xFFFF0000, v28;
	v3 =	vadd.f32 v4, v9  }
0x2af: {  	v27 =	vshll.u32 v37, $0x10;
	v16 =	vand.u32 $0xFFFF0000, v60;
	v4 =	vadd.f32 v13, v6  }
0x2b0: {  	v35 =	vld [tilespmem:s3+$0xAE80];
	v6 =	vand.u32 $0xFFFF0000, v17;
	v17 =	vshll.u32 v7, $0x10;
	v13 =	vadd.f32 v19, v3  }
0x2b1: {  	v20 =	vadd.f32 v5, v4;
	v5 =	vand.u32 $0xFFFF0000, v22;
	v22 =	vshll.u32 v15, $0x10  }
0x2b2: {  	v9 =	vld [tilespmem:s3+$0xC780];
	v6 =	vadd.f32 v18, v6;
	v19 =	vshll.u32 v11, $0x10;
	v29 =	vadd.f32 v22, v29  }
0x2b3: {  	v3 =	vld [tilespmem:s3+$0xD180];
	v11 =	vshll.u32 v34, $0x10;
	v5 =	vadd.f32 v10, v5;
	v4 =	vadd.f32 v19, v13  }
0x2b4: {  	v13 =	vadd.f32 v23, v6;
	v6 =	vshll.u32 v31, $0x10;
	v11 =	vadd.f32 v11, v29;
	v29 =	vld [tilespmem:s3+$0xB880]  }
0x2b5: {  	v15 =	vshll.u32 v35, $0x10;
	v10 =	vand.u32 $0xFFFF0000, v34;
	v23 =	vadd.f32 v6, v4;
	v4 =	vld [tilespmem:s3+$0xD380]  }
0x2b6: {  	v18 =	vshll.u32 v28, $0x10;
	v10 =	vadd.f32 v10, v5;
	v25 =	vadd.f32 v15, v11;
	v11 =	vld [tilespmem:s3+$0xD100]  }
0x2b7: {  	v21 =	vld [tilespmem:s3+$0xC700];
	v32 =	vadd.f32 v61, v62;
	v22 =	vshll.u32 v60, $0x10;
	v15 =	vand.u32 $0xFFFF0000, v35  }
0x2b8: {  	v31 =	vadd.f32 v36, v63;
	v19 =	vshll.u32 v9, $0x10;
	v5 =	vld [tilespmem:s3+$0xBA80];
	v28 =	vadd.f32 v15, v10  }
0x2b9: {  	s20 =	simm.s32 $0x10;
	v6 =	vshll.u32 v3, $0x10;
	v10 =	vld [tilespmem:s3+$0xC400];
	v15 =	vadd.f32 v14, v13;
	v38 =	vand.u32 $0xFFFF0000, v29  }
0x2ba: {  	s5 =	simm.s32 $0x0;
	s4 =	simm.s32 $0xDC00;
	s6 =	simm.s32 $0xDC00;
	v13 =	vand.u32 $0xFFFF0000, v37;
	v8 =	vshll.u32 v4, $0x10;
	v14 =	vadd.f32 v38, v28;
	v28 =	vld [tilespmem:s3+$0xC600]  }
.LBB2_9:
0x2bb: {  	p0 =	sne.s32 s20, $0x170;
	v20 =	vadd.f32 v24, v20;
	v17 =	vadd.f32 v17, v32;
	v24 =	vshll.u32 v11, $0x10;
	s0 =	sadd.s32 $0x80, s0;
	s6 =	sadd.s32 $0x10, s6  }
0x2bc: {  	v12 =	vadd.f32 v18, v12;
	v18 =	vshll.u32 v29, $0x10;
	v23 =	vadd.f32 v33, v23;
	s21 =	smov.u32 s20;
	s20 =	sadd.s32 $0x10, s20;
	v29 =	vld [tilespmem:s3+$0xD300]  }
0x2bd: {  	v7 =	vand.u32 $0xFFFF0000, v7;
	v33 =	vshll.u32 v21, $0x10;
	v32 =	vld [tilespmem:s3+$0xC480];
	v17 =	vadd.f32 v19, v17  }
0x2be: {  	v18 =	vadd.f32 v18, v25;
	v12 =	vadd.f32 v22, v12;
	v19 =	vand.u32 $0xFFFF0000, v26  }
0x2bf: {  	v9 =	vand.u32 $0xFFFF0000, v9;
	v23 =	vadd.f32 v33, v23;
	v22 =	vand.u32 $0xFFFF0000, v28;
	v25 =	vld [tilespmem:s3+$0xC680]  }
0x2c0: {  	v26 =	vshll.u32 v5, $0x10;
	v20 =	vadd.f32 v30, v20;
	v12 =	vadd.f32 v27, v12;
	v27 =	vld [tilespmem:s3+$0xD000]  }
0x2c1: {  	v18 =	vadd.f32 v26, v18;
	v26 =	vshll.u32 v10, $0x10;
	v30 =	vld [tilespmem:s3+$0xD080];
	v33 =	vshll.u32 v29, $0x10  }
0x2c2: {  	v7 =	vadd.f32 v7, v31;
	v12 =	vadd.f32 v26, v12;
	v26 =	vshll.u32 v32, $0x10  }
0x2c3: {  	v19 =	vadd.f32 v19, v20;
	v20 =	vshll.u32 v28, $0x10;
	v18 =	vadd.f32 v26, v18  }
0x2c4: {  	v7 =	vadd.f32 v9, v7;
	v12 =	vadd.f32 v20, v12;
	v20 =	vshll.u32 v25, $0x10  }
0x2c5: {  	v9 =	vadd.f32 v20, v18;
	v18 =	vand.u32 $0xFFFF0000, v21;
	v20 =	vshll.u32 v27, $0x10  }
0x2c6: {  	v11 =	vand.u32 $0xFFFF0000, v11;
	v12 =	vadd.f32 v20, v12;
	v20 =	vshll.u32 v30, $0x10  }
0x2c7: {  	v3 =	vand.u32 $0xFFFF0000, v3;
	v9 =	vadd.f32 v20, v9;
	v20 =	vadd.f32 v24, v23;
	v21 =	vld [tilespmem:s3+$0xD280]  }
0x2c8: {  	v3 =	vadd.f32 v3, v7;
	v7 =	vand.u32 $0xFFFF0000, v29;
	v18 =	vadd.f32 v18, v19  }
0x2c9: {  	v4 =	vand.u32 $0xFFFF0000, v4;
	v6 =	vadd.f32 v6, v17;
	v17 =	vld [tilespmem:s3+$0xD200];
	v19 =	vadd.f32 v33, v20  }
0x2ca: {  	v3 =	vadd.f32 v4, v3;
	v11 =	vadd.f32 v11, v18;
	_ =	sdelay $0x1  }
0x2cb: {  	v7 =	vadd.f32 v7, v11;
	v4 =	vshll.u32 v21, $0x10  }
0x2cc: {  	v5 =	vand.u32 $0xFFFF0000, v5;
	v11 =	vadd.f32 v16, v15;
	v4 =	vadd.f32 v4, v9  }
0x2cd: {  	v5 =	vadd.f32 v5, v14;
	v6 =	vadd.f32 v8, v6;
	v9 =	vshll.u32 v17, $0x10  }
0x2ce: {  	v8 =	vadd.f32 v13, v11;
	v11 =	vand.u32 $0xFFFF0000, v32;
	v9 =	vadd.f32 v9, v12  }
0x2cf: {  	v10 =	vand.u32 $0xFFFF0000, v10;
	v6 =	vadd.f32 v6, v19;
	v5 =	vadd.f32 v11, v5;
	v11 =	vld [tilespmem:s4+$0x0]  }
0x2d0: {  	v8 =	vadd.f32 v10, v8;
	v10 =	vand.u32 $0xFFFF0000, v25;
	v4 =	vadd.f32 v4, v9  }
0x2d1: {  	v3 =	vadd.f32 v3, v7;
	v5 =	vadd.f32 v10, v5  }
0x2d2: {  	v7 =	vadd.f32 v22, v8;
	v8 =	vand.u32 $0xFFFF0000, v30;
	v4 =	vadd.f32 v6, v4  }
0x2d3: {  	v5 =	vadd.f32 v8, v5;
	v6 =	vand.u32 $0xFFFF0000, v27  }
0x2d4: {  	v6 =	vadd.f32 v6, v7;
	v4 =	vadd.f32 v4, v11  }
0x2d5: {  	v8 =	vand.u32 $0xFFFF0000, v21;
	v7 =	vand.u32 $0xFFFF0000, v17  }
0x2d6: {  	s22 =	sand.u32 $0x1F0, s5;
	s5 =	smov.u32 s21;
	v5 =	vadd.f32 v8, v5;
	v6 =	vadd.f32 v7, v6;
	[tilespmem:s4+$0x0] =	vst v4;
	s4 =	smov.u32 s6  }
0x2d7: {  	v4 =	vld [tilespmem:s22+$0xDD80]  }
0x2d8: {  	v5 =	vadd.f32 v5, v6;
	_ =	sdelay $0x1  }
0x2d9: {  	v3 =	vadd.f32 v3, v5  }
0x2da: {  	s21 =	sand.u32 $0xC00, s0;
	s3 =	sand.u32 $0x70, s5  }
0x2db: {  	s3 =	sor.u32 s3, s21;
	v3 =	vadd.f32 v3, v4;
	_ =	sdelay $0x1  }
0x2dc: {  	[tilespmem:s22+$0xDD80] =	vst v3  }
0x2dd: {  	v3 =	vld [tilespmem:s3+$0xAC00]  }
0x2de: {  	v4 =	vld [tilespmem:s3+$0xAD00]  }
0x2df: {  	v5 =	vld [tilespmem:s3+$0xB980]  }
0x2e0: {  	v6 =	vld [tilespmem:s3+$0xAF80]  }
0x2e1: {  	v7 =	vld [tilespmem:s3+$0xAD80]  }
0x2e2: {  	v8 =	vld [tilespmem:s3+$0xA380]  }
0x2e3: {  	v9 =	vld [tilespmem:s3+$0xA200]  }
0x2e4: {  	v11 =	vand.u32 $0xFFFF0000, v4;
	v10 =	vld [tilespmem:s3+$0xA180];
	v13 =	vand.u32 $0xFFFF0000, v5  }
0x2e5: {  	v12 =	vld [tilespmem:s3+$0xA300];
	v14 =	vand.u32 $0xFFFF0000, v6  }
0x2e6: {  	v21 =	vshll.u32 v6, $0x10;
	v15 =	vld [tilespmem:s3+$0xA280];
	v16 =	vand.u32 $0xFFFF0000, v7  }
0x2e7: {  	v6 =	vld [tilespmem:s3+$0xA100];
	v17 =	vshll.u32 v8, $0x10  }
0x2e8: {  	v8 =	vand.u32 $0xFFFF0000, v8;
	v18 =	vld [tilespmem:s3+$0xA000];
	v19 =	vand.u32 $0xFFFF0000, v9  }
0x2e9: {  	v7 =	vshll.u32 v7, $0x10;
	v20 =	vshll.u32 v10, $0x10;
	v10 =	vand.u32 $0xFFFF0000, v10;
	v22 =	vld [tilespmem:s3+$0xAF00]  }
0x2ea: {  	v27 =	vshll.u32 v5, $0x10;
	v23 =	vld [tilespmem:s3+$0xA080];
	v24 =	vand.u32 $0xFFFF0000, v12;
	v17 =	vadd.f32 v17, v20  }
0x2eb: {  	v4 =	vshll.u32 v4, $0x10;
	v5 =	vshll.u32 v9, $0x10;
	v9 =	vshll.u32 v12, $0x10;
	v25 =	vld [tilespmem:s3+$0xB900]  }
0x2ec: {  	v20 =	vshll.u32 v3, $0x10;
	v12 =	vshll.u32 v6, $0x10;
	v6 =	vand.u32 $0xFFFF0000, v6;
	v26 =	vld [tilespmem:s3+$0xBB80]  }
0x2ed: {  	v30 =	vadd.f32 v7, v17;
	v28 =	vshll.u32 v18, $0x10;
	v9 =	vadd.f32 v9, v12;
	v7 =	vld [tilespmem:s3+$0xC580]  }
0x2ee: {  	v6 =	vadd.f32 v24, v6;
	v5 =	vadd.f32 v5, v28;
	v28 =	vld [tilespmem:s3+$0xAE00];
	v17 =	vshll.u32 v22, $0x10  }
0x2ef: {  	v29 =	vand.u32 $0xFFFF0000, v3;
	v24 =	vshll.u32 v23, $0x10;
	v3 =	vadd.f32 v4, v9;
	v31 =	vld [tilespmem:s3+$0xBB00]  }
0x2f0: {  	v4 =	vadd.f32 v11, v6;
	v12 =	vadd.f32 v20, v5;
	v5 =	vand.u32 $0xFFFF0000, v22;
	v9 =	vld [tilespmem:s3+$0xC780]  }
0x2f1: {  	v6 =	vand.u32 $0xFFFF0000, v18;
	v22 =	vshll.u32 v25, $0x10;
	v11 =	vadd.f32 v17, v3;
	v33 =	vld [tilespmem:s3+$0xB800]  }
0x2f2: {  	v6 =	vadd.f32 v19, v6;
	v32 =	vshll.u32 v26, $0x10;
	v17 =	vshll.u32 v7, $0x10;
	v3 =	vld [tilespmem:s3+$0xD180]  }
0x2f3: {  	v20 =	vadd.f32 v5, v4;
	v34 =	vld [tilespmem:s3+$0xAC80];
	v18 =	vshll.u32 v28, $0x10;
	v4 =	vadd.f32 v22, v11  }
0x2f4: {  	v35 =	vand.u32 $0xFFFF0000, v23;
	v36 =	vadd.f32 v29, v6;
	v5 =	vld [tilespmem:s3+$0xBA80];
	v6 =	vshll.u32 v31, $0x10  }
0x2f5: {  	v11 =	vshll.u32 v15, $0x10;
	v37 =	vld [tilespmem:s3+$0xAE80];
	v23 =	vadd.f32 v6, v4;
	v19 =	vshll.u32 v9, $0x10  }
0x2f6: {  	v8 =	vadd.f32 v8, v10;
	v29 =	vadd.f32 v11, v24;
	v24 =	vand.u32 $0xFFFF0000, v25;
	v4 =	vld [tilespmem:s3+$0xD380]  }
0x2f7: {  	v38 =	vand.u32 $0xFFFF0000, v26;
	v22 =	vshll.u32 v33, $0x10;
	v11 =	vld [tilespmem:s3+$0xD100];
	v6 =	vshll.u32 v3, $0x10  }
0x2f8: {  	v10 =	vand.u32 $0xFFFF0000, v15;
	v8 =	vadd.f32 v16, v8;
	v15 =	vshll.u32 v34, $0x10;
	v39 =	vld [tilespmem:s3+$0xBA00]  }
0x2f9: {  	v10 =	vadd.f32 v10, v35;
	v16 =	vand.u32 $0xFFFF0000, v34;
	v15 =	vadd.f32 v15, v29;
	v29 =	vld [tilespmem:s3+$0xB880]  }
0x2fa: {  	v21 =	vadd.f32 v21, v30;
	v14 =	vadd.f32 v14, v8;
	v25 =	vshll.u32 v37, $0x10  }
0x2fb: {  	v10 =	vadd.f32 v16, v10;
	v25 =	vadd.f32 v25, v15;
	v26 =	vld [tilespmem:s3+$0xC500];
	v8 =	vshll.u32 v4, $0x10  }
.Ltmp3:
0x2fc: {  	v34 =	vadd.f32 v13, v14;
	v16 =	vadd.f32 v27, v21;
	v15 =	vand.u32 $0xFFFF0000, v37;
	(pc) =	sbr.rel @p0 .LBB2_9-.Ltmp3, $4  }
0x2fd: {  	v13 =	vand.u32 $0xFFFF0000, v28;
	v14 =	vadd.f32 v15, v10;
	v27 =	vshll.u32 v39, $0x10;
	v21 =	vld [tilespmem:s3+$0xC700]  }
0x2fe: {  	v30 =	vand.u32 $0xFFFF0000, v31;
	v32 =	vadd.f32 v32, v16;
	v28 =	vand.u32 $0xFFFF0000, v29;
	v10 =	vld [tilespmem:s3+$0xC400]  }
0x2ff: {  	v16 =	vand.u32 $0xFFFF0000, v33;
	v15 =	vadd.f32 v13, v36;
	v14 =	vadd.f32 v28, v14  }
0x300: {  	v31 =	vadd.f32 v38, v34;
	v13 =	vand.u32 $0xFFFF0000, v39;
	v33 =	vshll.u32 v26, $0x10;
	v28 =	vld [tilespmem:s3+$0xC600]  }
0x301: {  	v20 =	vadd.f32 v24, v20;
	v17 =	vadd.f32 v17, v32  }
0x302: {  	v24 =	vshll.u32 v11, $0x10;
	v12 =	vadd.f32 v18, v12;
	v18 =	vshll.u32 v29, $0x10  }
0x303: {  	v23 =	vadd.f32 v33, v23;
	v7 =	vand.u32 $0xFFFF0000, v7;
	v9 =	vand.u32 $0xFFFF0000, v9  }
0x304: {  	v53 =	vld [tilespmem:s3+$0xC480];
	v3 =	vand.u32 $0xFFFF0000, v3;
	v11 =	vand.u32 $0xFFFF0000, v11;
	v15 =	vadd.f32 v16, v15  }
0x305: {  	v4 =	vand.u32 $0xFFFF0000, v4;
	v18 =	vadd.f32 v18, v25;
	v12 =	vadd.f32 v22, v12  }
0x306: {  	v17 =	vadd.f32 v19, v17;
	v19 =	vshll.u32 v21, $0x10;
	v22 =	vand.u32 $0xFFFF0000, v26;
	v26 =	vld [tilespmem:s3+$0xC680]  }
0x307: {  	v19 =	vadd.f32 v19, v23;
	v23 =	vshll.u32 v5, $0x10;
	v12 =	vadd.f32 v27, v12  }
0x308: {  	v20 =	vadd.f32 v30, v20;
	v27 =	vld [tilespmem:s3+$0xD000];
	v18 =	vadd.f32 v23, v18;
	v23 =	vshll.u32 v10, $0x10  }
0x309: {  	v7 =	vadd.f32 v7, v31;
	v30 =	vld [tilespmem:s3+$0xD080];
	v12 =	vadd.f32 v23, v12;
	v23 =	vshll.u32 v53, $0x10  }
0x30a: {  	v29 =	vld [tilespmem:s3+$0xD300];
	v20 =	vadd.f32 v22, v20;
	v18 =	vadd.f32 v23, v18;
	v23 =	vshll.u32 v28, $0x10  }
0x30b: {  	v6 =	vadd.f32 v6, v17;
	v22 =	vshll.u32 v26, $0x10;
	v12 =	vadd.f32 v23, v12;
	v23 =	vld [tilespmem:s3+$0xD280]  }
0x30c: {  	v7 =	vadd.f32 v9, v7;
	v5 =	vand.u32 $0xFFFF0000, v5;
	v9 =	vadd.f32 v22, v18;
	v22 =	vld [tilespmem:s3+$0xD200]  }
0x30d: {  	v5 =	vadd.f32 v5, v14;
	v6 =	vadd.f32 v8, v6;
	v18 =	vshll.u32 v27, $0x10  }
0x30e: {  	v8 =	vadd.f32 v13, v15;
	v12 =	vadd.f32 v18, v12;
	v18 =	vshll.u32 v30, $0x10  }
0x30f: {  	v13 =	vand.u32 $0xFFFF0000, v53;
	v9 =	vadd.f32 v18, v9;
	v18 =	vadd.f32 v24, v19  }
0x310: {  	v54 =	vshll.u32 v29, $0x10;
	v3 =	vadd.f32 v3, v7;
	v5 =	vadd.f32 v13, v5  }
0x311: {  	v7 =	vadd.f32 v54, v18;
	v17 =	vshll.u32 v23, $0x10;
	v14 =	vshll.u32 v22, $0x10  }
0x312: {  	v21 =	vand.u32 $0xFFFF0000, v21;
	v9 =	vadd.f32 v17, v9;
	v12 =	vadd.f32 v14, v12  }
0x313: {  	v10 =	vand.u32 $0xFFFF0000, v10;
	v3 =	vadd.f32 v4, v3;
	v6 =	vadd.f32 v6, v7;
	v7 =	vld [tilespmem:s4+$0x0]  }
0x314: {  	v8 =	vadd.f32 v10, v8;
	v10 =	vand.u32 $0xFFFF0000, v26;
	v9 =	vadd.f32 v9, v12  }
0x315: {  	v25 =	vand.u32 $0xFFFF0000, v28;
	v5 =	vadd.f32 v10, v5;
	v19 =	vadd.f32 v21, v20  }
0x316: {  	v10 =	vand.u32 $0xFFFF0000, v30;
	v8 =	vadd.f32 v25, v8;
	v6 =	vadd.f32 v6, v9  }
0x317: {  	v4 =	vand.u32 $0xFFFF0000, v27;
	v5 =	vadd.f32 v10, v5;
	v11 =	vadd.f32 v11, v19  }
0x318: {  	v4 =	vadd.f32 v4, v8;
	v9 =	vand.u32 $0xFFFF0000, v29;
	v6 =	vadd.f32 v6, v7  }
0x319: {  	v8 =	vand.u32 $0xFFFF0000, v22;
	v7 =	vadd.f32 v9, v11;
	v9 =	vand.u32 $0xFFFF0000, v23  }
0x31a: {  	s0 =	sand.u32 $0x1F0, s5;
	v4 =	vadd.f32 v8, v4;
	v5 =	vadd.f32 v9, v5;
	[tilespmem:s4+$0x0] =	vst v6  }
0x31b: {  	v6 =	vld [tilespmem:s0+$0xDD80]  }
0x31c: {  	v3 =	vadd.f32 v3, v7;
	v4 =	vadd.f32 v5, v4;
	_ =	sdelay $0x1  }
0x31d: {  	v3 =	vadd.f32 v3, v4;
	_ =	sdelay $0x1  }
0x31e: {  	v3 =	vadd.f32 v3, v6;
	_ =	sdelay $0x1  }
0x31f: {  	[tilespmem:s0+$0xDD80] =	vst v3  }
0x320: {  	s0 =	simm.s32 $0x0;
	_ =	swait.ge [sflag:s31], $0x3C00  }
0x321: {  	s22 =	sand.u32 $0x70, s0;
	s23 =	sand.u32 $0xC00, s0;
	[sflag:s31] =	ssyncset.done $0x0  }
0x322: {  	s5 =	sor.u32 s22, s23;
	[sflag:s31] =	ssyncadd.s32 $0xFFFFC400  }
0x323: {  	v3 =	vld [tilespmem:s5+$0x7F80]  }
0x324: {  	v4 =	vld [tilespmem:s5+$0x7300]  }
0x325: {  	v6 =	vld [tilespmem:s5+$0x7000]  }
0x326: {  	v5 =	vld [tilespmem:s5+$0x7200]  }
0x327: {  	v7 =	vld [tilespmem:s5+$0x7100]  }
0x328: {  	v9 =	vld [tilespmem:s5+$0x7080]  }
0x329: {  	v8 =	vld [tilespmem:s5+$0x7D80]  }
0x32a: {  	v11 =	vld [tilespmem:s5+$0x7380]  }
0x32b: {  	v10 =	vld [tilespmem:s5+$0x7180]  }
0x32c: {  	v12 =	vld [tilespmem:s5+$0x6780]  }
0x32d: {  	v16 =	vld [tilespmem:s5+$0x6600]  }
0x32e: {  	v13 =	vld [tilespmem:s5+$0x6580]  }
0x32f: {  	v14 =	vld [tilespmem:s5+$0x6700];
	v25 =	vand.u32 $0xFFFF0000, v5;
	v17 =	vshll.u32 v5, $0x10  }
0x330: {  	v18 =	vld [tilespmem:s5+$0x6680];
	v20 =	vand.u32 $0xFFFF0000, v7;
	v26 =	vand.u32 $0xFFFF0000, v4;
	v5 =	vand.u32 $0xFFFF0000, v8  }
0x331: {  	v29 =	vld [tilespmem:s5+$0x7D00];
	v15 =	vshll.u32 v12, $0x10;
	v22 =	vand.u32 $0xFFFF0000, v12;
	v28 =	vshll.u32 v8, $0x10  }
0x332: {  	v30 =	vld [tilespmem:s5+$0x6400];
	v21 =	vshll.u32 v9, $0x10;
	v8 =	vshll.u32 v10, $0x10;
	v23 =	vshll.u32 v11, $0x10  }
0x333: {  	v19 =	vld [tilespmem:s5+$0x6500];
	v24 =	vshll.u32 v13, $0x10;
	v13 =	vand.u32 $0xFFFF0000, v13;
	v27 =	vshll.u32 v16, $0x10  }
0x334: {  	v31 =	vand.u32 $0xFFFF0000, v14;
	v55 =	vshll.u32 v7, $0x10;
	v34 =	vand.u32 $0xFFFF0000, v10  }
0x335: {  	v12 =	vld [tilespmem:s5+$0x6480];
	v14 =	vshll.u32 v14, $0x10;
	v35 =	vand.u32 $0xFFFF0000, v6;
	v56 =	vshll.u32 v6, $0x10  }
0x336: {  	v36 =	vld [tilespmem:s5+$0x7C80];
	v38 =	vshll.u32 v4, $0x10;
	v10 =	vshll.u32 v3, $0x10;
	v40 =	vshll.u32 v29, $0x10  }
0x337: {  	v39 =	vld [tilespmem:s5+$0x7C00];
	v41 =	vshll.u32 v30, $0x10;
	v29 =	vand.u32 $0xFFFF0000, v29;
	v9 =	vand.u32 $0xFFFF0000, v9  }
0x338: {  	v43 =	vld [tilespmem:s5+$0x7280];
	v7 =	vadd.f32 v15, v24;
	v15 =	vshll.u32 v19, $0x10;
	v24 =	vshll.u32 v18, $0x10  }
0x339: {  	v59 =	vld [tilespmem:s5+$0x7E80];
	v19 =	vand.u32 $0xFFFF0000, v19;
	v6 =	vadd.f32 v14, v15;
	v15 =	vand.u32 $0xFFFF0000, v11  }
0x33a: {  	v14 =	vld [tilespmem:s5+$0x7E00];
	v31 =	vadd.f32 v31, v19;
	v37 =	vadd.f32 v8, v7;
	v4 =	vshll.u32 v12, $0x10  }
0x33b: {  	v7 =	vld [tilespmem:s5+$0x8800];
	v11 =	vand.u32 $0xFFFF0000, v12;
	v12 =	vand.u32 $0xFFFF0000, v18;
	v18 =	vadd.f32 v55, v6  }
0x33c: {  	v30 =	vand.u32 $0xFFFF0000, v30;
	v8 =	vld [tilespmem:s5+$0x8980];
	v57 =	vadd.f32 v23, v37;
	v4 =	vadd.f32 v24, v4  }
0x33d: {  	v16 =	vand.u32 $0xFFFF0000, v16;
	v6 =	vld [tilespmem:s5+$0x8B80];
	v11 =	vadd.f32 v12, v11;
	v24 =	vadd.f32 v27, v41  }
0x33e: {  	v12 =	vshll.u32 v36, $0x10;
	v27 =	vld [tilespmem:s5+$0x8A00];
	v18 =	vadd.f32 v38, v18;
	v32 =	vadd.f32 v28, v57  }
0x33f: {  	v58 =	vshll.u32 v14, $0x10;
	v28 =	vld [tilespmem:s5+$0x8900];
	v42 =	vadd.f32 v21, v4;
	v44 =	vadd.f32 v9, v11  }
0x340: {  	v9 =	vshll.u32 v39, $0x10;
	v45 =	vshll.u32 v7, $0x10;
	v4 =	vld [tilespmem:s5+$0x9580];
	v33 =	vadd.f32 v56, v24  }
0x341: {  	v21 =	vshll.u32 v8, $0x10;
	v11 =	vld [tilespmem:s5+$0x9400];
	v19 =	vadd.f32 v40, v18;
	v18 =	vadd.f32 v20, v31  }
0x342: {  	v24 =	vld [tilespmem:s5+$0x7F00];
	v20 =	vshll.u32 v43, $0x10;
	v31 =	vadd.f32 v22, v13;
	v17 =	vadd.f32 v17, v33  }
0x343: {  	v13 =	vld [tilespmem:s5+$0x9600];
	v23 =	vshll.u32 v6, $0x10;
	v33 =	vadd.f32 v20, v42;
	v18 =	vadd.f32 v26, v18  }
0x344: {  	v60 =	vshll.u32 v27, $0x10;
	v26 =	vadd.f32 v16, v30;
	v16 =	vand.u32 $0xFFFF0000, v36  }
0x345: {  	v37 =	vadd.f32 v34, v31;
	v36 =	vshll.u32 v59, $0x10;
	v17 =	vadd.f32 v9, v17  }
0x346: {  	v9 =	vld [tilespmem:s5+$0x9780];
	v63 =	vand.u32 $0xFFFF0000, v28;
	v22 =	vshll.u32 v4, $0x10;
	v29 =	vadd.f32 v29, v18  }
0x347: {  	v31 =	vld [tilespmem:s5+$0x8B00];
	v30 =	vand.u32 $0xFFFF0000, v24;
	v26 =	vadd.f32 v35, v26;
	v61 =	vadd.f32 v58, v17  }
0x348: {  	v20 =	vshll.u32 v11, $0x10;
	v18 =	vshll.u32 v13, $0x10;
	v62 =	vadd.f32 v30, v29  }
0x349: {  	v35 =	vld [tilespmem:s5+$0x9500];
	v26 =	vadd.f32 v25, v26;
	v25 =	vand.u32 $0xFFFF0000, v43;
	v29 =	vadd.f32 v45, v61  }
0x34a: {  	s6 =	simm.s32 $0xDC00;
	v17 =	vand.u32 $0xFFFF0000, v59;
	v30 =	vand.u32 $0xFFFF0000, v39;
	v25 =	vadd.f32 v25, v44  }
0x34b: {  	s20 =	simm.s32 $0x10;
	s3 =	simm.s32 $0x0;
	s4 =	simm.s32 $0xDC00;
	v34 =	vshll.u32 v9, $0x10;
	v38 =	vadd.f32 v63, v62;
	v29 =	vadd.f32 v60, v29  }
.LBB2_11:
0x34c: {  	p0 =	sne.s32 s20, $0x170;
	v15 =	vadd.f32 v15, v37;
	v27 =	vand.u32 $0xFFFF0000, v27;
	v37 =	vand.u32 $0xFFFF0000, v31;
	s0 =	sadd.s32 $0x80, s0;
	s6 =	sadd.s32 $0x10, s6  }
0x34d: {  	v14 =	vand.u32 $0xFFFF0000, v14;
	v10 =	vadd.f32 v10, v32;
	s21 =	smov.u32 s20;
	s20 =	sadd.s32 $0x10, s20;
	v32 =	vadd.f32 v37, v38  }
0x34e: {  	v7 =	vand.u32 $0xFFFF0000, v7;
	v5 =	vadd.f32 v5, v15;
	v15 =	vand.u32 $0xFFFF0000, v35  }
0x34f: {  	v3 =	vand.u32 $0xFFFF0000, v3;
	v10 =	vadd.f32 v21, v10;
	v37 =	vld [tilespmem:s5+$0x8880];
	v15 =	vadd.f32 v15, v32  }
0x350: {  	v12 =	vadd.f32 v12, v33;
	v21 =	vshll.u32 v24, $0x10;
	v3 =	vadd.f32 v3, v5  }
0x351: {  	v5 =	vand.u32 $0xFFFF0000, v8;
	v10 =	vadd.f32 v23, v10;
	v8 =	vld [tilespmem:s5+$0x8A80]  }
0x352: {  	v19 =	vadd.f32 v21, v19;
	v3 =	vadd.f32 v5, v3;
	v5 =	vand.u32 $0xFFFF0000, v11  }
0x353: {  	v11 =	vadd.f32 v36, v12;
	v12 =	vshll.u32 v28, $0x10;
	v10 =	vadd.f32 v22, v10;
	v21 =	vld [tilespmem:s5+$0x9480]  }
0x354: {  	v13 =	vand.u32 $0xFFFF0000, v13;
	v12 =	vadd.f32 v12, v19;
	v22 =	vshll.u32 v37, $0x10;
	v19 =	vld [tilespmem:s5+$0x9700]  }
0x355: {  	v23 =	vshll.u32 v35, $0x10;
	v11 =	vadd.f32 v22, v11;
	v22 =	vshll.u32 v31, $0x10;
	v24 =	vld [tilespmem:s5+$0x9680]  }
0x356: {  	v10 =	vadd.f32 v34, v10;
	v28 =	vshll.u32 v8, $0x10;
	v12 =	vadd.f32 v22, v12  }
0x357: {  	v6 =	vand.u32 $0xFFFF0000, v6;
	v20 =	vadd.f32 v20, v29;
	v11 =	vadd.f32 v28, v11  }
0x358: {  	v22 =	vadd.f32 v30, v26;
	v26 =	vshll.u32 v21, $0x10;
	v12 =	vadd.f32 v23, v12  }
0x359: {  	v3 =	vadd.f32 v6, v3;
	v6 =	vadd.f32 v26, v11;
	v11 =	vshll.u32 v19, $0x10  }
0x35a: {  	v16 =	vadd.f32 v16, v25;
	v23 =	vshll.u32 v24, $0x10;
	v11 =	vadd.f32 v11, v12  }
0x35b: {  	v12 =	vadd.f32 v18, v20;
	v6 =	vadd.f32 v23, v6  }
0x35c: {  	v4 =	vand.u32 $0xFFFF0000, v4;
	v16 =	vadd.f32 v17, v16;
	v10 =	vadd.f32 v10, v11;
	v11 =	vld [tilespmem:s4+$0x0]  }
0x35d: {  	v3 =	vadd.f32 v4, v3;
	v4 =	vadd.f32 v6, v12  }
0x35e: {  	v6 =	vadd.f32 v14, v22;
	v12 =	vand.u32 $0xFFFF0000, v37  }
0x35f: {  	v9 =	vand.u32 $0xFFFF0000, v9;
	v12 =	vadd.f32 v12, v16;
	v4 =	vadd.f32 v10, v4  }
0x360: {  	v3 =	vadd.f32 v9, v3  }
0x361: {  	v6 =	vadd.f32 v7, v6;
	v7 =	vand.u32 $0xFFFF0000, v8;
	v4 =	vadd.f32 v4, v11  }
0x362: {  	v7 =	vadd.f32 v7, v12  }
0x363: {  	v8 =	vand.u32 $0xFFFF0000, v21;
	v6 =	vadd.f32 v27, v6;
	v4 =	vmul.f32 $4.999999890e-03, v4  }
0x364: {  	v7 =	vadd.f32 v8, v7  }
0x365: {  	v5 =	vadd.f32 v5, v6;
	v6 =	vand.u32 $0xFFFF0000, v24;
	[tilespmem:s4+$0x0] =	vst v4;
	s4 =	smov.u32 s6  }
0x366: {  	v4 =	vadd.f32 v6, v7;
	v6 =	vand.u32 $0xFFFF0000, v19  }
0x367: {  	s22 =	sand.u32 $0x1F0, s3;
	s3 =	smov.u32 s21;
	v5 =	vadd.f32 v13, v5;
	v6 =	vadd.f32 v6, v15  }
0x368: {  	v7 =	vld [tilespmem:s22+$0xDD80]  }
0x369: {  	v4 =	vadd.f32 v4, v5;
	v3 =	vadd.f32 v3, v6;
	_ =	sdelay $0x1  }
0x36a: {  	v3 =	vadd.f32 v3, v4;
	_ =	sdelay $0x1  }
0x36b: {  	v3 =	vadd.f32 v3, v7;
	_ =	sdelay $0x1  }
0x36c: {  	s21 =	sand.u32 $0xC00, s0;
	s5 =	sand.u32 $0x70, s3;
	v3 =	vmul.f32 $4.999999890e-03, v3  }
0x36d: {  	s5 =	sor.u32 s5, s21  }
0x36e: {  	[tilespmem:s22+$0xDD80] =	vst v3  }
0x36f: {  	v3 =	vld [tilespmem:s5+$0x7F80]  }
0x370: {  	v4 =	vld [tilespmem:s5+$0x7300]  }
0x371: {  	v6 =	vld [tilespmem:s5+$0x7000]  }
0x372: {  	v5 =	vld [tilespmem:s5+$0x7200]  }
0x373: {  	v7 =	vld [tilespmem:s5+$0x7100]  }
0x374: {  	v9 =	vld [tilespmem:s5+$0x7080]  }
0x375: {  	v8 =	vld [tilespmem:s5+$0x7D80]  }
0x376: {  	v11 =	vld [tilespmem:s5+$0x7380]  }
0x377: {  	v10 =	vld [tilespmem:s5+$0x7180]  }
0x378: {  	v12 =	vld [tilespmem:s5+$0x6780]  }
0x379: {  	v16 =	vld [tilespmem:s5+$0x6600]  }
0x37a: {  	v25 =	vand.u32 $0xFFFF0000, v5;
	v13 =	vld [tilespmem:s5+$0x6580]  }
0x37b: {  	v17 =	vshll.u32 v5, $0x10;
	v14 =	vld [tilespmem:s5+$0x6700]  }
0x37c: {  	v26 =	vand.u32 $0xFFFF0000, v4;
	v20 =	vand.u32 $0xFFFF0000, v7;
	v5 =	vand.u32 $0xFFFF0000, v8;
	v18 =	vld [tilespmem:s5+$0x6680]  }
0x37d: {  	v28 =	vshll.u32 v8, $0x10;
	v19 =	vld [tilespmem:s5+$0x6500];
	v15 =	vshll.u32 v12, $0x10;
	v22 =	vand.u32 $0xFFFF0000, v12  }
0x37e: {  	v21 =	vshll.u32 v9, $0x10;
	v23 =	vshll.u32 v11, $0x10;
	v8 =	vshll.u32 v10, $0x10;
	v12 =	vld [tilespmem:s5+$0x6480]  }
0x37f: {  	v27 =	vshll.u32 v16, $0x10;
	v24 =	vshll.u32 v13, $0x10;
	v13 =	vand.u32 $0xFFFF0000, v13;
	v29 =	vld [tilespmem:s5+$0x7D00]  }
0x380: {  	v32 =	vshll.u32 v7, $0x10;
	v34 =	vand.u32 $0xFFFF0000, v10;
	v30 =	vld [tilespmem:s5+$0x6400];
	v31 =	vand.u32 $0xFFFF0000, v14  }
0x381: {  	v35 =	vand.u32 $0xFFFF0000, v6;
	v14 =	vshll.u32 v14, $0x10;
	v7 =	vadd.f32 v15, v24  }
0x382: {  	v33 =	vshll.u32 v6, $0x10;
	v24 =	vshll.u32 v18, $0x10;
	v15 =	vshll.u32 v19, $0x10;
	v36 =	vld [tilespmem:s5+$0x7C80]  }
0x383: {  	v38 =	vshll.u32 v4, $0x10;
	v10 =	vshll.u32 v3, $0x10;
	v37 =	vadd.f32 v8, v7;
	v7 =	vld [tilespmem:s5+$0x8800]  }
0x384: {  	v4 =	vshll.u32 v12, $0x10;
	v6 =	vadd.f32 v14, v15;
	v39 =	vld [tilespmem:s5+$0x7C00];
	v40 =	vshll.u32 v29, $0x10  }
0x385: {  	v15 =	vand.u32 $0xFFFF0000, v11;
	v4 =	vadd.f32 v24, v4;
	v41 =	vshll.u32 v30, $0x10;
	v8 =	vld [tilespmem:s5+$0x8980]  }
0x386: {  	v11 =	vand.u32 $0xFFFF0000, v12;
	v12 =	vand.u32 $0xFFFF0000, v18;
	v18 =	vadd.f32 v32, v6;
	v14 =	vld [tilespmem:s5+$0x7E00]  }
0x387: {  	v11 =	vadd.f32 v12, v11;
	v29 =	vand.u32 $0xFFFF0000, v29;
	v12 =	vshll.u32 v36, $0x10;
	v6 =	vld [tilespmem:s5+$0x8B80]  }
0x388: {  	v9 =	vand.u32 $0xFFFF0000, v9;
	v19 =	vand.u32 $0xFFFF0000, v19;
	v42 =	vadd.f32 v21, v4;
	v43 =	vld [tilespmem:s5+$0x7280]  }
0x389: {  	v44 =	vadd.f32 v9, v11;
	v45 =	vshll.u32 v7, $0x10;
	v9 =	vshll.u32 v39, $0x10;
	v4 =	vld [tilespmem:s5+$0x9580]  }
0x38a: {  	v24 =	vadd.f32 v27, v41;
	v18 =	vadd.f32 v38, v18;
	v21 =	vshll.u32 v8, $0x10;
	v27 =	vld [tilespmem:s5+$0x8A00]  }
0x38b: {  	v31 =	vadd.f32 v31, v19;
	v32 =	vadd.f32 v23, v37;
	v37 =	vshll.u32 v14, $0x10;
	v11 =	vld [tilespmem:s5+$0x9400]  }
0x38c: {  	v33 =	vadd.f32 v33, v24;
	v19 =	vadd.f32 v40, v18;
	v24 =	vld [tilespmem:s5+$0x7F00];
	v23 =	vshll.u32 v6, $0x10  }
0x38d: {  	v32 =	vadd.f32 v28, v32;
	v18 =	vadd.f32 v20, v31;
	v20 =	vshll.u32 v43, $0x10  }
0x38e: {  	v31 =	vadd.f32 v22, v13;
	v17 =	vadd.f32 v17, v33;
	v22 =	vshll.u32 v4, $0x10;
	v13 =	vld [tilespmem:s5+$0x9600]  }
0x38f: {  	v30 =	vand.u32 $0xFFFF0000, v30;
	v18 =	vadd.f32 v26, v18;
	v38 =	vld [tilespmem:s5+$0x7E80];
	v40 =	vshll.u32 v27, $0x10  }
0x390: {  	v16 =	vand.u32 $0xFFFF0000, v16;
	v17 =	vadd.f32 v9, v17;
	v33 =	vadd.f32 v20, v42;
	v28 =	vld [tilespmem:s5+$0x8900]  }
0x391: {  	v26 =	vadd.f32 v16, v30;
	v20 =	vshll.u32 v11, $0x10;
	v30 =	vand.u32 $0xFFFF0000, v24;
	v9 =	vld [tilespmem:s5+$0x9780]  }
0x392: {  	v16 =	vand.u32 $0xFFFF0000, v36;
	v29 =	vadd.f32 v29, v18;
	v36 =	vadd.f32 v37, v17  }
.Ltmp4:
0x393: {  	v26 =	vadd.f32 v35, v26;
	v37 =	vadd.f32 v34, v31;
	v31 =	vld [tilespmem:s5+$0x8B00];
	v18 =	vshll.u32 v13, $0x10;
	(pc) =	sbr.rel @p0 .LBB2_11-.Ltmp4, $4  }
0x394: {  	v41 =	vadd.f32 v30, v29;
	v29 =	vadd.f32 v45, v36;
	v17 =	vand.u32 $0xFFFF0000, v38  }
0x395: {  	v26 =	vadd.f32 v25, v26;
	v25 =	vand.u32 $0xFFFF0000, v43;
	v42 =	vand.u32 $0xFFFF0000, v28;
	v35 =	vld [tilespmem:s5+$0x9500]  }
0x396: {  	v25 =	vadd.f32 v25, v44;
	v29 =	vadd.f32 v40, v29;
	v34 =	vshll.u32 v9, $0x10  }
0x397: {  	v30 =	vand.u32 $0xFFFF0000, v39;
	v36 =	vshll.u32 v38, $0x10;
	v38 =	vadd.f32 v42, v41  }
0x398: {  	v15 =	vadd.f32 v15, v37;
	v59 =	vand.u32 $0xFFFF0000, v31;
	v10 =	vadd.f32 v10, v32  }
0x399: {  	v27 =	vand.u32 $0xFFFF0000, v27;
	v61 =	vld [tilespmem:s5+$0x8880];
	v3 =	vand.u32 $0xFFFF0000, v3;
	v12 =	vadd.f32 v12, v33  }
0x39a: {  	v24 =	vshll.u32 v24, $0x10;
	v14 =	vand.u32 $0xFFFF0000, v14;
	v47 =	vadd.f32 v20, v29  }
0x39b: {  	v37 =	vld [tilespmem:s5+$0x8A80];
	v39 =	vshll.u32 v28, $0x10;
	v49 =	vadd.f32 v30, v26;
	v16 =	vadd.f32 v16, v25  }
0x39c: {  	v8 =	vand.u32 $0xFFFF0000, v8;
	v60 =	vadd.f32 v59, v38;
	v5 =	vadd.f32 v5, v15  }
0x39d: {  	v40 =	vld [tilespmem:s5+$0x9480];
	v43 =	vshll.u32 v31, $0x10;
	v38 =	vadd.f32 v24, v19;
	v12 =	vadd.f32 v36, v12  }
0x39e: {  	v42 =	vld [tilespmem:s5+$0x9700];
	v10 =	vadd.f32 v21, v10;
	v3 =	vadd.f32 v3, v5;
	v41 =	vshll.u32 v61, $0x10  }
0x39f: {  	v44 =	vld [tilespmem:s5+$0x9680];
	v7 =	vand.u32 $0xFFFF0000, v7;
	v5 =	vadd.f32 v39, v38;
	v12 =	vadd.f32 v41, v12  }
0x3a0: {  	v10 =	vadd.f32 v23, v10;
	v45 =	vshll.u32 v37, $0x10;
	v3 =	vadd.f32 v8, v3  }
0x3a1: {  	v11 =	vand.u32 $0xFFFF0000, v11;
	v5 =	vadd.f32 v43, v5;
	v8 =	vadd.f32 v45, v12  }
0x3a2: {  	v46 =	vshll.u32 v35, $0x10;
	v48 =	vshll.u32 v40, $0x10;
	v10 =	vadd.f32 v22, v10  }
0x3a3: {  	v50 =	vshll.u32 v42, $0x10;
	v5 =	vadd.f32 v46, v5;
	v8 =	vadd.f32 v48, v8  }
0x3a4: {  	v51 =	vshll.u32 v44, $0x10;
	v10 =	vadd.f32 v34, v10;
	v12 =	vadd.f32 v18, v47  }
0x3a5: {  	v13 =	vand.u32 $0xFFFF0000, v13;
	v5 =	vadd.f32 v50, v5;
	v8 =	vadd.f32 v51, v8  }
0x3a6: {  	v52 =	vld [tilespmem:s4+$0x0];
	v6 =	vand.u32 $0xFFFF0000, v6;
	v16 =	vadd.f32 v17, v16;
	v53 =	vadd.f32 v14, v49  }
0x3a7: {  	v62 =	vand.u32 $0xFFFF0000, v35;
	v5 =	vadd.f32 v10, v5;
	v8 =	vadd.f32 v8, v12  }
0x3a8: {  	v63 =	vadd.f32 v62, v60;
	v7 =	vadd.f32 v7, v53;
	v54 =	vand.u32 $0xFFFF0000, v61  }
0x3a9: {  	v4 =	vand.u32 $0xFFFF0000, v4;
	v14 =	vadd.f32 v54, v16;
	v5 =	vadd.f32 v5, v8  }
0x3aa: {  	v55 =	vand.u32 $0xFFFF0000, v37;
	v7 =	vadd.f32 v27, v7;
	v3 =	vadd.f32 v6, v3  }
0x3ab: {  	v58 =	vand.u32 $0xFFFF0000, v9;
	v56 =	vadd.f32 v55, v14;
	v5 =	vadd.f32 v5, v52  }
0x3ac: {  	v57 =	vand.u32 $0xFFFF0000, v40;
	v7 =	vadd.f32 v11, v7;
	v3 =	vadd.f32 v4, v3  }
0x3ad: {  	v59 =	vand.u32 $0xFFFF0000, v44;
	v6 =	vadd.f32 v57, v56;
	v5 =	vmul.f32 $4.999999890e-03, v5  }
0x3ae: {  	v61 =	vand.u32 $0xFFFF0000, v42;
	v62 =	vadd.f32 v13, v7;
	v3 =	vadd.f32 v58, v3  }
0x3af: {  	s0 =	sand.u32 $0x1F0, s3;
	v60 =	vadd.f32 v59, v6;
	v6 =	vadd.f32 v61, v63;
	[tilespmem:s4+$0x0] =	vst v5  }
0x3b0: {  	v63 =	vld [tilespmem:s0+$0xDD80]  }
0x3b1: {  	v4 =	vadd.f32 v60, v62;
	v3 =	vadd.f32 v3, v6;
	_ =	sdelay $0x1  }
0x3b2: {  	v3 =	vadd.f32 v3, v4;
	_ =	sdelay $0x1  }
0x3b3: {  	s20 =	rddreg [dreg:$0x4];
	v3 =	vadd.f32 v3, v63  }
0x3b4: {  	s3 =	sadd.s32 s20, s8  }
0x3b5: {  	s8 =	sadd.s32 $0x1, s8;
	s3 =	smul.u32 $0x60, s3;
	v3 =	vmul.f32 $4.999999890e-03, v3  }
0x3b6: {  	s21 =	rddreg [dreg:$0x3];
	s22 =	simm.s32 $0x0;
	p0 =	sne.s32 s8, $0x80  }
.Ltmp5:
0x3b7: {  	s23 =	simm.s32 $0xDC00;
	[tilespmem:s0+$0xDD80] =	vst v3;
	s0 =	sadd.s32 s21, s3;
	(pc) =	sbr.rel @p0 .LBB2_2-.Ltmp5, $4  }
0x3b8: {  	[hbm4b:s0+s22] =	stream.linear.scatter [tilespmem:s23], [sflag:$0x3], $0x300, $0x38;
	[tilespmem:$0xDF00] =	vst v63  }
0x3b9: {  	_ =	swait.ge [sflag:s9], $0x300  }
0x3ba: {  	[sflag:s9] =	ssyncset.done $0x0  }
0x3bb: {  	[sflag:s9] =	ssyncadd.s32 $0xFFFFFD00  }
0x3bc: {  	s3 =	rddreg [dreg:$0x7]  }
0x3bd: {  	s0 =	rddreg [dreg:$0x6];
	s3 =	sadd.s32 $0x1, s3  }
0x3be: {  	p0 =	sne.s32 s3, s0  }
.Ltmp6:
0x3bf: {  	_ = 	snop;
	(pc) =	sbr.rel @p0 .LBB2_1-.Ltmp6, $1  }
0x3c0: {  	_ =	sdelay $0x3  }
0x3c1: {  	_ =	sfence.sel $0x180000  }
0x3c2: {  	[bflag:$0x0] =	sbarrier.arrive $0xFFFF  }
0x3c3: {  	_ =	strace $0x90000047  }
0x3c4: {  	s0 =	stileid.u32;
	[bflag:$0x2] =	sbarrier.arrive $0xFFFF  }
0x3c5: {  	p0 =	sne.s32 s0, $0x0;
	s0 =	rddreg [dreg:$0x2]  }
0x3c6: {  	s0 =	sadd.s32 @!p0 $0x100000, s0  }
0x3c7: {  	[sflag:s0] =	ssyncadd.tile.s32 @!p0 $0x1;
	_ =	shalt  }
.Lfunc_end2:
_tile_overlayer_lowered:
.L_overlay_start_2:
0x3c8: {  	(tag) =	ssettag $0x2  }
0x3c9: {  	s0 =	rddreg [dreg:$0x0];
	s2 =	stileid.u32  }
0x3ca: {  	s1 =	rddreg [dreg:$0x1];
	p0 =	sne.s32 s2, $0x0  }
0x3cb: {  	s3 =	rddreg [dreg:$0x2];
	[bflag:$0x3] =	sbarrier.arrive $0xFFFF;
	s2 =	simm.s32 @!p0 $0x1C03  }
0x3cc: {  	[timem:s3], [sflag:s2] =	dma.local @!p0 [hbm:s0], s1  }
0x3cd: {  	s0 =	simm.s32 @!p0 $0x3  }
0x3ce: {  	_ =	swait.ge @!p0 [sflag:s0], s1  }
0x3cf: {  	s1 =	ssub.s32 @!p0 $0x0, s1;
	[sflag:s0] =	ssyncset.done @!p0 $0x0  }
0x3d0: {  	[sflag:s0] =	ssyncadd.s32 @!p0 s1  }
0x3d1: {  	[bflag:$0x3] =	sbarrier.arrive $0xFFFF  }
0x3d2: {  	_ =	shalt  }

</sc_bundles>
